<compile_context>
chip_gen: v7x
topology: tpu7x:2x2x1
jax: 0.10.2.dev20260603
libtpu: 0.0.44.dev20260713+nightly
codegen_flags: <defaults>
</compile_context>

<pallas_src>
import functools

import jax
import jax.numpy as jnp
from jax import lax
from jax.experimental import pallas as pl
from jax.experimental.pallas import tpu as pltpu
from jax.experimental.pallas import tpu_sc as plsc

SEQ = 77
DIM = 512
N_CTX = 4
X_POS = 5

ROWS_PAD = 80
CHUNK = 16
N_CHUNKS = ROWS_PAD // CHUNK
N_WORKERS = 4 * N_CHUNKS

SPW = 32


def _sc_gather_prompts(idx_flat, table):
    info = plsc.get_sparse_core_info()
    nc = info.num_cores
    mesh = plsc.VectorSubcoreMesh(core_axis_name="c", subcore_axis_name="s")

    @functools.partial(
        pl.kernel,
        mesh=mesh,
        out_type=jax.ShapeDtypeStruct((4 * ROWS_PAD, DIM), jnp.float32),
        scratch_types=[
            pltpu.VMEM((CHUNK,), jnp.int32),
            pltpu.VMEM((CHUNK, DIM), jnp.float32),
            pltpu.SemaphoreType.DMA,
        ],
    )
    def k(idx_hbm, table_hbm, out_hbm, idx_v, rows_v, sem):
        wid = lax.axis_index("s") * nc + lax.axis_index("c")

        @pl.when(wid < N_WORKERS)
        def _():
            base = pl.multiple_of(wid * CHUNK, CHUNK)
            pltpu.sync_copy(idx_hbm.at[pl.ds(base, CHUNK)], idx_v)
            pltpu.async_copy(table_hbm.at[idx_v], rows_v, sem).wait()
            pltpu.sync_copy(rows_v, out_hbm.at[pl.ds(base, CHUNK)])

    return k(idx_flat, table)


def _tc_merge(prompts, ctx77, view, time):
    B = view.shape[0]

    def body(prompts_ref, ctx_ref, view_ref, time_ref, out_ref, c8_ref):
        row = lax.broadcasted_iota(jnp.int32, (SEQ, DIM), 0)
        is_ctx = (row >= X_POS) & (row < X_POS + N_CTX)
        ctx_rows = ctx_ref[...]
        for c in range(4):
            out_ref[c] = jnp.where(is_ctx, ctx_rows, prompts_ref[c][0:SEQ, :])
        combo = view_ref[...] * 2 + time_ref[...]
        c8_ref[...] = jnp.broadcast_to(combo[:, None], (B, 8))

    return pl.pallas_call(
        body,
        in_specs=[
            pl.BlockSpec((4, ROWS_PAD, DIM), lambda: (0, 0, 0)),
            pl.BlockSpec((SEQ, DIM), lambda: (0, 0)),
            pl.BlockSpec((B,), lambda: (0,)),
            pl.BlockSpec((B,), lambda: (0,)),
        ],
        out_specs=[
            pl.BlockSpec((4, SEQ, DIM), lambda: (0, 0, 0)),
            pl.BlockSpec((B, 8), lambda: (0, 0)),
        ],
        out_shape=[
            jax.ShapeDtypeStruct((4, SEQ, DIM), jnp.float32),
            jax.ShapeDtypeStruct((B, 8), jnp.int32),
        ],
    )(prompts, ctx77, view, time)


def _sc_broadcast(c8, merged):
    B = c8.shape[0] // 8
    info = plsc.get_sparse_core_info()
    nc = info.num_cores
    mesh = plsc.VectorSubcoreMesh(core_axis_name="c", subcore_axis_name="s")

    @functools.partial(
        pl.kernel,
        mesh=mesh,
        out_type=jax.ShapeDtypeStruct((B, SEQ * DIM), jnp.float32),
        scratch_types=[
            pltpu.VMEM((1, SEQ * DIM), jnp.float32),
            pltpu.VMEM((1, SEQ * DIM), jnp.float32),
            pltpu.VMEM((8 * SPW,), jnp.int32),
            pltpu.SemaphoreType.DMA,
            pltpu.SemaphoreType.DMA,
            pltpu.SemaphoreType.DMA,
        ],
    )
    def k(c8_hbm, merged_hbm, out_hbm, buf0, buf1, c8_v, gsem, wsem0, wsem1):
        bufs = (buf0, buf1)
        wid = lax.axis_index("s") * nc + lax.axis_index("c")
        base = pl.multiple_of(wid * SPW, SPW)
        pltpu.sync_copy(c8_hbm.at[pl.ds(base * 8, 8 * SPW)], c8_v)

        def gather(i, slot):
            idx = c8_v.at[pl.ds(8 * i, 1)]
            return pltpu.async_copy(merged_hbm.at[idx], bufs[slot], gsem)

        def write(i, slot):
            wsem = wsem0 if slot == 0 else wsem1
            return pltpu.async_copy(bufs[slot], out_hbm.at[pl.ds(base + i, 1)], wsem)

        pending = [None, None]
        for i in range(SPW):
            slot = i % 2
            if pending[slot] is not None:
                pending[slot].wait()
            gather(i, slot).wait()
            pending[slot] = write(i, slot)
        pending[0].wait()
        pending[1].wait()

    return k(c8, merged)


def kernel(label, view_label, time_label, tokenized_table, token_embedding, ctx):
    del label
    idx = jnp.pad(tokenized_table.astype(jnp.int32), ((0, 0), (0, ROWS_PAD - SEQ)))
    prompts = _sc_gather_prompts(idx.reshape(-1), token_embedding)
    ctx77 = jnp.pad(ctx, ((X_POS, SEQ - X_POS - N_CTX), (0, 0)))
    merged, c8 = _tc_merge(
        prompts.reshape(4, ROWS_PAD, DIM),
        ctx77,
        view_label.astype(jnp.int32),
        time_label.astype(jnp.int32),
    )
    out = _sc_broadcast(c8.reshape(-1), merged.reshape(4, SEQ * DIM))
    return out.reshape(-1, SEQ, DIM)

# --- scband reference (transcript-rebuilt; emitter-appended) ---
"""Pipeline reference for scband-hybird-prompt-learner-31507880084041 (READ-ONLY COPY).

The authoritative reference and input builder live on the scoring server;
editing this copy changes nothing except your own understanding.
"""

import jax, jax.numpy as jnp
import numpy as np

VOCAB = 49408
SEQ = 77
DIM = 512
N_CTX = 4
X_POS = 5  # token positions of the four 'X' placeholder tokens ('A photo of a X X X X ...')
X_TOKEN_ID = 343


def setup_inputs(seed: int = 0) -> dict:
    key = jax.random.key(seed)
    k1, k2, k3, k4, k5, k6 = jax.random.split(key, 6)
    B = 1024
    label = jax.random.randint(k1, (B,), 0, 576, dtype=jnp.int64 if jax.config.jax_enable_x64 else jnp.int32)
    view_label = jax.random.randint(k2, (B,), 0, 2)
    time_label = jax.random.randint(k3, (B,), 0, 2)
    # Tokenized prompts for the 4 (view, time) combinations; the 'X X X X' placeholder
    # tokens sit at fixed positions X_POS..X_POS+3 (as clip.tokenize would produce).
    tokenized_table = jax.random.randint(k4, (4, SEQ), 0, VOCAB)
    tokenized_table = tokenized_table.at[:, X_POS:X_POS + N_CTX].set(X_TOKEN_ID)
    token_embedding = (jax.random.normal(k5, (VOCAB, DIM), dtype=jnp.float32) * 0.02)
    ctx = (jax.random.normal(k6, (N_CTX, DIM), dtype=jnp.float32) * 0.02)
    return {
        "label": label,
        "view_label": view_label,
        "time_label": time_label,
        "tokenized_table": tokenized_table,
        "token_embedding": token_embedding,
        "ctx": ctx,
    }


def reference(label, view_label, time_label, tokenized_table, token_embedding, ctx):
    # Map each sample's (view, time) pair to its tokenized prompt row.
    combo = view_label * 2 + time_label
    tokenized = jnp.take(tokenized_table, combo, axis=0)  # [B, SEQ]
    # token_embedding lookup (done under torch.no_grad in the original -> stop_gradient)
    embeddings = jnp.take(token_embedding, tokenized, axis=0)  # [B, SEQ, DIM]
    embeddings = jax.lax.stop_gradient(embeddings)
    # Overwrite the 'X' placeholder positions with the learned ctx vectors.
    B = embeddings.shape[0]
    embeddings = embeddings.at[:, X_POS:X_POS + N_CTX, :].set(
        jnp.broadcast_to(ctx[None, :, :], (B, N_CTX, DIM))
    )
    return embeddings

if __name__ == "__main__":
    import jax
    _d = setup_inputs()
    print(jax.jit(kernel)(*tuple(_d.values())))

</pallas_src>

<mosaic_0001>
#map = affine_map<(d0, d1) -> (0)>
#map1 = affine_map<(d0, d1) -> (0, 0)>
module attributes {stable_mosaic.version = 14 : i64} {
  func.func @k(%arg0: i32, %arg1: i32, %arg2: memref<8192xi32, #tpu.memory_space<hbm>>, %arg3: memref<4x39424xf32, #tpu.memory_space<hbm>>, %arg4: memref<1024x39424xf32, #tpu.memory_space<hbm>>, %arg5: memref<1x39424xf32, #tpu.memory_space<vmem>>, %arg6: memref<1x39424xf32, #tpu.memory_space<vmem>>, %arg7: memref<256xi32, #tpu.memory_space<vmem>>, %arg8: memref<!tpu.dma_semaphore, #tpu.memory_space<semaphore_mem>>, %arg9: memref<!tpu.dma_semaphore, #tpu.memory_space<semaphore_mem>>, %arg10: memref<!tpu.dma_semaphore, #tpu.memory_space<semaphore_mem>>) attributes {dimension_semantics = [#tpu.dimension_semantics<core_parallel>, #tpu.dimension_semantics<subcore_parallel>], iteration_bounds = array<i64: 2, 16>, scalar_prefetch = 0 : i64, scratch_operands = 6 : i64, tpu.core_type = #tpu.core_type<sc_vector_subcore>, window_params = [{transform_indices = #map}, {transform_indices = #map1}, {transform_indices = #map1}]} {
    %mul3A = arith.constant 2 : i32
    %mul3A_0 = arith.muli %arg1, %mul3A : i32
    %add3A = arith.addi %mul3A_0, %arg0 : i32
    %mul3A_1 = arith.constant 32 : i32
    %mul3A_2 = arith.muli %add3A, %mul3A_1 : i32
    %multiple_of3A = tpu.assume_multiple %mul3A_2, 32 : i32
    %mul3A_3 = arith.constant 8 : i32
    %mul3A_4 = arith.muli %multiple_of3A, %mul3A_3 : i32
    "tpu.region"() ({
      %run_scoped3A = tpu.sem_alloc : memref<!tpu.dma_semaphore, #tpu.memory_space<semaphore_mem>>
      %dma_start3A_643 = tpu.memref_slice %arg2[%mul3A_4] : memref<8192xi32, #tpu.memory_space<hbm>> -> memref<256xi32, #tpu.memory_space<hbm>>
      %dma_start3A_644 = tpu.memref_slice %arg2[%mul3A_4] : memref<8192xi32, #tpu.memory_space<hbm>> -> memref<256xi32, #tpu.memory_space<hbm>>
      tpu.enqueue_dma source(%dma_start3A_644 : memref<256xi32, #tpu.memory_space<hbm>>) target(%arg7 : memref<256xi32, #tpu.memory_space<vmem>>) target_semaphore(%run_scoped3A : memref<!tpu.dma_semaphore, #tpu.memory_space<semaphore_mem>>)
      %dma_wait3A_645 = tpu.memref_slice %arg2[%mul3A_4] : memref<8192xi32, #tpu.memory_space<hbm>> -> memref<256xi32, #tpu.memory_space<hbm>>
      %dma_wait3A_646 = tpu.memref_slice %arg2[%mul3A_4] : memref<8192xi32, #tpu.memory_space<hbm>> -> memref<256xi32, #tpu.memory_space<hbm>>
      tpu.wait_dma2 semaphore(%run_scoped3A : memref<!tpu.dma_semaphore, #tpu.memory_space<semaphore_mem>>) src(%dma_wait3A_646 : memref<256xi32, #tpu.memory_space<hbm>>) dst(%arg7 : memref<256xi32, #tpu.memory_space<vmem>>)
      tpu.yield
    }) : () -> ()
    %dma_start3A = arith.constant 0 : i32
    %dma_start3A_5 = tpu.memref_slice %arg7[%dma_start3A] : memref<256xi32, #tpu.memory_space<vmem>> -> memref<1xi32, #tpu.memory_space<vmem>>
    %dma_start3A_6 = arith.constant 0 : i32
    %dma_start3A_7 = arith.constant 0 : i32
    %dma_start3A_8 = tpu.memref_slice %arg3[%dma_start3A_6, %dma_start3A_7] : memref<4x39424xf32, #tpu.memory_space<hbm>> -> memref<4x39424xf32, #tpu.memory_space<hbm>>
    tpu.enqueue_indirect_dma source(%dma_start3A_8 : memref<4x39424xf32, #tpu.memory_space<hbm>>) target(%arg5 : memref<1x39424xf32, #tpu.memory_space<vmem>>) offsets(%dma_start3A_5 : memref<1xi32, #tpu.memory_space<vmem>>) semaphore(%arg8 : memref<!tpu.dma_semaphore, #tpu.memory_space<semaphore_mem>>)
    %dma_wait3A = arith.constant 0 : i32
    %dma_wait3A_9 = tpu.memref_slice %arg7[%dma_wait3A] : memref<256xi32, #tpu.memory_space<vmem>> -> memref<1xi32, #tpu.memory_space<vmem>>
    %dma_wait3A_10 = arith.constant 0 : i32
    %dma_wait3A_11 = arith.constant 0 : i32
    %dma_wait3A_12 = tpu.memref_slice %arg3[%dma_wait3A_10, %dma_wait3A_11] : memref<4x39424xf32, #tpu.memory_space<hbm>> -> memref<4x39424xf32, #tpu.memory_space<hbm>>
    tpu.wait_indirect_dma semaphore(%arg8 : memref<!tpu.dma_semaphore, #tpu.memory_space<semaphore_mem>>) src(%dma_wait3A_12 : memref<4x39424xf32, #tpu.memory_space<hbm>>) dst(%arg5 : memref<1x39424xf32, #tpu.memory_space<vmem>>)
    %add3A_13 = arith.constant 0 : i32
    %add3A_14 = arith.addi %multiple_of3A, %add3A_13 : i32
    %dma_start3A_15 = arith.constant 0 : i32
    %dma_start3A_16 = tpu.memref_slice %arg4[%add3A_14, %dma_start3A_15] : memref<1024x39424xf32, #tpu.memory_space<hbm>> -> memref<1x39424xf32, #tpu.memory_space<hbm>>
    %dma_start3A_17 = arith.constant 0 : i32
    %dma_start3A_18 = tpu.memref_slice %arg4[%add3A_14, %dma_start3A_17] : memref<1024x39424xf32, #tpu.memory_space<hbm>> -> memref<1x39424xf32, #tpu.memory_space<hbm>>
    tpu.enqueue_dma source(%arg5 : memref<1x39424xf32, #tpu.memory_space<vmem>>) target(%dma_start3A_18 : memref<1x39424xf32, #tpu.memory_space<hbm>>) target_semaphore(%arg9 : memref<!tpu.dma_semaphore, #tpu.memory_space<semaphore_mem>>)
    %dma_start3A_19 = arith.constant 8 : i32
    %dma_start3A_20 = tpu.memref_slice %arg7[%dma_start3A_19] : memref<256xi32, #tpu.memory_space<vmem>> -> memref<1xi32, #tpu.memory_space<vmem>>
    %dma_start3A_21 = arith.constant 0 : i32
    %dma_start3A_22 = arith.constant 0 : i32
    %dma_start3A_23 = tpu.memref_slice %arg3[%dma_start3A_21, %dma_start3A_22] : memref<4x39424xf32, #tpu.memory_space<hbm>> -> memref<4x39424xf32, #tpu.memory_space<hbm>>
    tpu.enqueue_indirect_dma source(%dma_start3A_23 : memref<4x39424xf32, #tpu.memory_space<hbm>>) target(%arg6 : memref<1x39424xf32, #tpu.memory_space<vmem>>) offsets(%dma_start3A_20 : memref<1xi32, #tpu.memory_space<vmem>>) semaphore(%arg8 : memref<!tpu.dma_semaphore, #tpu.memory_space<semaphore_mem>>)
    %dma_wait3A_24 = arith.constant 8 : i32
    %dma_wait3A_25 = tpu.memref_slice %arg7[%dma_wait3A_24] : memref<256xi32, #tpu.memory_space<vmem>> -> memref<1xi32, #tpu.memory_space<vmem>>
    %dma_wait3A_26 = arith.constant 0 : i32
    %dma_wait3A_27 = arith.constant 0 : i32
    %dma_wait3A_28 = tpu.memref_slice %arg3[%dma_wait3A_26, %dma_wait3A_27] : memref<4x39424xf32, #tpu.memory_space<hbm>> -> memref<4x39424xf32, #tpu.memory_space<hbm>>
    tpu.wait_indirect_dma semaphore(%arg8 : memref<!tpu.dma_semaphore, #tpu.memory_space<semaphore_mem>>) src(%dma_wait3A_28 : memref<4x39424xf32, #tpu.memory_space<hbm>>) dst(%arg6 : memref<1x39424xf32, #tpu.memory_space<vmem>>)
    %add3A_29 = arith.constant 1 : i32
    %add3A_30 = arith.addi %multiple_of3A, %add3A_29 : i32
    %dma_start3A_31 = arith.constant 0 : i32
    %dma_start3A_32 = tpu.memref_slice %arg4[%add3A_30, %dma_start3A_31] : memref<1024x39424xf32, #tpu.memory_space<hbm>> -> memref<1x39424xf32, #tpu.memory_space<hbm>>
    %dma_start3A_33 = arith.constant 0 : i32
    %dma_start3A_34 = tpu.memref_slice %arg4[%add3A_30, %dma_start3A_33] : memref<1024x39424xf32, #tpu.memory_space<hbm>> -> memref<1x39424xf32, #tpu.memory_space<hbm>>
    tpu.enqueue_dma source(%arg6 : memref<1x39424xf32, #tpu.memory_space<vmem>>) target(%dma_start3A_34 : memref<1x39424xf32, #tpu.memory_space<hbm>>) target_semaphore(%arg10 : memref<!tpu.dma_semaphore, #tpu.memory_space<semaphore_mem>>)
    %dma_wait3A_35 = arith.constant 0 : i32
    %dma_wait3A_36 = tpu.memref_slice %arg4[%add3A_14, %dma_wait3A_35] : memref<1024x39424xf32, #tpu.memory_space<hbm>> -> memref<1x39424xf32, #tpu.memory_space<hbm>>
    %dma_wait3A_37 = arith.constant 0 : i32
    %dma_wait3A_38 = tpu.memref_slice %arg4[%add3A_14, %dma_wait3A_37] : memref<1024x39424xf32, #tpu.memory_space<hbm>> -> memref<1x39424xf32, #tpu.memory_space<hbm>>
    tpu.wait_dma2 semaphore(%arg9 : memref<!tpu.dma_semaphore, #tpu.memory_space<semaphore_mem>>) src(%arg5 : memref<1x39424xf32, #tpu.memory_space<vmem>>) dst(%dma_wait3A_38 : memref<1x39424xf32, #tpu.memory_space<hbm>>)
    %dma_start3A_39 = arith.constant 16 : i32
    %dma_start3A_40 = tpu.memref_slice %arg7[%dma_start3A_39] : memref<256xi32, #tpu.memory_space<vmem>> -> memref<1xi32, #tpu.memory_space<vmem>>
    %dma_start3A_41 = arith.constant 0 : i32
    %dma_start3A_42 = arith.constant 0 : i32
    %dma_start3A_43 = tpu.memref_slice %arg3[%dma_start3A_41, %dma_start3A_42] : memref<4x39424xf32, #tpu.memory_space<hbm>> -> memref<4x39424xf32, #tpu.memory_space<hbm>>
    tpu.enqueue_indirect_dma source(%dma_start3A_43 : memref<4x39424xf32, #tpu.memory_space<hbm>>) target(%arg5 : memref<1x39424xf32, #tpu.memory_space<vmem>>) offsets(%dma_start3A_40 : memref<1xi32, #tpu.memory_space<vmem>>) semaphore(%arg8 : memref<!tpu.dma_semaphore, #tpu.memory_space<semaphore_mem>>)
    %dma_wait3A_44 = arith.constant 16 : i32
    %dma_wait3A_45 = tpu.memref_slice %arg7[%dma_wait3A_44] : memref<256xi32, #tpu.memory_space<vmem>> -> memref<1xi32, #tpu.memory_space<vmem>>
    %dma_wait3A_46 = arith.constant 0 : i32
    %dma_wait3A_47 = arith.constant 0 : i32
    %dma_wait3A_48 = tpu.memref_slice %arg3[%dma_wait3A_46, %dma_wait3A_47] : memref<4x39424xf32, #tpu.memory_space<hbm>> -> memref<4x39424xf32, #tpu.memory_space<hbm>>
    tpu.wait_indirect_dma semaphore(%arg8 : memref<!tpu.dma_semaphore, #tpu.memory_space<semaphore_mem>>) src(%dma_wait3A_48 : memref<4x39424xf32, #tpu.memory_space<hbm>>) dst(%arg5 : memref<1x39424xf32, #tpu.memory_space<vmem>>)
    %add3A_49 = arith.constant 2 : i32
    %add3A_50 = arith.addi %multiple_of3A, %add3A_49 : i32
    %dma_start3A_51 = arith.constant 0 : i32
    %dma_start3A_52 = tpu.memref_slice %arg4[%add3A_50, %dma_start3A_51] : memref<1024x39424xf32, #tpu.memory_space<hbm>> -> memref<1x39424xf32, #tpu.memory_space<hbm>>
    %dma_start3A_53 = arith.constant 0 : i32
    %dma_start3A_54 = tpu.memref_slice %arg4[%add3A_50, %dma_start3A_53] : memref<1024x39424xf32, #tpu.memory_space<hbm>> -> memref<1x39424xf32, #tpu.memory_space<hbm>>
    tpu.enqueue_dma source(%arg5 : memref<1x39424xf32, #tpu.memory_space<vmem>>) target(%dma_start3A_54 : memref<1x39424xf32, #tpu.memory_space<hbm>>) target_semaphore(%arg9 : memref<!tpu.dma_semaphore, #tpu.memory_space<semaphore_mem>>)
    %dma_wait3A_55 = arith.constant 0 : i32
    %dma_wait3A_56 = tpu.memref_slice %arg4[%add3A_30, %dma_wait3A_55] : memref<1024x39424xf32, #tpu.memory_space<hbm>> -> memref<1x39424xf32, #tpu.memory_space<hbm>>
    %dma_wait3A_57 = arith.constant 0 : i32
    %dma_wait3A_58 = tpu.memref_slice %arg4[%add3A_30, %dma_wait3A_57] : memref<1024x39424xf32, #tpu.memory_space<hbm>> -> memref<1x39424xf32, #tpu.memory_space<hbm>>
    tpu.wait_dma2 semaphore(%arg10 : memref<!tpu.dma_semaphore, #tpu.memory_space<semaphore_mem>>) src(%arg6 : memref<1x39424xf32, #tpu.memory_space<vmem>>) dst(%dma_wait3A_58 : memref<1x39424xf32, #tpu.memory_space<hbm>>)
    %dma_start3A_59 = arith.constant 24 : i32
    %dma_start3A_60 = tpu.memref_slice %arg7[%dma_start3A_59] : memref<256xi32, #tpu.memory_space<vmem>> -> memref<1xi32, #tpu.memory_space<vmem>>
    %dma_start3A_61 = arith.constant 0 : i32
    %dma_start3A_62 = arith.constant 0 : i32
    %dma_start3A_63 = tpu.memref_slice %arg3[%dma_start3A_61, %dma_start3A_62] : memref<4x39424xf32, #tpu.memory_space<hbm>> -> memref<4x39424xf32, #tpu.memory_space<hbm>>
    tpu.enqueue_indirect_dma source(%dma_start3A_63 : memref<4x39424xf32, #tpu.memory_space<hbm>>) target(%arg6 : memref<1x39424xf32, #tpu.memory_space<vmem>>) offsets(%dma_start3A_60 : memref<1xi32, #tpu.memory_space<vmem>>) semaphore(%arg8 : memref<!tpu.dma_semaphore, #tpu.memory_space<semaphore_mem>>)
    %dma_wait3A_64 = arith.constant 24 : i32
    %dma_wait3A_65 = tpu.memref_slice %arg7[%dma_wait3A_64] : memref<256xi32, #tpu.memory_space<vmem>> -> memref<1xi32, #tpu.memory_space<vmem>>
    %dma_wait3A_66 = arith.constant 0 : i32
    %dma_wait3A_67 = arith.constant 0 : i32
    %dma_wait3A_68 = tpu.memref_slice %arg3[%dma_wait3A_66, %dma_wait3A_67] : memref<4x39424xf32, #tpu.memory_space<hbm>> -> memref<4x39424xf32, #tpu.memory_space<hbm>>
    tpu.wait_indirect_dma semaphore(%arg8 : memref<!tpu.dma_semaphore, #tpu.memory_space<semaphore_mem>>) src(%dma_wait3A_68 : memref<4x39424xf32, #tpu.memory_space<hbm>>) dst(%arg6 : memref<1x39424xf32, #tpu.memory_space<vmem>>)
    %add3A_69 = arith.constant 3 : i32
    %add3A_70 = arith.addi %multiple_of3A, %add3A_69 : i32
    %dma_start3A_71 = arith.constant 0 : i32
    %dma_start3A_72 = tpu.memref_slice %arg4[%add3A_70, %dma_start3A_71] : memref<1024x39424xf32, #tpu.memory_space<hbm>> -> memref<1x39424xf32, #tpu.memory_space<hbm>>
    %dma_start3A_73 = arith.constant 0 : i32
    %dma_start3A_74 = tpu.memref_slice %arg4[%add3A_70, %dma_start3A_73] : memref<1024x39424xf32, #tpu.memory_space<hbm>> -> memref<1x39424xf32, #tpu.memory_space<hbm>>
    tpu.enqueue_dma source(%arg6 : memref<1x39424xf32, #tpu.memory_space<vmem>>) target(%dma_start3A_74 : memref<1x39424xf32, #tpu.memory_space<hbm>>) target_semaphore(%arg10 : memref<!tpu.dma_semaphore, #tpu.memory_space<semaphore_mem>>)
    %dma_wait3A_75 = arith.constant 0 : i32
    %dma_wait3A_76 = tpu.memref_slice %arg4[%add3A_50, %dma_wait3A_75] : memref<1024x39424xf32, #tpu.memory_space<hbm>> -> memref<1x39424xf32, #tpu.memory_space<hbm>>
    %dma_wait3A_77 = arith.constant 0 : i32
    %dma_wait3A_78 = tpu.memref_slice %arg4[%add3A_50, %dma_wait3A_77] : memref<1024x39424xf32, #tpu.memory_space<hbm>> -> memref<1x39424xf32, #tpu.memory_space<hbm>>
    tpu.wait_dma2 semaphore(%arg9 : memref<!tpu.dma_semaphore, #tpu.memory_space<semaphore_mem>>) src(%arg5 : memref<1x39424xf32, #tpu.memory_space<vmem>>) dst(%dma_wait3A_78 : memref<1x39424xf32, #tpu.memory_space<hbm>>)
    %dma_start3A_79 = arith.constant 32 : i32
    %dma_start3A_80 = tpu.memref_slice %arg7[%dma_start3A_79] : memref<256xi32, #tpu.memory_space<vmem>> -> memref<1xi32, #tpu.memory_space<vmem>>
    %dma_start3A_81 = arith.constant 0 : i32
    %dma_start3A_82 = arith.constant 0 : i32
    %dma_start3A_83 = tpu.memref_slice %arg3[%dma_start3A_81, %dma_start3A_82] : memref<4x39424xf32, #tpu.memory_space<hbm>> -> memref<4x39424xf32, #tpu.memory_space<hbm>>
    tpu.enqueue_indirect_dma source(%dma_start3A_83 : memref<4x39424xf32, #tpu.memory_space<hbm>>) target(%arg5 : memref<1x39424xf32, #tpu.memory_space<vmem>>) offsets(%dma_start3A_80 : memref<1xi32, #tpu.memory_space<vmem>>) semaphore(%arg8 : memref<!tpu.dma_semaphore, #tpu.memory_space<semaphore_mem>>)
    %dma_wait3A_84 = arith.constant 32 : i32
    %dma_wait3A_85 = tpu.memref_slice %arg7[%dma_wait3A_84] : memref<256xi32, #tpu.memory_space<vmem>> -> memref<1xi32, #tpu.memory_space<vmem>>
    %dma_wait3A_86 = arith.constant 0 : i32
    %dma_wait3A_87 = arith.constant 0 : i32
    %dma_wait3A_88 = tpu.memref_slice %arg3[%dma_wait3A_86, %dma_wait3A_87] : memref<4x39424xf32, #tpu.memory_space<hbm>> -> memref<4x39424xf32, #tpu.memory_space<hbm>>
    tpu.wait_indirect_dma semaphore(%arg8 : memref<!tpu.dma_semaphore, #tpu.memory_space<semaphore_mem>>) src(%dma_wait3A_88 : memref<4x39424xf32, #tpu.memory_space<hbm>>) dst(%arg5 : memref<1x39424xf32, #tpu.memory_space<vmem>>)
    %add3A_89 = arith.constant 4 : i32
    %add3A_90 = arith.addi %multiple_of3A, %add3A_89 : i32
    %dma_start3A_91 = arith.constant 0 : i32
    %dma_start3A_92 = tpu.memref_slice %arg4[%add3A_90, %dma_start3A_91] : memref<1024x39424xf32, #tpu.memory_space<hbm>> -> memref<1x39424xf32, #tpu.memory_space<hbm>>
    %dma_start3A_93 = arith.constant 0 : i32
    %dma_start3A_94 = tpu.memref_slice %arg4[%add3A_90, %dma_start3A_93] : memref<1024x39424xf32, #tpu.memory_space<hbm>> -> memref<1x39424xf32, #tpu.memory_space<hbm>>
    tpu.enqueue_dma source(%arg5 : memref<1x39424xf32, #tpu.memory_space<vmem>>) target(%dma_start3A_94 : memref<1x39424xf32, #tpu.memory_space<hbm>>) target_semaphore(%arg9 : memref<!tpu.dma_semaphore, #tpu.memory_space<semaphore_mem>>)
    %dma_wait3A_95 = arith.constant 0 : i32
    %dma_wait3A_96 = tpu.memref_slice %arg4[%add3A_70, %dma_wait3A_95] : memref<1024x39424xf32, #tpu.memory_space<hbm>> -> memref<1x39424xf32, #tpu.memory_space<hbm>>
    %dma_wait3A_97 = arith.constant 0 : i32
    %dma_wait3A_98 = tpu.memref_slice %arg4[%add3A_70, %dma_wait3A_97] : memref<1024x39424xf32, #tpu.memory_space<hbm>> -> memref<1x39424xf32, #tpu.memory_space<hbm>>
    tpu.wait_dma2 semaphore(%arg10 : memref<!tpu.dma_semaphore, #tpu.memory_space<semaphore_mem>>) src(%arg6 : memref<1x39424xf32, #tpu.memory_space<vmem>>) dst(%dma_wait3A_98 : memref<1x39424xf32, #tpu.memory_space<hbm>>)
    %dma_start3A_99 = arith.constant 40 : i32
    %dma_start3A_100 = tpu.memref_slice %arg7[%dma_start3A_99] : memref<256xi32, #tpu.memory_space<vmem>> -> memref<1xi32, #tpu.memory_space<vmem>>
    %dma_start3A_101 = arith.constant 0 : i32
    %dma_start3A_102 = arith.constant 0 : i32
    %dma_start3A_103 = tpu.memref_slice %arg3[%dma_start3A_101, %dma_start3A_102] : memref<4x39424xf32, #tpu.memory_space<hbm>> -> memref<4x39424xf32, #tpu.memory_space<hbm>>
    tpu.enqueue_indirect_dma source(%dma_start3A_103 : memref<4x39424xf32, #tpu.memory_space<hbm>>) target(%arg6 : memref<1x39424xf32, #tpu.memory_space<vmem>>) offsets(%dma_start3A_100 : memref<1xi32, #tpu.memory_space<vmem>>) semaphore(%arg8 : memref<!tpu.dma_semaphore, #tpu.memory_space<semaphore_mem>>)
    %dma_wait3A_104 = arith.constant 40 : i32
    %dma_wait3A_105 = tpu.memref_slice %arg7[%dma_wait3A_104] : memref<256xi32, #tpu.memory_space<vmem>> -> memref<1xi32, #tpu.memory_space<vmem>>
    %dma_wait3A_106 = arith.constant 0 : i32
    %dma_wait3A_107 = arith.constant 0 : i32
    %dma_wait3A_108 = tpu.memref_slice %arg3[%dma_wait3A_106, %dma_wait3A_107] : memref<4x39424xf32, #tpu.memory_space<hbm>> -> memref<4x39424xf32, #tpu.memory_space<hbm>>
    tpu.wait_indirect_dma semaphore(%arg8 : memref<!tpu.dma_semaphore, #tpu.memory_space<semaphore_mem>>) src(%dma_wait3A_108 : memref<4x39424xf32, #tpu.memory_space<hbm>>) dst(%arg6 : memref<1x39424xf32, #tpu.memory_space<vmem>>)
    %add3A_109 = arith.constant 5 : i32
    %add3A_110 = arith.addi %multiple_of3A, %add3A_109 : i32
    %dma_start3A_111 = arith.constant 0 : i32
    %dma_start3A_112 = tpu.memref_slice %arg4[%add3A_110, %dma_start3A_111] : memref<1024x39424xf32, #tpu.memory_space<hbm>> -> memref<1x39424xf32, #tpu.memory_space<hbm>>
    %dma_start3A_113 = arith.constant 0 : i32
    %dma_start3A_114 = tpu.memref_slice %arg4[%add3A_110, %dma_start3A_113] : memref<1024x39424xf32, #tpu.memory_space<hbm>> -> memref<1x39424xf32, #tpu.memory_space<hbm>>
    tpu.enqueue_dma source(%arg6 : memref<1x39424xf32, #tpu.memory_space<vmem>>) target(%dma_start3A_114 : memref<1x39424xf32, #tpu.memory_space<hbm>>) target_semaphore(%arg10 : memref<!tpu.dma_semaphore, #tpu.memory_space<semaphore_mem>>)
    %dma_wait3A_115 = arith.constant 0 : i32
    %dma_wait3A_116 = tpu.memref_slice %arg4[%add3A_90, %dma_wait3A_115] : memref<1024x39424xf32, #tpu.memory_space<hbm>> -> memref<1x39424xf32, #tpu.memory_space<hbm>>
    %dma_wait3A_117 = arith.constant 0 : i32
    %dma_wait3A_118 = tpu.memref_slice %arg4[%add3A_90, %dma_wait3A_117] : memref<1024x39424xf32, #tpu.memory_space<hbm>> -> memref<1x39424xf32, #tpu.memory_space<hbm>>
    tpu.wait_dma2 semaphore(%arg9 : memref<!tpu.dma_semaphore, #tpu.memory_space<semaphore_mem>>) src(%arg5 : memref<1x39424xf32, #tpu.memory_space<vmem>>) dst(%dma_wait3A_118 : memref<1x39424xf32, #tpu.memory_space<hbm>>)
    %dma_start3A_119 = arith.constant 48 : i32
    %dma_start3A_120 = tpu.memref_slice %arg7[%dma_start3A_119] : memref<256xi32, #tpu.memory_space<vmem>> -> memref<1xi32, #tpu.memory_space<vmem>>
    %dma_start3A_121 = arith.constant 0 : i32
    %dma_start3A_122 = arith.constant 0 : i32
    %dma_start3A_123 = tpu.memref_slice %arg3[%dma_start3A_121, %dma_start3A_122] : memref<4x39424xf32, #tpu.memory_space<hbm>> -> memref<4x39424xf32, #tpu.memory_space<hbm>>
    tpu.enqueue_indirect_dma source(%dma_start3A_123 : memref<4x39424xf32, #tpu.memory_space<hbm>>) target(%arg5 : memref<1x39424xf32, #tpu.memory_space<vmem>>) offsets(%dma_start3A_120 : memref<1xi32, #tpu.memory_space<vmem>>) semaphore(%arg8 : memref<!tpu.dma_semaphore, #tpu.memory_space<semaphore_mem>>)
    %dma_wait3A_124 = arith.constant 48 : i32
    %dma_wait3A_125 = tpu.memref_slice %arg7[%dma_wait3A_124] : memref<256xi32, #tpu.memory_space<vmem>> -> memref<1xi32, #tpu.memory_space<vmem>>
    %dma_wait3A_126 = arith.constant 0 : i32
    %dma_wait3A_127 = arith.constant 0 : i32
    %dma_wait3A_128 = tpu.memref_slice %arg3[%dma_wait3A_126, %dma_wait3A_127] : memref<4x39424xf32, #tpu.memory_space<hbm>> -> memref<4x39424xf32, #tpu.memory_space<hbm>>
    tpu.wait_indirect_dma semaphore(%arg8 : memref<!tpu.dma_semaphore, #tpu.memory_space<semaphore_mem>>) src(%dma_wait3A_128 : memref<4x39424xf32, #tpu.memory_space<hbm>>) dst(%arg5 : memref<1x39424xf32, #tpu.memory_space<vmem>>)
    %add3A_129 = arith.constant 6 : i32
    %add3A_130 = arith.addi %multiple_of3A, %add3A_129 : i32
    %dma_start3A_131 = arith.constant 0 : i32
    %dma_start3A_132 = tpu.memref_slice %arg4[%add3A_130, %dma_start3A_131] : memref<1024x39424xf32, #tpu.memory_space<hbm>> -> memref<1x39424xf32, #tpu.memory_space<hbm>>
    %dma_start3A_133 = arith.constant 0 : i32
    %dma_start3A_134 = tpu.memref_slice %arg4[%add3A_130, %dma_start3A_133] : memref<1024x39424xf32, #tpu.memory_space<hbm>> -> memref<1x39424xf32, #tpu.memory_space<hbm>>
    tpu.enqueue_dma source(%arg5 : memref<1x39424xf32, #tpu.memory_space<vmem>>) target(%dma_start3A_134 : memref<1x39424xf32, #tpu.memory_space<hbm>>) target_semaphore(%arg9 : memref<!tpu.dma_semaphore, #tpu.memory_space<semaphore_mem>>)
    %dma_wait3A_135 = arith.constant 0 : i32
    %dma_wait3A_136 = tpu.memref_slice %arg4[%add3A_110, %dma_wait3A_135] : memref<1024x39424xf32, #tpu.memory_space<hbm>> -> memref<1x39424xf32, #tpu.memory_space<hbm>>
    %dma_wait3A_137 = arith.constant 0 : i32
    %dma_wait3A_138 = tpu.memref_slice %arg4[%add3A_110, %dma_wait3A_137] : memref<1024x39424xf32, #tpu.memory_space<hbm>> -> memref<1x39424xf32, #tpu.memory_space<hbm>>
    tpu.wait_dma2 semaphore(%arg10 : memref<!tpu.dma_semaphore, #tpu.memory_space<semaphore_mem>>) src(%arg6 : memref<1x39424xf32, #tpu.memory_space<vmem>>) dst(%dma_wait3A_138 : memref<1x39424xf32, #tpu.memory_space<hbm>>)
    %dma_start3A_139 = arith.constant 56 : i32
    %dma_start3A_140 = tpu.memref_slice %arg7[%dma_start3A_139] : memref<256xi32, #tpu.memory_space<vmem>> -> memref<1xi32, #tpu.memory_space<vmem>>
    %dma_start3A_141 = arith.constant 0 : i32
    %dma_start3A_142 = arith.constant 0 : i32
    %dma_start3A_143 = tpu.memref_slice %arg3[%dma_start3A_141, %dma_start3A_142] : memref<4x39424xf32, #tpu.memory_space<hbm>> -> memref<4x39424xf32, #tpu.memory_space<hbm>>
    tpu.enqueue_indirect_dma source(%dma_start3A_143 : memref<4x39424xf32, #tpu.memory_space<hbm>>) target(%arg6 : memref<1x39424xf32, #tpu.memory_space<vmem>>) offsets(%dma_start3A_140 : memref<1xi32, #tpu.memory_space<vmem>>) semaphore(%arg8 : memref<!tpu.dma_semaphore, #tpu.memory_space<semaphore_mem>>)
    %dma_wait3A_144 = arith.constant 56 : i32
    %dma_wait3A_145 = tpu.memref_slice %arg7[%dma_wait3A_144] : memref<256xi32, #tpu.memory_space<vmem>> -> memref<1xi32, #tpu.memory_space<vmem>>
    %dma_wait3A_146 = arith.constant 0 : i32
    %dma_wait3A_147 = arith.constant 0 : i32
    %dma_wait3A_148 = tpu.memref_slice %arg3[%dma_wait3A_146, %dma_wait3A_147] : memref<4x39424xf32, #tpu.memory_space<hbm>> -> memref<4x39424xf32, #tpu.memory_space<hbm>>
    tpu.wait_indirect_dma semaphore(%arg8 : memref<!tpu.dma_semaphore, #tpu.memory_space<semaphore_mem>>) src(%dma_wait3A_148 : memref<4x39424xf32, #tpu.memory_space<hbm>>) dst(%arg6 : memref<1x39424xf32, #tpu.memory_space<vmem>>)
    %add3A_149 = arith.constant 7 : i32
    %add3A_150 = arith.addi %multiple_of3A, %add3A_149 : i32
    %dma_start3A_151 = arith.constant 0 : i32
    %dma_start3A_152 = tpu.memref_slice %arg4[%add3A_150, %dma_start3A_151] : memref<1024x39424xf32, #tpu.memory_space<hbm>> -> memref<1x39424xf32, #tpu.memory_space<hbm>>
    %dma_start3A_153 = arith.constant 0 : i32
    %dma_start3A_154 = tpu.memref_slice %arg4[%add3A_150, %dma_start3A_153] : memref<1024x39424xf32, #tpu.memory_space<hbm>> -> memref<1x39424xf32, #tpu.memory_space<hbm>>
    tpu.enqueue_dma source(%arg6 : memref<1x39424xf32, #tpu.memory_space<vmem>>) target(%dma_start3A_154 : memref<1x39424xf32, #tpu.memory_space<hbm>>) target_semaphore(%arg10 : memref<!tpu.dma_semaphore, #tpu.memory_space<semaphore_mem>>)
    %dma_wait3A_155 = arith.constant 0 : i32
    %dma_wait3A_156 = tpu.memref_slice %arg4[%add3A_130, %dma_wait3A_155] : memref<1024x39424xf32, #tpu.memory_space<hbm>> -> memref<1x39424xf32, #tpu.memory_space<hbm>>
    %dma_wait3A_157 = arith.constant 0 : i32
    %dma_wait3A_158 = tpu.memref_slice %arg4[%add3A_130, %dma_wait3A_157] : memref<1024x39424xf32, #tpu.memory_space<hbm>> -> memref<1x39424xf32, #tpu.memory_space<hbm>>
    tpu.wait_dma2 semaphore(%arg9 : memref<!tpu.dma_semaphore, #tpu.memory_space<semaphore_mem>>) src(%arg5 : memref<1x39424xf32, #tpu.memory_space<vmem>>) dst(%dma_wait3A_158 : memref<1x39424xf32, #tpu.memory_space<hbm>>)
    %dma_start3A_159 = arith.constant 64 : i32
    %dma_start3A_160 = tpu.memref_slice %arg7[%dma_start3A_159] : memref<256xi32, #tpu.memory_space<vmem>> -> memref<1xi32, #tpu.memory_space<vmem>>
    %dma_start3A_161 = arith.constant 0 : i32
    %dma_start3A_162 = arith.constant 0 : i32
    %dma_start3A_163 = tpu.memref_slice %arg3[%dma_start3A_161, %dma_start3A_162] : memref<4x39424xf32, #tpu.memory_space<hbm>> -> memref<4x39424xf32, #tpu.memory_space<hbm>>
    tpu.enqueue_indirect_dma source(%dma_start3A_163 : memref<4x39424xf32, #tpu.memory_space<hbm>>) target(%arg5 : memref<1x39424xf32, #tpu.memory_space<vmem>>) offsets(%dma_start3A_160 : memref<1xi32, #tpu.memory_space<vmem>>) semaphore(%arg8 : memref<!tpu.dma_semaphore, #tpu.memory_space<semaphore_mem>>)
    %dma_wait3A_164 = arith.constant 64 : i32
    %dma_wait3A_165 = tpu.memref_slice %arg7[%dma_wait3A_164] : memref<256xi32, #tpu.memory_space<vmem>> -> memref<1xi32, #tpu.memory_space<vmem>>
    %dma_wait3A_166 = arith.constant 0 : i32
    %dma_wait3A_167 = arith.constant 0 : i32
    %dma_wait3A_168 = tpu.memref_slice %arg3[%dma_wait3A_166, %dma_wait3A_167] : memref<4x39424xf32, #tpu.memory_space<hbm>> -> memref<4x39424xf32, #tpu.memory_space<hbm>>
    tpu.wait_indirect_dma semaphore(%arg8 : memref<!tpu.dma_semaphore, #tpu.memory_space<semaphore_mem>>) src(%dma_wait3A_168 : memref<4x39424xf32, #tpu.memory_space<hbm>>) dst(%arg5 : memref<1x39424xf32, #tpu.memory_space<vmem>>)
    %add3A_169 = arith.constant 8 : i32
    %add3A_170 = arith.addi %multiple_of3A, %add3A_169 : i32
    %dma_start3A_171 = arith.constant 0 : i32
    %dma_start3A_172 = tpu.memref_slice %arg4[%add3A_170, %dma_start3A_171] : memref<1024x39424xf32, #tpu.memory_space<hbm>> -> memref<1x39424xf32, #tpu.memory_space<hbm>>
    %dma_start3A_173 = arith.constant 0 : i32
    %dma_start3A_174 = tpu.memref_slice %arg4[%add3A_170, %dma_start3A_173] : memref<1024x39424xf32, #tpu.memory_space<hbm>> -> memref<1x39424xf32, #tpu.memory_space<hbm>>
    tpu.enqueue_dma source(%arg5 : memref<1x39424xf32, #tpu.memory_space<vmem>>) target(%dma_start3A_174 : memref<1x39424xf32, #tpu.memory_space<hbm>>) target_semaphore(%arg9 : memref<!tpu.dma_semaphore, #tpu.memory_space<semaphore_mem>>)
    %dma_wait3A_175 = arith.constant 0 : i32
    %dma_wait3A_176 = tpu.memref_slice %arg4[%add3A_150, %dma_wait3A_175] : memref<1024x39424xf32, #tpu.memory_space<hbm>> -> memref<1x39424xf32, #tpu.memory_space<hbm>>
    %dma_wait3A_177 = arith.constant 0 : i32
    %dma_wait3A_178 = tpu.memref_slice %arg4[%add3A_150, %dma_wait3A_177] : memref<1024x39424xf32, #tpu.memory_space<hbm>> -> memref<1x39424xf32, #tpu.memory_space<hbm>>
    tpu.wait_dma2 semaphore(%arg10 : memref<!tpu.dma_semaphore, #tpu.memory_space<semaphore_mem>>) src(%arg6 : memref<1x39424xf32, #tpu.memory_space<vmem>>) dst(%dma_wait3A_178 : memref<1x39424xf32, #tpu.memory_space<hbm>>)
    %dma_start3A_179 = arith.constant 72 : i32
    %dma_start3A_180 = tpu.memref_slice %arg7[%dma_start3A_179] : memref<256xi32, #tpu.memory_space<vmem>> -> memref<1xi32, #tpu.memory_space<vmem>>
    %dma_start3A_181 = arith.constant 0 : i32
    %dma_start3A_182 = arith.constant 0 : i32
    %dma_start3A_183 = tpu.memref_slice %arg3[%dma_start3A_181, %dma_start3A_182] : memref<4x39424xf32, #tpu.memory_space<hbm>> -> memref<4x39424xf32, #tpu.memory_space<hbm>>
    tpu.enqueue_indirect_dma source(%dma_start3A_183 : memref<4x39424xf32, #tpu.memory_space<hbm>>) target(%arg6 : memref<1x39424xf32, #tpu.memory_space<vmem>>) offsets(%dma_start3A_180 : memref<1xi32, #tpu.memory_space<vmem>>) semaphore(%arg8 : memref<!tpu.dma_semaphore, #tpu.memory_space<semaphore_mem>>)
    %dma_wait3A_184 = arith.constant 72 : i32
    %dma_wait3A_185 = tpu.memref_slice %arg7[%dma_wait3A_184] : memref<256xi32, #tpu.memory_space<vmem>> -> memref<1xi32, #tpu.memory_space<vmem>>
    %dma_wait3A_186 = arith.constant 0 : i32
    %dma_wait3A_187 = arith.constant 0 : i32
    %dma_wait3A_188 = tpu.memref_slice %arg3[%dma_wait3A_186, %dma_wait3A_187] : memref<4x39424xf32, #tpu.memory_space<hbm>> -> memref<4x39424xf32, #tpu.memory_space<hbm>>
    tpu.wait_indirect_dma semaphore(%arg8 : memref<!tpu.dma_semaphore, #tpu.memory_space<semaphore_mem>>) src(%dma_wait3A_188 : memref<4x39424xf32, #tpu.memory_space<hbm>>) dst(%arg6 : memref<1x39424xf32, #tpu.memory_space<vmem>>)
    %add3A_189 = arith.constant 9 : i32
    %add3A_190 = arith.addi %multiple_of3A, %add3A_189 : i32
    %dma_start3A_191 = arith.constant 0 : i32
    %dma_start3A_192 = tpu.memref_slice %arg4[%add3A_190, %dma_start3A_191] : memref<1024x39424xf32, #tpu.memory_space<hbm>> -> memref<1x39424xf32, #tpu.memory_space<hbm>>
    %dma_start3A_193 = arith.constant 0 : i32
    %dma_start3A_194 = tpu.memref_slice %arg4[%add3A_190, %dma_start3A_193] : memref<1024x39424xf32, #tpu.memory_space<hbm>> -> memref<1x39424xf32, #tpu.memory_space<hbm>>
    tpu.enqueue_dma source(%arg6 : memref<1x39424xf32, #tpu.memory_space<vmem>>) target(%dma_start3A_194 : memref<1x39424xf32, #tpu.memory_space<hbm>>) target_semaphore(%arg10 : memref<!tpu.dma_semaphore, #tpu.memory_space<semaphore_mem>>)
    %dma_wait3A_195 = arith.constant 0 : i32
    %dma_wait3A_196 = tpu.memref_slice %arg4[%add3A_170, %dma_wait3A_195] : memref<1024x39424xf32, #tpu.memory_space<hbm>> -> memref<1x39424xf32, #tpu.memory_space<hbm>>
    %dma_wait3A_197 = arith.constant 0 : i32
    %dma_wait3A_198 = tpu.memref_slice %arg4[%add3A_170, %dma_wait3A_197] : memref<1024x39424xf32, #tpu.memory_space<hbm>> -> memref<1x39424xf32, #tpu.memory_space<hbm>>
    tpu.wait_dma2 semaphore(%arg9 : memref<!tpu.dma_semaphore, #tpu.memory_space<semaphore_mem>>) src(%arg5 : memref<1x39424xf32, #tpu.memory_space<vmem>>) dst(%dma_wait3A_198 : memref<1x39424xf32, #tpu.memory_space<hbm>>)
    %dma_start3A_199 = arith.constant 80 : i32
    %dma_start3A_200 = tpu.memref_slice %arg7[%dma_start3A_199] : memref<256xi32, #tpu.memory_space<vmem>> -> memref<1xi32, #tpu.memory_space<vmem>>
    %dma_start3A_201 = arith.constant 0 : i32
    %dma_start3A_202 = arith.constant 0 : i32
    %dma_start3A_203 = tpu.memref_slice %arg3[%dma_start3A_201, %dma_start3A_202] : memref<4x39424xf32, #tpu.memory_space<hbm>> -> memref<4x39424xf32, #tpu.memory_space<hbm>>
    tpu.enqueue_indirect_dma source(%dma_start3A_203 : memref<4x39424xf32, #tpu.memory_space<hbm>>) target(%arg5 : memref<1x39424xf32, #tpu.memory_space<vmem>>) offsets(%dma_start3A_200 : memref<1xi32, #tpu.memory_space<vmem>>) semaphore(%arg8 : memref<!tpu.dma_semaphore, #tpu.memory_space<semaphore_mem>>)
    %dma_wait3A_204 = arith.constant 80 : i32
    %dma_wait3A_205 = tpu.memref_slice %arg7[%dma_wait3A_204] : memref<256xi32, #tpu.memory_space<vmem>> -> memref<1xi32, #tpu.memory_space<vmem>>
    %dma_wait3A_206 = arith.constant 0 : i32
    %dma_wait3A_207 = arith.constant 0 : i32
    %dma_wait3A_208 = tpu.memref_slice %arg3[%dma_wait3A_206, %dma_wait3A_207] : memref<4x39424xf32, #tpu.memory_space<hbm>> -> memref<4x39424xf32, #tpu.memory_space<hbm>>
    tpu.wait_indirect_dma semaphore(%arg8 : memref<!tpu.dma_semaphore, #tpu.memory_space<semaphore_mem>>) src(%dma_wait3A_208 : memref<4x39424xf32, #tpu.memory_space<hbm>>) dst(%arg5 : memref<1x39424xf32, #tpu.memory_space<vmem>>)
    %add3A_209 = arith.constant 10 : i32
    %add3A_210 = arith.addi %multiple_of3A, %add3A_209 : i32
    %dma_start3A_211 = arith.constant 0 : i32
    %dma_start3A_212 = tpu.memref_slice %arg4[%add3A_210, %dma_start3A_211] : memref<1024x39424xf32, #tpu.memory_space<hbm>> -> memref<1x39424xf32, #tpu.memory_space<hbm>>
    %dma_start3A_213 = arith.constant 0 : i32
    %dma_start3A_214 = tpu.memref_slice %arg4[%add3A_210, %dma_start3A_213] : memref<1024x39424xf32, #tpu.memory_space<hbm>> -> memref<1x39424xf32, #tpu.memory_space<hbm>>
    tpu.enqueue_dma source(%arg5 : memref<1x39424xf32, #tpu.memory_space<vmem>>) target(%dma_start3A_214 : memref<1x39424xf32, #tpu.memory_space<hbm>>) target_semaphore(%arg9 : memref<!tpu.dma_semaphore, #tpu.memory_space<semaphore_mem>>)
    %dma_wait3A_215 = arith.constant 0 : i32
    %dma_wait3A_216 = tpu.memref_slice %arg4[%add3A_190, %dma_wait3A_215] : memref<1024x39424xf32, #tpu.memory_space<hbm>> -> memref<1x39424xf32, #tpu.memory_space<hbm>>
    %dma_wait3A_217 = arith.constant 0 : i32
    %dma_wait3A_218 = tpu.memref_slice %arg4[%add3A_190, %dma_wait3A_217] : memref<1024x39424xf32, #tpu.memory_space<hbm>> -> memref<1x39424xf32, #tpu.memory_space<hbm>>
    tpu.wait_dma2 semaphore(%arg10 : memref<!tpu.dma_semaphore, #tpu.memory_space<semaphore_mem>>) src(%arg6 : memref<1x39424xf32, #tpu.memory_space<vmem>>) dst(%dma_wait3A_218 : memref<1x39424xf32, #tpu.memory_space<hbm>>)
    %dma_start3A_219 = arith.constant 88 : i32
    %dma_start3A_220 = tpu.memref_slice %arg7[%dma_start3A_219] : memref<256xi32, #tpu.memory_space<vmem>> -> memref<1xi32, #tpu.memory_space<vmem>>
    %dma_start3A_221 = arith.constant 0 : i32
    %dma_start3A_222 = arith.constant 0 : i32
    %dma_start3A_223 = tpu.memref_slice %arg3[%dma_start3A_221, %dma_start3A_222] : memref<4x39424xf32, #tpu.memory_space<hbm>> -> memref<4x39424xf32, #tpu.memory_space<hbm>>
    tpu.enqueue_indirect_dma source(%dma_start3A_223 : memref<4x39424xf32, #tpu.memory_space<hbm>>) target(%arg6 : memref<1x39424xf32, #tpu.memory_space<vmem>>) offsets(%dma_start3A_220 : memref<1xi32, #tpu.memory_space<vmem>>) semaphore(%arg8 : memref<!tpu.dma_semaphore, #tpu.memory_space<semaphore_mem>>)
    %dma_wait3A_224 = arith.constant 88 : i32
    %dma_wait3A_225 = tpu.memref_slice %arg7[%dma_wait3A_224] : memref<256xi32, #tpu.memory_space<vmem>> -> memref<1xi32, #tpu.memory_space<vmem>>
    %dma_wait3A_226 = arith.constant 0 : i32
    %dma_wait3A_227 = arith.constant 0 : i32
    %dma_wait3A_228 = tpu.memref_slice %arg3[%dma_wait3A_226, %dma_wait3A_227] : memref<4x39424xf32, #tpu.memory_space<hbm>> -> memref<4x39424xf32, #tpu.memory_space<hbm>>
    tpu.wait_indirect_dma semaphore(%arg8 : memref<!tpu.dma_semaphore, #tpu.memory_space<semaphore_mem>>) src(%dma_wait3A_228 : memref<4x39424xf32, #tpu.memory_space<hbm>>) dst(%arg6 : memref<1x39424xf32, #tpu.memory_space<vmem>>)
    %add3A_229 = arith.constant 11 : i32
    %add3A_230 = arith.addi %multiple_of3A, %add3A_229 : i32
    %dma_start3A_231 = arith.constant 0 : i32
    %dma_start3A_232 = tpu.memref_slice %arg4[%add3A_230, %dma_start3A_231] : memref<1024x39424xf32, #tpu.memory_space<hbm>> -> memref<1x39424xf32, #tpu.memory_space<hbm>>
    %dma_start3A_233 = arith.constant 0 : i32
    %dma_start3A_234 = tpu.memref_slice %arg4[%add3A_230, %dma_start3A_233] : memref<1024x39424xf32, #tpu.memory_space<hbm>> -> memref<1x39424xf32, #tpu.memory_space<hbm>>
    tpu.enqueue_dma source(%arg6 : memref<1x39424xf32, #tpu.memory_space<vmem>>) target(%dma_start3A_234 : memref<1x39424xf32, #tpu.memory_space<hbm>>) target_semaphore(%arg10 : memref<!tpu.dma_semaphore, #tpu.memory_space<semaphore_mem>>)
    %dma_wait3A_235 = arith.constant 0 : i32
    %dma_wait3A_236 = tpu.memref_slice %arg4[%add3A_210, %dma_wait3A_235] : memref<1024x39424xf32, #tpu.memory_space<hbm>> -> memref<1x39424xf32, #tpu.memory_space<hbm>>
    %dma_wait3A_237 = arith.constant 0 : i32
    %dma_wait3A_238 = tpu.memref_slice %arg4[%add3A_210, %dma_wait3A_237] : memref<1024x39424xf32, #tpu.memory_space<hbm>> -> memref<1x39424xf32, #tpu.memory_space<hbm>>
    tpu.wait_dma2 semaphore(%arg9 : memref<!tpu.dma_semaphore, #tpu.memory_space<semaphore_mem>>) src(%arg5 : memref<1x39424xf32, #tpu.memory_space<vmem>>) dst(%dma_wait3A_238 : memref<1x39424xf32, #tpu.memory_space<hbm>>)
    %dma_start3A_239 = arith.constant 96 : i32
    %dma_start3A_240 = tpu.memref_slice %arg7[%dma_start3A_239] : memref<256xi32, #tpu.memory_space<vmem>> -> memref<1xi32, #tpu.memory_space<vmem>>
    %dma_start3A_241 = arith.constant 0 : i32
    %dma_start3A_242 = arith.constant 0 : i32
    %dma_start3A_243 = tpu.memref_slice %arg3[%dma_start3A_241, %dma_start3A_242] : memref<4x39424xf32, #tpu.memory_space<hbm>> -> memref<4x39424xf32, #tpu.memory_space<hbm>>
    tpu.enqueue_indirect_dma source(%dma_start3A_243 : memref<4x39424xf32, #tpu.memory_space<hbm>>) target(%arg5 : memref<1x39424xf32, #tpu.memory_space<vmem>>) offsets(%dma_start3A_240 : memref<1xi32, #tpu.memory_space<vmem>>) semaphore(%arg8 : memref<!tpu.dma_semaphore, #tpu.memory_space<semaphore_mem>>)
    %dma_wait3A_244 = arith.constant 96 : i32
    %dma_wait3A_245 = tpu.memref_slice %arg7[%dma_wait3A_244] : memref<256xi32, #tpu.memory_space<vmem>> -> memref<1xi32, #tpu.memory_space<vmem>>
    %dma_wait3A_246 = arith.constant 0 : i32
    %dma_wait3A_247 = arith.constant 0 : i32
    %dma_wait3A_248 = tpu.memref_slice %arg3[%dma_wait3A_246, %dma_wait3A_247] : memref<4x39424xf32, #tpu.memory_space<hbm>> -> memref<4x39424xf32, #tpu.memory_space<hbm>>
    tpu.wait_indirect_dma semaphore(%arg8 : memref<!tpu.dma_semaphore, #tpu.memory_space<semaphore_mem>>) src(%dma_wait3A_248 : memref<4x39424xf32, #tpu.memory_space<hbm>>) dst(%arg5 : memref<1x39424xf32, #tpu.memory_space<vmem>>)
    %add3A_249 = arith.constant 12 : i32
    %add3A_250 = arith.addi %multiple_of3A, %add3A_249 : i32
    %dma_start3A_251 = arith.constant 0 : i32
    %dma_start3A_252 = tpu.memref_slice %arg4[%add3A_250, %dma_start3A_251] : memref<1024x39424xf32, #tpu.memory_space<hbm>> -> memref<1x39424xf32, #tpu.memory_space<hbm>>
    %dma_start3A_253 = arith.constant 0 : i32
    %dma_start3A_254 = tpu.memref_slice %arg4[%add3A_250, %dma_start3A_253] : memref<1024x39424xf32, #tpu.memory_space<hbm>> -> memref<1x39424xf32, #tpu.memory_space<hbm>>
    tpu.enqueue_dma source(%arg5 : memref<1x39424xf32, #tpu.memory_space<vmem>>) target(%dma_start3A_254 : memref<1x39424xf32, #tpu.memory_space<hbm>>) target_semaphore(%arg9 : memref<!tpu.dma_semaphore, #tpu.memory_space<semaphore_mem>>)
    %dma_wait3A_255 = arith.constant 0 : i32
    %dma_wait3A_256 = tpu.memref_slice %arg4[%add3A_230, %dma_wait3A_255] : memref<1024x39424xf32, #tpu.memory_space<hbm>> -> memref<1x39424xf32, #tpu.memory_space<hbm>>
    %dma_wait3A_257 = arith.constant 0 : i32
    %dma_wait3A_258 = tpu.memref_slice %arg4[%add3A_230, %dma_wait3A_257] : memref<1024x39424xf32, #tpu.memory_space<hbm>> -> memref<1x39424xf32, #tpu.memory_space<hbm>>
    tpu.wait_dma2 semaphore(%arg10 : memref<!tpu.dma_semaphore, #tpu.memory_space<semaphore_mem>>) src(%arg6 : memref<1x39424xf32, #tpu.memory_space<vmem>>) dst(%dma_wait3A_258 : memref<1x39424xf32, #tpu.memory_space<hbm>>)
    %dma_start3A_259 = arith.constant 104 : i32
    %dma_start3A_260 = tpu.memref_slice %arg7[%dma_start3A_259] : memref<256xi32, #tpu.memory_space<vmem>> -> memref<1xi32, #tpu.memory_space<vmem>>
    %dma_start3A_261 = arith.constant 0 : i32
    %dma_start3A_262 = arith.constant 0 : i32
    %dma_start3A_263 = tpu.memref_slice %arg3[%dma_start3A_261, %dma_start3A_262] : memref<4x39424xf32, #tpu.memory_space<hbm>> -> memref<4x39424xf32, #tpu.memory_space<hbm>>
    tpu.enqueue_indirect_dma source(%dma_start3A_263 : memref<4x39424xf32, #tpu.memory_space<hbm>>) target(%arg6 : memref<1x39424xf32, #tpu.memory_space<vmem>>) offsets(%dma_start3A_260 : memref<1xi32, #tpu.memory_space<vmem>>) semaphore(%arg8 : memref<!tpu.dma_semaphore, #tpu.memory_space<semaphore_mem>>)
    %dma_wait3A_264 = arith.constant 104 : i32
    %dma_wait3A_265 = tpu.memref_slice %arg7[%dma_wait3A_264] : memref<256xi32, #tpu.memory_space<vmem>> -> memref<1xi32, #tpu.memory_space<vmem>>
    %dma_wait3A_266 = arith.constant 0 : i32
    %dma_wait3A_267 = arith.constant 0 : i32
    %dma_wait3A_268 = tpu.memref_slice %arg3[%dma_wait3A_266, %dma_wait3A_267] : memref<4x39424xf32, #tpu.memory_space<hbm>> -> memref<4x39424xf32, #tpu.memory_space<hbm>>
    tpu.wait_indirect_dma semaphore(%arg8 : memref<!tpu.dma_semaphore, #tpu.memory_space<semaphore_mem>>) src(%dma_wait3A_268 : memref<4x39424xf32, #tpu.memory_space<hbm>>) dst(%arg6 : memref<1x39424xf32, #tpu.memory_space<vmem>>)
    %add3A_269 = arith.constant 13 : i32
    %add3A_270 = arith.addi %multiple_of3A, %add3A_269 : i32
    %dma_start3A_271 = arith.constant 0 : i32
    %dma_start3A_272 = tpu.memref_slice %arg4[%add3A_270, %dma_start3A_271] : memref<1024x39424xf32, #tpu.memory_space<hbm>> -> memref<1x39424xf32, #tpu.memory_space<hbm>>
    %dma_start3A_273 = arith.constant 0 : i32
    %dma_start3A_274 = tpu.memref_slice %arg4[%add3A_270, %dma_start3A_273] : memref<1024x39424xf32, #tpu.memory_space<hbm>> -> memref<1x39424xf32, #tpu.memory_space<hbm>>
    tpu.enqueue_dma source(%arg6 : memref<1x39424xf32, #tpu.memory_space<vmem>>) target(%dma_start3A_274 : memref<1x39424xf32, #tpu.memory_space<hbm>>) target_semaphore(%arg10 : memref<!tpu.dma_semaphore, #tpu.memory_space<semaphore_mem>>)
    %dma_wait3A_275 = arith.constant 0 : i32
    %dma_wait3A_276 = tpu.memref_slice %arg4[%add3A_250, %dma_wait3A_275] : memref<1024x39424xf32, #tpu.memory_space<hbm>> -> memref<1x39424xf32, #tpu.memory_space<hbm>>
    %dma_wait3A_277 = arith.constant 0 : i32
    %dma_wait3A_278 = tpu.memref_slice %arg4[%add3A_250, %dma_wait3A_277] : memref<1024x39424xf32, #tpu.memory_space<hbm>> -> memref<1x39424xf32, #tpu.memory_space<hbm>>
    tpu.wait_dma2 semaphore(%arg9 : memref<!tpu.dma_semaphore, #tpu.memory_space<semaphore_mem>>) src(%arg5 : memref<1x39424xf32, #tpu.memory_space<vmem>>) dst(%dma_wait3A_278 : memref<1x39424xf32, #tpu.memory_space<hbm>>)
    %dma_start3A_279 = arith.constant 112 : i32
    %dma_start3A_280 = tpu.memref_slice %arg7[%dma_start3A_279] : memref<256xi32, #tpu.memory_space<vmem>> -> memref<1xi32, #tpu.memory_space<vmem>>
    %dma_start3A_281 = arith.constant 0 : i32
    %dma_start3A_282 = arith.constant 0 : i32
    %dma_start3A_283 = tpu.memref_slice %arg3[%dma_start3A_281, %dma_start3A_282] : memref<4x39424xf32, #tpu.memory_space<hbm>> -> memref<4x39424xf32, #tpu.memory_space<hbm>>
    tpu.enqueue_indirect_dma source(%dma_start3A_283 : memref<4x39424xf32, #tpu.memory_space<hbm>>) target(%arg5 : memref<1x39424xf32, #tpu.memory_space<vmem>>) offsets(%dma_start3A_280 : memref<1xi32, #tpu.memory_space<vmem>>) semaphore(%arg8 : memref<!tpu.dma_semaphore, #tpu.memory_space<semaphore_mem>>)
    %dma_wait3A_284 = arith.constant 112 : i32
    %dma_wait3A_285 = tpu.memref_slice %arg7[%dma_wait3A_284] : memref<256xi32, #tpu.memory_space<vmem>> -> memref<1xi32, #tpu.memory_space<vmem>>
    %dma_wait3A_286 = arith.constant 0 : i32
    %dma_wait3A_287 = arith.constant 0 : i32
    %dma_wait3A_288 = tpu.memref_slice %arg3[%dma_wait3A_286, %dma_wait3A_287] : memref<4x39424xf32, #tpu.memory_space<hbm>> -> memref<4x39424xf32, #tpu.memory_space<hbm>>
    tpu.wait_indirect_dma semaphore(%arg8 : memref<!tpu.dma_semaphore, #tpu.memory_space<semaphore_mem>>) src(%dma_wait3A_288 : memref<4x39424xf32, #tpu.memory_space<hbm>>) dst(%arg5 : memref<1x39424xf32, #tpu.memory_space<vmem>>)
    %add3A_289 = arith.constant 14 : i32
    %add3A_290 = arith.addi %multiple_of3A, %add3A_289 : i32
    %dma_start3A_291 = arith.constant 0 : i32
    %dma_start3A_292 = tpu.memref_slice %arg4[%add3A_290, %dma_start3A_291] : memref<1024x39424xf32, #tpu.memory_space<hbm>> -> memref<1x39424xf32, #tpu.memory_space<hbm>>
    %dma_start3A_293 = arith.constant 0 : i32
    %dma_start3A_294 = tpu.memref_slice %arg4[%add3A_290, %dma_start3A_293] : memref<1024x39424xf32, #tpu.memory_space<hbm>> -> memref<1x39424xf32, #tpu.memory_space<hbm>>
    tpu.enqueue_dma source(%arg5 : memref<1x39424xf32, #tpu.memory_space<vmem>>) target(%dma_start3A_294 : memref<1x39424xf32, #tpu.memory_space<hbm>>) target_semaphore(%arg9 : memref<!tpu.dma_semaphore, #tpu.memory_space<semaphore_mem>>)
    %dma_wait3A_295 = arith.constant 0 : i32
    %dma_wait3A_296 = tpu.memref_slice %arg4[%add3A_270, %dma_wait3A_295] : memref<1024x39424xf32, #tpu.memory_space<hbm>> -> memref<1x39424xf32, #tpu.memory_space<hbm>>
    %dma_wait3A_297 = arith.constant 0 : i32
    %dma_wait3A_298 = tpu.memref_slice %arg4[%add3A_270, %dma_wait3A_297] : memref<1024x39424xf32, #tpu.memory_space<hbm>> -> memref<1x39424xf32, #tpu.memory_space<hbm>>
    tpu.wait_dma2 semaphore(%arg10 : memref<!tpu.dma_semaphore, #tpu.memory_space<semaphore_mem>>) src(%arg6 : memref<1x39424xf32, #tpu.memory_space<vmem>>) dst(%dma_wait3A_298 : memref<1x39424xf32, #tpu.memory_space<hbm>>)
    %dma_start3A_299 = arith.constant 120 : i32
    %dma_start3A_300 = tpu.memref_slice %arg7[%dma_start3A_299] : memref<256xi32, #tpu.memory_space<vmem>> -> memref<1xi32, #tpu.memory_space<vmem>>
    %dma_start3A_301 = arith.constant 0 : i32
    %dma_start3A_302 = arith.constant 0 : i32
    %dma_start3A_303 = tpu.memref_slice %arg3[%dma_start3A_301, %dma_start3A_302] : memref<4x39424xf32, #tpu.memory_space<hbm>> -> memref<4x39424xf32, #tpu.memory_space<hbm>>
    tpu.enqueue_indirect_dma source(%dma_start3A_303 : memref<4x39424xf32, #tpu.memory_space<hbm>>) target(%arg6 : memref<1x39424xf32, #tpu.memory_space<vmem>>) offsets(%dma_start3A_300 : memref<1xi32, #tpu.memory_space<vmem>>) semaphore(%arg8 : memref<!tpu.dma_semaphore, #tpu.memory_space<semaphore_mem>>)
    %dma_wait3A_304 = arith.constant 120 : i32
    %dma_wait3A_305 = tpu.memref_slice %arg7[%dma_wait3A_304] : memref<256xi32, #tpu.memory_space<vmem>> -> memref<1xi32, #tpu.memory_space<vmem>>
    %dma_wait3A_306 = arith.constant 0 : i32
    %dma_wait3A_307 = arith.constant 0 : i32
    %dma_wait3A_308 = tpu.memref_slice %arg3[%dma_wait3A_306, %dma_wait3A_307] : memref<4x39424xf32, #tpu.memory_space<hbm>> -> memref<4x39424xf32, #tpu.memory_space<hbm>>
    tpu.wait_indirect_dma semaphore(%arg8 : memref<!tpu.dma_semaphore, #tpu.memory_space<semaphore_mem>>) src(%dma_wait3A_308 : memref<4x39424xf32, #tpu.memory_space<hbm>>) dst(%arg6 : memref<1x39424xf32, #tpu.memory_space<vmem>>)
    %add3A_309 = arith.constant 15 : i32
    %add3A_310 = arith.addi %multiple_of3A, %add3A_309 : i32
    %dma_start3A_311 = arith.constant 0 : i32
    %dma_start3A_312 = tpu.memref_slice %arg4[%add3A_310, %dma_start3A_311] : memref<1024x39424xf32, #tpu.memory_space<hbm>> -> memref<1x39424xf32, #tpu.memory_space<hbm>>
    %dma_start3A_313 = arith.constant 0 : i32
    %dma_start3A_314 = tpu.memref_slice %arg4[%add3A_310, %dma_start3A_313] : memref<1024x39424xf32, #tpu.memory_space<hbm>> -> memref<1x39424xf32, #tpu.memory_space<hbm>>
    tpu.enqueue_dma source(%arg6 : memref<1x39424xf32, #tpu.memory_space<vmem>>) target(%dma_start3A_314 : memref<1x39424xf32, #tpu.memory_space<hbm>>) target_semaphore(%arg10 : memref<!tpu.dma_semaphore, #tpu.memory_space<semaphore_mem>>)
    %dma_wait3A_315 = arith.constant 0 : i32
    %dma_wait3A_316 = tpu.memref_slice %arg4[%add3A_290, %dma_wait3A_315] : memref<1024x39424xf32, #tpu.memory_space<hbm>> -> memref<1x39424xf32, #tpu.memory_space<hbm>>
    %dma_wait3A_317 = arith.constant 0 : i32
    %dma_wait3A_318 = tpu.memref_slice %arg4[%add3A_290, %dma_wait3A_317] : memref<1024x39424xf32, #tpu.memory_space<hbm>> -> memref<1x39424xf32, #tpu.memory_space<hbm>>
    tpu.wait_dma2 semaphore(%arg9 : memref<!tpu.dma_semaphore, #tpu.memory_space<semaphore_mem>>) src(%arg5 : memref<1x39424xf32, #tpu.memory_space<vmem>>) dst(%dma_wait3A_318 : memref<1x39424xf32, #tpu.memory_space<hbm>>)
    %dma_start3A_319 = arith.constant 128 : i32
    %dma_start3A_320 = tpu.memref_slice %arg7[%dma_start3A_319] : memref<256xi32, #tpu.memory_space<vmem>> -> memref<1xi32, #tpu.memory_space<vmem>>
    %dma_start3A_321 = arith.constant 0 : i32
    %dma_start3A_322 = arith.constant 0 : i32
    %dma_start3A_323 = tpu.memref_slice %arg3[%dma_start3A_321, %dma_start3A_322] : memref<4x39424xf32, #tpu.memory_space<hbm>> -> memref<4x39424xf32, #tpu.memory_space<hbm>>
    tpu.enqueue_indirect_dma source(%dma_start3A_323 : memref<4x39424xf32, #tpu.memory_space<hbm>>) target(%arg5 : memref<1x39424xf32, #tpu.memory_space<vmem>>) offsets(%dma_start3A_320 : memref<1xi32, #tpu.memory_space<vmem>>) semaphore(%arg8 : memref<!tpu.dma_semaphore, #tpu.memory_space<semaphore_mem>>)
    %dma_wait3A_324 = arith.constant 128 : i32
    %dma_wait3A_325 = tpu.memref_slice %arg7[%dma_wait3A_324] : memref<256xi32, #tpu.memory_space<vmem>> -> memref<1xi32, #tpu.memory_space<vmem>>
    %dma_wait3A_326 = arith.constant 0 : i32
    %dma_wait3A_327 = arith.constant 0 : i32
    %dma_wait3A_328 = tpu.memref_slice %arg3[%dma_wait3A_326, %dma_wait3A_327] : memref<4x39424xf32, #tpu.memory_space<hbm>> -> memref<4x39424xf32, #tpu.memory_space<hbm>>
    tpu.wait_indirect_dma semaphore(%arg8 : memref<!tpu.dma_semaphore, #tpu.memory_space<semaphore_mem>>) src(%dma_wait3A_328 : memref<4x39424xf32, #tpu.memory_space<hbm>>) dst(%arg5 : memref<1x39424xf32, #tpu.memory_space<vmem>>)
    %add3A_329 = arith.constant 16 : i32
    %add3A_330 = arith.addi %multiple_of3A, %add3A_329 : i32
    %dma_start3A_331 = arith.constant 0 : i32
    %dma_start3A_332 = tpu.memref_slice %arg4[%add3A_330, %dma_start3A_331] : memref<1024x39424xf32, #tpu.memory_space<hbm>> -> memref<1x39424xf32, #tpu.memory_space<hbm>>
    %dma_start3A_333 = arith.constant 0 : i32
    %dma_start3A_334 = tpu.memref_slice %arg4[%add3A_330, %dma_start3A_333] : memref<1024x39424xf32, #tpu.memory_space<hbm>> -> memref<1x39424xf32, #tpu.memory_space<hbm>>
    tpu.enqueue_dma source(%arg5 : memref<1x39424xf32, #tpu.memory_space<vmem>>) target(%dma_start3A_334 : memref<1x39424xf32, #tpu.memory_space<hbm>>) target_semaphore(%arg9 : memref<!tpu.dma_semaphore, #tpu.memory_space<semaphore_mem>>)
    %dma_wait3A_335 = arith.constant 0 : i32
    %dma_wait3A_336 = tpu.memref_slice %arg4[%add3A_310, %dma_wait3A_335] : memref<1024x39424xf32, #tpu.memory_space<hbm>> -> memref<1x39424xf32, #tpu.memory_space<hbm>>
    %dma_wait3A_337 = arith.constant 0 : i32
    %dma_wait3A_338 = tpu.memref_slice %arg4[%add3A_310, %dma_wait3A_337] : memref<1024x39424xf32, #tpu.memory_space<hbm>> -> memref<1x39424xf32, #tpu.memory_space<hbm>>
    tpu.wait_dma2 semaphore(%arg10 : memref<!tpu.dma_semaphore, #tpu.memory_space<semaphore_mem>>) src(%arg6 : memref<1x39424xf32, #tpu.memory_space<vmem>>) dst(%dma_wait3A_338 : memref<1x39424xf32, #tpu.memory_space<hbm>>)
    %dma_start3A_339 = arith.constant 136 : i32
    %dma_start3A_340 = tpu.memref_slice %arg7[%dma_start3A_339] : memref<256xi32, #tpu.memory_space<vmem>> -> memref<1xi32, #tpu.memory_space<vmem>>
    %dma_start3A_341 = arith.constant 0 : i32
    %dma_start3A_342 = arith.constant 0 : i32
    %dma_start3A_343 = tpu.memref_slice %arg3[%dma_start3A_341, %dma_start3A_342] : memref<4x39424xf32, #tpu.memory_space<hbm>> -> memref<4x39424xf32, #tpu.memory_space<hbm>>
    tpu.enqueue_indirect_dma source(%dma_start3A_343 : memref<4x39424xf32, #tpu.memory_space<hbm>>) target(%arg6 : memref<1x39424xf32, #tpu.memory_space<vmem>>) offsets(%dma_start3A_340 : memref<1xi32, #tpu.memory_space<vmem>>) semaphore(%arg8 : memref<!tpu.dma_semaphore, #tpu.memory_space<semaphore_mem>>)
    %dma_wait3A_344 = arith.constant 136 : i32
    %dma_wait3A_345 = tpu.memref_slice %arg7[%dma_wait3A_344] : memref<256xi32, #tpu.memory_space<vmem>> -> memref<1xi32, #tpu.memory_space<vmem>>
    %dma_wait3A_346 = arith.constant 0 : i32
    %dma_wait3A_347 = arith.constant 0 : i32
    %dma_wait3A_348 = tpu.memref_slice %arg3[%dma_wait3A_346, %dma_wait3A_347] : memref<4x39424xf32, #tpu.memory_space<hbm>> -> memref<4x39424xf32, #tpu.memory_space<hbm>>
    tpu.wait_indirect_dma semaphore(%arg8 : memref<!tpu.dma_semaphore, #tpu.memory_space<semaphore_mem>>) src(%dma_wait3A_348 : memref<4x39424xf32, #tpu.memory_space<hbm>>) dst(%arg6 : memref<1x39424xf32, #tpu.memory_space<vmem>>)
    %add3A_349 = arith.constant 17 : i32
    %add3A_350 = arith.addi %multiple_of3A, %add3A_349 : i32
    %dma_start3A_351 = arith.constant 0 : i32
    %dma_start3A_352 = tpu.memref_slice %arg4[%add3A_350, %dma_start3A_351] : memref<1024x39424xf32, #tpu.memory_space<hbm>> -> memref<1x39424xf32, #tpu.memory_space<hbm>>
    %dma_start3A_353 = arith.constant 0 : i32
    %dma_start3A_354 = tpu.memref_slice %arg4[%add3A_350, %dma_start3A_353] : memref<1024x39424xf32, #tpu.memory_space<hbm>> -> memref<1x39424xf32, #tpu.memory_space<hbm>>
    tpu.enqueue_dma source(%arg6 : memref<1x39424xf32, #tpu.memory_space<vmem>>) target(%dma_start3A_354 : memref<1x39424xf32, #tpu.memory_space<hbm>>) target_semaphore(%arg10 : memref<!tpu.dma_semaphore, #tpu.memory_space<semaphore_mem>>)
    %dma_wait3A_355 = arith.constant 0 : i32
    %dma_wait3A_356 = tpu.memref_slice %arg4[%add3A_330, %dma_wait3A_355] : memref<1024x39424xf32, #tpu.memory_space<hbm>> -> memref<1x39424xf32, #tpu.memory_space<hbm>>
    %dma_wait3A_357 = arith.constant 0 : i32
    %dma_wait3A_358 = tpu.memref_slice %arg4[%add3A_330, %dma_wait3A_357] : memref<1024x39424xf32, #tpu.memory_space<hbm>> -> memref<1x39424xf32, #tpu.memory_space<hbm>>
    tpu.wait_dma2 semaphore(%arg9 : memref<!tpu.dma_semaphore, #tpu.memory_space<semaphore_mem>>) src(%arg5 : memref<1x39424xf32, #tpu.memory_space<vmem>>) dst(%dma_wait3A_358 : memref<1x39424xf32, #tpu.memory_space<hbm>>)
    %dma_start3A_359 = arith.constant 144 : i32
    %dma_start3A_360 = tpu.memref_slice %arg7[%dma_start3A_359] : memref<256xi32, #tpu.memory_space<vmem>> -> memref<1xi32, #tpu.memory_space<vmem>>
    %dma_start3A_361 = arith.constant 0 : i32
    %dma_start3A_362 = arith.constant 0 : i32
    %dma_start3A_363 = tpu.memref_slice %arg3[%dma_start3A_361, %dma_start3A_362] : memref<4x39424xf32, #tpu.memory_space<hbm>> -> memref<4x39424xf32, #tpu.memory_space<hbm>>
    tpu.enqueue_indirect_dma source(%dma_start3A_363 : memref<4x39424xf32, #tpu.memory_space<hbm>>) target(%arg5 : memref<1x39424xf32, #tpu.memory_space<vmem>>) offsets(%dma_start3A_360 : memref<1xi32, #tpu.memory_space<vmem>>) semaphore(%arg8 : memref<!tpu.dma_semaphore, #tpu.memory_space<semaphore_mem>>)
    %dma_wait3A_364 = arith.constant 144 : i32
    %dma_wait3A_365 = tpu.memref_slice %arg7[%dma_wait3A_364] : memref<256xi32, #tpu.memory_space<vmem>> -> memref<1xi32, #tpu.memory_space<vmem>>
    %dma_wait3A_366 = arith.constant 0 : i32
    %dma_wait3A_367 = arith.constant 0 : i32
    %dma_wait3A_368 = tpu.memref_slice %arg3[%dma_wait3A_366, %dma_wait3A_367] : memref<4x39424xf32, #tpu.memory_space<hbm>> -> memref<4x39424xf32, #tpu.memory_space<hbm>>
    tpu.wait_indirect_dma semaphore(%arg8 : memref<!tpu.dma_semaphore, #tpu.memory_space<semaphore_mem>>) src(%dma_wait3A_368 : memref<4x39424xf32, #tpu.memory_space<hbm>>) dst(%arg5 : memref<1x39424xf32, #tpu.memory_space<vmem>>)
    %add3A_369 = arith.constant 18 : i32
    %add3A_370 = arith.addi %multiple_of3A, %add3A_369 : i32
    %dma_start3A_371 = arith.constant 0 : i32
    %dma_start3A_372 = tpu.memref_slice %arg4[%add3A_370, %dma_start3A_371] : memref<1024x39424xf32, #tpu.memory_space<hbm>> -> memref<1x39424xf32, #tpu.memory_space<hbm>>
    %dma_start3A_373 = arith.constant 0 : i32
    %dma_start3A_374 = tpu.memref_slice %arg4[%add3A_370, %dma_start3A_373] : memref<1024x39424xf32, #tpu.memory_space<hbm>> -> memref<1x39424xf32, #tpu.memory_space<hbm>>
    tpu.enqueue_dma source(%arg5 : memref<1x39424xf32, #tpu.memory_space<vmem>>) target(%dma_start3A_374 : memref<1x39424xf32, #tpu.memory_space<hbm>>) target_semaphore(%arg9 : memref<!tpu.dma_semaphore, #tpu.memory_space<semaphore_mem>>)
    %dma_wait3A_375 = arith.constant 0 : i32
    %dma_wait3A_376 = tpu.memref_slice %arg4[%add3A_350, %dma_wait3A_375] : memref<1024x39424xf32, #tpu.memory_space<hbm>> -> memref<1x39424xf32, #tpu.memory_space<hbm>>
    %dma_wait3A_377 = arith.constant 0 : i32
    %dma_wait3A_378 = tpu.memref_slice %arg4[%add3A_350, %dma_wait3A_377] : memref<1024x39424xf32, #tpu.memory_space<hbm>> -> memref<1x39424xf32, #tpu.memory_space<hbm>>
    tpu.wait_dma2 semaphore(%arg10 : memref<!tpu.dma_semaphore, #tpu.memory_space<semaphore_mem>>) src(%arg6 : memref<1x39424xf32, #tpu.memory_space<vmem>>) dst(%dma_wait3A_378 : memref<1x39424xf32, #tpu.memory_space<hbm>>)
    %dma_start3A_379 = arith.constant 152 : i32
    %dma_start3A_380 = tpu.memref_slice %arg7[%dma_start3A_379] : memref<256xi32, #tpu.memory_space<vmem>> -> memref<1xi32, #tpu.memory_space<vmem>>
    %dma_start3A_381 = arith.constant 0 : i32
    %dma_start3A_382 = arith.constant 0 : i32
    %dma_start3A_383 = tpu.memref_slice %arg3[%dma_start3A_381, %dma_start3A_382] : memref<4x39424xf32, #tpu.memory_space<hbm>> -> memref<4x39424xf32, #tpu.memory_space<hbm>>
    tpu.enqueue_indirect_dma source(%dma_start3A_383 : memref<4x39424xf32, #tpu.memory_space<hbm>>) target(%arg6 : memref<1x39424xf32, #tpu.memory_space<vmem>>) offsets(%dma_start3A_380 : memref<1xi32, #tpu.memory_space<vmem>>) semaphore(%arg8 : memref<!tpu.dma_semaphore, #tpu.memory_space<semaphore_mem>>)
    %dma_wait3A_384 = arith.constant 152 : i32
    %dma_wait3A_385 = tpu.memref_slice %arg7[%dma_wait3A_384] : memref<256xi32, #tpu.memory_space<vmem>> -> memref<1xi32, #tpu.memory_space<vmem>>
    %dma_wait3A_386 = arith.constant 0 : i32
    %dma_wait3A_387 = arith.constant 0 : i32
    %dma_wait3A_388 = tpu.memref_slice %arg3[%dma_wait3A_386, %dma_wait3A_387] : memref<4x39424xf32, #tpu.memory_space<hbm>> -> memref<4x39424xf32, #tpu.memory_space<hbm>>
    tpu.wait_indirect_dma semaphore(%arg8 : memref<!tpu.dma_semaphore, #tpu.memory_space<semaphore_mem>>) src(%dma_wait3A_388 : memref<4x39424xf32, #tpu.memory_space<hbm>>) dst(%arg6 : memref<1x39424xf32, #tpu.memory_space<vmem>>)
    %add3A_389 = arith.constant 19 : i32
    %add3A_390 = arith.addi %multiple_of3A, %add3A_389 : i32
    %dma_start3A_391 = arith.constant 0 : i32
    %dma_start3A_392 = tpu.memref_slice %arg4[%add3A_390, %dma_start3A_391] : memref<1024x39424xf32, #tpu.memory_space<hbm>> -> memref<1x39424xf32, #tpu.memory_space<hbm>>
    %dma_start3A_393 = arith.constant 0 : i32
    %dma_start3A_394 = tpu.memref_slice %arg4[%add3A_390, %dma_start3A_393] : memref<1024x39424xf32, #tpu.memory_space<hbm>> -> memref<1x39424xf32, #tpu.memory_space<hbm>>
    tpu.enqueue_dma source(%arg6 : memref<1x39424xf32, #tpu.memory_space<vmem>>) target(%dma_start3A_394 : memref<1x39424xf32, #tpu.memory_space<hbm>>) target_semaphore(%arg10 : memref<!tpu.dma_semaphore, #tpu.memory_space<semaphore_mem>>)
    %dma_wait3A_395 = arith.constant 0 : i32
    %dma_wait3A_396 = tpu.memref_slice %arg4[%add3A_370, %dma_wait3A_395] : memref<1024x39424xf32, #tpu.memory_space<hbm>> -> memref<1x39424xf32, #tpu.memory_space<hbm>>
    %dma_wait3A_397 = arith.constant 0 : i32
    %dma_wait3A_398 = tpu.memref_slice %arg4[%add3A_370, %dma_wait3A_397] : memref<1024x39424xf32, #tpu.memory_space<hbm>> -> memref<1x39424xf32, #tpu.memory_space<hbm>>
    tpu.wait_dma2 semaphore(%arg9 : memref<!tpu.dma_semaphore, #tpu.memory_space<semaphore_mem>>) src(%arg5 : memref<1x39424xf32, #tpu.memory_space<vmem>>) dst(%dma_wait3A_398 : memref<1x39424xf32, #tpu.memory_space<hbm>>)
    %dma_start3A_399 = arith.constant 160 : i32
    %dma_start3A_400 = tpu.memref_slice %arg7[%dma_start3A_399] : memref<256xi32, #tpu.memory_space<vmem>> -> memref<1xi32, #tpu.memory_space<vmem>>
    %dma_start3A_401 = arith.constant 0 : i32
    %dma_start3A_402 = arith.constant 0 : i32
    %dma_start3A_403 = tpu.memref_slice %arg3[%dma_start3A_401, %dma_start3A_402] : memref<4x39424xf32, #tpu.memory_space<hbm>> -> memref<4x39424xf32, #tpu.memory_space<hbm>>
    tpu.enqueue_indirect_dma source(%dma_start3A_403 : memref<4x39424xf32, #tpu.memory_space<hbm>>) target(%arg5 : memref<1x39424xf32, #tpu.memory_space<vmem>>) offsets(%dma_start3A_400 : memref<1xi32, #tpu.memory_space<vmem>>) semaphore(%arg8 : memref<!tpu.dma_semaphore, #tpu.memory_space<semaphore_mem>>)
    %dma_wait3A_404 = arith.constant 160 : i32
    %dma_wait3A_405 = tpu.memref_slice %arg7[%dma_wait3A_404] : memref<256xi32, #tpu.memory_space<vmem>> -> memref<1xi32, #tpu.memory_space<vmem>>
    %dma_wait3A_406 = arith.constant 0 : i32
    %dma_wait3A_407 = arith.constant 0 : i32
    %dma_wait3A_408 = tpu.memref_slice %arg3[%dma_wait3A_406, %dma_wait3A_407] : memref<4x39424xf32, #tpu.memory_space<hbm>> -> memref<4x39424xf32, #tpu.memory_space<hbm>>
    tpu.wait_indirect_dma semaphore(%arg8 : memref<!tpu.dma_semaphore, #tpu.memory_space<semaphore_mem>>) src(%dma_wait3A_408 : memref<4x39424xf32, #tpu.memory_space<hbm>>) dst(%arg5 : memref<1x39424xf32, #tpu.memory_space<vmem>>)
    %add3A_409 = arith.constant 20 : i32
    %add3A_410 = arith.addi %multiple_of3A, %add3A_409 : i32
    %dma_start3A_411 = arith.constant 0 : i32
    %dma_start3A_412 = tpu.memref_slice %arg4[%add3A_410, %dma_start3A_411] : memref<1024x39424xf32, #tpu.memory_space<hbm>> -> memref<1x39424xf32, #tpu.memory_space<hbm>>
    %dma_start3A_413 = arith.constant 0 : i32
    %dma_start3A_414 = tpu.memref_slice %arg4[%add3A_410, %dma_start3A_413] : memref<1024x39424xf32, #tpu.memory_space<hbm>> -> memref<1x39424xf32, #tpu.memory_space<hbm>>
    tpu.enqueue_dma source(%arg5 : memref<1x39424xf32, #tpu.memory_space<vmem>>) target(%dma_start3A_414 : memref<1x39424xf32, #tpu.memory_space<hbm>>) target_semaphore(%arg9 : memref<!tpu.dma_semaphore, #tpu.memory_space<semaphore_mem>>)
    %dma_wait3A_415 = arith.constant 0 : i32
    %dma_wait3A_416 = tpu.memref_slice %arg4[%add3A_390, %dma_wait3A_415] : memref<1024x39424xf32, #tpu.memory_space<hbm>> -> memref<1x39424xf32, #tpu.memory_space<hbm>>
    %dma_wait3A_417 = arith.constant 0 : i32
    %dma_wait3A_418 = tpu.memref_slice %arg4[%add3A_390, %dma_wait3A_417] : memref<1024x39424xf32, #tpu.memory_space<hbm>> -> memref<1x39424xf32, #tpu.memory_space<hbm>>
    tpu.wait_dma2 semaphore(%arg10 : memref<!tpu.dma_semaphore, #tpu.memory_space<semaphore_mem>>) src(%arg6 : memref<1x39424xf32, #tpu.memory_space<vmem>>) dst(%dma_wait3A_418 : memref<1x39424xf32, #tpu.memory_space<hbm>>)
    %dma_start3A_419 = arith.constant 168 : i32
    %dma_start3A_420 = tpu.memref_slice %arg7[%dma_start3A_419] : memref<256xi32, #tpu.memory_space<vmem>> -> memref<1xi32, #tpu.memory_space<vmem>>
    %dma_start3A_421 = arith.constant 0 : i32
    %dma_start3A_422 = arith.constant 0 : i32
    %dma_start3A_423 = tpu.memref_slice %arg3[%dma_start3A_421, %dma_start3A_422] : memref<4x39424xf32, #tpu.memory_space<hbm>> -> memref<4x39424xf32, #tpu.memory_space<hbm>>
    tpu.enqueue_indirect_dma source(%dma_start3A_423 : memref<4x39424xf32, #tpu.memory_space<hbm>>) target(%arg6 : memref<1x39424xf32, #tpu.memory_space<vmem>>) offsets(%dma_start3A_420 : memref<1xi32, #tpu.memory_space<vmem>>) semaphore(%arg8 : memref<!tpu.dma_semaphore, #tpu.memory_space<semaphore_mem>>)
    %dma_wait3A_424 = arith.constant 168 : i32
    %dma_wait3A_425 = tpu.memref_slice %arg7[%dma_wait3A_424] : memref<256xi32, #tpu.memory_space<vmem>> -> memref<1xi32, #tpu.memory_space<vmem>>
    %dma_wait3A_426 = arith.constant 0 : i32
    %dma_wait3A_427 = arith.constant 0 : i32
    %dma_wait3A_428 = tpu.memref_slice %arg3[%dma_wait3A_426, %dma_wait3A_427] : memref<4x39424xf32, #tpu.memory_space<hbm>> -> memref<4x39424xf32, #tpu.memory_space<hbm>>
    tpu.wait_indirect_dma semaphore(%arg8 : memref<!tpu.dma_semaphore, #tpu.memory_space<semaphore_mem>>) src(%dma_wait3A_428 : memref<4x39424xf32, #tpu.memory_space<hbm>>) dst(%arg6 : memref<1x39424xf32, #tpu.memory_space<vmem>>)
    %add3A_429 = arith.constant 21 : i32
    %add3A_430 = arith.addi %multiple_of3A, %add3A_429 : i32
    %dma_start3A_431 = arith.constant 0 : i32
    %dma_start3A_432 = tpu.memref_slice %arg4[%add3A_430, %dma_start3A_431] : memref<1024x39424xf32, #tpu.memory_space<hbm>> -> memref<1x39424xf32, #tpu.memory_space<hbm>>
    %dma_start3A_433 = arith.constant 0 : i32
    %dma_start3A_434 = tpu.memref_slice %arg4[%add3A_430, %dma_start3A_433] : memref<1024x39424xf32, #tpu.memory_space<hbm>> -> memref<1x39424xf32, #tpu.memory_space<hbm>>
    tpu.enqueue_dma source(%arg6 : memref<1x39424xf32, #tpu.memory_space<vmem>>) target(%dma_start3A_434 : memref<1x39424xf32, #tpu.memory_space<hbm>>) target_semaphore(%arg10 : memref<!tpu.dma_semaphore, #tpu.memory_space<semaphore_mem>>)
    %dma_wait3A_435 = arith.constant 0 : i32
    %dma_wait3A_436 = tpu.memref_slice %arg4[%add3A_410, %dma_wait3A_435] : memref<1024x39424xf32, #tpu.memory_space<hbm>> -> memref<1x39424xf32, #tpu.memory_space<hbm>>
    %dma_wait3A_437 = arith.constant 0 : i32
    %dma_wait3A_438 = tpu.memref_slice %arg4[%add3A_410, %dma_wait3A_437] : memref<1024x39424xf32, #tpu.memory_space<hbm>> -> memref<1x39424xf32, #tpu.memory_space<hbm>>
    tpu.wait_dma2 semaphore(%arg9 : memref<!tpu.dma_semaphore, #tpu.memory_space<semaphore_mem>>) src(%arg5 : memref<1x39424xf32, #tpu.memory_space<vmem>>) dst(%dma_wait3A_438 : memref<1x39424xf32, #tpu.memory_space<hbm>>)
    %dma_start3A_439 = arith.constant 176 : i32
    %dma_start3A_440 = tpu.memref_slice %arg7[%dma_start3A_439] : memref<256xi32, #tpu.memory_space<vmem>> -> memref<1xi32, #tpu.memory_space<vmem>>
    %dma_start3A_441 = arith.constant 0 : i32
    %dma_start3A_442 = arith.constant 0 : i32
    %dma_start3A_443 = tpu.memref_slice %arg3[%dma_start3A_441, %dma_start3A_442] : memref<4x39424xf32, #tpu.memory_space<hbm>> -> memref<4x39424xf32, #tpu.memory_space<hbm>>
    tpu.enqueue_indirect_dma source(%dma_start3A_443 : memref<4x39424xf32, #tpu.memory_space<hbm>>) target(%arg5 : memref<1x39424xf32, #tpu.memory_space<vmem>>) offsets(%dma_start3A_440 : memref<1xi32, #tpu.memory_space<vmem>>) semaphore(%arg8 : memref<!tpu.dma_semaphore, #tpu.memory_space<semaphore_mem>>)
    %dma_wait3A_444 = arith.constant 176 : i32
    %dma_wait3A_445 = tpu.memref_slice %arg7[%dma_wait3A_444] : memref<256xi32, #tpu.memory_space<vmem>> -> memref<1xi32, #tpu.memory_space<vmem>>
    %dma_wait3A_446 = arith.constant 0 : i32
    %dma_wait3A_447 = arith.constant 0 : i32
    %dma_wait3A_448 = tpu.memref_slice %arg3[%dma_wait3A_446, %dma_wait3A_447] : memref<4x39424xf32, #tpu.memory_space<hbm>> -> memref<4x39424xf32, #tpu.memory_space<hbm>>
    tpu.wait_indirect_dma semaphore(%arg8 : memref<!tpu.dma_semaphore, #tpu.memory_space<semaphore_mem>>) src(%dma_wait3A_448 : memref<4x39424xf32, #tpu.memory_space<hbm>>) dst(%arg5 : memref<1x39424xf32, #tpu.memory_space<vmem>>)
    %add3A_449 = arith.constant 22 : i32
    %add3A_450 = arith.addi %multiple_of3A, %add3A_449 : i32
    %dma_start3A_451 = arith.constant 0 : i32
    %dma_start3A_452 = tpu.memref_slice %arg4[%add3A_450, %dma_start3A_451] : memref<1024x39424xf32, #tpu.memory_space<hbm>> -> memref<1x39424xf32, #tpu.memory_space<hbm>>
    %dma_start3A_453 = arith.constant 0 : i32
    %dma_start3A_454 = tpu.memref_slice %arg4[%add3A_450, %dma_start3A_453] : memref<1024x39424xf32, #tpu.memory_space<hbm>> -> memref<1x39424xf32, #tpu.memory_space<hbm>>
    tpu.enqueue_dma source(%arg5 : memref<1x39424xf32, #tpu.memory_space<vmem>>) target(%dma_start3A_454 : memref<1x39424xf32, #tpu.memory_space<hbm>>) target_semaphore(%arg9 : memref<!tpu.dma_semaphore, #tpu.memory_space<semaphore_mem>>)
    %dma_wait3A_455 = arith.constant 0 : i32
    %dma_wait3A_456 = tpu.memref_slice %arg4[%add3A_430, %dma_wait3A_455] : memref<1024x39424xf32, #tpu.memory_space<hbm>> -> memref<1x39424xf32, #tpu.memory_space<hbm>>
    %dma_wait3A_457 = arith.constant 0 : i32
    %dma_wait3A_458 = tpu.memref_slice %arg4[%add3A_430, %dma_wait3A_457] : memref<1024x39424xf32, #tpu.memory_space<hbm>> -> memref<1x39424xf32, #tpu.memory_space<hbm>>
    tpu.wait_dma2 semaphore(%arg10 : memref<!tpu.dma_semaphore, #tpu.memory_space<semaphore_mem>>) src(%arg6 : memref<1x39424xf32, #tpu.memory_space<vmem>>) dst(%dma_wait3A_458 : memref<1x39424xf32, #tpu.memory_space<hbm>>)
    %dma_start3A_459 = arith.constant 184 : i32
    %dma_start3A_460 = tpu.memref_slice %arg7[%dma_start3A_459] : memref<256xi32, #tpu.memory_space<vmem>> -> memref<1xi32, #tpu.memory_space<vmem>>
    %dma_start3A_461 = arith.constant 0 : i32
    %dma_start3A_462 = arith.constant 0 : i32
    %dma_start3A_463 = tpu.memref_slice %arg3[%dma_start3A_461, %dma_start3A_462] : memref<4x39424xf32, #tpu.memory_space<hbm>> -> memref<4x39424xf32, #tpu.memory_space<hbm>>
    tpu.enqueue_indirect_dma source(%dma_start3A_463 : memref<4x39424xf32, #tpu.memory_space<hbm>>) target(%arg6 : memref<1x39424xf32, #tpu.memory_space<vmem>>) offsets(%dma_start3A_460 : memref<1xi32, #tpu.memory_space<vmem>>) semaphore(%arg8 : memref<!tpu.dma_semaphore, #tpu.memory_space<semaphore_mem>>)
    %dma_wait3A_464 = arith.constant 184 : i32
    %dma_wait3A_465 = tpu.memref_slice %arg7[%dma_wait3A_464] : memref<256xi32, #tpu.memory_space<vmem>> -> memref<1xi32, #tpu.memory_space<vmem>>
    %dma_wait3A_466 = arith.constant 0 : i32
    %dma_wait3A_467 = arith.constant 0 : i32
    %dma_wait3A_468 = tpu.memref_slice %arg3[%dma_wait3A_466, %dma_wait3A_467] : memref<4x39424xf32, #tpu.memory_space<hbm>> -> memref<4x39424xf32, #tpu.memory_space<hbm>>
    tpu.wait_indirect_dma semaphore(%arg8 : memref<!tpu.dma_semaphore, #tpu.memory_space<semaphore_mem>>) src(%dma_wait3A_468 : memref<4x39424xf32, #tpu.memory_space<hbm>>) dst(%arg6 : memref<1x39424xf32, #tpu.memory_space<vmem>>)
    %add3A_469 = arith.constant 23 : i32
    %add3A_470 = arith.addi %multiple_of3A, %add3A_469 : i32
    %dma_start3A_471 = arith.constant 0 : i32
    %dma_start3A_472 = tpu.memref_slice %arg4[%add3A_470, %dma_start3A_471] : memref<1024x39424xf32, #tpu.memory_space<hbm>> -> memref<1x39424xf32, #tpu.memory_space<hbm>>
    %dma_start3A_473 = arith.constant 0 : i32
    %dma_start3A_474 = tpu.memref_slice %arg4[%add3A_470, %dma_start3A_473] : memref<1024x39424xf32, #tpu.memory_space<hbm>> -> memref<1x39424xf32, #tpu.memory_space<hbm>>
    tpu.enqueue_dma source(%arg6 : memref<1x39424xf32, #tpu.memory_space<vmem>>) target(%dma_start3A_474 : memref<1x39424xf32, #tpu.memory_space<hbm>>) target_semaphore(%arg10 : memref<!tpu.dma_semaphore, #tpu.memory_space<semaphore_mem>>)
    %dma_wait3A_475 = arith.constant 0 : i32
    %dma_wait3A_476 = tpu.memref_slice %arg4[%add3A_450, %dma_wait3A_475] : memref<1024x39424xf32, #tpu.memory_space<hbm>> -> memref<1x39424xf32, #tpu.memory_space<hbm>>
    %dma_wait3A_477 = arith.constant 0 : i32
    %dma_wait3A_478 = tpu.memref_slice %arg4[%add3A_450, %dma_wait3A_477] : memref<1024x39424xf32, #tpu.memory_space<hbm>> -> memref<1x39424xf32, #tpu.memory_space<hbm>>
    tpu.wait_dma2 semaphore(%arg9 : memref<!tpu.dma_semaphore, #tpu.memory_space<semaphore_mem>>) src(%arg5 : memref<1x39424xf32, #tpu.memory_space<vmem>>) dst(%dma_wait3A_478 : memref<1x39424xf32, #tpu.memory_space<hbm>>)
    %dma_start3A_479 = arith.constant 192 : i32
    %dma_start3A_480 = tpu.memref_slice %arg7[%dma_start3A_479] : memref<256xi32, #tpu.memory_space<vmem>> -> memref<1xi32, #tpu.memory_space<vmem>>
    %dma_start3A_481 = arith.constant 0 : i32
    %dma_start3A_482 = arith.constant 0 : i32
    %dma_start3A_483 = tpu.memref_slice %arg3[%dma_start3A_481, %dma_start3A_482] : memref<4x39424xf32, #tpu.memory_space<hbm>> -> memref<4x39424xf32, #tpu.memory_space<hbm>>
    tpu.enqueue_indirect_dma source(%dma_start3A_483 : memref<4x39424xf32, #tpu.memory_space<hbm>>) target(%arg5 : memref<1x39424xf32, #tpu.memory_space<vmem>>) offsets(%dma_start3A_480 : memref<1xi32, #tpu.memory_space<vmem>>) semaphore(%arg8 : memref<!tpu.dma_semaphore, #tpu.memory_space<semaphore_mem>>)
    %dma_wait3A_484 = arith.constant 192 : i32
    %dma_wait3A_485 = tpu.memref_slice %arg7[%dma_wait3A_484] : memref<256xi32, #tpu.memory_space<vmem>> -> memref<1xi32, #tpu.memory_space<vmem>>
    %dma_wait3A_486 = arith.constant 0 : i32
    %dma_wait3A_487 = arith.constant 0 : i32
    %dma_wait3A_488 = tpu.memref_slice %arg3[%dma_wait3A_486, %dma_wait3A_487] : memref<4x39424xf32, #tpu.memory_space<hbm>> -> memref<4x39424xf32, #tpu.memory_space<hbm>>
    tpu.wait_indirect_dma semaphore(%arg8 : memref<!tpu.dma_semaphore, #tpu.memory_space<semaphore_mem>>) src(%dma_wait3A_488 : memref<4x39424xf32, #tpu.memory_space<hbm>>) dst(%arg5 : memref<1x39424xf32, #tpu.memory_space<vmem>>)
    %add3A_489 = arith.constant 24 : i32
    %add3A_490 = arith.addi %multiple_of3A, %add3A_489 : i32
    %dma_start3A_491 = arith.constant 0 : i32
    %dma_start3A_492 = tpu.memref_slice %arg4[%add3A_490, %dma_start3A_491] : memref<1024x39424xf32, #tpu.memory_space<hbm>> -> memref<1x39424xf32, #tpu.memory_space<hbm>>
    %dma_start3A_493 = arith.constant 0 : i32
    %dma_start3A_494 = tpu.memref_slice %arg4[%add3A_490, %dma_start3A_493] : memref<1024x39424xf32, #tpu.memory_space<hbm>> -> memref<1x39424xf32, #tpu.memory_space<hbm>>
    tpu.enqueue_dma source(%arg5 : memref<1x39424xf32, #tpu.memory_space<vmem>>) target(%dma_start3A_494 : memref<1x39424xf32, #tpu.memory_space<hbm>>) target_semaphore(%arg9 : memref<!tpu.dma_semaphore, #tpu.memory_space<semaphore_mem>>)
    %dma_wait3A_495 = arith.constant 0 : i32
    %dma_wait3A_496 = tpu.memref_slice %arg4[%add3A_470, %dma_wait3A_495] : memref<1024x39424xf32, #tpu.memory_space<hbm>> -> memref<1x39424xf32, #tpu.memory_space<hbm>>
    %dma_wait3A_497 = arith.constant 0 : i32
    %dma_wait3A_498 = tpu.memref_slice %arg4[%add3A_470, %dma_wait3A_497] : memref<1024x39424xf32, #tpu.memory_space<hbm>> -> memref<1x39424xf32, #tpu.memory_space<hbm>>
    tpu.wait_dma2 semaphore(%arg10 : memref<!tpu.dma_semaphore, #tpu.memory_space<semaphore_mem>>) src(%arg6 : memref<1x39424xf32, #tpu.memory_space<vmem>>) dst(%dma_wait3A_498 : memref<1x39424xf32, #tpu.memory_space<hbm>>)
    %dma_start3A_499 = arith.constant 200 : i32
    %dma_start3A_500 = tpu.memref_slice %arg7[%dma_start3A_499] : memref<256xi32, #tpu.memory_space<vmem>> -> memref<1xi32, #tpu.memory_space<vmem>>
    %dma_start3A_501 = arith.constant 0 : i32
    %dma_start3A_502 = arith.constant 0 : i32
    %dma_start3A_503 = tpu.memref_slice %arg3[%dma_start3A_501, %dma_start3A_502] : memref<4x39424xf32, #tpu.memory_space<hbm>> -> memref<4x39424xf32, #tpu.memory_space<hbm>>
    tpu.enqueue_indirect_dma source(%dma_start3A_503 : memref<4x39424xf32, #tpu.memory_space<hbm>>) target(%arg6 : memref<1x39424xf32, #tpu.memory_space<vmem>>) offsets(%dma_start3A_500 : memref<1xi32, #tpu.memory_space<vmem>>) semaphore(%arg8 : memref<!tpu.dma_semaphore, #tpu.memory_space<semaphore_mem>>)
    %dma_wait3A_504 = arith.constant 200 : i32
    %dma_wait3A_505 = tpu.memref_slice %arg7[%dma_wait3A_504] : memref<256xi32, #tpu.memory_space<vmem>> -> memref<1xi32, #tpu.memory_space<vmem>>
    %dma_wait3A_506 = arith.constant 0 : i32
    %dma_wait3A_507 = arith.constant 0 : i32
    %dma_wait3A_508 = tpu.memref_slice %arg3[%dma_wait3A_506, %dma_wait3A_507] : memref<4x39424xf32, #tpu.memory_space<hbm>> -> memref<4x39424xf32, #tpu.memory_space<hbm>>
    tpu.wait_indirect_dma semaphore(%arg8 : memref<!tpu.dma_semaphore, #tpu.memory_space<semaphore_mem>>) src(%dma_wait3A_508 : memref<4x39424xf32, #tpu.memory_space<hbm>>) dst(%arg6 : memref<1x39424xf32, #tpu.memory_space<vmem>>)
    %add3A_509 = arith.constant 25 : i32
    %add3A_510 = arith.addi %multiple_of3A, %add3A_509 : i32
    %dma_start3A_511 = arith.constant 0 : i32
    %dma_start3A_512 = tpu.memref_slice %arg4[%add3A_510, %dma_start3A_511] : memref<1024x39424xf32, #tpu.memory_space<hbm>> -> memref<1x39424xf32, #tpu.memory_space<hbm>>
    %dma_start3A_513 = arith.constant 0 : i32
    %dma_start3A_514 = tpu.memref_slice %arg4[%add3A_510, %dma_start3A_513] : memref<1024x39424xf32, #tpu.memory_space<hbm>> -> memref<1x39424xf32, #tpu.memory_space<hbm>>
    tpu.enqueue_dma source(%arg6 : memref<1x39424xf32, #tpu.memory_space<vmem>>) target(%dma_start3A_514 : memref<1x39424xf32, #tpu.memory_space<hbm>>) target_semaphore(%arg10 : memref<!tpu.dma_semaphore, #tpu.memory_space<semaphore_mem>>)
    %dma_wait3A_515 = arith.constant 0 : i32
    %dma_wait3A_516 = tpu.memref_slice %arg4[%add3A_490, %dma_wait3A_515] : memref<1024x39424xf32, #tpu.memory_space<hbm>> -> memref<1x39424xf32, #tpu.memory_space<hbm>>
    %dma_wait3A_517 = arith.constant 0 : i32
    %dma_wait3A_518 = tpu.memref_slice %arg4[%add3A_490, %dma_wait3A_517] : memref<1024x39424xf32, #tpu.memory_space<hbm>> -> memref<1x39424xf32, #tpu.memory_space<hbm>>
    tpu.wait_dma2 semaphore(%arg9 : memref<!tpu.dma_semaphore, #tpu.memory_space<semaphore_mem>>) src(%arg5 : memref<1x39424xf32, #tpu.memory_space<vmem>>) dst(%dma_wait3A_518 : memref<1x39424xf32, #tpu.memory_space<hbm>>)
    %dma_start3A_519 = arith.constant 208 : i32
    %dma_start3A_520 = tpu.memref_slice %arg7[%dma_start3A_519] : memref<256xi32, #tpu.memory_space<vmem>> -> memref<1xi32, #tpu.memory_space<vmem>>
    %dma_start3A_521 = arith.constant 0 : i32
    %dma_start3A_522 = arith.constant 0 : i32
    %dma_start3A_523 = tpu.memref_slice %arg3[%dma_start3A_521, %dma_start3A_522] : memref<4x39424xf32, #tpu.memory_space<hbm>> -> memref<4x39424xf32, #tpu.memory_space<hbm>>
    tpu.enqueue_indirect_dma source(%dma_start3A_523 : memref<4x39424xf32, #tpu.memory_space<hbm>>) target(%arg5 : memref<1x39424xf32, #tpu.memory_space<vmem>>) offsets(%dma_start3A_520 : memref<1xi32, #tpu.memory_space<vmem>>) semaphore(%arg8 : memref<!tpu.dma_semaphore, #tpu.memory_space<semaphore_mem>>)
    %dma_wait3A_524 = arith.constant 208 : i32
    %dma_wait3A_525 = tpu.memref_slice %arg7[%dma_wait3A_524] : memref<256xi32, #tpu.memory_space<vmem>> -> memref<1xi32, #tpu.memory_space<vmem>>
    %dma_wait3A_526 = arith.constant 0 : i32
    %dma_wait3A_527 = arith.constant 0 : i32
    %dma_wait3A_528 = tpu.memref_slice %arg3[%dma_wait3A_526, %dma_wait3A_527] : memref<4x39424xf32, #tpu.memory_space<hbm>> -> memref<4x39424xf32, #tpu.memory_space<hbm>>
    tpu.wait_indirect_dma semaphore(%arg8 : memref<!tpu.dma_semaphore, #tpu.memory_space<semaphore_mem>>) src(%dma_wait3A_528 : memref<4x39424xf32, #tpu.memory_space<hbm>>) dst(%arg5 : memref<1x39424xf32, #tpu.memory_space<vmem>>)
    %add3A_529 = arith.constant 26 : i32
    %add3A_530 = arith.addi %multiple_of3A, %add3A_529 : i32
    %dma_start3A_531 = arith.constant 0 : i32
    %dma_start3A_532 = tpu.memref_slice %arg4[%add3A_530, %dma_start3A_531] : memref<1024x39424xf32, #tpu.memory_space<hbm>> -> memref<1x39424xf32, #tpu.memory_space<hbm>>
    %dma_start3A_533 = arith.constant 0 : i32
    %dma_start3A_534 = tpu.memref_slice %arg4[%add3A_530, %dma_start3A_533] : memref<1024x39424xf32, #tpu.memory_space<hbm>> -> memref<1x39424xf32, #tpu.memory_space<hbm>>
    tpu.enqueue_dma source(%arg5 : memref<1x39424xf32, #tpu.memory_space<vmem>>) target(%dma_start3A_534 : memref<1x39424xf32, #tpu.memory_space<hbm>>) target_semaphore(%arg9 : memref<!tpu.dma_semaphore, #tpu.memory_space<semaphore_mem>>)
    %dma_wait3A_535 = arith.constant 0 : i32
    %dma_wait3A_536 = tpu.memref_slice %arg4[%add3A_510, %dma_wait3A_535] : memref<1024x39424xf32, #tpu.memory_space<hbm>> -> memref<1x39424xf32, #tpu.memory_space<hbm>>
    %dma_wait3A_537 = arith.constant 0 : i32
    %dma_wait3A_538 = tpu.memref_slice %arg4[%add3A_510, %dma_wait3A_537] : memref<1024x39424xf32, #tpu.memory_space<hbm>> -> memref<1x39424xf32, #tpu.memory_space<hbm>>
    tpu.wait_dma2 semaphore(%arg10 : memref<!tpu.dma_semaphore, #tpu.memory_space<semaphore_mem>>) src(%arg6 : memref<1x39424xf32, #tpu.memory_space<vmem>>) dst(%dma_wait3A_538 : memref<1x39424xf32, #tpu.memory_space<hbm>>)
    %dma_start3A_539 = arith.constant 216 : i32
    %dma_start3A_540 = tpu.memref_slice %arg7[%dma_start3A_539] : memref<256xi32, #tpu.memory_space<vmem>> -> memref<1xi32, #tpu.memory_space<vmem>>
    %dma_start3A_541 = arith.constant 0 : i32
    %dma_start3A_542 = arith.constant 0 : i32
    %dma_start3A_543 = tpu.memref_slice %arg3[%dma_start3A_541, %dma_start3A_542] : memref<4x39424xf32, #tpu.memory_space<hbm>> -> memref<4x39424xf32, #tpu.memory_space<hbm>>
    tpu.enqueue_indirect_dma source(%dma_start3A_543 : memref<4x39424xf32, #tpu.memory_space<hbm>>) target(%arg6 : memref<1x39424xf32, #tpu.memory_space<vmem>>) offsets(%dma_start3A_540 : memref<1xi32, #tpu.memory_space<vmem>>) semaphore(%arg8 : memref<!tpu.dma_semaphore, #tpu.memory_space<semaphore_mem>>)
    %dma_wait3A_544 = arith.constant 216 : i32
    %dma_wait3A_545 = tpu.memref_slice %arg7[%dma_wait3A_544] : memref<256xi32, #tpu.memory_space<vmem>> -> memref<1xi32, #tpu.memory_space<vmem>>
    %dma_wait3A_546 = arith.constant 0 : i32
    %dma_wait3A_547 = arith.constant 0 : i32
    %dma_wait3A_548 = tpu.memref_slice %arg3[%dma_wait3A_546, %dma_wait3A_547] : memref<4x39424xf32, #tpu.memory_space<hbm>> -> memref<4x39424xf32, #tpu.memory_space<hbm>>
    tpu.wait_indirect_dma semaphore(%arg8 : memref<!tpu.dma_semaphore, #tpu.memory_space<semaphore_mem>>) src(%dma_wait3A_548 : memref<4x39424xf32, #tpu.memory_space<hbm>>) dst(%arg6 : memref<1x39424xf32, #tpu.memory_space<vmem>>)
    %add3A_549 = arith.constant 27 : i32
    %add3A_550 = arith.addi %multiple_of3A, %add3A_549 : i32
    %dma_start3A_551 = arith.constant 0 : i32
    %dma_start3A_552 = tpu.memref_slice %arg4[%add3A_550, %dma_start3A_551] : memref<1024x39424xf32, #tpu.memory_space<hbm>> -> memref<1x39424xf32, #tpu.memory_space<hbm>>
    %dma_start3A_553 = arith.constant 0 : i32
    %dma_start3A_554 = tpu.memref_slice %arg4[%add3A_550, %dma_start3A_553] : memref<1024x39424xf32, #tpu.memory_space<hbm>> -> memref<1x39424xf32, #tpu.memory_space<hbm>>
    tpu.enqueue_dma source(%arg6 : memref<1x39424xf32, #tpu.memory_space<vmem>>) target(%dma_start3A_554 : memref<1x39424xf32, #tpu.memory_space<hbm>>) target_semaphore(%arg10 : memref<!tpu.dma_semaphore, #tpu.memory_space<semaphore_mem>>)
    %dma_wait3A_555 = arith.constant 0 : i32
    %dma_wait3A_556 = tpu.memref_slice %arg4[%add3A_530, %dma_wait3A_555] : memref<1024x39424xf32, #tpu.memory_space<hbm>> -> memref<1x39424xf32, #tpu.memory_space<hbm>>
    %dma_wait3A_557 = arith.constant 0 : i32
    %dma_wait3A_558 = tpu.memref_slice %arg4[%add3A_530, %dma_wait3A_557] : memref<1024x39424xf32, #tpu.memory_space<hbm>> -> memref<1x39424xf32, #tpu.memory_space<hbm>>
    tpu.wait_dma2 semaphore(%arg9 : memref<!tpu.dma_semaphore, #tpu.memory_space<semaphore_mem>>) src(%arg5 : memref<1x39424xf32, #tpu.memory_space<vmem>>) dst(%dma_wait3A_558 : memref<1x39424xf32, #tpu.memory_space<hbm>>)
    %dma_start3A_559 = arith.constant 224 : i32
    %dma_start3A_560 = tpu.memref_slice %arg7[%dma_start3A_559] : memref<256xi32, #tpu.memory_space<vmem>> -> memref<1xi32, #tpu.memory_space<vmem>>
    %dma_start3A_561 = arith.constant 0 : i32
    %dma_start3A_562 = arith.constant 0 : i32
    %dma_start3A_563 = tpu.memref_slice %arg3[%dma_start3A_561, %dma_start3A_562] : memref<4x39424xf32, #tpu.memory_space<hbm>> -> memref<4x39424xf32, #tpu.memory_space<hbm>>
    tpu.enqueue_indirect_dma source(%dma_start3A_563 : memref<4x39424xf32, #tpu.memory_space<hbm>>) target(%arg5 : memref<1x39424xf32, #tpu.memory_space<vmem>>) offsets(%dma_start3A_560 : memref<1xi32, #tpu.memory_space<vmem>>) semaphore(%arg8 : memref<!tpu.dma_semaphore, #tpu.memory_space<semaphore_mem>>)
    %dma_wait3A_564 = arith.constant 224 : i32
    %dma_wait3A_565 = tpu.memref_slice %arg7[%dma_wait3A_564] : memref<256xi32, #tpu.memory_space<vmem>> -> memref<1xi32, #tpu.memory_space<vmem>>
    %dma_wait3A_566 = arith.constant 0 : i32
    %dma_wait3A_567 = arith.constant 0 : i32
    %dma_wait3A_568 = tpu.memref_slice %arg3[%dma_wait3A_566, %dma_wait3A_567] : memref<4x39424xf32, #tpu.memory_space<hbm>> -> memref<4x39424xf32, #tpu.memory_space<hbm>>
    tpu.wait_indirect_dma semaphore(%arg8 : memref<!tpu.dma_semaphore, #tpu.memory_space<semaphore_mem>>) src(%dma_wait3A_568 : memref<4x39424xf32, #tpu.memory_space<hbm>>) dst(%arg5 : memref<1x39424xf32, #tpu.memory_space<vmem>>)
    %add3A_569 = arith.constant 28 : i32
    %add3A_570 = arith.addi %multiple_of3A, %add3A_569 : i32
    %dma_start3A_571 = arith.constant 0 : i32
    %dma_start3A_572 = tpu.memref_slice %arg4[%add3A_570, %dma_start3A_571] : memref<1024x39424xf32, #tpu.memory_space<hbm>> -> memref<1x39424xf32, #tpu.memory_space<hbm>>
    %dma_start3A_573 = arith.constant 0 : i32
    %dma_start3A_574 = tpu.memref_slice %arg4[%add3A_570, %dma_start3A_573] : memref<1024x39424xf32, #tpu.memory_space<hbm>> -> memref<1x39424xf32, #tpu.memory_space<hbm>>
    tpu.enqueue_dma source(%arg5 : memref<1x39424xf32, #tpu.memory_space<vmem>>) target(%dma_start3A_574 : memref<1x39424xf32, #tpu.memory_space<hbm>>) target_semaphore(%arg9 : memref<!tpu.dma_semaphore, #tpu.memory_space<semaphore_mem>>)
    %dma_wait3A_575 = arith.constant 0 : i32
    %dma_wait3A_576 = tpu.memref_slice %arg4[%add3A_550, %dma_wait3A_575] : memref<1024x39424xf32, #tpu.memory_space<hbm>> -> memref<1x39424xf32, #tpu.memory_space<hbm>>
    %dma_wait3A_577 = arith.constant 0 : i32
    %dma_wait3A_578 = tpu.memref_slice %arg4[%add3A_550, %dma_wait3A_577] : memref<1024x39424xf32, #tpu.memory_space<hbm>> -> memref<1x39424xf32, #tpu.memory_space<hbm>>
    tpu.wait_dma2 semaphore(%arg10 : memref<!tpu.dma_semaphore, #tpu.memory_space<semaphore_mem>>) src(%arg6 : memref<1x39424xf32, #tpu.memory_space<vmem>>) dst(%dma_wait3A_578 : memref<1x39424xf32, #tpu.memory_space<hbm>>)
    %dma_start3A_579 = arith.constant 232 : i32
    %dma_start3A_580 = tpu.memref_slice %arg7[%dma_start3A_579] : memref<256xi32, #tpu.memory_space<vmem>> -> memref<1xi32, #tpu.memory_space<vmem>>
    %dma_start3A_581 = arith.constant 0 : i32
    %dma_start3A_582 = arith.constant 0 : i32
    %dma_start3A_583 = tpu.memref_slice %arg3[%dma_start3A_581, %dma_start3A_582] : memref<4x39424xf32, #tpu.memory_space<hbm>> -> memref<4x39424xf32, #tpu.memory_space<hbm>>
    tpu.enqueue_indirect_dma source(%dma_start3A_583 : memref<4x39424xf32, #tpu.memory_space<hbm>>) target(%arg6 : memref<1x39424xf32, #tpu.memory_space<vmem>>) offsets(%dma_start3A_580 : memref<1xi32, #tpu.memory_space<vmem>>) semaphore(%arg8 : memref<!tpu.dma_semaphore, #tpu.memory_space<semaphore_mem>>)
    %dma_wait3A_584 = arith.constant 232 : i32
    %dma_wait3A_585 = tpu.memref_slice %arg7[%dma_wait3A_584] : memref<256xi32, #tpu.memory_space<vmem>> -> memref<1xi32, #tpu.memory_space<vmem>>
    %dma_wait3A_586 = arith.constant 0 : i32
    %dma_wait3A_587 = arith.constant 0 : i32
    %dma_wait3A_588 = tpu.memref_slice %arg3[%dma_wait3A_586, %dma_wait3A_587] : memref<4x39424xf32, #tpu.memory_space<hbm>> -> memref<4x39424xf32, #tpu.memory_space<hbm>>
    tpu.wait_indirect_dma semaphore(%arg8 : memref<!tpu.dma_semaphore, #tpu.memory_space<semaphore_mem>>) src(%dma_wait3A_588 : memref<4x39424xf32, #tpu.memory_space<hbm>>) dst(%arg6 : memref<1x39424xf32, #tpu.memory_space<vmem>>)
    %add3A_589 = arith.constant 29 : i32
    %add3A_590 = arith.addi %multiple_of3A, %add3A_589 : i32
    %dma_start3A_591 = arith.constant 0 : i32
    %dma_start3A_592 = tpu.memref_slice %arg4[%add3A_590, %dma_start3A_591] : memref<1024x39424xf32, #tpu.memory_space<hbm>> -> memref<1x39424xf32, #tpu.memory_space<hbm>>
    %dma_start3A_593 = arith.constant 0 : i32
    %dma_start3A_594 = tpu.memref_slice %arg4[%add3A_590, %dma_start3A_593] : memref<1024x39424xf32, #tpu.memory_space<hbm>> -> memref<1x39424xf32, #tpu.memory_space<hbm>>
    tpu.enqueue_dma source(%arg6 : memref<1x39424xf32, #tpu.memory_space<vmem>>) target(%dma_start3A_594 : memref<1x39424xf32, #tpu.memory_space<hbm>>) target_semaphore(%arg10 : memref<!tpu.dma_semaphore, #tpu.memory_space<semaphore_mem>>)
    %dma_wait3A_595 = arith.constant 0 : i32
    %dma_wait3A_596 = tpu.memref_slice %arg4[%add3A_570, %dma_wait3A_595] : memref<1024x39424xf32, #tpu.memory_space<hbm>> -> memref<1x39424xf32, #tpu.memory_space<hbm>>
    %dma_wait3A_597 = arith.constant 0 : i32
    %dma_wait3A_598 = tpu.memref_slice %arg4[%add3A_570, %dma_wait3A_597] : memref<1024x39424xf32, #tpu.memory_space<hbm>> -> memref<1x39424xf32, #tpu.memory_space<hbm>>
    tpu.wait_dma2 semaphore(%arg9 : memref<!tpu.dma_semaphore, #tpu.memory_space<semaphore_mem>>) src(%arg5 : memref<1x39424xf32, #tpu.memory_space<vmem>>) dst(%dma_wait3A_598 : memref<1x39424xf32, #tpu.memory_space<hbm>>)
    %dma_start3A_599 = arith.constant 240 : i32
    %dma_start3A_600 = tpu.memref_slice %arg7[%dma_start3A_599] : memref<256xi32, #tpu.memory_space<vmem>> -> memref<1xi32, #tpu.memory_space<vmem>>
    %dma_start3A_601 = arith.constant 0 : i32
    %dma_start3A_602 = arith.constant 0 : i32
    %dma_start3A_603 = tpu.memref_slice %arg3[%dma_start3A_601, %dma_start3A_602] : memref<4x39424xf32, #tpu.memory_space<hbm>> -> memref<4x39424xf32, #tpu.memory_space<hbm>>
    tpu.enqueue_indirect_dma source(%dma_start3A_603 : memref<4x39424xf32, #tpu.memory_space<hbm>>) target(%arg5 : memref<1x39424xf32, #tpu.memory_space<vmem>>) offsets(%dma_start3A_600 : memref<1xi32, #tpu.memory_space<vmem>>) semaphore(%arg8 : memref<!tpu.dma_semaphore, #tpu.memory_space<semaphore_mem>>)
    %dma_wait3A_604 = arith.constant 240 : i32
    %dma_wait3A_605 = tpu.memref_slice %arg7[%dma_wait3A_604] : memref<256xi32, #tpu.memory_space<vmem>> -> memref<1xi32, #tpu.memory_space<vmem>>
    %dma_wait3A_606 = arith.constant 0 : i32
    %dma_wait3A_607 = arith.constant 0 : i32
    %dma_wait3A_608 = tpu.memref_slice %arg3[%dma_wait3A_606, %dma_wait3A_607] : memref<4x39424xf32, #tpu.memory_space<hbm>> -> memref<4x39424xf32, #tpu.memory_space<hbm>>
    tpu.wait_indirect_dma semaphore(%arg8 : memref<!tpu.dma_semaphore, #tpu.memory_space<semaphore_mem>>) src(%dma_wait3A_608 : memref<4x39424xf32, #tpu.memory_space<hbm>>) dst(%arg5 : memref<1x39424xf32, #tpu.memory_space<vmem>>)
    %add3A_609 = arith.constant 30 : i32
    %add3A_610 = arith.addi %multiple_of3A, %add3A_609 : i32
    %dma_start3A_611 = arith.constant 0 : i32
    %dma_start3A_612 = tpu.memref_slice %arg4[%add3A_610, %dma_start3A_611] : memref<1024x39424xf32, #tpu.memory_space<hbm>> -> memref<1x39424xf32, #tpu.memory_space<hbm>>
    %dma_start3A_613 = arith.constant 0 : i32
    %dma_start3A_614 = tpu.memref_slice %arg4[%add3A_610, %dma_start3A_613] : memref<1024x39424xf32, #tpu.memory_space<hbm>> -> memref<1x39424xf32, #tpu.memory_space<hbm>>
    tpu.enqueue_dma source(%arg5 : memref<1x39424xf32, #tpu.memory_space<vmem>>) target(%dma_start3A_614 : memref<1x39424xf32, #tpu.memory_space<hbm>>) target_semaphore(%arg9 : memref<!tpu.dma_semaphore, #tpu.memory_space<semaphore_mem>>)
    %dma_wait3A_615 = arith.constant 0 : i32
    %dma_wait3A_616 = tpu.memref_slice %arg4[%add3A_590, %dma_wait3A_615] : memref<1024x39424xf32, #tpu.memory_space<hbm>> -> memref<1x39424xf32, #tpu.memory_space<hbm>>
    %dma_wait3A_617 = arith.constant 0 : i32
    %dma_wait3A_618 = tpu.memref_slice %arg4[%add3A_590, %dma_wait3A_617] : memref<1024x39424xf32, #tpu.memory_space<hbm>> -> memref<1x39424xf32, #tpu.memory_space<hbm>>
    tpu.wait_dma2 semaphore(%arg10 : memref<!tpu.dma_semaphore, #tpu.memory_space<semaphore_mem>>) src(%arg6 : memref<1x39424xf32, #tpu.memory_space<vmem>>) dst(%dma_wait3A_618 : memref<1x39424xf32, #tpu.memory_space<hbm>>)
    %dma_start3A_619 = arith.constant 248 : i32
    %dma_start3A_620 = tpu.memref_slice %arg7[%dma_start3A_619] : memref<256xi32, #tpu.memory_space<vmem>> -> memref<1xi32, #tpu.memory_space<vmem>>
    %dma_start3A_621 = arith.constant 0 : i32
    %dma_start3A_622 = arith.constant 0 : i32
    %dma_start3A_623 = tpu.memref_slice %arg3[%dma_start3A_621, %dma_start3A_622] : memref<4x39424xf32, #tpu.memory_space<hbm>> -> memref<4x39424xf32, #tpu.memory_space<hbm>>
    tpu.enqueue_indirect_dma source(%dma_start3A_623 : memref<4x39424xf32, #tpu.memory_space<hbm>>) target(%arg6 : memref<1x39424xf32, #tpu.memory_space<vmem>>) offsets(%dma_start3A_620 : memref<1xi32, #tpu.memory_space<vmem>>) semaphore(%arg8 : memref<!tpu.dma_semaphore, #tpu.memory_space<semaphore_mem>>)
    %dma_wait3A_624 = arith.constant 248 : i32
    %dma_wait3A_625 = tpu.memref_slice %arg7[%dma_wait3A_624] : memref<256xi32, #tpu.memory_space<vmem>> -> memref<1xi32, #tpu.memory_space<vmem>>
    %dma_wait3A_626 = arith.constant 0 : i32
    %dma_wait3A_627 = arith.constant 0 : i32
    %dma_wait3A_628 = tpu.memref_slice %arg3[%dma_wait3A_626, %dma_wait3A_627] : memref<4x39424xf32, #tpu.memory_space<hbm>> -> memref<4x39424xf32, #tpu.memory_space<hbm>>
    tpu.wait_indirect_dma semaphore(%arg8 : memref<!tpu.dma_semaphore, #tpu.memory_space<semaphore_mem>>) src(%dma_wait3A_628 : memref<4x39424xf32, #tpu.memory_space<hbm>>) dst(%arg6 : memref<1x39424xf32, #tpu.memory_space<vmem>>)
    %add3A_629 = arith.constant 31 : i32
    %add3A_630 = arith.addi %multiple_of3A, %add3A_629 : i32
    %dma_start3A_631 = arith.constant 0 : i32
    %dma_start3A_632 = tpu.memref_slice %arg4[%add3A_630, %dma_start3A_631] : memref<1024x39424xf32, #tpu.memory_space<hbm>> -> memref<1x39424xf32, #tpu.memory_space<hbm>>
    %dma_start3A_633 = arith.constant 0 : i32
    %dma_start3A_634 = tpu.memref_slice %arg4[%add3A_630, %dma_start3A_633] : memref<1024x39424xf32, #tpu.memory_space<hbm>> -> memref<1x39424xf32, #tpu.memory_space<hbm>>
    tpu.enqueue_dma source(%arg6 : memref<1x39424xf32, #tpu.memory_space<vmem>>) target(%dma_start3A_634 : memref<1x39424xf32, #tpu.memory_space<hbm>>) target_semaphore(%arg10 : memref<!tpu.dma_semaphore, #tpu.memory_space<semaphore_mem>>)
    %dma_wait3A_635 = arith.constant 0 : i32
    %dma_wait3A_636 = tpu.memref_slice %arg4[%add3A_610, %dma_wait3A_635] : memref<1024x39424xf32, #tpu.memory_space<hbm>> -> memref<1x39424xf32, #tpu.memory_space<hbm>>
    %dma_wait3A_637 = arith.constant 0 : i32
    %dma_wait3A_638 = tpu.memref_slice %arg4[%add3A_610, %dma_wait3A_637] : memref<1024x39424xf32, #tpu.memory_space<hbm>> -> memref<1x39424xf32, #tpu.memory_space<hbm>>
    tpu.wait_dma2 semaphore(%arg9 : memref<!tpu.dma_semaphore, #tpu.memory_space<semaphore_mem>>) src(%arg5 : memref<1x39424xf32, #tpu.memory_space<vmem>>) dst(%dma_wait3A_638 : memref<1x39424xf32, #tpu.memory_space<hbm>>)
    %dma_wait3A_639 = arith.constant 0 : i32
    %dma_wait3A_640 = tpu.memref_slice %arg4[%add3A_630, %dma_wait3A_639] : memref<1024x39424xf32, #tpu.memory_space<hbm>> -> memref<1x39424xf32, #tpu.memory_space<hbm>>
    %dma_wait3A_641 = arith.constant 0 : i32
    %dma_wait3A_642 = tpu.memref_slice %arg4[%add3A_630, %dma_wait3A_641] : memref<1024x39424xf32, #tpu.memory_space<hbm>> -> memref<1x39424xf32, #tpu.memory_space<hbm>>
    tpu.wait_dma2 semaphore(%arg10 : memref<!tpu.dma_semaphore, #tpu.memory_space<semaphore_mem>>) src(%arg6 : memref<1x39424xf32, #tpu.memory_space<vmem>>) dst(%dma_wait3A_642 : memref<1x39424xf32, #tpu.memory_space<hbm>>)
    return
  }
}

#map = affine_map<(d0, d1) -> (0)>
#map1 = affine_map<(d0, d1) -> (0, 0)>
module attributes {stable_mosaic.version = 14 : i64} {
  func.func @k(%arg0: i32, %arg1: i32, %arg2: memref<320xi32, #tpu.memory_space<hbm>>, %arg3: memref<49408x512xf32, #tpu.memory_space<hbm>>, %arg4: memref<320x512xf32, #tpu.memory_space<hbm>>, %arg5: memref<16xi32, #tpu.memory_space<vmem>>, %arg6: memref<16x512xf32, #tpu.memory_space<vmem>>, %arg7: memref<!tpu.dma_semaphore, #tpu.memory_space<semaphore_mem>>) attributes {dimension_semantics = [#tpu.dimension_semantics<core_parallel>, #tpu.dimension_semantics<subcore_parallel>], iteration_bounds = array<i64: 2, 16>, scalar_prefetch = 0 : i64, scratch_operands = 3 : i64, tpu.core_type = #tpu.core_type<sc_vector_subcore>, window_params = [{transform_indices = #map}, {transform_indices = #map1}, {transform_indices = #map1}]} {
    %mul3A = arith.constant 2 : i32
    %mul3A_0 = arith.muli %arg1, %mul3A : i32
    %add3A = arith.addi %mul3A_0, %arg0 : i32
    %lt3A = arith.constant 20 : i32
    %lt3A_1 = arith.cmpi slt, %add3A, %lt3A : i32
    %convert_element_type3A = arith.extui %lt3A_1 : i1 to i32
    %cond3A = arith.constant 0 : i32
    %cond3A_2 = arith.cmpi ne, %convert_element_type3A, %cond3A : i32
    scf.if %cond3A_2 {
      %mul3A_3 = arith.constant 16 : i32
      %mul3A_4 = arith.muli %add3A, %mul3A_3 : i32
      %multiple_of3A = tpu.assume_multiple %mul3A_4, 16 : i32
      "tpu.region"() ({
        %run_scoped3A = tpu.sem_alloc : memref<!tpu.dma_semaphore, #tpu.memory_space<semaphore_mem>>
        %dma_start3A_9 = tpu.memref_slice %arg2[%multiple_of3A] : memref<320xi32, #tpu.memory_space<hbm>> -> memref<16xi32, #tpu.memory_space<hbm>>
        %dma_start3A_10 = tpu.memref_slice %arg2[%multiple_of3A] : memref<320xi32, #tpu.memory_space<hbm>> -> memref<16xi32, #tpu.memory_space<hbm>>
        tpu.enqueue_dma source(%dma_start3A_10 : memref<16xi32, #tpu.memory_space<hbm>>) target(%arg5 : memref<16xi32, #tpu.memory_space<vmem>>) target_semaphore(%run_scoped3A : memref<!tpu.dma_semaphore, #tpu.memory_space<semaphore_mem>>)
        %dma_wait3A_11 = tpu.memref_slice %arg2[%multiple_of3A] : memref<320xi32, #tpu.memory_space<hbm>> -> memref<16xi32, #tpu.memory_space<hbm>>
        %dma_wait3A_12 = tpu.memref_slice %arg2[%multiple_of3A] : memref<320xi32, #tpu.memory_space<hbm>> -> memref<16xi32, #tpu.memory_space<hbm>>
        tpu.wait_dma2 semaphore(%run_scoped3A : memref<!tpu.dma_semaphore, #tpu.memory_space<semaphore_mem>>) src(%dma_wait3A_12 : memref<16xi32, #tpu.memory_space<hbm>>) dst(%arg5 : memref<16xi32, #tpu.memory_space<vmem>>)
        tpu.yield
      }) : () -> ()
      %dma_start3A = arith.constant 0 : i32
      %dma_start3A_5 = arith.constant 0 : i32
      %dma_start3A_6 = tpu.memref_slice %arg3[%dma_start3A, %dma_start3A_5] : memref<49408x512xf32, #tpu.memory_space<hbm>> -> memref<49408x512xf32, #tpu.memory_space<hbm>>
      tpu.enqueue_indirect_dma source(%dma_start3A_6 : memref<49408x512xf32, #tpu.memory_space<hbm>>) target(%arg6 : memref<16x512xf32, #tpu.memory_space<vmem>>) offsets(%arg5 : memref<16xi32, #tpu.memory_space<vmem>>) semaphore(%arg7 : memref<!tpu.dma_semaphore, #tpu.memory_space<semaphore_mem>>)
      %dma_wait3A = arith.constant 0 : i32
      %dma_wait3A_7 = arith.constant 0 : i32
      %dma_wait3A_8 = tpu.memref_slice %arg3[%dma_wait3A, %dma_wait3A_7] : memref<49408x512xf32, #tpu.memory_space<hbm>> -> memref<49408x512xf32, #tpu.memory_space<hbm>>
      tpu.wait_indirect_dma semaphore(%arg7 : memref<!tpu.dma_semaphore, #tpu.memory_space<semaphore_mem>>) src(%dma_wait3A_8 : memref<49408x512xf32, #tpu.memory_space<hbm>>) dst(%arg6 : memref<16x512xf32, #tpu.memory_space<vmem>>)
      "tpu.region"() ({
        %run_scoped3A = tpu.sem_alloc : memref<!tpu.dma_semaphore, #tpu.memory_space<semaphore_mem>>
        %dma_start3A_9 = arith.constant 0 : i32
        %dma_start3A_10 = tpu.memref_slice %arg4[%multiple_of3A, %dma_start3A_9] : memref<320x512xf32, #tpu.memory_space<hbm>> -> memref<16x512xf32, #tpu.memory_space<hbm>>
        %dma_start3A_11 = arith.constant 0 : i32
        %dma_start3A_12 = tpu.memref_slice %arg4[%multiple_of3A, %dma_start3A_11] : memref<320x512xf32, #tpu.memory_space<hbm>> -> memref<16x512xf32, #tpu.memory_space<hbm>>
        tpu.enqueue_dma source(%arg6 : memref<16x512xf32, #tpu.memory_space<vmem>>) target(%dma_start3A_12 : memref<16x512xf32, #tpu.memory_space<hbm>>) target_semaphore(%run_scoped3A : memref<!tpu.dma_semaphore, #tpu.memory_space<semaphore_mem>>)
        %dma_wait3A_13 = arith.constant 0 : i32
        %dma_wait3A_14 = tpu.memref_slice %arg4[%multiple_of3A, %dma_wait3A_13] : memref<320x512xf32, #tpu.memory_space<hbm>> -> memref<16x512xf32, #tpu.memory_space<hbm>>
        %dma_wait3A_15 = arith.constant 0 : i32
        %dma_wait3A_16 = tpu.memref_slice %arg4[%multiple_of3A, %dma_wait3A_15] : memref<320x512xf32, #tpu.memory_space<hbm>> -> memref<16x512xf32, #tpu.memory_space<hbm>>
        tpu.wait_dma2 semaphore(%run_scoped3A : memref<!tpu.dma_semaphore, #tpu.memory_space<semaphore_mem>>) src(%arg6 : memref<16x512xf32, #tpu.memory_space<vmem>>) dst(%dma_wait3A_16 : memref<16x512xf32, #tpu.memory_space<hbm>>)
        tpu.yield
      }) : () -> ()
    } else {
    }
    return
  }
}

module attributes {stable_mosaic.version = 14 : i64} {
  func.func @body(%arg0: memref<4x80x512xf32, #tpu.memory_space<vmem>>, %arg1: memref<77x512xf32, #tpu.memory_space<vmem>>, %arg2: memref<1024xi32, #tpu.memory_space<vmem>>, %arg3: memref<1024xi32, #tpu.memory_space<vmem>>, %arg4: memref<4x77x512xf32, #tpu.memory_space<vmem>>, %arg5: memref<1024x8xi32, #tpu.memory_space<vmem>>) attributes {dimension_semantics = [], scalar_prefetch = 0 : i64, scratch_operands = 0 : i64, tpu.core_type = #tpu.core_type<tc>} {
    %iota3A = tpu.iota {dimensions = array<i32: 0>} : vector<77x512xi32>
    %ge3A = arith.constant 5 : i32
    %ge3A_0 = vector.broadcast %ge3A : i32 to vector<77x512xi32>
    %ge3A_1 = arith.cmpi sge, %iota3A, %ge3A_0 : vector<77x512xi32>
    %lt3A = arith.constant 9 : i32
    %lt3A_2 = vector.broadcast %lt3A : i32 to vector<77x512xi32>
    %lt3A_3 = arith.cmpi slt, %iota3A, %lt3A_2 : vector<77x512xi32>
    %and3A = arith.andi %ge3A_1, %lt3A_3 : vector<77x512xi1>
    %get3A = arith.constant 0 : index
    %get3A_4 = arith.constant 0 : index
    %get3A_5 = vector.load %arg1[%get3A, %get3A_4] : memref<77x512xf32, #tpu.memory_space<vmem>>, vector<77x512xf32>
    %get3A_6 = arith.constant 0 : index
    %get3A_7 = arith.constant 0 : index
    %get3A_8 = arith.constant 0 : index
    %get3A_9 = vector.load %arg0[%get3A_6, %get3A_7, %get3A_8] : memref<4x80x512xf32, #tpu.memory_space<vmem>>, vector<1x80x512xf32>
    %get3A_10 = vector.shape_cast %get3A_9 : vector<1x80x512xf32> to vector<80x512xf32>
    %slice3A = vector.extract_strided_slice %get3A_10 {offsets = [0, 0], sizes = [77, 512], strides = [1, 1]} : vector<80x512xf32> to vector<77x512xf32>
    %select_n3A = arith.select %and3A, %get3A_5, %slice3A : vector<77x512xi1>, vector<77x512xf32>
    %swap3A = arith.constant 0 : index
    %swap3A_11 = arith.constant 0 : index
    %swap3A_12 = arith.constant 0 : index
    %swap3A_13 = vector.load %arg4[%swap3A, %swap3A_11, %swap3A_12] : memref<4x77x512xf32, #tpu.memory_space<vmem>>, vector<1x77x512xf32>
    %swap3A_14 = vector.shape_cast %swap3A_13 : vector<1x77x512xf32> to vector<77x512xf32>
    %swap3A_15 = vector.shape_cast %select_n3A : vector<77x512xf32> to vector<1x77x512xf32>
    tpu.vector_store %arg4[%swap3A, %swap3A_11, %swap3A_12], %swap3A_15 {strides = array<i32>} : memref<4x77x512xf32, #tpu.memory_space<vmem>>, vector<1x77x512xf32>,
    %get3A_16 = arith.constant 1 : index
    %get3A_17 = arith.constant 0 : index
    %get3A_18 = arith.constant 0 : index
    %get3A_19 = vector.load %arg0[%get3A_16, %get3A_17, %get3A_18] : memref<4x80x512xf32, #tpu.memory_space<vmem>>, vector<1x80x512xf32>
    %get3A_20 = vector.shape_cast %get3A_19 : vector<1x80x512xf32> to vector<80x512xf32>
    %slice3A_21 = vector.extract_strided_slice %get3A_20 {offsets = [0, 0], sizes = [77, 512], strides = [1, 1]} : vector<80x512xf32> to vector<77x512xf32>
    %select_n3A_22 = arith.select %and3A, %get3A_5, %slice3A_21 : vector<77x512xi1>, vector<77x512xf32>
    %swap3A_23 = arith.constant 1 : index
    %swap3A_24 = arith.constant 0 : index
    %swap3A_25 = arith.constant 0 : index
    %swap3A_26 = vector.load %arg4[%swap3A_23, %swap3A_24, %swap3A_25] : memref<4x77x512xf32, #tpu.memory_space<vmem>>, vector<1x77x512xf32>
    %swap3A_27 = vector.shape_cast %swap3A_26 : vector<1x77x512xf32> to vector<77x512xf32>
    %swap3A_28 = vector.shape_cast %select_n3A_22 : vector<77x512xf32> to vector<1x77x512xf32>
    tpu.vector_store %arg4[%swap3A_23, %swap3A_24, %swap3A_25], %swap3A_28 {strides = array<i32>} : memref<4x77x512xf32, #tpu.memory_space<vmem>>, vector<1x77x512xf32>,
    %get3A_29 = arith.constant 2 : index
    %get3A_30 = arith.constant 0 : index
    %get3A_31 = arith.constant 0 : index
    %get3A_32 = vector.load %arg0[%get3A_29, %get3A_30, %get3A_31] : memref<4x80x512xf32, #tpu.memory_space<vmem>>, vector<1x80x512xf32>
    %get3A_33 = vector.shape_cast %get3A_32 : vector<1x80x512xf32> to vector<80x512xf32>
    %slice3A_34 = vector.extract_strided_slice %get3A_33 {offsets = [0, 0], sizes = [77, 512], strides = [1, 1]} : vector<80x512xf32> to vector<77x512xf32>
    %select_n3A_35 = arith.select %and3A, %get3A_5, %slice3A_34 : vector<77x512xi1>, vector<77x512xf32>
    %swap3A_36 = arith.constant 2 : index
    %swap3A_37 = arith.constant 0 : index
    %swap3A_38 = arith.constant 0 : index
    %swap3A_39 = vector.load %arg4[%swap3A_36, %swap3A_37, %swap3A_38] : memref<4x77x512xf32, #tpu.memory_space<vmem>>, vector<1x77x512xf32>
    %swap3A_40 = vector.shape_cast %swap3A_39 : vector<1x77x512xf32> to vector<77x512xf32>
    %swap3A_41 = vector.shape_cast %select_n3A_35 : vector<77x512xf32> to vector<1x77x512xf32>
    tpu.vector_store %arg4[%swap3A_36, %swap3A_37, %swap3A_38], %swap3A_41 {strides = array<i32>} : memref<4x77x512xf32, #tpu.memory_space<vmem>>, vector<1x77x512xf32>,
    %get3A_42 = arith.constant 3 : index
    %get3A_43 = arith.constant 0 : index
    %get3A_44 = arith.constant 0 : index
    %get3A_45 = vector.load %arg0[%get3A_42, %get3A_43, %get3A_44] : memref<4x80x512xf32, #tpu.memory_space<vmem>>, vector<1x80x512xf32>
    %get3A_46 = vector.shape_cast %get3A_45 : vector<1x80x512xf32> to vector<80x512xf32>
    %slice3A_47 = vector.extract_strided_slice %get3A_46 {offsets = [0, 0], sizes = [77, 512], strides = [1, 1]} : vector<80x512xf32> to vector<77x512xf32>
    %select_n3A_48 = arith.select %and3A, %get3A_5, %slice3A_47 : vector<77x512xi1>, vector<77x512xf32>
    %swap3A_49 = arith.constant 3 : index
    %swap3A_50 = arith.constant 0 : index
    %swap3A_51 = arith.constant 0 : index
    %swap3A_52 = vector.load %arg4[%swap3A_49, %swap3A_50, %swap3A_51] : memref<4x77x512xf32, #tpu.memory_space<vmem>>, vector<1x77x512xf32>
    %swap3A_53 = vector.shape_cast %swap3A_52 : vector<1x77x512xf32> to vector<77x512xf32>
    %swap3A_54 = vector.shape_cast %select_n3A_48 : vector<77x512xf32> to vector<1x77x512xf32>
    tpu.vector_store %arg4[%swap3A_49, %swap3A_50, %swap3A_51], %swap3A_54 {strides = array<i32>} : memref<4x77x512xf32, #tpu.memory_space<vmem>>, vector<1x77x512xf32>,
    %get3A_55 = arith.constant 0 : index
    %get3A_56 = vector.load %arg2[%get3A_55] : memref<1024xi32, #tpu.memory_space<vmem>>, vector<1024xi32>
    %mul3A = arith.constant 2 : i32
    %mul3A_57 = vector.broadcast %mul3A : i32 to vector<1024xi32>
    %mul3A_58 = arith.muli %get3A_56, %mul3A_57 : vector<1024xi32>
    %get3A_59 = arith.constant 0 : index
    %get3A_60 = vector.load %arg3[%get3A_59] : memref<1024xi32, #tpu.memory_space<vmem>>, vector<1024xi32>
    %add3A = arith.addi %mul3A_58, %get3A_60 : vector<1024xi32>
    %broadcast_in_dim3A = vector.shape_cast %add3A : vector<1024xi32> to vector<1024x1xi32>
    %broadcast_in_dim3A_61 = vector.shape_cast %broadcast_in_dim3A : vector<1024x1xi32> to vector<1024x1xi32>
    %broadcast_in_dim3A_62 = vector.broadcast %broadcast_in_dim3A_61 : vector<1024x1xi32> to vector<1024x8xi32>
    %swap3A_63 = arith.constant 0 : index
    %swap3A_64 = arith.constant 0 : index
    %swap3A_65 = vector.load %arg5[%swap3A_63, %swap3A_64] : memref<1024x8xi32, #tpu.memory_space<vmem>>, vector<1024x8xi32>
    tpu.vector_store %arg5[%swap3A_63, %swap3A_64], %broadcast_in_dim3A_62 {strides = array<i32>} : memref<1024x8xi32, #tpu.memory_space<vmem>>, vector<1024x8xi32>,
    return
  }
}

</mosaic_0001>

<sc_bundles>
// kernel: kernel.5.cloned.1.call-start
scs
__scs_entry_jumppad:
0x0: {  	(pc) =	sbr.rel $0x88, $3  }
0x1: {  	(tag) =	ssettag $0x0;
	lr =	simm.s32 $0x1  }
0x2: {  	[smem:$0x3F9C] =	sst lr;
	_ =	strace $0xD0000000  }
0x3: {  	_ = 	snop  }
0x4: {  	_ = 	snop  }
0x5: {  	_ = 	snop  }
0x6: {  	_ = 	snop  }
0x7: {  	_ = 	snop  }
__scs_overlays_trampoline_lowered:
0x8: {  	[smem:$0x3FAB] =	sst s0  }
0x9: {  	[smem:$0x3FAC] =	sst s1  }
0xa: {  	[smem:$0x3FAD] =	sst s2  }
0xb: {  	[smem:$0x3FAE] =	sst s3  }
0xc: {  	[smem:$0x3FAF] =	sst s4  }
0xd: {  	[smem:$0x3FB0] =	sst s5  }
0xe: {  	[smem:$0x3FB1] =	sst s6  }
0xf: {  	[smem:$0x3FB2] =	sst s7  }
0x10: {  	[smem:$0x3FB3] =	sst s8  }
0x11: {  	[smem:$0x3FB4] =	sst s9;
	s0 =	simm.s32 @!p0 $0x0  }
0x12: {  	s1 =	sld [smem:$0x3F9A];
	s0 =	simm.s32 @p0 $0x1  }
0x13: {  	[smem:$0x3FB5] =	sst s0;
	s0 =	simm.s32 @!p1 $0x0  }
0x14: {  	s2 =	sld [smem:$0x3F99];
	s0 =	simm.s32 @p1 $0x1  }
0x15: {  	[smem:$0x3FB6] =	sst s0;
	s0 =	simm.s32 @!p2 $0x0  }
0x16: {  	s3 =	sld [smem:$0x3FDB];
	s0 =	simm.s32 @p2 $0x1  }
0x17: {  	s4 =	simm.s32 $0x1BF5;
	[smem:$0x3FB8] =	sst s0  }
0x18: {  	s0 =	sld [smem:$0x3F9B];
	_ =	swait.ge [sflag:s4], $0x0  }
0x19: {  	s7 =	sld [smem:$0x3F9C]  }
0x1a: {  	s8 =	sadd.s32 $0xFFFFE003, lr  }
0x1b: {  	s9 =	sadd.s32 $0xFFFFFEF7, lr;
	s5 =	simm.s32 $0xFFFFFFFF;
	p2 =	slt.u32 s8, $0xFFFFF086  }
0x1c: {  	p1 =	slt.u32 s9, $0xF7A;
	s5 =	simm.s32 @!p2 $0x0  }
0x1d: {  	s5 =	simm.s32 @p1 $0x1;
	p0 =	seq.s32 s7, s2  }
0x1e: {  	s7 =	smul.u32 @!p0 $0xF7A, s2;
	p2 =	seq.s32 @!p0 s5, $0x0  }
0x1f: {  	s9 =	smul.u32 $0xF7A, s1;
	s8 =	simm.s32 @!p0 $0x1BF5;
	p2 =	por !p2, p0  }
0x20: {  	[sflag:s8] =	ssyncset.s32 @!p0 $0xFFFFF086;
	s6 =	sadd.s32 @!p0 s3, s7;
	s7 =	simm.s32 @!p0 $0x108  }
0x21: {  	s3 =	sadd.s32 s3, s9;
	s6 =	sadd.s32 @!p0 $0x88, s6;
	s7 =	simm.s32 @p2 $0x1082  }
0x22: {  	[simem:s7], [sflag:s8] =	dma.local @!p0 [hbm:s6], $0xF7A  }
0x23: {  	s9 =	sor.u32 $0xD0000000, s2;
	s6 =	simm.s32 $0x108;
	_ =	swait.ge @!p0 [sflag:s8], $0x0  }
0x24: {  	s3 =	sadd.s32 $0x88, s3;
	s6 =	simm.s32 @!p1 $0x1082;
	[sflag:s4] =	ssyncset.s32 $0xFFFFF086  }
0x25: {  	[simem:s6], [sflag:s4] =	dma.local [hbm:s3], $0xF7A  }
0x26: {  	[smem:$0x3F9C] =	sst s1;
	(tag) =	ssettag s2;
	_ =	strace s9  }
0x27: {  	s1 =	sld [smem:$0x3FAC]  }
0x28: {  	s2 =	sld [smem:$0x3FAD]  }
0x29: {  	s4 =	sld [smem:$0x3FAF]  }
0x2a: {  	p0 =	seq.s32 s5, $0x0;
	s5 =	sld [smem:$0x3FB0]  }
0x2b: {  	s6 =	sld [smem:$0x3FB1]  }
0x2c: {  	s7 =	sld [smem:$0x3FB2]  }
0x2d: {  	s3 =	simm.s32 $0x108;
	s8 =	sld [smem:$0x3FB3]  }
0x2e: {  	s3 =	simm.s32 @!p0 $0x1082;
	s9 =	sld [smem:$0x3FB4]  }
0x2f: {  	lr =	sadd.s32 s0, s3;
	s0 =	sld [smem:$0x3FAB]  }
0x30: {  	s3 =	sld [smem:$0x3FAE]  }
0x31: {  	[smem:$0x3FB7] =	sst s10  }
0x32: {  	s10 =	sld [smem:$0x3FB5];
	_ =	sdelay $0x3  }
0x33: {  	p0 =	seq.s32 s10, $0x1;
	s10 =	sld [smem:$0x3FB7];
	_ =	sdelay $0x3  }
0x34: {  	[smem:$0x3FB7] =	sst s10  }
0x35: {  	s10 =	sld [smem:$0x3FB6];
	_ =	sdelay $0x3  }
0x36: {  	p1 =	seq.s32 s10, $0x1;
	s10 =	sld [smem:$0x3FB7];
	_ =	sdelay $0x3  }
0x37: {  	[smem:$0x3FB7] =	sst s10  }
0x38: {  	s10 =	sld [smem:$0x3FB8]  }
0x39: {  	_ = 	snop;
	(pc) =	sbr.ind lr, $3  }
0x3a: {  	_ = 	snop  }
0x3b: {  	_ = 	snop  }
0x3c: {  	p2 =	seq.s32 s10, $0x1;
	s10 =	sld [smem:$0x3FB7]  }
0x3d: {  	_ =	shalt  }
0x3e: {  	_ =	shalt  }
0x3f: {  	_ =	shalt  }
0x40: {  	_ =	shalt  }
0x41: {  	_ =	shalt  }
0x42: {  	_ =	shalt  }
0x43: {  	_ =	shalt  }
0x44: {  	_ =	shalt  }
0x45: {  	_ =	shalt  }
0x46: {  	_ =	shalt  }
0x47: {  	_ =	shalt  }
0x48: {  	_ =	shalt  }
0x49: {  	_ =	shalt  }
0x4a: {  	_ =	shalt  }
0x4b: {  	_ =	shalt  }
0x4c: {  	_ =	shalt  }
0x4d: {  	_ =	shalt  }
0x4e: {  	_ =	shalt  }
0x4f: {  	_ =	shalt  }
0x50: {  	_ =	shalt  }
0x51: {  	_ =	shalt  }
0x52: {  	_ =	shalt  }
0x53: {  	_ =	shalt  }
0x54: {  	_ =	shalt  }
0x55: {  	_ =	shalt  }
0x56: {  	_ =	shalt  }
0x57: {  	_ =	shalt  }
0x58: {  	_ =	shalt  }
0x59: {  	_ =	shalt  }
0x5a: {  	_ =	shalt  }
0x5b: {  	_ =	shalt  }
0x5c: {  	_ =	shalt  }
0x5d: {  	_ =	shalt  }
0x5e: {  	_ =	shalt  }
0x5f: {  	_ =	shalt  }
0x60: {  	_ =	shalt  }
0x61: {  	_ =	shalt  }
0x62: {  	_ =	shalt  }
0x63: {  	_ =	shalt  }
0x64: {  	_ =	shalt  }
0x65: {  	_ =	shalt  }
0x66: {  	_ =	shalt  }
0x67: {  	_ =	shalt  }
0x68: {  	_ =	shalt  }
0x69: {  	_ =	shalt  }
0x6a: {  	_ =	shalt  }
0x6b: {  	_ =	shalt  }
0x6c: {  	_ =	shalt  }
0x6d: {  	_ =	shalt  }
0x6e: {  	_ =	shalt  }
0x6f: {  	_ =	shalt  }
0x70: {  	_ =	shalt  }
0x71: {  	_ =	shalt  }
0x72: {  	_ =	shalt  }
0x73: {  	_ =	shalt  }
0x74: {  	_ =	shalt  }
0x75: {  	_ =	shalt  }
0x76: {  	_ =	shalt  }
0x77: {  	_ =	shalt  }
0x78: {  	_ =	shalt  }
0x79: {  	_ =	shalt  }
0x7a: {  	_ =	shalt  }
0x7b: {  	_ =	shalt  }
0x7c: {  	_ =	shalt  }
0x7d: {  	_ =	shalt  }
0x7e: {  	_ =	shalt  }
0x7f: {  	_ =	shalt  }
0x80: {  	_ =	shalt  }
0x81: {  	_ =	shalt  }
0x82: {  	_ =	shalt  }
0x83: {  	_ =	shalt  }
0x84: {  	_ =	shalt  }
0x85: {  	_ =	shalt  }
0x86: {  	_ =	shalt  }
0x87: {  	_ =	shalt  }
.Lfunc_end0:
.L_simem_size_0:
called_computation.1_lowered:
.L_overlay_start_0:
0x88: {  	s2 =	sld [smem:$0x3FD9]  }
0x89: {  	s3 =	sld [smem:$0x3FFE];
	_ =	sdelay $0x1  }
0x8a: {  	s1 =	srdreg.scid  }
0x8b: {  	s0 =	sand.u32 $0x1, s1  }
0x8c: {  	s17 =	sshll.u32 s0, $0xA;
	s2 =	sadd.s32 s3, s2  }
0x8d: {  	s2 =	sadd.s32 s2, s17  }
0x8e: {  	[smem:$0x3FC3] =	sst s2  }
0x8f: {  	_ = 	snop  }
0x90: {  	s2 =	sld [smem:$0x3FC6]  }
0x91: {  	s18 =	sld [smem:$0x3FD0];
	(tm) =	ssettm $0x1  }
0x92: {  	s4 =	sld [smem:$0x3FFB];
	_ =	sdelay $0x3  }
0x93: {  	_ =	strace s4  }
0x94: {  	s4 =	sld [smem:$0x3FFC];
	_ =	sdelay $0x3  }
0x95: {  	_ =	strace s4  }
0x96: {  	s4 =	sld [smem:$0x3FFD];
	_ =	sdelay $0x3  }
0x97: {  	_ =	strace s4  }
0x98: {  	_ =	strace $0x8FFFFFFF  }
0x99: {  	s19 =	sld [smem:$0x3FDB];
	_ =	sdelay $0x1  }
0x9a: {  	s5 =	simm.s32 $_scs_section_size  }
0x9b: {  	s6 =	simm.s32 $_size__tile_overlayer_lowered;
	s7 =	simm.s32 $_tile_overlayer_lowered  }
0x9c: {  	s22 =	simm.s32 $0x1BFF;
	s21 =	sshll.u32 s7, $0x1;
	s4 =	sadd.s32 s5, s19  }
0x9d: {  	s8 =	simm.s32 $0x0;
	s20 =	sshll.u32 s6, $0x1;
	s6 =	sadd.s32 s21, s4  }
0x9e: {  	[timem:s8], [sflag:s22] =	dma.local [hbm:s6], s20  }
0x9f: {  	_ =	swait.ge [sflag:s22], s20  }
0xa0: {  	s5 =	ssub.s32 $0x0, s20;
	[sflag:s22] =	ssyncset.done $0x0  }
0xa1: {  	[sflag:s22] =	ssyncadd.s32 s5;
	_ =	sdelay $0x1  }
0xa2: {  	s23 =	simm.s32 $0x1B8B  }
0xa3: {  	_ =	swait.ge [sflag:s23], $0x1  }
0xa4: {  	[sflag:s23] =	ssyncset.done $0x0  }
0xa5: {  	s25 =	simm.s32 $0x1B8E;
	s24 =	sld [smem:$0x3FFE];
	[sflag:s23] =	ssyncadd.s32 $0xFFFFFFFF  }
0xa6: {  	s26 =	simm.s32 $execute0_lowered;
	[smem:$0x3FD2] =	sst s25  }
0xa7: {  	s6 =	sshll.u32 s26, $0x1;
	_ =	strace $0x80000046;
	[dreg:$0x1] =	wrdreg $0xFFFFFFFF  }
0xa8: {  	s28 =	simm.s32 $_size_execute0_lowered;
	s4 =	sadd.s32 s4, s6;
	[dreg:$0x0] =	wrdreg $0x0  }
0xa9: {  	s6 =	sshll.u32 s28, $0x1;
	[dreg:$0x2] =	wrdreg s4  }
0xaa: {  	[dreg:$0x3] =	wrdreg s6  }
0xab: {  	[dreg:$0x4] =	wrdreg $0xC0  }
0xac: {  	_ =	task [dreg:s8], $0x5FFFF  }
0xad: {  	[dreg:$0x1] =	wrdreg $0xFFFFFFFF  }
0xae: {  	[dreg:$0x0] =	wrdreg $0x60  }
0xaf: {  	[dreg:$0x2] =	wrdreg s24  }
0xb0: {  	[dreg:$0x3] =	wrdreg s2  }
0xb1: {  	[dreg:$0x4] =	wrdreg s18  }
0xb2: {  	[dreg:$0x5] =	wrdreg $0x9  }
0xb3: {  	_ =	task.clear_ibuf [dreg:s8], $0x6FFFF;
	_ =	strace $0x90000046  }
0xb4: {  	s29 =	simm.s32 $0x9;
	_ =	strace $0x80000048  }
0xb5: {  	_ =	swait.ge [sflag:s29], $0x1  }
0xb6: {  	[sflag:s29] =	ssyncadd.s32 $0xFFFFFFFF  }
0xb7: {  	_ =	strace $0x90000048  }
0xb8: {  	_ =	sfence  }
0xb9: {  	s30 =	sld [smem:$0x0];
	_ =	sdelay $0x2  }
0xba: {  	s31 =	sshll.u32 s1, $0xD;
	s1 =	sshrl.u32 s1, $0x2  }
0xbb: {  	s3 =	sand.u32 $0x4000, s31;
	s1 =	sadd.s32 s1, s30  }
0xbc: {  	s0 =	sor.u32 s3, s0;
	s1 =	sshll.u32 s1, $0x11  }
0xbd: {  	s0 =	sor.u32 s1, s0  }
0xbe: {  	s0 =	sadd.s32 $0x8F2B, s0  }
0xbf: {  	[sflag:s0] =	ssyncadd.remote.s32 $0x1  }
0xc0: {  	_ =	sfence.sel $0xFFFF  }
0xc1: {  	[dreg:$0x0] =	wrdreg $0xFFFFFFFF;
	(pc) =	sbr.abs _section_cstart, $3  }
0xc2: {  	[dreg:$0x1] =	wrdreg $0xFFFFFFFF  }
0xc3: {  	_ =	task.clear_ibuf [dreg:s8], $0x2FFFF;
	_ =	strace $0x9FFFFFFF  }
0xc4: {  	(tm) =	ssettm $0x7FFFFFFF  }
0xc5: {  	_ =	shalt  }
tec
execute0_lowered:
.L_overlay_start_1:
0x0: {  	(tag) =	ssettag $0x1  }
0x1: {  	s1 =	stileid.u32  }
0x2: {  	p0 =	sgt.u32 s1, $0x9  }
.Ltmp0:
0x3: {  	s4 =	rddreg [dreg:$0x0];
	(pc) =	sbr.rel @p0 .LBB2_4-.Ltmp0, $4  }
0x4: {  	s2 =	rddreg [dreg:$0x1]  }
0x5: {  	s12 =	rddreg [dreg:$0x2];
	s3 =	simm.s32 $0x0  }
0x6: {  	[smem:$0x7FF] =	sst s3  }
0x7: {  	s0 =	rddreg [dreg:$0x3];
	_ =	strace $0x80000047  }
0x8: {  	s5 =	srdreg.scid  }
0x9: {  	s30 =	sshll.u32 s1, $0x1;
	s10 =	sand.u32 $0x1, s5  }
0xa: {  	s13 =	sor.u32 s10, s30  }
0xb: {  	s4 =	sadd.s32 $0x1600, s4;
	s5 =	sshll.u32 s13, $0x1  }
0xc: {  	s5 =	sadd.s32 s4, s5;
	s4 =	simm.s32 $0x2  }
0xd: {  	[tilespmem:s3], [sflag:$0x2] =	stream.linear.gather [hbm4b:s5+s3], $0x10, $0x38;
	[tilespmem:$0x2080] =	vst v63  }
0xe: {  	_ =	swait.ge [sflag:s4], $0x10  }
0xf: {  	[sflag:s4] =	ssyncset.done $0x0  }
0x10: {  	[sflag:s4] =	ssyncadd.s32 $0xFFFFFFF0  }
0x11: {  	v0 =	vld [tilespmem:$0x0];
	_ =	sdelay $0x4  }
0x12: {  	v1 =	vshll.u32 v0, $0x2  }
0x13: {  	v2 =	vlaneseq.u32;
	v3 =	vand.u32 $0x7, v0;
	v1 =	vand.u32 $0xFFFFFFE0, v1  }
0x14: {  	v4 =	vshrl.u32 v2, $0x3;
	v0 =	vand.u32 $0x7, v2;
	v3 =	vor.u32 v3, v1  }
0x15: {  	v1 =	vmul.u32 $0x8, v4;
	v63 =	vperm.xlane v3, v0;
	_ =	sdelay $0x1  }
0x16: {  	v4 =	vadd.s32 v1, v63  }
0x17: {  	v2 =	vor.u32 $0x8, v2  }
0x18: {  	v3 =	vperm.xlane v3, v2;
	_ =	sdelay $0x1  }
0x19: {  	vm0 =	vmmov $0xffff;
	s6 =	simm.s32 $0x80;
	s14 =	ssub.s32 $0x2, s10;
	v3 =	vadd.s32 v1, v3  }
0x1a: {  	[tilespmem:s6], [sflag:$0x1] =	stream.indirect_vreg.gather [hbm4b:s2+s3], $0x80, v4, vm0, $0xb8;
	[tilespmem:$0x2080] =	vst v63  }
0x1b: {  	s7 =	sadd.s32 $0x100, s2;
	s8 =	simm.s32 $0x880;
	s15 =	sshrl.u32 s14, $0x1  }
0x1c: {  	[tilespmem:s8], [sflag:$0x1] =	stream.indirect_vreg.gather [hbm4b:s7+s3], $0x80, v4, vm0, $0xb8;
	[tilespmem:$0x2080] =	vst v63  }
0x1d: {  	s9 =	simm.s32 $0x1080;
	s14 =	ssub.s32 s14, s15  }
0x1e: {  	[tilespmem:s9], [sflag:$0x1] =	stream.indirect_vreg.gather [hbm4b:s2+s3], $0x80, v3, vm0, $0xb8;
	[tilespmem:$0x2080] =	vst v63  }
0x1f: {  	s11 =	simm.s32 $0x1;
	s10 =	simm.s32 $0x1880;
	s31 =	smax.u32 s14, $0x1  }
0x20: {  	[tilespmem:s10], [sflag:$0x1] =	stream.indirect_vreg.gather [hbm4b:s7+s3], $0x80, v3, vm0, $0xb8;
	[tilespmem:$0x2080] =	vst v63  }
0x21: {  	p0 =	sne.s32 s31, $0x1;
	_ =	swait.ge [sflag:s11], $0x2000  }
.Ltmp1:
0x22: {  	s13 =	sshll.u32 s13, $0xA;
	[sflag:s11] =	ssyncset.done $0x0;
	(pc) =	sbr.rel @!p0 .LBB2_3-.Ltmp1, $4  }
0x23: {  	s12 =	sadd.s32 s12, s13;
	[sflag:s11] =	ssyncadd.s32 $0xFFFFE000  }
0x24: {  	[hbm4b:s12+s3] =	stream.linear.scatter [tilespmem:s6], [sflag:$0x2], $0x2000, $0x38;
	[tilespmem:$0x2080] =	vst v63  }
0x25: {  	_ =	swait.ge [sflag:s4], $0x2000  }
0x26: {  	s13 =	sadd.s32 $0xFFFFFFFF, s31;
	[sflag:s4] =	ssyncset.done $0x0  }
.LBB2_2:
0x27: {  	p0 =	sne.s32 s13, $0x1;
	s13 =	sadd.s32 $0xFFFFFFFF, s13;
	[sflag:s4] =	ssyncadd.s32 $0xFFFFE000  }
0x28: {  	[tilespmem:s3], [sflag:$0x2] =	stream.linear.gather [hbm4b:s5+s3], $0x10, $0x38;
	[tilespmem:$0x2080] =	vst v63  }
0x29: {  	_ =	swait.ge [sflag:s4], $0x10  }
0x2a: {  	[sflag:s4] =	ssyncset.done $0x0  }
0x2b: {  	[sflag:s4] =	ssyncadd.s32 $0xFFFFFFF0  }
0x2c: {  	v3 =	vld [tilespmem:$0x0];
	_ =	sdelay $0x4  }
0x2d: {  	v4 =	vshll.u32 v3, $0x2  }
0x2e: {  	v3 =	vand.u32 $0x7, v3;
	v4 =	vand.u32 $0xFFFFFFE0, v4  }
0x2f: {  	v3 =	vor.u32 v3, v4  }
0x30: {  	v4 =	vperm.xlane v3, v0;
	v3 =	vperm.xlane v3, v2;
	_ =	sdelay $0x1  }
0x31: {  	v4 =	vadd.s32 v1, v4;
	_ =	sdelay $0x3  }
0x32: {  	v3 =	vadd.s32 v1, v3  }
0x33: {  	[tilespmem:s6], [sflag:$0x1] =	stream.indirect_vreg.gather [hbm4b:s2+s3], $0x80, v4, vm0, $0xb8;
	[tilespmem:$0x2080] =	vst v63  }
0x34: {  	_ = 	snop  }
0x35: {  	[tilespmem:s8], [sflag:$0x1] =	stream.indirect_vreg.gather [hbm4b:s7+s3], $0x80, v4, vm0, $0xb8;
	[tilespmem:$0x2080] =	vst v63  }
0x36: {  	_ = 	snop  }
0x37: {  	[tilespmem:s9], [sflag:$0x1] =	stream.indirect_vreg.gather [hbm4b:s2+s3], $0x80, v3, vm0, $0xb8;
	[tilespmem:$0x2080] =	vst v63  }
0x38: {  	_ = 	snop  }
0x39: {  	[tilespmem:s10], [sflag:$0x1] =	stream.indirect_vreg.gather [hbm4b:s7+s3], $0x80, v3, vm0, $0xb8;
	[tilespmem:$0x2080] =	vst v63  }
0x3a: {  	_ =	swait.ge [sflag:s11], $0x2000  }
.Ltmp2:
0x3b: {  	[sflag:s11] =	ssyncset.done $0x0;
	(pc) =	sbr.rel @p0 .LBB2_2-.Ltmp2, $4  }
0x3c: {  	[sflag:s11] =	ssyncadd.s32 $0xFFFFE000  }
0x3d: {  	[hbm4b:s12+s3] =	stream.linear.scatter [tilespmem:s6], [sflag:$0x2], $0x2000, $0x38;
	[tilespmem:$0x2080] =	vst v63  }
0x3e: {  	_ =	swait.ge [sflag:s4], $0x2000  }
0x3f: {  	[sflag:s4] =	ssyncset.done $0x0  }
.LBB2_3:
0x40: {  	[sflag:s4] =	ssyncadd.s32 $0xFFFFE000  }
.LBB2_4:
0x41: {  	_ =	sfence.sel $0x180000  }
0x42: {  	[bflag:$0x0] =	sbarrier.arrive $0xFFFF  }
0x43: {  	p0 =	sne.s32 s1, $0x0;
	_ =	strace $0x90000047  }
0x44: {  	s0 =	sadd.s32 @!p0 $0x100000, s0;
	[bflag:$0x2] =	sbarrier.arrive $0xFFFF  }
0x45: {  	[sflag:s0] =	ssyncadd.tile.s32 @!p0 $0x1;
	_ =	shalt  }
.Lfunc_end2:
_tile_overlayer_lowered:
.L_overlay_start_2:
0x46: {  	(tag) =	ssettag $0x2  }
0x47: {  	s0 =	rddreg [dreg:$0x0];
	s2 =	stileid.u32  }
0x48: {  	s1 =	rddreg [dreg:$0x1];
	p0 =	sne.s32 s2, $0x0  }
0x49: {  	s3 =	rddreg [dreg:$0x2];
	[bflag:$0x3] =	sbarrier.arrive $0xFFFF;
	s2 =	simm.s32 @!p0 $0x1C02  }
0x4a: {  	[timem:s3], [sflag:s2] =	dma.local @!p0 [hbm:s0], s1  }
0x4b: {  	s0 =	simm.s32 @!p0 $0x2  }
0x4c: {  	_ =	swait.ge @!p0 [sflag:s0], s1  }
0x4d: {  	s1 =	ssub.s32 @!p0 $0x0, s1;
	[sflag:s0] =	ssyncset.done @!p0 $0x0  }
0x4e: {  	[sflag:s0] =	ssyncadd.s32 @!p0 s1  }
0x4f: {  	[bflag:$0x3] =	sbarrier.arrive $0xFFFF  }
0x50: {  	_ =	shalt  }

// kernel: kernel.8.cloned.1.call-start
scs
__scs_entry_jumppad:
0x0: {  	(pc) =	sbr.rel $0x88, $3  }
0x1: {  	(tag) =	ssettag $0x0;
	lr =	simm.s32 $0x1  }
0x2: {  	[smem:$0x3F9C] =	sst lr;
	_ =	strace $0xD0000000  }
0x3: {  	_ = 	snop  }
0x4: {  	_ = 	snop  }
0x5: {  	_ = 	snop  }
0x6: {  	_ = 	snop  }
0x7: {  	_ = 	snop  }
__scs_overlays_trampoline_lowered:
0x8: {  	[smem:$0x3FAB] =	sst s0  }
0x9: {  	[smem:$0x3FAC] =	sst s1  }
0xa: {  	[smem:$0x3FAD] =	sst s2  }
0xb: {  	[smem:$0x3FAE] =	sst s3  }
0xc: {  	[smem:$0x3FAF] =	sst s4  }
0xd: {  	[smem:$0x3FB0] =	sst s5  }
0xe: {  	[smem:$0x3FB1] =	sst s6  }
0xf: {  	[smem:$0x3FB2] =	sst s7  }
0x10: {  	[smem:$0x3FB3] =	sst s8  }
0x11: {  	[smem:$0x3FB4] =	sst s9;
	s0 =	simm.s32 @!p0 $0x0  }
0x12: {  	s1 =	sld [smem:$0x3F9A];
	s0 =	simm.s32 @p0 $0x1  }
0x13: {  	[smem:$0x3FB5] =	sst s0;
	s0 =	simm.s32 @!p1 $0x0  }
0x14: {  	s2 =	sld [smem:$0x3F99];
	s0 =	simm.s32 @p1 $0x1  }
0x15: {  	[smem:$0x3FB6] =	sst s0;
	s0 =	simm.s32 @!p2 $0x0  }
0x16: {  	s3 =	sld [smem:$0x3FDB];
	s0 =	simm.s32 @p2 $0x1  }
0x17: {  	s4 =	simm.s32 $0x1BF5;
	[smem:$0x3FB8] =	sst s0  }
0x18: {  	s0 =	sld [smem:$0x3F9B];
	_ =	swait.ge [sflag:s4], $0x0  }
0x19: {  	s7 =	sld [smem:$0x3F9C]  }
0x1a: {  	s8 =	sadd.s32 $0xFFFFE003, lr  }
0x1b: {  	s9 =	sadd.s32 $0xFFFFFEF7, lr;
	s5 =	simm.s32 $0xFFFFFFFF;
	p2 =	slt.u32 s8, $0xFFFFF086  }
0x1c: {  	p1 =	slt.u32 s9, $0xF7A;
	s5 =	simm.s32 @!p2 $0x0  }
0x1d: {  	s5 =	simm.s32 @p1 $0x1;
	p0 =	seq.s32 s7, s2  }
0x1e: {  	s7 =	smul.u32 @!p0 $0xF7A, s2;
	p2 =	seq.s32 @!p0 s5, $0x0  }
0x1f: {  	s9 =	smul.u32 $0xF7A, s1;
	s8 =	simm.s32 @!p0 $0x1BF5;
	p2 =	por !p2, p0  }
0x20: {  	[sflag:s8] =	ssyncset.s32 @!p0 $0xFFFFF086;
	s6 =	sadd.s32 @!p0 s3, s7;
	s7 =	simm.s32 @!p0 $0x108  }
0x21: {  	s3 =	sadd.s32 s3, s9;
	s6 =	sadd.s32 @!p0 $0x88, s6;
	s7 =	simm.s32 @p2 $0x1082  }
0x22: {  	[simem:s7], [sflag:s8] =	dma.local @!p0 [hbm:s6], $0xF7A  }
0x23: {  	s9 =	sor.u32 $0xD0000000, s2;
	s6 =	simm.s32 $0x108;
	_ =	swait.ge @!p0 [sflag:s8], $0x0  }
0x24: {  	s3 =	sadd.s32 $0x88, s3;
	s6 =	simm.s32 @!p1 $0x1082;
	[sflag:s4] =	ssyncset.s32 $0xFFFFF086  }
0x25: {  	[simem:s6], [sflag:s4] =	dma.local [hbm:s3], $0xF7A  }
0x26: {  	[smem:$0x3F9C] =	sst s1;
	(tag) =	ssettag s2;
	_ =	strace s9  }
0x27: {  	s1 =	sld [smem:$0x3FAC]  }
0x28: {  	s2 =	sld [smem:$0x3FAD]  }
0x29: {  	s4 =	sld [smem:$0x3FAF]  }
0x2a: {  	p0 =	seq.s32 s5, $0x0;
	s5 =	sld [smem:$0x3FB0]  }
0x2b: {  	s6 =	sld [smem:$0x3FB1]  }
0x2c: {  	s7 =	sld [smem:$0x3FB2]  }
0x2d: {  	s3 =	simm.s32 $0x108;
	s8 =	sld [smem:$0x3FB3]  }
0x2e: {  	s3 =	simm.s32 @!p0 $0x1082;
	s9 =	sld [smem:$0x3FB4]  }
0x2f: {  	lr =	sadd.s32 s0, s3;
	s0 =	sld [smem:$0x3FAB]  }
0x30: {  	s3 =	sld [smem:$0x3FAE]  }
0x31: {  	[smem:$0x3FB7] =	sst s10  }
0x32: {  	s10 =	sld [smem:$0x3FB5];
	_ =	sdelay $0x3  }
0x33: {  	p0 =	seq.s32 s10, $0x1;
	s10 =	sld [smem:$0x3FB7];
	_ =	sdelay $0x3  }
0x34: {  	[smem:$0x3FB7] =	sst s10  }
0x35: {  	s10 =	sld [smem:$0x3FB6];
	_ =	sdelay $0x3  }
0x36: {  	p1 =	seq.s32 s10, $0x1;
	s10 =	sld [smem:$0x3FB7];
	_ =	sdelay $0x3  }
0x37: {  	[smem:$0x3FB7] =	sst s10  }
0x38: {  	s10 =	sld [smem:$0x3FB8]  }
0x39: {  	_ = 	snop;
	(pc) =	sbr.ind lr, $3  }
0x3a: {  	_ = 	snop  }
0x3b: {  	_ = 	snop  }
0x3c: {  	p2 =	seq.s32 s10, $0x1;
	s10 =	sld [smem:$0x3FB7]  }
0x3d: {  	_ =	shalt  }
0x3e: {  	_ =	shalt  }
0x3f: {  	_ =	shalt  }
0x40: {  	_ =	shalt  }
0x41: {  	_ =	shalt  }
0x42: {  	_ =	shalt  }
0x43: {  	_ =	shalt  }
0x44: {  	_ =	shalt  }
0x45: {  	_ =	shalt  }
0x46: {  	_ =	shalt  }
0x47: {  	_ =	shalt  }
0x48: {  	_ =	shalt  }
0x49: {  	_ =	shalt  }
0x4a: {  	_ =	shalt  }
0x4b: {  	_ =	shalt  }
0x4c: {  	_ =	shalt  }
0x4d: {  	_ =	shalt  }
0x4e: {  	_ =	shalt  }
0x4f: {  	_ =	shalt  }
0x50: {  	_ =	shalt  }
0x51: {  	_ =	shalt  }
0x52: {  	_ =	shalt  }
0x53: {  	_ =	shalt  }
0x54: {  	_ =	shalt  }
0x55: {  	_ =	shalt  }
0x56: {  	_ =	shalt  }
0x57: {  	_ =	shalt  }
0x58: {  	_ =	shalt  }
0x59: {  	_ =	shalt  }
0x5a: {  	_ =	shalt  }
0x5b: {  	_ =	shalt  }
0x5c: {  	_ =	shalt  }
0x5d: {  	_ =	shalt  }
0x5e: {  	_ =	shalt  }
0x5f: {  	_ =	shalt  }
0x60: {  	_ =	shalt  }
0x61: {  	_ =	shalt  }
0x62: {  	_ =	shalt  }
0x63: {  	_ =	shalt  }
0x64: {  	_ =	shalt  }
0x65: {  	_ =	shalt  }
0x66: {  	_ =	shalt  }
0x67: {  	_ =	shalt  }
0x68: {  	_ =	shalt  }
0x69: {  	_ =	shalt  }
0x6a: {  	_ =	shalt  }
0x6b: {  	_ =	shalt  }
0x6c: {  	_ =	shalt  }
0x6d: {  	_ =	shalt  }
0x6e: {  	_ =	shalt  }
0x6f: {  	_ =	shalt  }
0x70: {  	_ =	shalt  }
0x71: {  	_ =	shalt  }
0x72: {  	_ =	shalt  }
0x73: {  	_ =	shalt  }
0x74: {  	_ =	shalt  }
0x75: {  	_ =	shalt  }
0x76: {  	_ =	shalt  }
0x77: {  	_ =	shalt  }
0x78: {  	_ =	shalt  }
0x79: {  	_ =	shalt  }
0x7a: {  	_ =	shalt  }
0x7b: {  	_ =	shalt  }
0x7c: {  	_ =	shalt  }
0x7d: {  	_ =	shalt  }
0x7e: {  	_ =	shalt  }
0x7f: {  	_ =	shalt  }
0x80: {  	_ =	shalt  }
0x81: {  	_ =	shalt  }
0x82: {  	_ =	shalt  }
0x83: {  	_ =	shalt  }
0x84: {  	_ =	shalt  }
0x85: {  	_ =	shalt  }
0x86: {  	_ =	shalt  }
0x87: {  	_ =	shalt  }
.Lfunc_end0:
.L_simem_size_0:
called_computation.2_lowered:
.L_overlay_start_0:
0x88: {  	s2 =	sld [smem:$0x3FD9]  }
0x89: {  	s3 =	sld [smem:$0x3FFE];
	_ =	sdelay $0x1  }
0x8a: {  	s1 =	srdreg.scid  }
0x8b: {  	s0 =	sand.u32 $0x1, s1  }
0x8c: {  	s17 =	sshll.u32 s0, $0xA;
	s2 =	sadd.s32 s3, s2  }
0x8d: {  	s2 =	sadd.s32 s2, s17  }
0x8e: {  	[smem:$0x3FC3] =	sst s2  }
0x8f: {  	_ = 	snop  }
0x90: {  	s2 =	sld [smem:$0x3FD0];
	(tm) =	ssettm $0x1  }
0x91: {  	s18 =	sld [smem:$0x3FFB];
	_ =	sdelay $0x3  }
0x92: {  	_ =	strace s18  }
0x93: {  	s3 =	sld [smem:$0x3FFC];
	_ =	sdelay $0x3  }
0x94: {  	_ =	strace s3  }
0x95: {  	s3 =	sld [smem:$0x3FFD];
	_ =	sdelay $0x3  }
0x96: {  	_ =	strace s3  }
0x97: {  	_ =	strace $0x8FFFFFFF  }
0x98: {  	s19 =	sld [smem:$0x3FDB];
	_ =	sdelay $0x1  }
0x99: {  	s4 =	simm.s32 $_scs_section_size  }
0x9a: {  	s5 =	simm.s32 $_size__tile_overlayer_lowered;
	s6 =	simm.s32 $_tile_overlayer_lowered  }
0x9b: {  	s22 =	simm.s32 $0x1BFF;
	s21 =	sshll.u32 s6, $0x1;
	s3 =	sadd.s32 s4, s19  }
0x9c: {  	s7 =	simm.s32 $0x0;
	s20 =	sshll.u32 s5, $0x1;
	s5 =	sadd.s32 s21, s3  }
0x9d: {  	[timem:s7], [sflag:s22] =	dma.local [hbm:s5], s20  }
0x9e: {  	_ =	swait.ge [sflag:s22], s20  }
0x9f: {  	s4 =	ssub.s32 $0x0, s20;
	[sflag:s22] =	ssyncset.done $0x0  }
0xa0: {  	[sflag:s22] =	ssyncadd.s32 s4;
	_ =	sdelay $0x1  }
0xa1: {  	s23 =	simm.s32 $0x1B8B  }
0xa2: {  	_ =	swait.ge [sflag:s23], $0x1  }
0xa3: {  	[sflag:s23] =	ssyncset.done $0x0  }
0xa4: {  	s25 =	simm.s32 $0x1B8E;
	s24 =	sld [smem:$0x3FFE];
	[sflag:s23] =	ssyncadd.s32 $0xFFFFFFFF  }
0xa5: {  	s26 =	simm.s32 $execute0_lowered;
	[smem:$0x3FD2] =	sst s25  }
0xa6: {  	s5 =	sshll.u32 s26, $0x1;
	_ =	strace $0x80000049;
	[dreg:$0x1] =	wrdreg $0xFFFFFFFF  }
0xa7: {  	s28 =	simm.s32 $_size_execute0_lowered;
	s3 =	sadd.s32 s3, s5;
	[dreg:$0x0] =	wrdreg $0x0  }
0xa8: {  	s5 =	sshll.u32 s28, $0x1;
	[dreg:$0x2] =	wrdreg s3  }
0xa9: {  	[dreg:$0x3] =	wrdreg s5  }
0xaa: {  	[dreg:$0x4] =	wrdreg $0xC0  }
0xab: {  	_ =	task [dreg:s7], $0x5FFFF  }
0xac: {  	[dreg:$0x1] =	wrdreg $0xFFFFFFFF  }
0xad: {  	[dreg:$0x0] =	wrdreg $0x60  }
0xae: {  	[dreg:$0x2] =	wrdreg s24  }
0xaf: {  	[dreg:$0x3] =	wrdreg s2  }
0xb0: {  	[dreg:$0x4] =	wrdreg $0x9  }
0xb1: {  	_ =	task.clear_ibuf [dreg:s7], $0x5FFFF;
	_ =	strace $0x90000049  }
0xb2: {  	s29 =	simm.s32 $0x9;
	_ =	strace $0x8000004B  }
0xb3: {  	_ =	swait.ge [sflag:s29], $0x1  }
0xb4: {  	[sflag:s29] =	ssyncadd.s32 $0xFFFFFFFF  }
0xb5: {  	_ =	strace $0x9000004B  }
0xb6: {  	_ =	sfence  }
0xb7: {  	s30 =	sld [smem:$0x0];
	_ =	sdelay $0x2  }
0xb8: {  	s31 =	sshll.u32 s1, $0xD;
	s1 =	sshrl.u32 s1, $0x2  }
0xb9: {  	s3 =	sand.u32 $0x4000, s31;
	s1 =	sadd.s32 s1, s30  }
0xba: {  	s0 =	sor.u32 s3, s0;
	s1 =	sshll.u32 s1, $0x11  }
0xbb: {  	s0 =	sor.u32 s1, s0  }
0xbc: {  	s0 =	sadd.s32 $0x8F2B, s0  }
0xbd: {  	[sflag:s0] =	ssyncadd.remote.s32 $0x1  }
0xbe: {  	_ =	sfence.sel $0xFFFF  }
0xbf: {  	[dreg:$0x0] =	wrdreg $0xFFFFFFFF;
	(pc) =	sbr.abs _section_cstart, $3  }
0xc0: {  	[dreg:$0x1] =	wrdreg $0xFFFFFFFF  }
0xc1: {  	_ =	task.clear_ibuf [dreg:s7], $0x2FFFF;
	_ =	strace $0x9FFFFFFF  }
0xc2: {  	(tm) =	ssettm $0x7FFFFFFF  }
0xc3: {  	_ =	shalt  }
tec
execute0_lowered:
.L_overlay_start_1:
0x0: {  	(tag) =	ssettag $0x1  }
0x1: {  	s0 =	srdreg.scid  }
0x2: {  	s1 =	stileid.u32;
	s3 =	sand.u32 $0x1, s0  }
0x3: {  	s1 =	sshll.u32 s1, $0x6;
	s2 =	sshll.u32 s3, $0x5  }
0x4: {  	s4 =	rddreg [dreg:$0x1];
	s1 =	sor.u32 s2, s1  }
0x5: {  	s0 =	rddreg [dreg:$0x0];
	s5 =	sshrl.u32 s1, $0x3  }
0x6: {  	s2 =	simm.s32 $0x0;
	s1 =	sadd.s32 s1, s0;
	s6 =	smul.u32 $0x9A00, s5  }
0x7: {  	[smem:$0x7FF] =	sst s2;
	s1 =	sadd.s32 $0x1600, s1  }
0x8: {  	_ =	strace $0x8000004A;
	[dreg:$0x3] =	wrdreg s1;
	s6 =	sadd.s32 s4, s6  }
0x9: {  	s21 =	sadd.s32 $0x10, s6;
	[smem:$0x7F9] =	sst s6  }
0xa: {  	s22 =	sadd.s32 $0x20, s6;
	[dreg:$0x4] =	wrdreg s21  }
0xb: {  	s23 =	sadd.s32 $0x30, s6;
	[dreg:$0x5] =	wrdreg s22  }
0xc: {  	s5 =	smul.u32 $0x4D000, s5;
	s24 =	sadd.s32 $0x40, s6;
	[dreg:$0x6] =	wrdreg s23  }
0xd: {  	s25 =	sadd.s32 $0x50, s6;
	[dreg:$0x7] =	wrdreg s24  }
0xe: {  	s5 =	sshrl.u32 s5, $0x3;
	s26 =	sadd.s32 $0x60, s6;
	[dreg:$0x8] =	wrdreg s25  }
0xf: {  	s6 =	sadd.s32 $0x70, s6;
	s30 =	sadd.s32 s4, s5;
	[dreg:$0x9] =	wrdreg s26  }
0x10: {  	s28 =	simm.s32 $0x400;
	[dreg:$0xa] =	wrdreg s6;
	s4 =	sadd.s32 $0x9A00, s30  }
0x11: {  	s29 =	simm.s32 $0x9A00;
	s21 =	sadd.s32 $0x9A10, s30;
	[dreg:$0xb] =	wrdreg s4  }
0x12: {  	s31 =	simm.s32 $0x2;
	s5 =	sadd.s32 $0x9A20, s30;
	[dreg:$0xc] =	wrdreg s21  }
0x13: {  	s3 =	ssub.s32 $0x2, s3;
	s22 =	sadd.s32 $0x9A30, s30;
	[dreg:$0xd] =	wrdreg s5  }
0x14: {  	s23 =	sadd.s32 $0x9A40, s30;
	s24 =	sshrl.u32 s3, $0x1;
	[dreg:$0xe] =	wrdreg s22  }
0x15: {  	s25 =	sadd.s32 $0x9A50, s30;
	s26 =	sadd.s32 $0x9A60, s30;
	[dreg:$0xf] =	wrdreg s23  }
0x16: {  	s7 =	sadd.s32 $0x9A70, s30;
	s6 =	sadd.s32 $0x2200, s0;
	[dreg:$0x10] =	wrdreg s25  }
0x17: {  	s8 =	sadd.s32 $0x13400, s30;
	s9 =	sadd.s32 $0x13410, s30;
	[dreg:$0x11] =	wrdreg s26  }
0x18: {  	s10 =	sadd.s32 $0x13420, s30;
	s11 =	sadd.s32 $0x13430, s30;
	[dreg:$0x12] =	wrdreg s7  }
0x19: {  	s12 =	sadd.s32 $0x13440, s30;
	s13 =	sadd.s32 $0x13450, s30;
	[dreg:$0x13] =	wrdreg s8  }
0x1a: {  	s14 =	sadd.s32 $0x13460, s30;
	s15 =	sadd.s32 $0x13470, s30;
	[dreg:$0x14] =	wrdreg s9  }
0x1b: {  	s16 =	sadd.s32 $0x1CE00, s30;
	s17 =	sadd.s32 $0x1CE10, s30;
	[dreg:$0x15] =	wrdreg s10  }
0x1c: {  	s18 =	sadd.s32 $0x1CE20, s30;
	s19 =	sadd.s32 $0x1CE30, s30;
	[dreg:$0x16] =	wrdreg s11  }
0x1d: {  	s20 =	sadd.s32 $0x1CE40, s30;
	s1 =	sadd.s32 $0x1CE70, s30;
	[dreg:$0x17] =	wrdreg s12  }
0x1e: {  	s4 =	sadd.s32 $0x1A00, s0;
	s3 =	ssub.s32 s3, s24;
	[dreg:$0x18] =	wrdreg s13  }
0x1f: {  	s5 =	sadd.s32 $0x1E00, s0;
	s7 =	sadd.s32 $0x2600, s0;
	[dreg:$0x19] =	wrdreg s14  }
0x20: {  	s8 =	sadd.s32 $0x2A00, s0;
	s9 =	sadd.s32 $0x2E00, s0;
	[dreg:$0x1a] =	wrdreg s15  }
0x21: {  	s10 =	sadd.s32 $0x3200, s0;
	s11 =	sadd.s32 $0x3600, s0;
	[dreg:$0x1b] =	wrdreg s16  }
0x22: {  	s12 =	sadd.s32 $0x3A00, s0;
	s13 =	sadd.s32 $0x3E00, s0;
	[dreg:$0x1c] =	wrdreg s17  }
0x23: {  	s14 =	sadd.s32 $0x4200, s0;
	s15 =	sadd.s32 $0x4600, s0;
	[dreg:$0x1d] =	wrdreg s18  }
0x24: {  	s16 =	sadd.s32 $0x4A00, s0;
	s17 =	sadd.s32 $0x4E00, s0;
	[dreg:$0x1e] =	wrdreg s19  }
0x25: {  	s18 =	sadd.s32 $0x5200, s0;
	s19 =	sadd.s32 $0x5600, s0;
	[dreg:$0x1f] =	wrdreg s20  }
0x26: {  	s21 =	sadd.s32 $0x1CE50, s30;
	s20 =	sadd.s32 $0x5A00, s0;
	s22 =	sadd.s32 $0x1CE60, s30  }
0x27: {  	[smem:$0x7FC] =	sst s1;
	s30 =	simm.s32 $0x13400;
	s23 =	sadd.s32 $0x6600, s0  }
0x28: {  	s24 =	simm.s32 $0x1;
	s26 =	simm.s32 $0x80;
	[smem:$0x7FA] =	sst s21  }
0x29: {  	v0 =	vimm.s32 $0x0;
	v1 =	vlaneseq.u32;
	s1 =	simm.s32 $0x3;
	s21 =	sadd.s32 $0x5E00, s0;
	[smem:$0x7FB] =	sst s22  }
0x2a: {  	vm0 =	vmmov $0xffff;
	vm1 =	vmmov $0xf;
	v1 =	vmul.u32 $0x4, v1;
	s22 =	sadd.s32 $0x6200, s0;
	s0 =	smax.u32 s3, $0x1;
	[smem:$0x7FD] =	sst s30  }
.LBB2_1:
0x2b: {  	s3 =	sld [smem:$0x7FD]  }
0x2c: {  	[smem:$0x7F8] =	sst s0  }
0x2d: {  	s25 =	rddreg [dreg:$0x3];
	s30 =	simm.s32 $0x4  }
0x2e: {  	[tilespmem:s3], [sflag:$0x4] =	stream.linear.gather [hbm4b:s25+s2], $0x100, $0x38;
	[tilespmem:$0x13500] =	vst v63  }
0x2f: {  	_ =	swait.ge [sflag:s30], $0x100  }
0x30: {  	[sflag:s30] =	ssyncset.done $0x0  }
0x31: {  	[sflag:s30] =	ssyncadd.s32 $0xFFFFFF00  }
0x32: {  	v2 =	vld.msk [tilespmem:$0x13400], $0x1;
	_ =	sdelay $0x4  }
0x33: {  	v3 =	vshrl.u32 v2, $0x2  }
0x34: {  	v3 =	vmul.u32 $0x4D0, v3  }
0x35: {  	v2 =	vand.u32 $0x3, v2  }
0x36: {  	v2 =	vor.u32 v2, v3  }
0x37: {  	v2 =	vperm.xlane v2, v0;
	_ =	sdelay $0x1  }
0x38: {  	v2 =	vadd.s32 v1, v2;
	_ =	sdelay $0x4  }
0x39: {  	[tilespmem:s2], [sflag:$0x1] =	stream.indirect_vreg.gather [hbm4b:s4+s2], $0x80, v2, vm0, $0xb8;
	[tilespmem:$0x13500] =	vst v63  }
0x3a: {  	s3 =	simm.s32 $0x800  }
0x3b: {  	[tilespmem:s3], [sflag:$0x1] =	stream.indirect_vreg.gather [hbm4b:s5+s2], $0x80, v2, vm0, $0xb8;
	[tilespmem:$0x13500] =	vst v63  }
0x3c: {  	s25 =	simm.s32 $0x1000  }
0x3d: {  	[tilespmem:s25], [sflag:$0x1] =	stream.indirect_vreg.gather [hbm4b:s6+s2], $0x80, v2, vm0, $0xb8;
	[tilespmem:$0x13500] =	vst v63  }
0x3e: {  	s30 =	simm.s32 $0x1800  }
0x3f: {  	[tilespmem:s30], [sflag:$0x1] =	stream.indirect_vreg.gather [hbm4b:s7+s2], $0x80, v2, vm0, $0xb8;
	[tilespmem:$0x13500] =	vst v63  }
0x40: {  	s3 =	simm.s32 $0x2000  }
0x41: {  	[tilespmem:s3], [sflag:$0x1] =	stream.indirect_vreg.gather [hbm4b:s8+s2], $0x80, v2, vm0, $0xb8;
	[tilespmem:$0x13500] =	vst v63  }
0x42: {  	s3 =	simm.s32 $0x2800  }
0x43: {  	[tilespmem:s3], [sflag:$0x1] =	stream.indirect_vreg.gather [hbm4b:s9+s2], $0x80, v2, vm0, $0xb8;
	[tilespmem:$0x13500] =	vst v63  }
0x44: {  	s3 =	simm.s32 $0x3000  }
0x45: {  	[tilespmem:s3], [sflag:$0x1] =	stream.indirect_vreg.gather [hbm4b:s10+s2], $0x80, v2, vm0, $0xb8;
	[tilespmem:$0x13500] =	vst v63  }
0x46: {  	s3 =	simm.s32 $0x3800  }
0x47: {  	[tilespmem:s3], [sflag:$0x1] =	stream.indirect_vreg.gather [hbm4b:s11+s2], $0x80, v2, vm0, $0xb8;
	[tilespmem:$0x13500] =	vst v63  }
0x48: {  	s3 =	simm.s32 $0x4000  }
0x49: {  	[tilespmem:s3], [sflag:$0x1] =	stream.indirect_vreg.gather [hbm4b:s12+s2], $0x80, v2, vm0, $0xb8;
	[tilespmem:$0x13500] =	vst v63  }
0x4a: {  	s3 =	simm.s32 $0x4800  }
0x4b: {  	[tilespmem:s3], [sflag:$0x1] =	stream.indirect_vreg.gather [hbm4b:s13+s2], $0x80, v2, vm0, $0xb8;
	[tilespmem:$0x13500] =	vst v63  }
0x4c: {  	s3 =	simm.s32 $0x5000  }
0x4d: {  	[tilespmem:s3], [sflag:$0x1] =	stream.indirect_vreg.gather [hbm4b:s14+s2], $0x80, v2, vm0, $0xb8;
	[tilespmem:$0x13500] =	vst v63  }
0x4e: {  	s3 =	simm.s32 $0x5800  }
0x4f: {  	[tilespmem:s3], [sflag:$0x1] =	stream.indirect_vreg.gather [hbm4b:s15+s2], $0x80, v2, vm0, $0xb8;
	[tilespmem:$0x13500] =	vst v63  }
0x50: {  	s3 =	simm.s32 $0x6000  }
0x51: {  	[tilespmem:s3], [sflag:$0x1] =	stream.indirect_vreg.gather [hbm4b:s16+s2], $0x80, v2, vm0, $0xb8;
	[tilespmem:$0x13500] =	vst v63  }
0x52: {  	s3 =	simm.s32 $0x6800  }
0x53: {  	[tilespmem:s3], [sflag:$0x1] =	stream.indirect_vreg.gather [hbm4b:s17+s2], $0x80, v2, vm0, $0xb8;
	[tilespmem:$0x13500] =	vst v63  }
0x54: {  	s3 =	simm.s32 $0x7000  }
0x55: {  	[tilespmem:s3], [sflag:$0x1] =	stream.indirect_vreg.gather [hbm4b:s18+s2], $0x80, v2, vm0, $0xb8;
	[tilespmem:$0x13500] =	vst v63  }
0x56: {  	s3 =	simm.s32 $0x7800  }
0x57: {  	[tilespmem:s3], [sflag:$0x1] =	stream.indirect_vreg.gather [hbm4b:s19+s2], $0x80, v2, vm0, $0xb8;
	[tilespmem:$0x13500] =	vst v63  }
0x58: {  	s3 =	simm.s32 $0x8000  }
0x59: {  	[tilespmem:s3], [sflag:$0x1] =	stream.indirect_vreg.gather [hbm4b:s20+s2], $0x80, v2, vm0, $0xb8;
	[tilespmem:$0x13500] =	vst v63  }
0x5a: {  	s3 =	simm.s32 $0x8800  }
0x5b: {  	[tilespmem:s3], [sflag:$0x1] =	stream.indirect_vreg.gather [hbm4b:s21+s2], $0x80, v2, vm0, $0xb8;
	[tilespmem:$0x13500] =	vst v63  }
0x5c: {  	s3 =	simm.s32 $0x9000  }
0x5d: {  	[tilespmem:s3], [sflag:$0x1] =	stream.indirect_vreg.gather [hbm4b:s22+s2], $0x80, v2, vm0, $0xb8;
	[tilespmem:$0x13500] =	vst v63  }
0x5e: {  	s3 =	simm.s32 $0x9800  }
0x5f: {  	[tilespmem:s3], [sflag:$0x1] =	stream.indirect_vreg.gather [hbm4b:s23+s2], $0x80, v2, vm1, $0xb8;
	[tilespmem:$0x13500] =	vst v63  }
0x60: {  	_ =	swait.ge [sflag:s24], $0x9A00  }
0x61: {  	s0 =	sld [smem:$0x7F9]  }
0x62: {  	[sflag:s24] =	ssyncset.done $0x0  }
0x63: {  	[sflag:s24] =	ssyncadd.s32 $0xFFFF6600  }
0x64: {  	[hbm4b:s0+s26] =	stream.strided.scatter [tilespmem:s2], [sflag:$0x2], $0x9A00, s28, s26, $0x38;
	[tilespmem:$0x13500] =	vst v63  }
0x65: {  	v2 =	vld.msk [tilespmem:$0x13408], $0x1;
	_ =	sdelay $0x4  }
0x66: {  	v3 =	vshrl.u32 v2, $0x2  }
0x67: {  	v3 =	vmul.u32 $0x4D0, v3  }
0x68: {  	v2 =	vand.u32 $0x3, v2  }
0x69: {  	v2 =	vor.u32 v2, v3  }
0x6a: {  	v2 =	vperm.xlane v2, v0;
	_ =	sdelay $0x1  }
0x6b: {  	v2 =	vadd.s32 v1, v2;
	_ =	sdelay $0x4  }
0x6c: {  	[tilespmem:s29], [sflag:$0x1] =	stream.indirect_vreg.gather [hbm4b:s4+s2], $0x80, v2, vm0, $0xb8;
	[tilespmem:$0x13500] =	vst v63  }
0x6d: {  	s0 =	simm.s32 $0xA200  }
0x6e: {  	[tilespmem:s0], [sflag:$0x1] =	stream.indirect_vreg.gather [hbm4b:s5+s2], $0x80, v2, vm0, $0xb8;
	[tilespmem:$0x13500] =	vst v63  }
0x6f: {  	s0 =	simm.s32 $0xAA00  }
0x70: {  	[tilespmem:s0], [sflag:$0x1] =	stream.indirect_vreg.gather [hbm4b:s6+s2], $0x80, v2, vm0, $0xb8;
	[tilespmem:$0x13500] =	vst v63  }
0x71: {  	s0 =	simm.s32 $0xB200  }
0x72: {  	[tilespmem:s0], [sflag:$0x1] =	stream.indirect_vreg.gather [hbm4b:s7+s2], $0x80, v2, vm0, $0xb8;
	[tilespmem:$0x13500] =	vst v63  }
0x73: {  	s0 =	simm.s32 $0xBA00  }
0x74: {  	[tilespmem:s0], [sflag:$0x1] =	stream.indirect_vreg.gather [hbm4b:s8+s2], $0x80, v2, vm0, $0xb8;
	[tilespmem:$0x13500] =	vst v63  }
0x75: {  	s0 =	simm.s32 $0xC200  }
0x76: {  	[tilespmem:s0], [sflag:$0x1] =	stream.indirect_vreg.gather [hbm4b:s9+s2], $0x80, v2, vm0, $0xb8;
	[tilespmem:$0x13500] =	vst v63  }
0x77: {  	s0 =	simm.s32 $0xCA00  }
0x78: {  	[tilespmem:s0], [sflag:$0x1] =	stream.indirect_vreg.gather [hbm4b:s10+s2], $0x80, v2, vm0, $0xb8;
	[tilespmem:$0x13500] =	vst v63  }
0x79: {  	s0 =	simm.s32 $0xD200  }
0x7a: {  	[tilespmem:s0], [sflag:$0x1] =	stream.indirect_vreg.gather [hbm4b:s11+s2], $0x80, v2, vm0, $0xb8;
	[tilespmem:$0x13500] =	vst v63  }
0x7b: {  	s0 =	simm.s32 $0xDA00  }
0x7c: {  	[tilespmem:s0], [sflag:$0x1] =	stream.indirect_vreg.gather [hbm4b:s12+s2], $0x80, v2, vm0, $0xb8;
	[tilespmem:$0x13500] =	vst v63  }
0x7d: {  	s0 =	simm.s32 $0xE200  }
0x7e: {  	[tilespmem:s0], [sflag:$0x1] =	stream.indirect_vreg.gather [hbm4b:s13+s2], $0x80, v2, vm0, $0xb8;
	[tilespmem:$0x13500] =	vst v63  }
0x7f: {  	s0 =	simm.s32 $0xEA00  }
0x80: {  	[tilespmem:s0], [sflag:$0x1] =	stream.indirect_vreg.gather [hbm4b:s14+s2], $0x80, v2, vm0, $0xb8;
	[tilespmem:$0x13500] =	vst v63  }
0x81: {  	s0 =	simm.s32 $0xF200  }
0x82: {  	[tilespmem:s0], [sflag:$0x1] =	stream.indirect_vreg.gather [hbm4b:s15+s2], $0x80, v2, vm0, $0xb8;
	[tilespmem:$0x13500] =	vst v63  }
0x83: {  	s0 =	simm.s32 $0xFA00  }
0x84: {  	[tilespmem:s0], [sflag:$0x1] =	stream.indirect_vreg.gather [hbm4b:s16+s2], $0x80, v2, vm0, $0xb8;
	[tilespmem:$0x13500] =	vst v63  }
0x85: {  	s0 =	simm.s32 $0x10200  }
0x86: {  	[tilespmem:s0], [sflag:$0x1] =	stream.indirect_vreg.gather [hbm4b:s17+s2], $0x80, v2, vm0, $0xb8;
	[tilespmem:$0x13500] =	vst v63  }
0x87: {  	s0 =	simm.s32 $0x10A00  }
0x88: {  	[tilespmem:s0], [sflag:$0x1] =	stream.indirect_vreg.gather [hbm4b:s18+s2], $0x80, v2, vm0, $0xb8;
	[tilespmem:$0x13500] =	vst v63  }
0x89: {  	s0 =	simm.s32 $0x11200  }
0x8a: {  	[tilespmem:s0], [sflag:$0x1] =	stream.indirect_vreg.gather [hbm4b:s19+s2], $0x80, v2, vm0, $0xb8;
	[tilespmem:$0x13500] =	vst v63  }
0x8b: {  	s0 =	simm.s32 $0x11A00  }
0x8c: {  	[tilespmem:s0], [sflag:$0x1] =	stream.indirect_vreg.gather [hbm4b:s20+s2], $0x80, v2, vm0, $0xb8;
	[tilespmem:$0x13500] =	vst v63  }
0x8d: {  	s0 =	simm.s32 $0x12200  }
0x8e: {  	[tilespmem:s0], [sflag:$0x1] =	stream.indirect_vreg.gather [hbm4b:s21+s2], $0x80, v2, vm0, $0xb8;
	[tilespmem:$0x13500] =	vst v63  }
0x8f: {  	s0 =	simm.s32 $0x12A00  }
0x90: {  	[tilespmem:s0], [sflag:$0x1] =	stream.indirect_vreg.gather [hbm4b:s22+s2], $0x80, v2, vm0, $0xb8;
	[tilespmem:$0x13500] =	vst v63  }
0x91: {  	s0 =	simm.s32 $0x13200  }
0x92: {  	[tilespmem:s0], [sflag:$0x1] =	stream.indirect_vreg.gather [hbm4b:s23+s2], $0x80, v2, vm1, $0xb8;
	[tilespmem:$0x13500] =	vst v63  }
0x93: {  	_ =	swait.ge [sflag:s24], $0x9A00  }
0x94: {  	[sflag:s24] =	ssyncset.done $0x0  }
0x95: {  	s0 =	rddreg [dreg:$0x4];
	[sflag:s24] =	ssyncadd.s32 $0xFFFF6600  }
0x96: {  	[hbm4b:s0+s26] =	stream.strided.scatter [tilespmem:s29], [sflag:$0x3], $0x9A00, s28, s26, $0x38;
	[tilespmem:$0x13500] =	vst v63  }
0x97: {  	_ =	swait.ge [sflag:s31], $0x9A00  }
0x98: {  	[sflag:s31] =	ssyncset.done $0x0  }
0x99: {  	[sflag:s31] =	ssyncadd.s32 $0xFFFF6600  }
0x9a: {  	v2 =	vld.msk [tilespmem:$0x13410], $0x1;
	_ =	sdelay $0x4  }
0x9b: {  	v3 =	vshrl.u32 v2, $0x2  }
0x9c: {  	v3 =	vmul.u32 $0x4D0, v3  }
0x9d: {  	v2 =	vand.u32 $0x3, v2  }
0x9e: {  	v2 =	vor.u32 v2, v3  }
0x9f: {  	v2 =	vperm.xlane v2, v0;
	_ =	sdelay $0x1  }
0xa0: {  	v2 =	vadd.s32 v1, v2;
	_ =	sdelay $0x4  }
0xa1: {  	[tilespmem:s2], [sflag:$0x1] =	stream.indirect_vreg.gather [hbm4b:s4+s2], $0x80, v2, vm0, $0xb8;
	[tilespmem:$0x13500] =	vst v63  }
0xa2: {  	s0 =	simm.s32 $0x800  }
0xa3: {  	[tilespmem:s0], [sflag:$0x1] =	stream.indirect_vreg.gather [hbm4b:s5+s2], $0x80, v2, vm0, $0xb8;
	[tilespmem:$0x13500] =	vst v63  }
0xa4: {  	s25 =	simm.s32 $0x1000  }
0xa5: {  	[tilespmem:s25], [sflag:$0x1] =	stream.indirect_vreg.gather [hbm4b:s6+s2], $0x80, v2, vm0, $0xb8;
	[tilespmem:$0x13500] =	vst v63  }
0xa6: {  	s30 =	simm.s32 $0x1800  }
0xa7: {  	[tilespmem:s30], [sflag:$0x1] =	stream.indirect_vreg.gather [hbm4b:s7+s2], $0x80, v2, vm0, $0xb8;
	[tilespmem:$0x13500] =	vst v63  }
0xa8: {  	s25 =	simm.s32 $0x2000  }
0xa9: {  	[tilespmem:s25], [sflag:$0x1] =	stream.indirect_vreg.gather [hbm4b:s8+s2], $0x80, v2, vm0, $0xb8;
	[tilespmem:$0x13500] =	vst v63  }
0xaa: {  	s30 =	simm.s32 $0x2800  }
0xab: {  	[tilespmem:s30], [sflag:$0x1] =	stream.indirect_vreg.gather [hbm4b:s9+s2], $0x80, v2, vm0, $0xb8;
	[tilespmem:$0x13500] =	vst v63  }
0xac: {  	s25 =	simm.s32 $0x3000  }
0xad: {  	[tilespmem:s25], [sflag:$0x1] =	stream.indirect_vreg.gather [hbm4b:s10+s2], $0x80, v2, vm0, $0xb8;
	[tilespmem:$0x13500] =	vst v63  }
0xae: {  	s30 =	simm.s32 $0x3800  }
0xaf: {  	[tilespmem:s30], [sflag:$0x1] =	stream.indirect_vreg.gather [hbm4b:s11+s2], $0x80, v2, vm0, $0xb8;
	[tilespmem:$0x13500] =	vst v63  }
0xb0: {  	s25 =	simm.s32 $0x4000  }
0xb1: {  	[tilespmem:s25], [sflag:$0x1] =	stream.indirect_vreg.gather [hbm4b:s12+s2], $0x80, v2, vm0, $0xb8;
	[tilespmem:$0x13500] =	vst v63  }
0xb2: {  	s30 =	simm.s32 $0x4800  }
0xb3: {  	[tilespmem:s30], [sflag:$0x1] =	stream.indirect_vreg.gather [hbm4b:s13+s2], $0x80, v2, vm0, $0xb8;
	[tilespmem:$0x13500] =	vst v63  }
0xb4: {  	s25 =	simm.s32 $0x5000  }
0xb5: {  	[tilespmem:s25], [sflag:$0x1] =	stream.indirect_vreg.gather [hbm4b:s14+s2], $0x80, v2, vm0, $0xb8;
	[tilespmem:$0x13500] =	vst v63  }
0xb6: {  	s30 =	simm.s32 $0x5800  }
0xb7: {  	[tilespmem:s30], [sflag:$0x1] =	stream.indirect_vreg.gather [hbm4b:s15+s2], $0x80, v2, vm0, $0xb8;
	[tilespmem:$0x13500] =	vst v63  }
0xb8: {  	s25 =	simm.s32 $0x6000  }
0xb9: {  	[tilespmem:s25], [sflag:$0x1] =	stream.indirect_vreg.gather [hbm4b:s16+s2], $0x80, v2, vm0, $0xb8;
	[tilespmem:$0x13500] =	vst v63  }
0xba: {  	s30 =	simm.s32 $0x6800  }
0xbb: {  	[tilespmem:s30], [sflag:$0x1] =	stream.indirect_vreg.gather [hbm4b:s17+s2], $0x80, v2, vm0, $0xb8;
	[tilespmem:$0x13500] =	vst v63  }
0xbc: {  	s25 =	simm.s32 $0x7000  }
0xbd: {  	[tilespmem:s25], [sflag:$0x1] =	stream.indirect_vreg.gather [hbm4b:s18+s2], $0x80, v2, vm0, $0xb8;
	[tilespmem:$0x13500] =	vst v63  }
0xbe: {  	s30 =	simm.s32 $0x7800  }
0xbf: {  	[tilespmem:s30], [sflag:$0x1] =	stream.indirect_vreg.gather [hbm4b:s19+s2], $0x80, v2, vm0, $0xb8;
	[tilespmem:$0x13500] =	vst v63  }
0xc0: {  	s25 =	simm.s32 $0x8000  }
0xc1: {  	[tilespmem:s25], [sflag:$0x1] =	stream.indirect_vreg.gather [hbm4b:s20+s2], $0x80, v2, vm0, $0xb8;
	[tilespmem:$0x13500] =	vst v63  }
0xc2: {  	s30 =	simm.s32 $0x8800  }
0xc3: {  	[tilespmem:s30], [sflag:$0x1] =	stream.indirect_vreg.gather [hbm4b:s21+s2], $0x80, v2, vm0, $0xb8;
	[tilespmem:$0x13500] =	vst v63  }
0xc4: {  	s25 =	simm.s32 $0x9000  }
0xc5: {  	[tilespmem:s25], [sflag:$0x1] =	stream.indirect_vreg.gather [hbm4b:s22+s2], $0x80, v2, vm0, $0xb8;
	[tilespmem:$0x13500] =	vst v63  }
0xc6: {  	s3 =	simm.s32 $0x9800  }
0xc7: {  	[tilespmem:s3], [sflag:$0x1] =	stream.indirect_vreg.gather [hbm4b:s23+s2], $0x80, v2, vm1, $0xb8;
	[tilespmem:$0x13500] =	vst v63  }
0xc8: {  	_ =	swait.ge [sflag:s24], $0x9A00  }
0xc9: {  	[sflag:s24] =	ssyncset.done $0x0  }
0xca: {  	s30 =	rddreg [dreg:$0x5];
	[sflag:s24] =	ssyncadd.s32 $0xFFFF6600  }
0xcb: {  	[hbm4b:s30+s26] =	stream.strided.scatter [tilespmem:s2], [sflag:$0x2], $0x9A00, s28, s26, $0x38;
	[tilespmem:$0x13500] =	vst v63  }
0xcc: {  	_ =	swait.ge [sflag:s1], $0x9A00  }
0xcd: {  	[sflag:s1] =	ssyncset.done $0x0  }
0xce: {  	[sflag:s1] =	ssyncadd.s32 $0xFFFF6600  }
0xcf: {  	v2 =	vld.msk [tilespmem:$0x13418], $0x1;
	_ =	sdelay $0x4  }
0xd0: {  	v3 =	vshrl.u32 v2, $0x2  }
0xd1: {  	v3 =	vmul.u32 $0x4D0, v3  }
0xd2: {  	v2 =	vand.u32 $0x3, v2  }
0xd3: {  	v2 =	vor.u32 v2, v3  }
0xd4: {  	v2 =	vperm.xlane v2, v0;
	_ =	sdelay $0x1  }
0xd5: {  	v2 =	vadd.s32 v1, v2;
	_ =	sdelay $0x4  }
0xd6: {  	[tilespmem:s29], [sflag:$0x1] =	stream.indirect_vreg.gather [hbm4b:s4+s2], $0x80, v2, vm0, $0xb8;
	[tilespmem:$0x13500] =	vst v63  }
0xd7: {  	s3 =	simm.s32 $0xA200  }
0xd8: {  	[tilespmem:s3], [sflag:$0x1] =	stream.indirect_vreg.gather [hbm4b:s5+s2], $0x80, v2, vm0, $0xb8;
	[tilespmem:$0x13500] =	vst v63  }
0xd9: {  	s25 =	simm.s32 $0xAA00  }
0xda: {  	[tilespmem:s25], [sflag:$0x1] =	stream.indirect_vreg.gather [hbm4b:s6+s2], $0x80, v2, vm0, $0xb8;
	[tilespmem:$0x13500] =	vst v63  }
0xdb: {  	s30 =	simm.s32 $0xB200  }
0xdc: {  	[tilespmem:s30], [sflag:$0x1] =	stream.indirect_vreg.gather [hbm4b:s7+s2], $0x80, v2, vm0, $0xb8;
	[tilespmem:$0x13500] =	vst v63  }
0xdd: {  	s0 =	simm.s32 $0xBA00  }
0xde: {  	[tilespmem:s0], [sflag:$0x1] =	stream.indirect_vreg.gather [hbm4b:s8+s2], $0x80, v2, vm0, $0xb8;
	[tilespmem:$0x13500] =	vst v63  }
0xdf: {  	s0 =	simm.s32 $0xC200  }
0xe0: {  	[tilespmem:s0], [sflag:$0x1] =	stream.indirect_vreg.gather [hbm4b:s9+s2], $0x80, v2, vm0, $0xb8;
	[tilespmem:$0x13500] =	vst v63  }
0xe1: {  	s0 =	simm.s32 $0xCA00  }
0xe2: {  	[tilespmem:s0], [sflag:$0x1] =	stream.indirect_vreg.gather [hbm4b:s10+s2], $0x80, v2, vm0, $0xb8;
	[tilespmem:$0x13500] =	vst v63  }
0xe3: {  	s0 =	simm.s32 $0xD200  }
0xe4: {  	[tilespmem:s0], [sflag:$0x1] =	stream.indirect_vreg.gather [hbm4b:s11+s2], $0x80, v2, vm0, $0xb8;
	[tilespmem:$0x13500] =	vst v63  }
0xe5: {  	s0 =	simm.s32 $0xDA00  }
0xe6: {  	[tilespmem:s0], [sflag:$0x1] =	stream.indirect_vreg.gather [hbm4b:s12+s2], $0x80, v2, vm0, $0xb8;
	[tilespmem:$0x13500] =	vst v63  }
0xe7: {  	s0 =	simm.s32 $0xE200  }
0xe8: {  	[tilespmem:s0], [sflag:$0x1] =	stream.indirect_vreg.gather [hbm4b:s13+s2], $0x80, v2, vm0, $0xb8;
	[tilespmem:$0x13500] =	vst v63  }
0xe9: {  	s0 =	simm.s32 $0xEA00  }
0xea: {  	[tilespmem:s0], [sflag:$0x1] =	stream.indirect_vreg.gather [hbm4b:s14+s2], $0x80, v2, vm0, $0xb8;
	[tilespmem:$0x13500] =	vst v63  }
0xeb: {  	s0 =	simm.s32 $0xF200  }
0xec: {  	[tilespmem:s0], [sflag:$0x1] =	stream.indirect_vreg.gather [hbm4b:s15+s2], $0x80, v2, vm0, $0xb8;
	[tilespmem:$0x13500] =	vst v63  }
0xed: {  	s0 =	simm.s32 $0xFA00  }
0xee: {  	[tilespmem:s0], [sflag:$0x1] =	stream.indirect_vreg.gather [hbm4b:s16+s2], $0x80, v2, vm0, $0xb8;
	[tilespmem:$0x13500] =	vst v63  }
0xef: {  	s0 =	simm.s32 $0x10200  }
0xf0: {  	[tilespmem:s0], [sflag:$0x1] =	stream.indirect_vreg.gather [hbm4b:s17+s2], $0x80, v2, vm0, $0xb8;
	[tilespmem:$0x13500] =	vst v63  }
0xf1: {  	s0 =	simm.s32 $0x10A00  }
0xf2: {  	[tilespmem:s0], [sflag:$0x1] =	stream.indirect_vreg.gather [hbm4b:s18+s2], $0x80, v2, vm0, $0xb8;
	[tilespmem:$0x13500] =	vst v63  }
0xf3: {  	s0 =	simm.s32 $0x11200  }
0xf4: {  	[tilespmem:s0], [sflag:$0x1] =	stream.indirect_vreg.gather [hbm4b:s19+s2], $0x80, v2, vm0, $0xb8;
	[tilespmem:$0x13500] =	vst v63  }
0xf5: {  	s0 =	simm.s32 $0x11A00  }
0xf6: {  	[tilespmem:s0], [sflag:$0x1] =	stream.indirect_vreg.gather [hbm4b:s20+s2], $0x80, v2, vm0, $0xb8;
	[tilespmem:$0x13500] =	vst v63  }
0xf7: {  	s0 =	simm.s32 $0x12200  }
0xf8: {  	[tilespmem:s0], [sflag:$0x1] =	stream.indirect_vreg.gather [hbm4b:s21+s2], $0x80, v2, vm0, $0xb8;
	[tilespmem:$0x13500] =	vst v63  }
0xf9: {  	s0 =	simm.s32 $0x12A00  }
0xfa: {  	[tilespmem:s0], [sflag:$0x1] =	stream.indirect_vreg.gather [hbm4b:s22+s2], $0x80, v2, vm0, $0xb8;
	[tilespmem:$0x13500] =	vst v63  }
0xfb: {  	s0 =	simm.s32 $0x13200  }
0xfc: {  	[tilespmem:s0], [sflag:$0x1] =	stream.indirect_vreg.gather [hbm4b:s23+s2], $0x80, v2, vm1, $0xb8;
	[tilespmem:$0x13500] =	vst v63  }
0xfd: {  	_ =	swait.ge [sflag:s24], $0x9A00  }
0xfe: {  	[sflag:s24] =	ssyncset.done $0x0  }
0xff: {  	s0 =	rddreg [dreg:$0x6];
	[sflag:s24] =	ssyncadd.s32 $0xFFFF6600  }
0x100: {  	[hbm4b:s0+s26] =	stream.strided.scatter [tilespmem:s29], [sflag:$0x3], $0x9A00, s28, s26, $0x38;
	[tilespmem:$0x13500] =	vst v63  }
0x101: {  	_ =	swait.ge [sflag:s31], $0x9A00  }
0x102: {  	[sflag:s31] =	ssyncset.done $0x0  }
0x103: {  	[sflag:s31] =	ssyncadd.s32 $0xFFFF6600  }
0x104: {  	v2 =	vld.msk [tilespmem:$0x13420], $0x1;
	_ =	sdelay $0x4  }
0x105: {  	v3 =	vshrl.u32 v2, $0x2  }
0x106: {  	v3 =	vmul.u32 $0x4D0, v3  }
0x107: {  	v2 =	vand.u32 $0x3, v2  }
0x108: {  	v2 =	vor.u32 v2, v3  }
0x109: {  	v2 =	vperm.xlane v2, v0;
	_ =	sdelay $0x1  }
0x10a: {  	v2 =	vadd.s32 v1, v2;
	_ =	sdelay $0x4  }
0x10b: {  	[tilespmem:s2], [sflag:$0x1] =	stream.indirect_vreg.gather [hbm4b:s4+s2], $0x80, v2, vm0, $0xb8;
	[tilespmem:$0x13500] =	vst v63  }
0x10c: {  	s0 =	simm.s32 $0x800  }
0x10d: {  	[tilespmem:s0], [sflag:$0x1] =	stream.indirect_vreg.gather [hbm4b:s5+s2], $0x80, v2, vm0, $0xb8;
	[tilespmem:$0x13500] =	vst v63  }
0x10e: {  	s0 =	simm.s32 $0x1000  }
0x10f: {  	[tilespmem:s0], [sflag:$0x1] =	stream.indirect_vreg.gather [hbm4b:s6+s2], $0x80, v2, vm0, $0xb8;
	[tilespmem:$0x13500] =	vst v63  }
0x110: {  	s0 =	simm.s32 $0x1800  }
0x111: {  	[tilespmem:s0], [sflag:$0x1] =	stream.indirect_vreg.gather [hbm4b:s7+s2], $0x80, v2, vm0, $0xb8;
	[tilespmem:$0x13500] =	vst v63  }
0x112: {  	s0 =	simm.s32 $0x2000  }
0x113: {  	[tilespmem:s0], [sflag:$0x1] =	stream.indirect_vreg.gather [hbm4b:s8+s2], $0x80, v2, vm0, $0xb8;
	[tilespmem:$0x13500] =	vst v63  }
0x114: {  	s0 =	simm.s32 $0x2800  }
0x115: {  	[tilespmem:s0], [sflag:$0x1] =	stream.indirect_vreg.gather [hbm4b:s9+s2], $0x80, v2, vm0, $0xb8;
	[tilespmem:$0x13500] =	vst v63  }
0x116: {  	s0 =	simm.s32 $0x3000  }
0x117: {  	[tilespmem:s0], [sflag:$0x1] =	stream.indirect_vreg.gather [hbm4b:s10+s2], $0x80, v2, vm0, $0xb8;
	[tilespmem:$0x13500] =	vst v63  }
0x118: {  	s0 =	simm.s32 $0x3800  }
0x119: {  	[tilespmem:s0], [sflag:$0x1] =	stream.indirect_vreg.gather [hbm4b:s11+s2], $0x80, v2, vm0, $0xb8;
	[tilespmem:$0x13500] =	vst v63  }
0x11a: {  	s0 =	simm.s32 $0x4000  }
0x11b: {  	[tilespmem:s0], [sflag:$0x1] =	stream.indirect_vreg.gather [hbm4b:s12+s2], $0x80, v2, vm0, $0xb8;
	[tilespmem:$0x13500] =	vst v63  }
0x11c: {  	s0 =	simm.s32 $0x4800  }
0x11d: {  	[tilespmem:s0], [sflag:$0x1] =	stream.indirect_vreg.gather [hbm4b:s13+s2], $0x80, v2, vm0, $0xb8;
	[tilespmem:$0x13500] =	vst v63  }
0x11e: {  	s0 =	simm.s32 $0x5000  }
0x11f: {  	[tilespmem:s0], [sflag:$0x1] =	stream.indirect_vreg.gather [hbm4b:s14+s2], $0x80, v2, vm0, $0xb8;
	[tilespmem:$0x13500] =	vst v63  }
0x120: {  	s0 =	simm.s32 $0x5800  }
0x121: {  	[tilespmem:s0], [sflag:$0x1] =	stream.indirect_vreg.gather [hbm4b:s15+s2], $0x80, v2, vm0, $0xb8;
	[tilespmem:$0x13500] =	vst v63  }
0x122: {  	s0 =	simm.s32 $0x6000  }
0x123: {  	[tilespmem:s0], [sflag:$0x1] =	stream.indirect_vreg.gather [hbm4b:s16+s2], $0x80, v2, vm0, $0xb8;
	[tilespmem:$0x13500] =	vst v63  }
0x124: {  	s0 =	simm.s32 $0x6800  }
0x125: {  	[tilespmem:s0], [sflag:$0x1] =	stream.indirect_vreg.gather [hbm4b:s17+s2], $0x80, v2, vm0, $0xb8;
	[tilespmem:$0x13500] =	vst v63  }
0x126: {  	s0 =	simm.s32 $0x7000  }
0x127: {  	[tilespmem:s0], [sflag:$0x1] =	stream.indirect_vreg.gather [hbm4b:s18+s2], $0x80, v2, vm0, $0xb8;
	[tilespmem:$0x13500] =	vst v63  }
0x128: {  	s0 =	simm.s32 $0x7800  }
0x129: {  	[tilespmem:s0], [sflag:$0x1] =	stream.indirect_vreg.gather [hbm4b:s19+s2], $0x80, v2, vm0, $0xb8;
	[tilespmem:$0x13500] =	vst v63  }
0x12a: {  	s0 =	simm.s32 $0x8000  }
0x12b: {  	[tilespmem:s0], [sflag:$0x1] =	stream.indirect_vreg.gather [hbm4b:s20+s2], $0x80, v2, vm0, $0xb8;
	[tilespmem:$0x13500] =	vst v63  }
0x12c: {  	s0 =	simm.s32 $0x8800  }
0x12d: {  	[tilespmem:s0], [sflag:$0x1] =	stream.indirect_vreg.gather [hbm4b:s21+s2], $0x80, v2, vm0, $0xb8;
	[tilespmem:$0x13500] =	vst v63  }
0x12e: {  	s0 =	simm.s32 $0x9000  }
0x12f: {  	[tilespmem:s0], [sflag:$0x1] =	stream.indirect_vreg.gather [hbm4b:s22+s2], $0x80, v2, vm0, $0xb8;
	[tilespmem:$0x13500] =	vst v63  }
0x130: {  	s0 =	simm.s32 $0x9800  }
0x131: {  	[tilespmem:s0], [sflag:$0x1] =	stream.indirect_vreg.gather [hbm4b:s23+s2], $0x80, v2, vm1, $0xb8;
	[tilespmem:$0x13500] =	vst v63  }
0x132: {  	_ =	swait.ge [sflag:s24], $0x9A00  }
0x133: {  	[sflag:s24] =	ssyncset.done $0x0  }
0x134: {  	s0 =	rddreg [dreg:$0x7];
	[sflag:s24] =	ssyncadd.s32 $0xFFFF6600  }
0x135: {  	[hbm4b:s0+s26] =	stream.strided.scatter [tilespmem:s2], [sflag:$0x2], $0x9A00, s28, s26, $0x38;
	[tilespmem:$0x13500] =	vst v63  }
0x136: {  	_ =	swait.ge [sflag:s1], $0x9A00  }
0x137: {  	[sflag:s1] =	ssyncset.done $0x0  }
0x138: {  	[sflag:s1] =	ssyncadd.s32 $0xFFFF6600  }
0x139: {  	v2 =	vld.msk [tilespmem:$0x13428], $0x1;
	_ =	sdelay $0x4  }
0x13a: {  	v3 =	vshrl.u32 v2, $0x2  }
0x13b: {  	v3 =	vmul.u32 $0x4D0, v3  }
0x13c: {  	v2 =	vand.u32 $0x3, v2  }
0x13d: {  	v2 =	vor.u32 v2, v3  }
0x13e: {  	v2 =	vperm.xlane v2, v0;
	_ =	sdelay $0x1  }
0x13f: {  	v2 =	vadd.s32 v1, v2;
	_ =	sdelay $0x4  }
0x140: {  	[tilespmem:s29], [sflag:$0x1] =	stream.indirect_vreg.gather [hbm4b:s4+s2], $0x80, v2, vm0, $0xb8;
	[tilespmem:$0x13500] =	vst v63  }
0x141: {  	s3 =	simm.s32 $0xA200  }
0x142: {  	[tilespmem:s3], [sflag:$0x1] =	stream.indirect_vreg.gather [hbm4b:s5+s2], $0x80, v2, vm0, $0xb8;
	[tilespmem:$0x13500] =	vst v63  }
0x143: {  	s25 =	simm.s32 $0xAA00  }
0x144: {  	[tilespmem:s25], [sflag:$0x1] =	stream.indirect_vreg.gather [hbm4b:s6+s2], $0x80, v2, vm0, $0xb8;
	[tilespmem:$0x13500] =	vst v63  }
0x145: {  	s30 =	simm.s32 $0xB200  }
0x146: {  	[tilespmem:s30], [sflag:$0x1] =	stream.indirect_vreg.gather [hbm4b:s7+s2], $0x80, v2, vm0, $0xb8;
	[tilespmem:$0x13500] =	vst v63  }
0x147: {  	s3 =	simm.s32 $0xBA00  }
0x148: {  	[tilespmem:s3], [sflag:$0x1] =	stream.indirect_vreg.gather [hbm4b:s8+s2], $0x80, v2, vm0, $0xb8;
	[tilespmem:$0x13500] =	vst v63  }
0x149: {  	s0 =	simm.s32 $0xC200  }
0x14a: {  	[tilespmem:s0], [sflag:$0x1] =	stream.indirect_vreg.gather [hbm4b:s9+s2], $0x80, v2, vm0, $0xb8;
	[tilespmem:$0x13500] =	vst v63  }
0x14b: {  	s0 =	simm.s32 $0xCA00  }
0x14c: {  	[tilespmem:s0], [sflag:$0x1] =	stream.indirect_vreg.gather [hbm4b:s10+s2], $0x80, v2, vm0, $0xb8;
	[tilespmem:$0x13500] =	vst v63  }
0x14d: {  	s0 =	simm.s32 $0xD200  }
0x14e: {  	[tilespmem:s0], [sflag:$0x1] =	stream.indirect_vreg.gather [hbm4b:s11+s2], $0x80, v2, vm0, $0xb8;
	[tilespmem:$0x13500] =	vst v63  }
0x14f: {  	s0 =	simm.s32 $0xDA00  }
0x150: {  	[tilespmem:s0], [sflag:$0x1] =	stream.indirect_vreg.gather [hbm4b:s12+s2], $0x80, v2, vm0, $0xb8;
	[tilespmem:$0x13500] =	vst v63  }
0x151: {  	s0 =	simm.s32 $0xE200  }
0x152: {  	[tilespmem:s0], [sflag:$0x1] =	stream.indirect_vreg.gather [hbm4b:s13+s2], $0x80, v2, vm0, $0xb8;
	[tilespmem:$0x13500] =	vst v63  }
0x153: {  	s0 =	simm.s32 $0xEA00  }
0x154: {  	[tilespmem:s0], [sflag:$0x1] =	stream.indirect_vreg.gather [hbm4b:s14+s2], $0x80, v2, vm0, $0xb8;
	[tilespmem:$0x13500] =	vst v63  }
0x155: {  	s0 =	simm.s32 $0xF200  }
0x156: {  	[tilespmem:s0], [sflag:$0x1] =	stream.indirect_vreg.gather [hbm4b:s15+s2], $0x80, v2, vm0, $0xb8;
	[tilespmem:$0x13500] =	vst v63  }
0x157: {  	s0 =	simm.s32 $0xFA00  }
0x158: {  	[tilespmem:s0], [sflag:$0x1] =	stream.indirect_vreg.gather [hbm4b:s16+s2], $0x80, v2, vm0, $0xb8;
	[tilespmem:$0x13500] =	vst v63  }
0x159: {  	s0 =	simm.s32 $0x10200  }
0x15a: {  	[tilespmem:s0], [sflag:$0x1] =	stream.indirect_vreg.gather [hbm4b:s17+s2], $0x80, v2, vm0, $0xb8;
	[tilespmem:$0x13500] =	vst v63  }
0x15b: {  	s0 =	simm.s32 $0x10A00  }
0x15c: {  	[tilespmem:s0], [sflag:$0x1] =	stream.indirect_vreg.gather [hbm4b:s18+s2], $0x80, v2, vm0, $0xb8;
	[tilespmem:$0x13500] =	vst v63  }
0x15d: {  	s0 =	simm.s32 $0x11200  }
0x15e: {  	[tilespmem:s0], [sflag:$0x1] =	stream.indirect_vreg.gather [hbm4b:s19+s2], $0x80, v2, vm0, $0xb8;
	[tilespmem:$0x13500] =	vst v63  }
0x15f: {  	s0 =	simm.s32 $0x11A00  }
0x160: {  	[tilespmem:s0], [sflag:$0x1] =	stream.indirect_vreg.gather [hbm4b:s20+s2], $0x80, v2, vm0, $0xb8;
	[tilespmem:$0x13500] =	vst v63  }
0x161: {  	s0 =	simm.s32 $0x12200  }
0x162: {  	[tilespmem:s0], [sflag:$0x1] =	stream.indirect_vreg.gather [hbm4b:s21+s2], $0x80, v2, vm0, $0xb8;
	[tilespmem:$0x13500] =	vst v63  }
0x163: {  	s0 =	simm.s32 $0x12A00  }
0x164: {  	[tilespmem:s0], [sflag:$0x1] =	stream.indirect_vreg.gather [hbm4b:s22+s2], $0x80, v2, vm0, $0xb8;
	[tilespmem:$0x13500] =	vst v63  }
0x165: {  	s0 =	simm.s32 $0x13200  }
0x166: {  	[tilespmem:s0], [sflag:$0x1] =	stream.indirect_vreg.gather [hbm4b:s23+s2], $0x80, v2, vm1, $0xb8;
	[tilespmem:$0x13500] =	vst v63  }
0x167: {  	_ =	swait.ge [sflag:s24], $0x9A00  }
0x168: {  	[sflag:s24] =	ssyncset.done $0x0  }
0x169: {  	s0 =	rddreg [dreg:$0x8];
	[sflag:s24] =	ssyncadd.s32 $0xFFFF6600  }
0x16a: {  	[hbm4b:s0+s26] =	stream.strided.scatter [tilespmem:s29], [sflag:$0x3], $0x9A00, s28, s26, $0x38;
	[tilespmem:$0x13500] =	vst v63  }
0x16b: {  	_ =	swait.ge [sflag:s31], $0x9A00  }
0x16c: {  	[sflag:s31] =	ssyncset.done $0x0  }
0x16d: {  	[sflag:s31] =	ssyncadd.s32 $0xFFFF6600  }
0x16e: {  	v2 =	vld.msk [tilespmem:$0x13430], $0x1;
	_ =	sdelay $0x4  }
0x16f: {  	v3 =	vshrl.u32 v2, $0x2  }
0x170: {  	v3 =	vmul.u32 $0x4D0, v3  }
0x171: {  	v2 =	vand.u32 $0x3, v2  }
0x172: {  	v2 =	vor.u32 v2, v3  }
0x173: {  	v2 =	vperm.xlane v2, v0;
	_ =	sdelay $0x1  }
0x174: {  	v2 =	vadd.s32 v1, v2;
	_ =	sdelay $0x4  }
0x175: {  	[tilespmem:s2], [sflag:$0x1] =	stream.indirect_vreg.gather [hbm4b:s4+s2], $0x80, v2, vm0, $0xb8;
	[tilespmem:$0x13500] =	vst v63  }
0x176: {  	s0 =	simm.s32 $0x800  }
0x177: {  	[tilespmem:s0], [sflag:$0x1] =	stream.indirect_vreg.gather [hbm4b:s5+s2], $0x80, v2, vm0, $0xb8;
	[tilespmem:$0x13500] =	vst v63  }
0x178: {  	s0 =	simm.s32 $0x1000  }
0x179: {  	[tilespmem:s0], [sflag:$0x1] =	stream.indirect_vreg.gather [hbm4b:s6+s2], $0x80, v2, vm0, $0xb8;
	[tilespmem:$0x13500] =	vst v63  }
0x17a: {  	s0 =	simm.s32 $0x1800  }
0x17b: {  	[tilespmem:s0], [sflag:$0x1] =	stream.indirect_vreg.gather [hbm4b:s7+s2], $0x80, v2, vm0, $0xb8;
	[tilespmem:$0x13500] =	vst v63  }
0x17c: {  	s0 =	simm.s32 $0x2000  }
0x17d: {  	[tilespmem:s0], [sflag:$0x1] =	stream.indirect_vreg.gather [hbm4b:s8+s2], $0x80, v2, vm0, $0xb8;
	[tilespmem:$0x13500] =	vst v63  }
0x17e: {  	s0 =	simm.s32 $0x2800  }
0x17f: {  	[tilespmem:s0], [sflag:$0x1] =	stream.indirect_vreg.gather [hbm4b:s9+s2], $0x80, v2, vm0, $0xb8;
	[tilespmem:$0x13500] =	vst v63  }
0x180: {  	s0 =	simm.s32 $0x3000  }
0x181: {  	[tilespmem:s0], [sflag:$0x1] =	stream.indirect_vreg.gather [hbm4b:s10+s2], $0x80, v2, vm0, $0xb8;
	[tilespmem:$0x13500] =	vst v63  }
0x182: {  	s0 =	simm.s32 $0x3800  }
0x183: {  	[tilespmem:s0], [sflag:$0x1] =	stream.indirect_vreg.gather [hbm4b:s11+s2], $0x80, v2, vm0, $0xb8;
	[tilespmem:$0x13500] =	vst v63  }
0x184: {  	s0 =	simm.s32 $0x4000  }
0x185: {  	[tilespmem:s0], [sflag:$0x1] =	stream.indirect_vreg.gather [hbm4b:s12+s2], $0x80, v2, vm0, $0xb8;
	[tilespmem:$0x13500] =	vst v63  }
0x186: {  	s0 =	simm.s32 $0x4800  }
0x187: {  	[tilespmem:s0], [sflag:$0x1] =	stream.indirect_vreg.gather [hbm4b:s13+s2], $0x80, v2, vm0, $0xb8;
	[tilespmem:$0x13500] =	vst v63  }
0x188: {  	s0 =	simm.s32 $0x5000  }
0x189: {  	[tilespmem:s0], [sflag:$0x1] =	stream.indirect_vreg.gather [hbm4b:s14+s2], $0x80, v2, vm0, $0xb8;
	[tilespmem:$0x13500] =	vst v63  }
0x18a: {  	s0 =	simm.s32 $0x5800  }
0x18b: {  	[tilespmem:s0], [sflag:$0x1] =	stream.indirect_vreg.gather [hbm4b:s15+s2], $0x80, v2, vm0, $0xb8;
	[tilespmem:$0x13500] =	vst v63  }
0x18c: {  	s0 =	simm.s32 $0x6000  }
0x18d: {  	[tilespmem:s0], [sflag:$0x1] =	stream.indirect_vreg.gather [hbm4b:s16+s2], $0x80, v2, vm0, $0xb8;
	[tilespmem:$0x13500] =	vst v63  }
0x18e: {  	s0 =	simm.s32 $0x6800  }
0x18f: {  	[tilespmem:s0], [sflag:$0x1] =	stream.indirect_vreg.gather [hbm4b:s17+s2], $0x80, v2, vm0, $0xb8;
	[tilespmem:$0x13500] =	vst v63  }
0x190: {  	s0 =	simm.s32 $0x7000  }
0x191: {  	[tilespmem:s0], [sflag:$0x1] =	stream.indirect_vreg.gather [hbm4b:s18+s2], $0x80, v2, vm0, $0xb8;
	[tilespmem:$0x13500] =	vst v63  }
0x192: {  	s0 =	simm.s32 $0x7800  }
0x193: {  	[tilespmem:s0], [sflag:$0x1] =	stream.indirect_vreg.gather [hbm4b:s19+s2], $0x80, v2, vm0, $0xb8;
	[tilespmem:$0x13500] =	vst v63  }
0x194: {  	s0 =	simm.s32 $0x8000  }
0x195: {  	[tilespmem:s0], [sflag:$0x1] =	stream.indirect_vreg.gather [hbm4b:s20+s2], $0x80, v2, vm0, $0xb8;
	[tilespmem:$0x13500] =	vst v63  }
0x196: {  	s0 =	simm.s32 $0x8800  }
0x197: {  	[tilespmem:s0], [sflag:$0x1] =	stream.indirect_vreg.gather [hbm4b:s21+s2], $0x80, v2, vm0, $0xb8;
	[tilespmem:$0x13500] =	vst v63  }
0x198: {  	s0 =	simm.s32 $0x9000  }
0x199: {  	[tilespmem:s0], [sflag:$0x1] =	stream.indirect_vreg.gather [hbm4b:s22+s2], $0x80, v2, vm0, $0xb8;
	[tilespmem:$0x13500] =	vst v63  }
0x19a: {  	s0 =	simm.s32 $0x9800  }
0x19b: {  	[tilespmem:s0], [sflag:$0x1] =	stream.indirect_vreg.gather [hbm4b:s23+s2], $0x80, v2, vm1, $0xb8;
	[tilespmem:$0x13500] =	vst v63  }
0x19c: {  	_ =	swait.ge [sflag:s24], $0x9A00  }
0x19d: {  	[sflag:s24] =	ssyncset.done $0x0  }
0x19e: {  	s0 =	rddreg [dreg:$0x9];
	[sflag:s24] =	ssyncadd.s32 $0xFFFF6600  }
0x19f: {  	[hbm4b:s0+s26] =	stream.strided.scatter [tilespmem:s2], [sflag:$0x2], $0x9A00, s28, s26, $0x38;
	[tilespmem:$0x13500] =	vst v63  }
0x1a0: {  	_ =	swait.ge [sflag:s1], $0x9A00  }
0x1a1: {  	[sflag:s1] =	ssyncset.done $0x0  }
0x1a2: {  	[sflag:s1] =	ssyncadd.s32 $0xFFFF6600  }
0x1a3: {  	v2 =	vld.msk [tilespmem:$0x13438], $0x1;
	_ =	sdelay $0x4  }
0x1a4: {  	v3 =	vshrl.u32 v2, $0x2  }
0x1a5: {  	v3 =	vmul.u32 $0x4D0, v3  }
0x1a6: {  	v2 =	vand.u32 $0x3, v2  }
0x1a7: {  	v2 =	vor.u32 v2, v3  }
0x1a8: {  	v2 =	vperm.xlane v2, v0;
	_ =	sdelay $0x1  }
0x1a9: {  	v2 =	vadd.s32 v1, v2;
	_ =	sdelay $0x4  }
0x1aa: {  	[tilespmem:s29], [sflag:$0x1] =	stream.indirect_vreg.gather [hbm4b:s4+s2], $0x80, v2, vm0, $0xb8;
	[tilespmem:$0x13500] =	vst v63  }
0x1ab: {  	s0 =	simm.s32 $0xA200  }
0x1ac: {  	[tilespmem:s0], [sflag:$0x1] =	stream.indirect_vreg.gather [hbm4b:s5+s2], $0x80, v2, vm0, $0xb8;
	[tilespmem:$0x13500] =	vst v63  }
0x1ad: {  	s25 =	simm.s32 $0xAA00  }
0x1ae: {  	[tilespmem:s25], [sflag:$0x1] =	stream.indirect_vreg.gather [hbm4b:s6+s2], $0x80, v2, vm0, $0xb8;
	[tilespmem:$0x13500] =	vst v63  }
0x1af: {  	s30 =	simm.s32 $0xB200  }
0x1b0: {  	[tilespmem:s30], [sflag:$0x1] =	stream.indirect_vreg.gather [hbm4b:s7+s2], $0x80, v2, vm0, $0xb8;
	[tilespmem:$0x13500] =	vst v63  }
0x1b1: {  	s3 =	simm.s32 $0xBA00  }
0x1b2: {  	[tilespmem:s3], [sflag:$0x1] =	stream.indirect_vreg.gather [hbm4b:s8+s2], $0x80, v2, vm0, $0xb8;
	[tilespmem:$0x13500] =	vst v63  }
0x1b3: {  	s3 =	simm.s32 $0xC200  }
0x1b4: {  	[tilespmem:s3], [sflag:$0x1] =	stream.indirect_vreg.gather [hbm4b:s9+s2], $0x80, v2, vm0, $0xb8;
	[tilespmem:$0x13500] =	vst v63  }
0x1b5: {  	s0 =	simm.s32 $0xCA00  }
0x1b6: {  	[tilespmem:s0], [sflag:$0x1] =	stream.indirect_vreg.gather [hbm4b:s10+s2], $0x80, v2, vm0, $0xb8;
	[tilespmem:$0x13500] =	vst v63  }
0x1b7: {  	s0 =	simm.s32 $0xD200  }
0x1b8: {  	[tilespmem:s0], [sflag:$0x1] =	stream.indirect_vreg.gather [hbm4b:s11+s2], $0x80, v2, vm0, $0xb8;
	[tilespmem:$0x13500] =	vst v63  }
0x1b9: {  	s0 =	simm.s32 $0xDA00  }
0x1ba: {  	[tilespmem:s0], [sflag:$0x1] =	stream.indirect_vreg.gather [hbm4b:s12+s2], $0x80, v2, vm0, $0xb8;
	[tilespmem:$0x13500] =	vst v63  }
0x1bb: {  	s0 =	simm.s32 $0xE200  }
0x1bc: {  	[tilespmem:s0], [sflag:$0x1] =	stream.indirect_vreg.gather [hbm4b:s13+s2], $0x80, v2, vm0, $0xb8;
	[tilespmem:$0x13500] =	vst v63  }
0x1bd: {  	s0 =	simm.s32 $0xEA00  }
0x1be: {  	[tilespmem:s0], [sflag:$0x1] =	stream.indirect_vreg.gather [hbm4b:s14+s2], $0x80, v2, vm0, $0xb8;
	[tilespmem:$0x13500] =	vst v63  }
0x1bf: {  	s0 =	simm.s32 $0xF200  }
0x1c0: {  	[tilespmem:s0], [sflag:$0x1] =	stream.indirect_vreg.gather [hbm4b:s15+s2], $0x80, v2, vm0, $0xb8;
	[tilespmem:$0x13500] =	vst v63  }
0x1c1: {  	s0 =	simm.s32 $0xFA00  }
0x1c2: {  	[tilespmem:s0], [sflag:$0x1] =	stream.indirect_vreg.gather [hbm4b:s16+s2], $0x80, v2, vm0, $0xb8;
	[tilespmem:$0x13500] =	vst v63  }
0x1c3: {  	s0 =	simm.s32 $0x10200  }
0x1c4: {  	[tilespmem:s0], [sflag:$0x1] =	stream.indirect_vreg.gather [hbm4b:s17+s2], $0x80, v2, vm0, $0xb8;
	[tilespmem:$0x13500] =	vst v63  }
0x1c5: {  	s0 =	simm.s32 $0x10A00  }
0x1c6: {  	[tilespmem:s0], [sflag:$0x1] =	stream.indirect_vreg.gather [hbm4b:s18+s2], $0x80, v2, vm0, $0xb8;
	[tilespmem:$0x13500] =	vst v63  }
0x1c7: {  	s0 =	simm.s32 $0x11200  }
0x1c8: {  	[tilespmem:s0], [sflag:$0x1] =	stream.indirect_vreg.gather [hbm4b:s19+s2], $0x80, v2, vm0, $0xb8;
	[tilespmem:$0x13500] =	vst v63  }
0x1c9: {  	s0 =	simm.s32 $0x11A00  }
0x1ca: {  	[tilespmem:s0], [sflag:$0x1] =	stream.indirect_vreg.gather [hbm4b:s20+s2], $0x80, v2, vm0, $0xb8;
	[tilespmem:$0x13500] =	vst v63  }
0x1cb: {  	s0 =	simm.s32 $0x12200  }
0x1cc: {  	[tilespmem:s0], [sflag:$0x1] =	stream.indirect_vreg.gather [hbm4b:s21+s2], $0x80, v2, vm0, $0xb8;
	[tilespmem:$0x13500] =	vst v63  }
0x1cd: {  	s0 =	simm.s32 $0x12A00  }
0x1ce: {  	[tilespmem:s0], [sflag:$0x1] =	stream.indirect_vreg.gather [hbm4b:s22+s2], $0x80, v2, vm0, $0xb8;
	[tilespmem:$0x13500] =	vst v63  }
0x1cf: {  	s0 =	simm.s32 $0x13200  }
0x1d0: {  	[tilespmem:s0], [sflag:$0x1] =	stream.indirect_vreg.gather [hbm4b:s23+s2], $0x80, v2, vm1, $0xb8;
	[tilespmem:$0x13500] =	vst v63  }
0x1d1: {  	_ =	swait.ge [sflag:s24], $0x9A00  }
0x1d2: {  	[sflag:s24] =	ssyncset.done $0x0  }
0x1d3: {  	s0 =	rddreg [dreg:$0xa];
	[sflag:s24] =	ssyncadd.s32 $0xFFFF6600  }
0x1d4: {  	[hbm4b:s0+s26] =	stream.strided.scatter [tilespmem:s29], [sflag:$0x3], $0x9A00, s28, s26, $0x38;
	[tilespmem:$0x13500] =	vst v63  }
0x1d5: {  	_ =	swait.ge [sflag:s31], $0x9A00  }
0x1d6: {  	[sflag:s31] =	ssyncset.done $0x0  }
0x1d7: {  	[sflag:s31] =	ssyncadd.s32 $0xFFFF6600  }
0x1d8: {  	v2 =	vld.msk [tilespmem:$0x13440], $0x1;
	_ =	sdelay $0x4  }
0x1d9: {  	v3 =	vshrl.u32 v2, $0x2  }
0x1da: {  	v3 =	vmul.u32 $0x4D0, v3  }
0x1db: {  	v2 =	vand.u32 $0x3, v2  }
0x1dc: {  	v2 =	vor.u32 v2, v3  }
0x1dd: {  	v2 =	vperm.xlane v2, v0;
	_ =	sdelay $0x1  }
0x1de: {  	v2 =	vadd.s32 v1, v2;
	_ =	sdelay $0x4  }
0x1df: {  	[tilespmem:s2], [sflag:$0x1] =	stream.indirect_vreg.gather [hbm4b:s4+s2], $0x80, v2, vm0, $0xb8;
	[tilespmem:$0x13500] =	vst v63  }
0x1e0: {  	s0 =	simm.s32 $0x800  }
0x1e1: {  	[tilespmem:s0], [sflag:$0x1] =	stream.indirect_vreg.gather [hbm4b:s5+s2], $0x80, v2, vm0, $0xb8;
	[tilespmem:$0x13500] =	vst v63  }
0x1e2: {  	s0 =	simm.s32 $0x1000  }
0x1e3: {  	[tilespmem:s0], [sflag:$0x1] =	stream.indirect_vreg.gather [hbm4b:s6+s2], $0x80, v2, vm0, $0xb8;
	[tilespmem:$0x13500] =	vst v63  }
0x1e4: {  	s0 =	simm.s32 $0x1800  }
0x1e5: {  	[tilespmem:s0], [sflag:$0x1] =	stream.indirect_vreg.gather [hbm4b:s7+s2], $0x80, v2, vm0, $0xb8;
	[tilespmem:$0x13500] =	vst v63  }
0x1e6: {  	s0 =	simm.s32 $0x2000  }
0x1e7: {  	[tilespmem:s0], [sflag:$0x1] =	stream.indirect_vreg.gather [hbm4b:s8+s2], $0x80, v2, vm0, $0xb8;
	[tilespmem:$0x13500] =	vst v63  }
0x1e8: {  	s0 =	simm.s32 $0x2800  }
0x1e9: {  	[tilespmem:s0], [sflag:$0x1] =	stream.indirect_vreg.gather [hbm4b:s9+s2], $0x80, v2, vm0, $0xb8;
	[tilespmem:$0x13500] =	vst v63  }
0x1ea: {  	s0 =	simm.s32 $0x3000  }
0x1eb: {  	[tilespmem:s0], [sflag:$0x1] =	stream.indirect_vreg.gather [hbm4b:s10+s2], $0x80, v2, vm0, $0xb8;
	[tilespmem:$0x13500] =	vst v63  }
0x1ec: {  	s0 =	simm.s32 $0x3800  }
0x1ed: {  	[tilespmem:s0], [sflag:$0x1] =	stream.indirect_vreg.gather [hbm4b:s11+s2], $0x80, v2, vm0, $0xb8;
	[tilespmem:$0x13500] =	vst v63  }
0x1ee: {  	s0 =	simm.s32 $0x4000  }
0x1ef: {  	[tilespmem:s0], [sflag:$0x1] =	stream.indirect_vreg.gather [hbm4b:s12+s2], $0x80, v2, vm0, $0xb8;
	[tilespmem:$0x13500] =	vst v63  }
0x1f0: {  	s0 =	simm.s32 $0x4800  }
0x1f1: {  	[tilespmem:s0], [sflag:$0x1] =	stream.indirect_vreg.gather [hbm4b:s13+s2], $0x80, v2, vm0, $0xb8;
	[tilespmem:$0x13500] =	vst v63  }
0x1f2: {  	s0 =	simm.s32 $0x5000  }
0x1f3: {  	[tilespmem:s0], [sflag:$0x1] =	stream.indirect_vreg.gather [hbm4b:s14+s2], $0x80, v2, vm0, $0xb8;
	[tilespmem:$0x13500] =	vst v63  }
0x1f4: {  	s0 =	simm.s32 $0x5800  }
0x1f5: {  	[tilespmem:s0], [sflag:$0x1] =	stream.indirect_vreg.gather [hbm4b:s15+s2], $0x80, v2, vm0, $0xb8;
	[tilespmem:$0x13500] =	vst v63  }
0x1f6: {  	s0 =	simm.s32 $0x6000  }
0x1f7: {  	[tilespmem:s0], [sflag:$0x1] =	stream.indirect_vreg.gather [hbm4b:s16+s2], $0x80, v2, vm0, $0xb8;
	[tilespmem:$0x13500] =	vst v63  }
0x1f8: {  	s0 =	simm.s32 $0x6800  }
0x1f9: {  	[tilespmem:s0], [sflag:$0x1] =	stream.indirect_vreg.gather [hbm4b:s17+s2], $0x80, v2, vm0, $0xb8;
	[tilespmem:$0x13500] =	vst v63  }
0x1fa: {  	s0 =	simm.s32 $0x7000  }
0x1fb: {  	[tilespmem:s0], [sflag:$0x1] =	stream.indirect_vreg.gather [hbm4b:s18+s2], $0x80, v2, vm0, $0xb8;
	[tilespmem:$0x13500] =	vst v63  }
0x1fc: {  	s0 =	simm.s32 $0x7800  }
0x1fd: {  	[tilespmem:s0], [sflag:$0x1] =	stream.indirect_vreg.gather [hbm4b:s19+s2], $0x80, v2, vm0, $0xb8;
	[tilespmem:$0x13500] =	vst v63  }
0x1fe: {  	s0 =	simm.s32 $0x8000  }
0x1ff: {  	[tilespmem:s0], [sflag:$0x1] =	stream.indirect_vreg.gather [hbm4b:s20+s2], $0x80, v2, vm0, $0xb8;
	[tilespmem:$0x13500] =	vst v63  }
0x200: {  	s0 =	simm.s32 $0x8800  }
0x201: {  	[tilespmem:s0], [sflag:$0x1] =	stream.indirect_vreg.gather [hbm4b:s21+s2], $0x80, v2, vm0, $0xb8;
	[tilespmem:$0x13500] =	vst v63  }
0x202: {  	s0 =	simm.s32 $0x9000  }
0x203: {  	[tilespmem:s0], [sflag:$0x1] =	stream.indirect_vreg.gather [hbm4b:s22+s2], $0x80, v2, vm0, $0xb8;
	[tilespmem:$0x13500] =	vst v63  }
0x204: {  	s0 =	simm.s32 $0x9800  }
0x205: {  	[tilespmem:s0], [sflag:$0x1] =	stream.indirect_vreg.gather [hbm4b:s23+s2], $0x80, v2, vm1, $0xb8;
	[tilespmem:$0x13500] =	vst v63  }
0x206: {  	_ =	swait.ge [sflag:s24], $0x9A00  }
0x207: {  	[sflag:s24] =	ssyncset.done $0x0  }
0x208: {  	s0 =	rddreg [dreg:$0xb];
	[sflag:s24] =	ssyncadd.s32 $0xFFFF6600  }
0x209: {  	[hbm4b:s0+s26] =	stream.strided.scatter [tilespmem:s2], [sflag:$0x2], $0x9A00, s28, s26, $0x38;
	[tilespmem:$0x13500] =	vst v63  }
0x20a: {  	_ =	swait.ge [sflag:s1], $0x9A00  }
0x20b: {  	[sflag:s1] =	ssyncset.done $0x0  }
0x20c: {  	[sflag:s1] =	ssyncadd.s32 $0xFFFF6600  }
0x20d: {  	v2 =	vld.msk [tilespmem:$0x13448], $0x1;
	_ =	sdelay $0x4  }
0x20e: {  	v3 =	vshrl.u32 v2, $0x2  }
0x20f: {  	v3 =	vmul.u32 $0x4D0, v3  }
0x210: {  	v2 =	vand.u32 $0x3, v2  }
0x211: {  	v2 =	vor.u32 v2, v3  }
0x212: {  	v2 =	vperm.xlane v2, v0;
	_ =	sdelay $0x1  }
0x213: {  	v2 =	vadd.s32 v1, v2;
	_ =	sdelay $0x4  }
0x214: {  	[tilespmem:s29], [sflag:$0x1] =	stream.indirect_vreg.gather [hbm4b:s4+s2], $0x80, v2, vm0, $0xb8;
	[tilespmem:$0x13500] =	vst v63  }
0x215: {  	s0 =	simm.s32 $0xA200  }
0x216: {  	[tilespmem:s0], [sflag:$0x1] =	stream.indirect_vreg.gather [hbm4b:s5+s2], $0x80, v2, vm0, $0xb8;
	[tilespmem:$0x13500] =	vst v63  }
0x217: {  	s0 =	simm.s32 $0xAA00  }
0x218: {  	[tilespmem:s0], [sflag:$0x1] =	stream.indirect_vreg.gather [hbm4b:s6+s2], $0x80, v2, vm0, $0xb8;
	[tilespmem:$0x13500] =	vst v63  }
0x219: {  	s30 =	simm.s32 $0xB200  }
0x21a: {  	[tilespmem:s30], [sflag:$0x1] =	stream.indirect_vreg.gather [hbm4b:s7+s2], $0x80, v2, vm0, $0xb8;
	[tilespmem:$0x13500] =	vst v63  }
0x21b: {  	s25 =	simm.s32 $0xBA00  }
0x21c: {  	[tilespmem:s25], [sflag:$0x1] =	stream.indirect_vreg.gather [hbm4b:s8+s2], $0x80, v2, vm0, $0xb8;
	[tilespmem:$0x13500] =	vst v63  }
0x21d: {  	s3 =	simm.s32 $0xC200  }
0x21e: {  	[tilespmem:s3], [sflag:$0x1] =	stream.indirect_vreg.gather [hbm4b:s9+s2], $0x80, v2, vm0, $0xb8;
	[tilespmem:$0x13500] =	vst v63  }
0x21f: {  	s25 =	simm.s32 $0xCA00  }
0x220: {  	[tilespmem:s25], [sflag:$0x1] =	stream.indirect_vreg.gather [hbm4b:s10+s2], $0x80, v2, vm0, $0xb8;
	[tilespmem:$0x13500] =	vst v63  }
0x221: {  	s0 =	simm.s32 $0xD200  }
0x222: {  	[tilespmem:s0], [sflag:$0x1] =	stream.indirect_vreg.gather [hbm4b:s11+s2], $0x80, v2, vm0, $0xb8;
	[tilespmem:$0x13500] =	vst v63  }
0x223: {  	s0 =	simm.s32 $0xDA00  }
0x224: {  	[tilespmem:s0], [sflag:$0x1] =	stream.indirect_vreg.gather [hbm4b:s12+s2], $0x80, v2, vm0, $0xb8;
	[tilespmem:$0x13500] =	vst v63  }
0x225: {  	s0 =	simm.s32 $0xE200  }
0x226: {  	[tilespmem:s0], [sflag:$0x1] =	stream.indirect_vreg.gather [hbm4b:s13+s2], $0x80, v2, vm0, $0xb8;
	[tilespmem:$0x13500] =	vst v63  }
0x227: {  	s0 =	simm.s32 $0xEA00  }
0x228: {  	[tilespmem:s0], [sflag:$0x1] =	stream.indirect_vreg.gather [hbm4b:s14+s2], $0x80, v2, vm0, $0xb8;
	[tilespmem:$0x13500] =	vst v63  }
0x229: {  	s0 =	simm.s32 $0xF200  }
0x22a: {  	[tilespmem:s0], [sflag:$0x1] =	stream.indirect_vreg.gather [hbm4b:s15+s2], $0x80, v2, vm0, $0xb8;
	[tilespmem:$0x13500] =	vst v63  }
0x22b: {  	s0 =	simm.s32 $0xFA00  }
0x22c: {  	[tilespmem:s0], [sflag:$0x1] =	stream.indirect_vreg.gather [hbm4b:s16+s2], $0x80, v2, vm0, $0xb8;
	[tilespmem:$0x13500] =	vst v63  }
0x22d: {  	s0 =	simm.s32 $0x10200  }
0x22e: {  	[tilespmem:s0], [sflag:$0x1] =	stream.indirect_vreg.gather [hbm4b:s17+s2], $0x80, v2, vm0, $0xb8;
	[tilespmem:$0x13500] =	vst v63  }
0x22f: {  	s0 =	simm.s32 $0x10A00  }
0x230: {  	[tilespmem:s0], [sflag:$0x1] =	stream.indirect_vreg.gather [hbm4b:s18+s2], $0x80, v2, vm0, $0xb8;
	[tilespmem:$0x13500] =	vst v63  }
0x231: {  	s0 =	simm.s32 $0x11200  }
0x232: {  	[tilespmem:s0], [sflag:$0x1] =	stream.indirect_vreg.gather [hbm4b:s19+s2], $0x80, v2, vm0, $0xb8;
	[tilespmem:$0x13500] =	vst v63  }
0x233: {  	s0 =	simm.s32 $0x11A00  }
0x234: {  	[tilespmem:s0], [sflag:$0x1] =	stream.indirect_vreg.gather [hbm4b:s20+s2], $0x80, v2, vm0, $0xb8;
	[tilespmem:$0x13500] =	vst v63  }
0x235: {  	s0 =	simm.s32 $0x12200  }
0x236: {  	[tilespmem:s0], [sflag:$0x1] =	stream.indirect_vreg.gather [hbm4b:s21+s2], $0x80, v2, vm0, $0xb8;
	[tilespmem:$0x13500] =	vst v63  }
0x237: {  	s0 =	simm.s32 $0x12A00  }
0x238: {  	[tilespmem:s0], [sflag:$0x1] =	stream.indirect_vreg.gather [hbm4b:s22+s2], $0x80, v2, vm0, $0xb8;
	[tilespmem:$0x13500] =	vst v63  }
0x239: {  	s0 =	simm.s32 $0x13200  }
0x23a: {  	[tilespmem:s0], [sflag:$0x1] =	stream.indirect_vreg.gather [hbm4b:s23+s2], $0x80, v2, vm1, $0xb8;
	[tilespmem:$0x13500] =	vst v63  }
0x23b: {  	_ =	swait.ge [sflag:s24], $0x9A00  }
0x23c: {  	[sflag:s24] =	ssyncset.done $0x0  }
0x23d: {  	s0 =	rddreg [dreg:$0xc];
	[sflag:s24] =	ssyncadd.s32 $0xFFFF6600  }
0x23e: {  	[hbm4b:s0+s26] =	stream.strided.scatter [tilespmem:s29], [sflag:$0x3], $0x9A00, s28, s26, $0x38;
	[tilespmem:$0x13500] =	vst v63  }
0x23f: {  	_ =	swait.ge [sflag:s31], $0x9A00  }
0x240: {  	[sflag:s31] =	ssyncset.done $0x0  }
0x241: {  	[sflag:s31] =	ssyncadd.s32 $0xFFFF6600  }
0x242: {  	v2 =	vld.msk [tilespmem:$0x13450], $0x1;
	_ =	sdelay $0x4  }
0x243: {  	v3 =	vshrl.u32 v2, $0x2  }
0x244: {  	v3 =	vmul.u32 $0x4D0, v3  }
0x245: {  	v2 =	vand.u32 $0x3, v2  }
0x246: {  	v2 =	vor.u32 v2, v3  }
0x247: {  	v2 =	vperm.xlane v2, v0;
	_ =	sdelay $0x1  }
0x248: {  	v2 =	vadd.s32 v1, v2;
	_ =	sdelay $0x4  }
0x249: {  	[tilespmem:s2], [sflag:$0x1] =	stream.indirect_vreg.gather [hbm4b:s4+s2], $0x80, v2, vm0, $0xb8;
	[tilespmem:$0x13500] =	vst v63  }
0x24a: {  	s0 =	simm.s32 $0x800  }
0x24b: {  	[tilespmem:s0], [sflag:$0x1] =	stream.indirect_vreg.gather [hbm4b:s5+s2], $0x80, v2, vm0, $0xb8;
	[tilespmem:$0x13500] =	vst v63  }
0x24c: {  	s0 =	simm.s32 $0x1000  }
0x24d: {  	[tilespmem:s0], [sflag:$0x1] =	stream.indirect_vreg.gather [hbm4b:s6+s2], $0x80, v2, vm0, $0xb8;
	[tilespmem:$0x13500] =	vst v63  }
0x24e: {  	s0 =	simm.s32 $0x1800  }
0x24f: {  	[tilespmem:s0], [sflag:$0x1] =	stream.indirect_vreg.gather [hbm4b:s7+s2], $0x80, v2, vm0, $0xb8;
	[tilespmem:$0x13500] =	vst v63  }
0x250: {  	s0 =	simm.s32 $0x2000  }
0x251: {  	[tilespmem:s0], [sflag:$0x1] =	stream.indirect_vreg.gather [hbm4b:s8+s2], $0x80, v2, vm0, $0xb8;
	[tilespmem:$0x13500] =	vst v63  }
0x252: {  	s0 =	simm.s32 $0x2800  }
0x253: {  	[tilespmem:s0], [sflag:$0x1] =	stream.indirect_vreg.gather [hbm4b:s9+s2], $0x80, v2, vm0, $0xb8;
	[tilespmem:$0x13500] =	vst v63  }
0x254: {  	s0 =	simm.s32 $0x3000  }
0x255: {  	[tilespmem:s0], [sflag:$0x1] =	stream.indirect_vreg.gather [hbm4b:s10+s2], $0x80, v2, vm0, $0xb8;
	[tilespmem:$0x13500] =	vst v63  }
0x256: {  	s0 =	simm.s32 $0x3800  }
0x257: {  	[tilespmem:s0], [sflag:$0x1] =	stream.indirect_vreg.gather [hbm4b:s11+s2], $0x80, v2, vm0, $0xb8;
	[tilespmem:$0x13500] =	vst v63  }
0x258: {  	s0 =	simm.s32 $0x4000  }
0x259: {  	[tilespmem:s0], [sflag:$0x1] =	stream.indirect_vreg.gather [hbm4b:s12+s2], $0x80, v2, vm0, $0xb8;
	[tilespmem:$0x13500] =	vst v63  }
0x25a: {  	s0 =	simm.s32 $0x4800  }
0x25b: {  	[tilespmem:s0], [sflag:$0x1] =	stream.indirect_vreg.gather [hbm4b:s13+s2], $0x80, v2, vm0, $0xb8;
	[tilespmem:$0x13500] =	vst v63  }
0x25c: {  	s0 =	simm.s32 $0x5000  }
0x25d: {  	[tilespmem:s0], [sflag:$0x1] =	stream.indirect_vreg.gather [hbm4b:s14+s2], $0x80, v2, vm0, $0xb8;
	[tilespmem:$0x13500] =	vst v63  }
0x25e: {  	s0 =	simm.s32 $0x5800  }
0x25f: {  	[tilespmem:s0], [sflag:$0x1] =	stream.indirect_vreg.gather [hbm4b:s15+s2], $0x80, v2, vm0, $0xb8;
	[tilespmem:$0x13500] =	vst v63  }
0x260: {  	s0 =	simm.s32 $0x6000  }
0x261: {  	[tilespmem:s0], [sflag:$0x1] =	stream.indirect_vreg.gather [hbm4b:s16+s2], $0x80, v2, vm0, $0xb8;
	[tilespmem:$0x13500] =	vst v63  }
0x262: {  	s0 =	simm.s32 $0x6800  }
0x263: {  	[tilespmem:s0], [sflag:$0x1] =	stream.indirect_vreg.gather [hbm4b:s17+s2], $0x80, v2, vm0, $0xb8;
	[tilespmem:$0x13500] =	vst v63  }
0x264: {  	s0 =	simm.s32 $0x7000  }
0x265: {  	[tilespmem:s0], [sflag:$0x1] =	stream.indirect_vreg.gather [hbm4b:s18+s2], $0x80, v2, vm0, $0xb8;
	[tilespmem:$0x13500] =	vst v63  }
0x266: {  	s0 =	simm.s32 $0x7800  }
0x267: {  	[tilespmem:s0], [sflag:$0x1] =	stream.indirect_vreg.gather [hbm4b:s19+s2], $0x80, v2, vm0, $0xb8;
	[tilespmem:$0x13500] =	vst v63  }
0x268: {  	s0 =	simm.s32 $0x8000  }
0x269: {  	[tilespmem:s0], [sflag:$0x1] =	stream.indirect_vreg.gather [hbm4b:s20+s2], $0x80, v2, vm0, $0xb8;
	[tilespmem:$0x13500] =	vst v63  }
0x26a: {  	s0 =	simm.s32 $0x8800  }
0x26b: {  	[tilespmem:s0], [sflag:$0x1] =	stream.indirect_vreg.gather [hbm4b:s21+s2], $0x80, v2, vm0, $0xb8;
	[tilespmem:$0x13500] =	vst v63  }
0x26c: {  	s0 =	simm.s32 $0x9000  }
0x26d: {  	[tilespmem:s0], [sflag:$0x1] =	stream.indirect_vreg.gather [hbm4b:s22+s2], $0x80, v2, vm0, $0xb8;
	[tilespmem:$0x13500] =	vst v63  }
0x26e: {  	s0 =	simm.s32 $0x9800  }
0x26f: {  	[tilespmem:s0], [sflag:$0x1] =	stream.indirect_vreg.gather [hbm4b:s23+s2], $0x80, v2, vm1, $0xb8;
	[tilespmem:$0x13500] =	vst v63  }
0x270: {  	_ =	swait.ge [sflag:s24], $0x9A00  }
0x271: {  	[sflag:s24] =	ssyncset.done $0x0  }
0x272: {  	s0 =	rddreg [dreg:$0xd];
	[sflag:s24] =	ssyncadd.s32 $0xFFFF6600  }
0x273: {  	[hbm4b:s0+s26] =	stream.strided.scatter [tilespmem:s2], [sflag:$0x2], $0x9A00, s28, s26, $0x38;
	[tilespmem:$0x13500] =	vst v63  }
0x274: {  	_ =	swait.ge [sflag:s1], $0x9A00  }
0x275: {  	[sflag:s1] =	ssyncset.done $0x0  }
0x276: {  	[sflag:s1] =	ssyncadd.s32 $0xFFFF6600  }
0x277: {  	v2 =	vld.msk [tilespmem:$0x13458], $0x1;
	_ =	sdelay $0x4  }
0x278: {  	v3 =	vshrl.u32 v2, $0x2  }
0x279: {  	v3 =	vmul.u32 $0x4D0, v3  }
0x27a: {  	v2 =	vand.u32 $0x3, v2  }
0x27b: {  	v2 =	vor.u32 v2, v3  }
0x27c: {  	v2 =	vperm.xlane v2, v0;
	_ =	sdelay $0x1  }
0x27d: {  	v2 =	vadd.s32 v1, v2;
	_ =	sdelay $0x4  }
0x27e: {  	[tilespmem:s29], [sflag:$0x1] =	stream.indirect_vreg.gather [hbm4b:s4+s2], $0x80, v2, vm0, $0xb8;
	[tilespmem:$0x13500] =	vst v63  }
0x27f: {  	s0 =	simm.s32 $0xA200  }
0x280: {  	[tilespmem:s0], [sflag:$0x1] =	stream.indirect_vreg.gather [hbm4b:s5+s2], $0x80, v2, vm0, $0xb8;
	[tilespmem:$0x13500] =	vst v63  }
0x281: {  	s0 =	simm.s32 $0xAA00  }
0x282: {  	[tilespmem:s0], [sflag:$0x1] =	stream.indirect_vreg.gather [hbm4b:s6+s2], $0x80, v2, vm0, $0xb8;
	[tilespmem:$0x13500] =	vst v63  }
0x283: {  	s0 =	simm.s32 $0xB200  }
0x284: {  	[tilespmem:s0], [sflag:$0x1] =	stream.indirect_vreg.gather [hbm4b:s7+s2], $0x80, v2, vm0, $0xb8;
	[tilespmem:$0x13500] =	vst v63  }
0x285: {  	s30 =	simm.s32 $0xBA00  }
0x286: {  	[tilespmem:s30], [sflag:$0x1] =	stream.indirect_vreg.gather [hbm4b:s8+s2], $0x80, v2, vm0, $0xb8;
	[tilespmem:$0x13500] =	vst v63  }
0x287: {  	s3 =	simm.s32 $0xC200  }
0x288: {  	[tilespmem:s3], [sflag:$0x1] =	stream.indirect_vreg.gather [hbm4b:s9+s2], $0x80, v2, vm0, $0xb8;
	[tilespmem:$0x13500] =	vst v63  }
0x289: {  	s25 =	simm.s32 $0xCA00  }
0x28a: {  	[tilespmem:s25], [sflag:$0x1] =	stream.indirect_vreg.gather [hbm4b:s10+s2], $0x80, v2, vm0, $0xb8;
	[tilespmem:$0x13500] =	vst v63  }
0x28b: {  	s0 =	simm.s32 $0xD200  }
0x28c: {  	[tilespmem:s0], [sflag:$0x1] =	stream.indirect_vreg.gather [hbm4b:s11+s2], $0x80, v2, vm0, $0xb8;
	[tilespmem:$0x13500] =	vst v63  }
0x28d: {  	s0 =	simm.s32 $0xDA00  }
0x28e: {  	[tilespmem:s0], [sflag:$0x1] =	stream.indirect_vreg.gather [hbm4b:s12+s2], $0x80, v2, vm0, $0xb8;
	[tilespmem:$0x13500] =	vst v63  }
0x28f: {  	s0 =	simm.s32 $0xE200  }
0x290: {  	[tilespmem:s0], [sflag:$0x1] =	stream.indirect_vreg.gather [hbm4b:s13+s2], $0x80, v2, vm0, $0xb8;
	[tilespmem:$0x13500] =	vst v63  }
0x291: {  	s0 =	simm.s32 $0xEA00  }
0x292: {  	[tilespmem:s0], [sflag:$0x1] =	stream.indirect_vreg.gather [hbm4b:s14+s2], $0x80, v2, vm0, $0xb8;
	[tilespmem:$0x13500] =	vst v63  }
0x293: {  	s0 =	simm.s32 $0xF200  }
0x294: {  	[tilespmem:s0], [sflag:$0x1] =	stream.indirect_vreg.gather [hbm4b:s15+s2], $0x80, v2, vm0, $0xb8;
	[tilespmem:$0x13500] =	vst v63  }
0x295: {  	s0 =	simm.s32 $0xFA00  }
0x296: {  	[tilespmem:s0], [sflag:$0x1] =	stream.indirect_vreg.gather [hbm4b:s16+s2], $0x80, v2, vm0, $0xb8;
	[tilespmem:$0x13500] =	vst v63  }
0x297: {  	s0 =	simm.s32 $0x10200  }
0x298: {  	[tilespmem:s0], [sflag:$0x1] =	stream.indirect_vreg.gather [hbm4b:s17+s2], $0x80, v2, vm0, $0xb8;
	[tilespmem:$0x13500] =	vst v63  }
0x299: {  	s0 =	simm.s32 $0x10A00  }
0x29a: {  	[tilespmem:s0], [sflag:$0x1] =	stream.indirect_vreg.gather [hbm4b:s18+s2], $0x80, v2, vm0, $0xb8;
	[tilespmem:$0x13500] =	vst v63  }
0x29b: {  	s0 =	simm.s32 $0x11200  }
0x29c: {  	[tilespmem:s0], [sflag:$0x1] =	stream.indirect_vreg.gather [hbm4b:s19+s2], $0x80, v2, vm0, $0xb8;
	[tilespmem:$0x13500] =	vst v63  }
0x29d: {  	s0 =	simm.s32 $0x11A00  }
0x29e: {  	[tilespmem:s0], [sflag:$0x1] =	stream.indirect_vreg.gather [hbm4b:s20+s2], $0x80, v2, vm0, $0xb8;
	[tilespmem:$0x13500] =	vst v63  }
0x29f: {  	s0 =	simm.s32 $0x12200  }
0x2a0: {  	[tilespmem:s0], [sflag:$0x1] =	stream.indirect_vreg.gather [hbm4b:s21+s2], $0x80, v2, vm0, $0xb8;
	[tilespmem:$0x13500] =	vst v63  }
0x2a1: {  	s0 =	simm.s32 $0x12A00  }
0x2a2: {  	[tilespmem:s0], [sflag:$0x1] =	stream.indirect_vreg.gather [hbm4b:s22+s2], $0x80, v2, vm0, $0xb8;
	[tilespmem:$0x13500] =	vst v63  }
0x2a3: {  	s0 =	simm.s32 $0x13200  }
0x2a4: {  	[tilespmem:s0], [sflag:$0x1] =	stream.indirect_vreg.gather [hbm4b:s23+s2], $0x80, v2, vm1, $0xb8;
	[tilespmem:$0x13500] =	vst v63  }
0x2a5: {  	_ =	swait.ge [sflag:s24], $0x9A00  }
0x2a6: {  	[sflag:s24] =	ssyncset.done $0x0  }
0x2a7: {  	s0 =	rddreg [dreg:$0xe];
	[sflag:s24] =	ssyncadd.s32 $0xFFFF6600  }
0x2a8: {  	[hbm4b:s0+s26] =	stream.strided.scatter [tilespmem:s29], [sflag:$0x3], $0x9A00, s28, s26, $0x38;
	[tilespmem:$0x13500] =	vst v63  }
0x2a9: {  	_ =	swait.ge [sflag:s31], $0x9A00  }
0x2aa: {  	[sflag:s31] =	ssyncset.done $0x0  }
0x2ab: {  	[sflag:s31] =	ssyncadd.s32 $0xFFFF6600  }
0x2ac: {  	v2 =	vld.msk [tilespmem:$0x13460], $0x1;
	_ =	sdelay $0x4  }
0x2ad: {  	v3 =	vshrl.u32 v2, $0x2  }
0x2ae: {  	v3 =	vmul.u32 $0x4D0, v3  }
0x2af: {  	v2 =	vand.u32 $0x3, v2  }
0x2b0: {  	v2 =	vor.u32 v2, v3  }
0x2b1: {  	v2 =	vperm.xlane v2, v0;
	_ =	sdelay $0x1  }
0x2b2: {  	v2 =	vadd.s32 v1, v2;
	_ =	sdelay $0x4  }
0x2b3: {  	[tilespmem:s2], [sflag:$0x1] =	stream.indirect_vreg.gather [hbm4b:s4+s2], $0x80, v2, vm0, $0xb8;
	[tilespmem:$0x13500] =	vst v63  }
0x2b4: {  	s0 =	simm.s32 $0x800  }
0x2b5: {  	[tilespmem:s0], [sflag:$0x1] =	stream.indirect_vreg.gather [hbm4b:s5+s2], $0x80, v2, vm0, $0xb8;
	[tilespmem:$0x13500] =	vst v63  }
0x2b6: {  	s0 =	simm.s32 $0x1000  }
0x2b7: {  	[tilespmem:s0], [sflag:$0x1] =	stream.indirect_vreg.gather [hbm4b:s6+s2], $0x80, v2, vm0, $0xb8;
	[tilespmem:$0x13500] =	vst v63  }
0x2b8: {  	s0 =	simm.s32 $0x1800  }
0x2b9: {  	[tilespmem:s0], [sflag:$0x1] =	stream.indirect_vreg.gather [hbm4b:s7+s2], $0x80, v2, vm0, $0xb8;
	[tilespmem:$0x13500] =	vst v63  }
0x2ba: {  	s0 =	simm.s32 $0x2000  }
0x2bb: {  	[tilespmem:s0], [sflag:$0x1] =	stream.indirect_vreg.gather [hbm4b:s8+s2], $0x80, v2, vm0, $0xb8;
	[tilespmem:$0x13500] =	vst v63  }
0x2bc: {  	s0 =	simm.s32 $0x2800  }
0x2bd: {  	[tilespmem:s0], [sflag:$0x1] =	stream.indirect_vreg.gather [hbm4b:s9+s2], $0x80, v2, vm0, $0xb8;
	[tilespmem:$0x13500] =	vst v63  }
0x2be: {  	s0 =	simm.s32 $0x3000  }
0x2bf: {  	[tilespmem:s0], [sflag:$0x1] =	stream.indirect_vreg.gather [hbm4b:s10+s2], $0x80, v2, vm0, $0xb8;
	[tilespmem:$0x13500] =	vst v63  }
0x2c0: {  	s0 =	simm.s32 $0x3800  }
0x2c1: {  	[tilespmem:s0], [sflag:$0x1] =	stream.indirect_vreg.gather [hbm4b:s11+s2], $0x80, v2, vm0, $0xb8;
	[tilespmem:$0x13500] =	vst v63  }
0x2c2: {  	s0 =	simm.s32 $0x4000  }
0x2c3: {  	[tilespmem:s0], [sflag:$0x1] =	stream.indirect_vreg.gather [hbm4b:s12+s2], $0x80, v2, vm0, $0xb8;
	[tilespmem:$0x13500] =	vst v63  }
0x2c4: {  	s0 =	simm.s32 $0x4800  }
0x2c5: {  	[tilespmem:s0], [sflag:$0x1] =	stream.indirect_vreg.gather [hbm4b:s13+s2], $0x80, v2, vm0, $0xb8;
	[tilespmem:$0x13500] =	vst v63  }
0x2c6: {  	s0 =	simm.s32 $0x5000  }
0x2c7: {  	[tilespmem:s0], [sflag:$0x1] =	stream.indirect_vreg.gather [hbm4b:s14+s2], $0x80, v2, vm0, $0xb8;
	[tilespmem:$0x13500] =	vst v63  }
0x2c8: {  	s0 =	simm.s32 $0x5800  }
0x2c9: {  	[tilespmem:s0], [sflag:$0x1] =	stream.indirect_vreg.gather [hbm4b:s15+s2], $0x80, v2, vm0, $0xb8;
	[tilespmem:$0x13500] =	vst v63  }
0x2ca: {  	s0 =	simm.s32 $0x6000  }
0x2cb: {  	[tilespmem:s0], [sflag:$0x1] =	stream.indirect_vreg.gather [hbm4b:s16+s2], $0x80, v2, vm0, $0xb8;
	[tilespmem:$0x13500] =	vst v63  }
0x2cc: {  	s0 =	simm.s32 $0x6800  }
0x2cd: {  	[tilespmem:s0], [sflag:$0x1] =	stream.indirect_vreg.gather [hbm4b:s17+s2], $0x80, v2, vm0, $0xb8;
	[tilespmem:$0x13500] =	vst v63  }
0x2ce: {  	s0 =	simm.s32 $0x7000  }
0x2cf: {  	[tilespmem:s0], [sflag:$0x1] =	stream.indirect_vreg.gather [hbm4b:s18+s2], $0x80, v2, vm0, $0xb8;
	[tilespmem:$0x13500] =	vst v63  }
0x2d0: {  	s0 =	simm.s32 $0x7800  }
0x2d1: {  	[tilespmem:s0], [sflag:$0x1] =	stream.indirect_vreg.gather [hbm4b:s19+s2], $0x80, v2, vm0, $0xb8;
	[tilespmem:$0x13500] =	vst v63  }
0x2d2: {  	s0 =	simm.s32 $0x8000  }
0x2d3: {  	[tilespmem:s0], [sflag:$0x1] =	stream.indirect_vreg.gather [hbm4b:s20+s2], $0x80, v2, vm0, $0xb8;
	[tilespmem:$0x13500] =	vst v63  }
0x2d4: {  	s0 =	simm.s32 $0x8800  }
0x2d5: {  	[tilespmem:s0], [sflag:$0x1] =	stream.indirect_vreg.gather [hbm4b:s21+s2], $0x80, v2, vm0, $0xb8;
	[tilespmem:$0x13500] =	vst v63  }
0x2d6: {  	s0 =	simm.s32 $0x9000  }
0x2d7: {  	[tilespmem:s0], [sflag:$0x1] =	stream.indirect_vreg.gather [hbm4b:s22+s2], $0x80, v2, vm0, $0xb8;
	[tilespmem:$0x13500] =	vst v63  }
0x2d8: {  	s0 =	simm.s32 $0x9800  }
0x2d9: {  	[tilespmem:s0], [sflag:$0x1] =	stream.indirect_vreg.gather [hbm4b:s23+s2], $0x80, v2, vm1, $0xb8;
	[tilespmem:$0x13500] =	vst v63  }
0x2da: {  	_ =	swait.ge [sflag:s24], $0x9A00  }
0x2db: {  	[sflag:s24] =	ssyncset.done $0x0  }
0x2dc: {  	s0 =	rddreg [dreg:$0xf];
	[sflag:s24] =	ssyncadd.s32 $0xFFFF6600  }
0x2dd: {  	[hbm4b:s0+s26] =	stream.strided.scatter [tilespmem:s2], [sflag:$0x2], $0x9A00, s28, s26, $0x38;
	[tilespmem:$0x13500] =	vst v63  }
0x2de: {  	_ =	swait.ge [sflag:s1], $0x9A00  }
0x2df: {  	[sflag:s1] =	ssyncset.done $0x0  }
0x2e0: {  	[sflag:s1] =	ssyncadd.s32 $0xFFFF6600  }
0x2e1: {  	v2 =	vld.msk [tilespmem:$0x13468], $0x1;
	_ =	sdelay $0x4  }
0x2e2: {  	v3 =	vshrl.u32 v2, $0x2  }
0x2e3: {  	v3 =	vmul.u32 $0x4D0, v3  }
0x2e4: {  	v2 =	vand.u32 $0x3, v2  }
0x2e5: {  	v2 =	vor.u32 v2, v3  }
0x2e6: {  	v2 =	vperm.xlane v2, v0;
	_ =	sdelay $0x1  }
0x2e7: {  	v2 =	vadd.s32 v1, v2;
	_ =	sdelay $0x4  }
0x2e8: {  	[tilespmem:s29], [sflag:$0x1] =	stream.indirect_vreg.gather [hbm4b:s4+s2], $0x80, v2, vm0, $0xb8;
	[tilespmem:$0x13500] =	vst v63  }
0x2e9: {  	s0 =	simm.s32 $0xA200  }
0x2ea: {  	[tilespmem:s0], [sflag:$0x1] =	stream.indirect_vreg.gather [hbm4b:s5+s2], $0x80, v2, vm0, $0xb8;
	[tilespmem:$0x13500] =	vst v63  }
0x2eb: {  	s0 =	simm.s32 $0xAA00  }
0x2ec: {  	[tilespmem:s0], [sflag:$0x1] =	stream.indirect_vreg.gather [hbm4b:s6+s2], $0x80, v2, vm0, $0xb8;
	[tilespmem:$0x13500] =	vst v63  }
0x2ed: {  	s0 =	simm.s32 $0xB200  }
0x2ee: {  	[tilespmem:s0], [sflag:$0x1] =	stream.indirect_vreg.gather [hbm4b:s7+s2], $0x80, v2, vm0, $0xb8;
	[tilespmem:$0x13500] =	vst v63  }
0x2ef: {  	s30 =	simm.s32 $0xBA00  }
0x2f0: {  	[tilespmem:s30], [sflag:$0x1] =	stream.indirect_vreg.gather [hbm4b:s8+s2], $0x80, v2, vm0, $0xb8;
	[tilespmem:$0x13500] =	vst v63  }
0x2f1: {  	s3 =	simm.s32 $0xC200  }
0x2f2: {  	[tilespmem:s3], [sflag:$0x1] =	stream.indirect_vreg.gather [hbm4b:s9+s2], $0x80, v2, vm0, $0xb8;
	[tilespmem:$0x13500] =	vst v63  }
0x2f3: {  	s25 =	simm.s32 $0xCA00  }
0x2f4: {  	[tilespmem:s25], [sflag:$0x1] =	stream.indirect_vreg.gather [hbm4b:s10+s2], $0x80, v2, vm0, $0xb8;
	[tilespmem:$0x13500] =	vst v63  }
0x2f5: {  	s0 =	simm.s32 $0xD200  }
0x2f6: {  	[tilespmem:s0], [sflag:$0x1] =	stream.indirect_vreg.gather [hbm4b:s11+s2], $0x80, v2, vm0, $0xb8;
	[tilespmem:$0x13500] =	vst v63  }
0x2f7: {  	s0 =	simm.s32 $0xDA00  }
0x2f8: {  	[tilespmem:s0], [sflag:$0x1] =	stream.indirect_vreg.gather [hbm4b:s12+s2], $0x80, v2, vm0, $0xb8;
	[tilespmem:$0x13500] =	vst v63  }
0x2f9: {  	s0 =	simm.s32 $0xE200  }
0x2fa: {  	[tilespmem:s0], [sflag:$0x1] =	stream.indirect_vreg.gather [hbm4b:s13+s2], $0x80, v2, vm0, $0xb8;
	[tilespmem:$0x13500] =	vst v63  }
0x2fb: {  	s0 =	simm.s32 $0xEA00  }
0x2fc: {  	[tilespmem:s0], [sflag:$0x1] =	stream.indirect_vreg.gather [hbm4b:s14+s2], $0x80, v2, vm0, $0xb8;
	[tilespmem:$0x13500] =	vst v63  }
0x2fd: {  	s0 =	simm.s32 $0xF200  }
0x2fe: {  	[tilespmem:s0], [sflag:$0x1] =	stream.indirect_vreg.gather [hbm4b:s15+s2], $0x80, v2, vm0, $0xb8;
	[tilespmem:$0x13500] =	vst v63  }
0x2ff: {  	s0 =	simm.s32 $0xFA00  }
0x300: {  	[tilespmem:s0], [sflag:$0x1] =	stream.indirect_vreg.gather [hbm4b:s16+s2], $0x80, v2, vm0, $0xb8;
	[tilespmem:$0x13500] =	vst v63  }
0x301: {  	s0 =	simm.s32 $0x10200  }
0x302: {  	[tilespmem:s0], [sflag:$0x1] =	stream.indirect_vreg.gather [hbm4b:s17+s2], $0x80, v2, vm0, $0xb8;
	[tilespmem:$0x13500] =	vst v63  }
0x303: {  	s0 =	simm.s32 $0x10A00  }
0x304: {  	[tilespmem:s0], [sflag:$0x1] =	stream.indirect_vreg.gather [hbm4b:s18+s2], $0x80, v2, vm0, $0xb8;
	[tilespmem:$0x13500] =	vst v63  }
0x305: {  	s0 =	simm.s32 $0x11200  }
0x306: {  	[tilespmem:s0], [sflag:$0x1] =	stream.indirect_vreg.gather [hbm4b:s19+s2], $0x80, v2, vm0, $0xb8;
	[tilespmem:$0x13500] =	vst v63  }
0x307: {  	s0 =	simm.s32 $0x11A00  }
0x308: {  	[tilespmem:s0], [sflag:$0x1] =	stream.indirect_vreg.gather [hbm4b:s20+s2], $0x80, v2, vm0, $0xb8;
	[tilespmem:$0x13500] =	vst v63  }
0x309: {  	s0 =	simm.s32 $0x12200  }
0x30a: {  	[tilespmem:s0], [sflag:$0x1] =	stream.indirect_vreg.gather [hbm4b:s21+s2], $0x80, v2, vm0, $0xb8;
	[tilespmem:$0x13500] =	vst v63  }
0x30b: {  	s0 =	simm.s32 $0x12A00  }
0x30c: {  	[tilespmem:s0], [sflag:$0x1] =	stream.indirect_vreg.gather [hbm4b:s22+s2], $0x80, v2, vm0, $0xb8;
	[tilespmem:$0x13500] =	vst v63  }
0x30d: {  	s0 =	simm.s32 $0x13200  }
0x30e: {  	[tilespmem:s0], [sflag:$0x1] =	stream.indirect_vreg.gather [hbm4b:s23+s2], $0x80, v2, vm1, $0xb8;
	[tilespmem:$0x13500] =	vst v63  }
0x30f: {  	_ =	swait.ge [sflag:s24], $0x9A00  }
0x310: {  	[sflag:s24] =	ssyncset.done $0x0  }
0x311: {  	s0 =	rddreg [dreg:$0x10];
	[sflag:s24] =	ssyncadd.s32 $0xFFFF6600  }
0x312: {  	[hbm4b:s0+s26] =	stream.strided.scatter [tilespmem:s29], [sflag:$0x3], $0x9A00, s28, s26, $0x38;
	[tilespmem:$0x13500] =	vst v63  }
0x313: {  	_ =	swait.ge [sflag:s31], $0x9A00  }
0x314: {  	[sflag:s31] =	ssyncset.done $0x0  }
0x315: {  	[sflag:s31] =	ssyncadd.s32 $0xFFFF6600  }
0x316: {  	v2 =	vld.msk [tilespmem:$0x13470], $0x1;
	_ =	sdelay $0x4  }
0x317: {  	v3 =	vshrl.u32 v2, $0x2  }
0x318: {  	v3 =	vmul.u32 $0x4D0, v3  }
0x319: {  	v2 =	vand.u32 $0x3, v2  }
0x31a: {  	v2 =	vor.u32 v2, v3  }
0x31b: {  	v2 =	vperm.xlane v2, v0;
	_ =	sdelay $0x1  }
0x31c: {  	v2 =	vadd.s32 v1, v2;
	_ =	sdelay $0x4  }
0x31d: {  	[tilespmem:s2], [sflag:$0x1] =	stream.indirect_vreg.gather [hbm4b:s4+s2], $0x80, v2, vm0, $0xb8;
	[tilespmem:$0x13500] =	vst v63  }
0x31e: {  	s0 =	simm.s32 $0x800  }
0x31f: {  	[tilespmem:s0], [sflag:$0x1] =	stream.indirect_vreg.gather [hbm4b:s5+s2], $0x80, v2, vm0, $0xb8;
	[tilespmem:$0x13500] =	vst v63  }
0x320: {  	s0 =	simm.s32 $0x1000  }
0x321: {  	[tilespmem:s0], [sflag:$0x1] =	stream.indirect_vreg.gather [hbm4b:s6+s2], $0x80, v2, vm0, $0xb8;
	[tilespmem:$0x13500] =	vst v63  }
0x322: {  	s0 =	simm.s32 $0x1800  }
0x323: {  	[tilespmem:s0], [sflag:$0x1] =	stream.indirect_vreg.gather [hbm4b:s7+s2], $0x80, v2, vm0, $0xb8;
	[tilespmem:$0x13500] =	vst v63  }
0x324: {  	s0 =	simm.s32 $0x2000  }
0x325: {  	[tilespmem:s0], [sflag:$0x1] =	stream.indirect_vreg.gather [hbm4b:s8+s2], $0x80, v2, vm0, $0xb8;
	[tilespmem:$0x13500] =	vst v63  }
0x326: {  	s0 =	simm.s32 $0x2800  }
0x327: {  	[tilespmem:s0], [sflag:$0x1] =	stream.indirect_vreg.gather [hbm4b:s9+s2], $0x80, v2, vm0, $0xb8;
	[tilespmem:$0x13500] =	vst v63  }
0x328: {  	s0 =	simm.s32 $0x3000  }
0x329: {  	[tilespmem:s0], [sflag:$0x1] =	stream.indirect_vreg.gather [hbm4b:s10+s2], $0x80, v2, vm0, $0xb8;
	[tilespmem:$0x13500] =	vst v63  }
0x32a: {  	s0 =	simm.s32 $0x3800  }
0x32b: {  	[tilespmem:s0], [sflag:$0x1] =	stream.indirect_vreg.gather [hbm4b:s11+s2], $0x80, v2, vm0, $0xb8;
	[tilespmem:$0x13500] =	vst v63  }
0x32c: {  	s0 =	simm.s32 $0x4000  }
0x32d: {  	[tilespmem:s0], [sflag:$0x1] =	stream.indirect_vreg.gather [hbm4b:s12+s2], $0x80, v2, vm0, $0xb8;
	[tilespmem:$0x13500] =	vst v63  }
0x32e: {  	s0 =	simm.s32 $0x4800  }
0x32f: {  	[tilespmem:s0], [sflag:$0x1] =	stream.indirect_vreg.gather [hbm4b:s13+s2], $0x80, v2, vm0, $0xb8;
	[tilespmem:$0x13500] =	vst v63  }
0x330: {  	s0 =	simm.s32 $0x5000  }
0x331: {  	[tilespmem:s0], [sflag:$0x1] =	stream.indirect_vreg.gather [hbm4b:s14+s2], $0x80, v2, vm0, $0xb8;
	[tilespmem:$0x13500] =	vst v63  }
0x332: {  	s0 =	simm.s32 $0x5800  }
0x333: {  	[tilespmem:s0], [sflag:$0x1] =	stream.indirect_vreg.gather [hbm4b:s15+s2], $0x80, v2, vm0, $0xb8;
	[tilespmem:$0x13500] =	vst v63  }
0x334: {  	s0 =	simm.s32 $0x6000  }
0x335: {  	[tilespmem:s0], [sflag:$0x1] =	stream.indirect_vreg.gather [hbm4b:s16+s2], $0x80, v2, vm0, $0xb8;
	[tilespmem:$0x13500] =	vst v63  }
0x336: {  	s0 =	simm.s32 $0x6800  }
0x337: {  	[tilespmem:s0], [sflag:$0x1] =	stream.indirect_vreg.gather [hbm4b:s17+s2], $0x80, v2, vm0, $0xb8;
	[tilespmem:$0x13500] =	vst v63  }
0x338: {  	s0 =	simm.s32 $0x7000  }
0x339: {  	[tilespmem:s0], [sflag:$0x1] =	stream.indirect_vreg.gather [hbm4b:s18+s2], $0x80, v2, vm0, $0xb8;
	[tilespmem:$0x13500] =	vst v63  }
0x33a: {  	s0 =	simm.s32 $0x7800  }
0x33b: {  	[tilespmem:s0], [sflag:$0x1] =	stream.indirect_vreg.gather [hbm4b:s19+s2], $0x80, v2, vm0, $0xb8;
	[tilespmem:$0x13500] =	vst v63  }
0x33c: {  	s0 =	simm.s32 $0x8000  }
0x33d: {  	[tilespmem:s0], [sflag:$0x1] =	stream.indirect_vreg.gather [hbm4b:s20+s2], $0x80, v2, vm0, $0xb8;
	[tilespmem:$0x13500] =	vst v63  }
0x33e: {  	s0 =	simm.s32 $0x8800  }
0x33f: {  	[tilespmem:s0], [sflag:$0x1] =	stream.indirect_vreg.gather [hbm4b:s21+s2], $0x80, v2, vm0, $0xb8;
	[tilespmem:$0x13500] =	vst v63  }
0x340: {  	s0 =	simm.s32 $0x9000  }
0x341: {  	[tilespmem:s0], [sflag:$0x1] =	stream.indirect_vreg.gather [hbm4b:s22+s2], $0x80, v2, vm0, $0xb8;
	[tilespmem:$0x13500] =	vst v63  }
0x342: {  	s0 =	simm.s32 $0x9800  }
0x343: {  	[tilespmem:s0], [sflag:$0x1] =	stream.indirect_vreg.gather [hbm4b:s23+s2], $0x80, v2, vm1, $0xb8;
	[tilespmem:$0x13500] =	vst v63  }
0x344: {  	_ =	swait.ge [sflag:s24], $0x9A00  }
0x345: {  	[sflag:s24] =	ssyncset.done $0x0  }
0x346: {  	s0 =	rddreg [dreg:$0x11];
	[sflag:s24] =	ssyncadd.s32 $0xFFFF6600  }
0x347: {  	[hbm4b:s0+s26] =	stream.strided.scatter [tilespmem:s2], [sflag:$0x2], $0x9A00, s28, s26, $0x38;
	[tilespmem:$0x13500] =	vst v63  }
0x348: {  	_ =	swait.ge [sflag:s1], $0x9A00  }
0x349: {  	[sflag:s1] =	ssyncset.done $0x0  }
0x34a: {  	[sflag:s1] =	ssyncadd.s32 $0xFFFF6600  }
0x34b: {  	v2 =	vld.msk [tilespmem:$0x13478], $0x1;
	_ =	sdelay $0x4  }
0x34c: {  	v3 =	vshrl.u32 v2, $0x2  }
0x34d: {  	v3 =	vmul.u32 $0x4D0, v3  }
0x34e: {  	v2 =	vand.u32 $0x3, v2  }
0x34f: {  	v2 =	vor.u32 v2, v3  }
0x350: {  	v2 =	vperm.xlane v2, v0;
	_ =	sdelay $0x1  }
0x351: {  	v2 =	vadd.s32 v1, v2;
	_ =	sdelay $0x4  }
0x352: {  	[tilespmem:s29], [sflag:$0x1] =	stream.indirect_vreg.gather [hbm4b:s4+s2], $0x80, v2, vm0, $0xb8;
	[tilespmem:$0x13500] =	vst v63  }
0x353: {  	s0 =	simm.s32 $0xA200  }
0x354: {  	[tilespmem:s0], [sflag:$0x1] =	stream.indirect_vreg.gather [hbm4b:s5+s2], $0x80, v2, vm0, $0xb8;
	[tilespmem:$0x13500] =	vst v63  }
0x355: {  	s0 =	simm.s32 $0xAA00  }
0x356: {  	[tilespmem:s0], [sflag:$0x1] =	stream.indirect_vreg.gather [hbm4b:s6+s2], $0x80, v2, vm0, $0xb8;
	[tilespmem:$0x13500] =	vst v63  }
0x357: {  	s0 =	simm.s32 $0xB200  }
0x358: {  	[tilespmem:s0], [sflag:$0x1] =	stream.indirect_vreg.gather [hbm4b:s7+s2], $0x80, v2, vm0, $0xb8;
	[tilespmem:$0x13500] =	vst v63  }
0x359: {  	s30 =	simm.s32 $0xBA00  }
0x35a: {  	[tilespmem:s30], [sflag:$0x1] =	stream.indirect_vreg.gather [hbm4b:s8+s2], $0x80, v2, vm0, $0xb8;
	[tilespmem:$0x13500] =	vst v63  }
0x35b: {  	s3 =	simm.s32 $0xC200  }
0x35c: {  	[tilespmem:s3], [sflag:$0x1] =	stream.indirect_vreg.gather [hbm4b:s9+s2], $0x80, v2, vm0, $0xb8;
	[tilespmem:$0x13500] =	vst v63  }
0x35d: {  	s25 =	simm.s32 $0xCA00  }
0x35e: {  	[tilespmem:s25], [sflag:$0x1] =	stream.indirect_vreg.gather [hbm4b:s10+s2], $0x80, v2, vm0, $0xb8;
	[tilespmem:$0x13500] =	vst v63  }
0x35f: {  	s0 =	simm.s32 $0xD200  }
0x360: {  	[tilespmem:s0], [sflag:$0x1] =	stream.indirect_vreg.gather [hbm4b:s11+s2], $0x80, v2, vm0, $0xb8;
	[tilespmem:$0x13500] =	vst v63  }
0x361: {  	s0 =	simm.s32 $0xDA00  }
0x362: {  	[tilespmem:s0], [sflag:$0x1] =	stream.indirect_vreg.gather [hbm4b:s12+s2], $0x80, v2, vm0, $0xb8;
	[tilespmem:$0x13500] =	vst v63  }
0x363: {  	s0 =	simm.s32 $0xE200  }
0x364: {  	[tilespmem:s0], [sflag:$0x1] =	stream.indirect_vreg.gather [hbm4b:s13+s2], $0x80, v2, vm0, $0xb8;
	[tilespmem:$0x13500] =	vst v63  }
0x365: {  	s0 =	simm.s32 $0xEA00  }
0x366: {  	[tilespmem:s0], [sflag:$0x1] =	stream.indirect_vreg.gather [hbm4b:s14+s2], $0x80, v2, vm0, $0xb8;
	[tilespmem:$0x13500] =	vst v63  }
0x367: {  	s0 =	simm.s32 $0xF200  }
0x368: {  	[tilespmem:s0], [sflag:$0x1] =	stream.indirect_vreg.gather [hbm4b:s15+s2], $0x80, v2, vm0, $0xb8;
	[tilespmem:$0x13500] =	vst v63  }
0x369: {  	s0 =	simm.s32 $0xFA00  }
0x36a: {  	[tilespmem:s0], [sflag:$0x1] =	stream.indirect_vreg.gather [hbm4b:s16+s2], $0x80, v2, vm0, $0xb8;
	[tilespmem:$0x13500] =	vst v63  }
0x36b: {  	s0 =	simm.s32 $0x10200  }
0x36c: {  	[tilespmem:s0], [sflag:$0x1] =	stream.indirect_vreg.gather [hbm4b:s17+s2], $0x80, v2, vm0, $0xb8;
	[tilespmem:$0x13500] =	vst v63  }
0x36d: {  	s0 =	simm.s32 $0x10A00  }
0x36e: {  	[tilespmem:s0], [sflag:$0x1] =	stream.indirect_vreg.gather [hbm4b:s18+s2], $0x80, v2, vm0, $0xb8;
	[tilespmem:$0x13500] =	vst v63  }
0x36f: {  	s0 =	simm.s32 $0x11200  }
0x370: {  	[tilespmem:s0], [sflag:$0x1] =	stream.indirect_vreg.gather [hbm4b:s19+s2], $0x80, v2, vm0, $0xb8;
	[tilespmem:$0x13500] =	vst v63  }
0x371: {  	s0 =	simm.s32 $0x11A00  }
0x372: {  	[tilespmem:s0], [sflag:$0x1] =	stream.indirect_vreg.gather [hbm4b:s20+s2], $0x80, v2, vm0, $0xb8;
	[tilespmem:$0x13500] =	vst v63  }
0x373: {  	s0 =	simm.s32 $0x12200  }
0x374: {  	[tilespmem:s0], [sflag:$0x1] =	stream.indirect_vreg.gather [hbm4b:s21+s2], $0x80, v2, vm0, $0xb8;
	[tilespmem:$0x13500] =	vst v63  }
0x375: {  	s0 =	simm.s32 $0x12A00  }
0x376: {  	[tilespmem:s0], [sflag:$0x1] =	stream.indirect_vreg.gather [hbm4b:s22+s2], $0x80, v2, vm0, $0xb8;
	[tilespmem:$0x13500] =	vst v63  }
0x377: {  	s0 =	simm.s32 $0x13200  }
0x378: {  	[tilespmem:s0], [sflag:$0x1] =	stream.indirect_vreg.gather [hbm4b:s23+s2], $0x80, v2, vm1, $0xb8;
	[tilespmem:$0x13500] =	vst v63  }
0x379: {  	_ =	swait.ge [sflag:s24], $0x9A00  }
0x37a: {  	[sflag:s24] =	ssyncset.done $0x0  }
0x37b: {  	s0 =	rddreg [dreg:$0x12];
	[sflag:s24] =	ssyncadd.s32 $0xFFFF6600  }
0x37c: {  	[hbm4b:s0+s26] =	stream.strided.scatter [tilespmem:s29], [sflag:$0x3], $0x9A00, s28, s26, $0x38;
	[tilespmem:$0x13500] =	vst v63  }
0x37d: {  	_ =	swait.ge [sflag:s31], $0x9A00  }
0x37e: {  	[sflag:s31] =	ssyncset.done $0x0  }
0x37f: {  	[sflag:s31] =	ssyncadd.s32 $0xFFFF6600  }
0x380: {  	v2 =	vld.msk [tilespmem:$0x13480], $0x1;
	_ =	sdelay $0x4  }
0x381: {  	v3 =	vshrl.u32 v2, $0x2  }
0x382: {  	v3 =	vmul.u32 $0x4D0, v3  }
0x383: {  	v2 =	vand.u32 $0x3, v2  }
0x384: {  	v2 =	vor.u32 v2, v3  }
0x385: {  	v2 =	vperm.xlane v2, v0;
	_ =	sdelay $0x1  }
0x386: {  	v2 =	vadd.s32 v1, v2;
	_ =	sdelay $0x4  }
0x387: {  	[tilespmem:s2], [sflag:$0x1] =	stream.indirect_vreg.gather [hbm4b:s4+s2], $0x80, v2, vm0, $0xb8;
	[tilespmem:$0x13500] =	vst v63  }
0x388: {  	s0 =	simm.s32 $0x800  }
0x389: {  	[tilespmem:s0], [sflag:$0x1] =	stream.indirect_vreg.gather [hbm4b:s5+s2], $0x80, v2, vm0, $0xb8;
	[tilespmem:$0x13500] =	vst v63  }
0x38a: {  	s0 =	simm.s32 $0x1000  }
0x38b: {  	[tilespmem:s0], [sflag:$0x1] =	stream.indirect_vreg.gather [hbm4b:s6+s2], $0x80, v2, vm0, $0xb8;
	[tilespmem:$0x13500] =	vst v63  }
0x38c: {  	s0 =	simm.s32 $0x1800  }
0x38d: {  	[tilespmem:s0], [sflag:$0x1] =	stream.indirect_vreg.gather [hbm4b:s7+s2], $0x80, v2, vm0, $0xb8;
	[tilespmem:$0x13500] =	vst v63  }
0x38e: {  	s0 =	simm.s32 $0x2000  }
0x38f: {  	[tilespmem:s0], [sflag:$0x1] =	stream.indirect_vreg.gather [hbm4b:s8+s2], $0x80, v2, vm0, $0xb8;
	[tilespmem:$0x13500] =	vst v63  }
0x390: {  	s0 =	simm.s32 $0x2800  }
0x391: {  	[tilespmem:s0], [sflag:$0x1] =	stream.indirect_vreg.gather [hbm4b:s9+s2], $0x80, v2, vm0, $0xb8;
	[tilespmem:$0x13500] =	vst v63  }
0x392: {  	s0 =	simm.s32 $0x3000  }
0x393: {  	[tilespmem:s0], [sflag:$0x1] =	stream.indirect_vreg.gather [hbm4b:s10+s2], $0x80, v2, vm0, $0xb8;
	[tilespmem:$0x13500] =	vst v63  }
0x394: {  	s0 =	simm.s32 $0x3800  }
0x395: {  	[tilespmem:s0], [sflag:$0x1] =	stream.indirect_vreg.gather [hbm4b:s11+s2], $0x80, v2, vm0, $0xb8;
	[tilespmem:$0x13500] =	vst v63  }
0x396: {  	s0 =	simm.s32 $0x4000  }
0x397: {  	[tilespmem:s0], [sflag:$0x1] =	stream.indirect_vreg.gather [hbm4b:s12+s2], $0x80, v2, vm0, $0xb8;
	[tilespmem:$0x13500] =	vst v63  }
0x398: {  	s0 =	simm.s32 $0x4800  }
0x399: {  	[tilespmem:s0], [sflag:$0x1] =	stream.indirect_vreg.gather [hbm4b:s13+s2], $0x80, v2, vm0, $0xb8;
	[tilespmem:$0x13500] =	vst v63  }
0x39a: {  	s0 =	simm.s32 $0x5000  }
0x39b: {  	[tilespmem:s0], [sflag:$0x1] =	stream.indirect_vreg.gather [hbm4b:s14+s2], $0x80, v2, vm0, $0xb8;
	[tilespmem:$0x13500] =	vst v63  }
0x39c: {  	s0 =	simm.s32 $0x5800  }
0x39d: {  	[tilespmem:s0], [sflag:$0x1] =	stream.indirect_vreg.gather [hbm4b:s15+s2], $0x80, v2, vm0, $0xb8;
	[tilespmem:$0x13500] =	vst v63  }
0x39e: {  	s0 =	simm.s32 $0x6000  }
0x39f: {  	[tilespmem:s0], [sflag:$0x1] =	stream.indirect_vreg.gather [hbm4b:s16+s2], $0x80, v2, vm0, $0xb8;
	[tilespmem:$0x13500] =	vst v63  }
0x3a0: {  	s0 =	simm.s32 $0x6800  }
0x3a1: {  	[tilespmem:s0], [sflag:$0x1] =	stream.indirect_vreg.gather [hbm4b:s17+s2], $0x80, v2, vm0, $0xb8;
	[tilespmem:$0x13500] =	vst v63  }
0x3a2: {  	s0 =	simm.s32 $0x7000  }
0x3a3: {  	[tilespmem:s0], [sflag:$0x1] =	stream.indirect_vreg.gather [hbm4b:s18+s2], $0x80, v2, vm0, $0xb8;
	[tilespmem:$0x13500] =	vst v63  }
0x3a4: {  	s0 =	simm.s32 $0x7800  }
0x3a5: {  	[tilespmem:s0], [sflag:$0x1] =	stream.indirect_vreg.gather [hbm4b:s19+s2], $0x80, v2, vm0, $0xb8;
	[tilespmem:$0x13500] =	vst v63  }
0x3a6: {  	s0 =	simm.s32 $0x8000  }
0x3a7: {  	[tilespmem:s0], [sflag:$0x1] =	stream.indirect_vreg.gather [hbm4b:s20+s2], $0x80, v2, vm0, $0xb8;
	[tilespmem:$0x13500] =	vst v63  }
0x3a8: {  	s0 =	simm.s32 $0x8800  }
0x3a9: {  	[tilespmem:s0], [sflag:$0x1] =	stream.indirect_vreg.gather [hbm4b:s21+s2], $0x80, v2, vm0, $0xb8;
	[tilespmem:$0x13500] =	vst v63  }
0x3aa: {  	s0 =	simm.s32 $0x9000  }
0x3ab: {  	[tilespmem:s0], [sflag:$0x1] =	stream.indirect_vreg.gather [hbm4b:s22+s2], $0x80, v2, vm0, $0xb8;
	[tilespmem:$0x13500] =	vst v63  }
0x3ac: {  	s0 =	simm.s32 $0x9800  }
0x3ad: {  	[tilespmem:s0], [sflag:$0x1] =	stream.indirect_vreg.gather [hbm4b:s23+s2], $0x80, v2, vm1, $0xb8;
	[tilespmem:$0x13500] =	vst v63  }
0x3ae: {  	_ =	swait.ge [sflag:s24], $0x9A00  }
0x3af: {  	[sflag:s24] =	ssyncset.done $0x0  }
0x3b0: {  	s0 =	rddreg [dreg:$0x13];
	[sflag:s24] =	ssyncadd.s32 $0xFFFF6600  }
0x3b1: {  	[hbm4b:s0+s26] =	stream.strided.scatter [tilespmem:s2], [sflag:$0x2], $0x9A00, s28, s26, $0x38;
	[tilespmem:$0x13500] =	vst v63  }
0x3b2: {  	_ =	swait.ge [sflag:s1], $0x9A00  }
0x3b3: {  	[sflag:s1] =	ssyncset.done $0x0  }
0x3b4: {  	[sflag:s1] =	ssyncadd.s32 $0xFFFF6600  }
0x3b5: {  	v2 =	vld.msk [tilespmem:$0x13488], $0x1;
	_ =	sdelay $0x4  }
0x3b6: {  	v3 =	vshrl.u32 v2, $0x2  }
0x3b7: {  	v3 =	vmul.u32 $0x4D0, v3  }
0x3b8: {  	v2 =	vand.u32 $0x3, v2  }
0x3b9: {  	v2 =	vor.u32 v2, v3  }
0x3ba: {  	v2 =	vperm.xlane v2, v0;
	_ =	sdelay $0x1  }
0x3bb: {  	v2 =	vadd.s32 v1, v2;
	_ =	sdelay $0x4  }
0x3bc: {  	[tilespmem:s29], [sflag:$0x1] =	stream.indirect_vreg.gather [hbm4b:s4+s2], $0x80, v2, vm0, $0xb8;
	[tilespmem:$0x13500] =	vst v63  }
0x3bd: {  	s0 =	simm.s32 $0xA200  }
0x3be: {  	[tilespmem:s0], [sflag:$0x1] =	stream.indirect_vreg.gather [hbm4b:s5+s2], $0x80, v2, vm0, $0xb8;
	[tilespmem:$0x13500] =	vst v63  }
0x3bf: {  	s0 =	simm.s32 $0xAA00  }
0x3c0: {  	[tilespmem:s0], [sflag:$0x1] =	stream.indirect_vreg.gather [hbm4b:s6+s2], $0x80, v2, vm0, $0xb8;
	[tilespmem:$0x13500] =	vst v63  }
0x3c1: {  	s0 =	simm.s32 $0xB200  }
0x3c2: {  	[tilespmem:s0], [sflag:$0x1] =	stream.indirect_vreg.gather [hbm4b:s7+s2], $0x80, v2, vm0, $0xb8;
	[tilespmem:$0x13500] =	vst v63  }
0x3c3: {  	s30 =	simm.s32 $0xBA00  }
0x3c4: {  	[tilespmem:s30], [sflag:$0x1] =	stream.indirect_vreg.gather [hbm4b:s8+s2], $0x80, v2, vm0, $0xb8;
	[tilespmem:$0x13500] =	vst v63  }
0x3c5: {  	s3 =	simm.s32 $0xC200  }
0x3c6: {  	[tilespmem:s3], [sflag:$0x1] =	stream.indirect_vreg.gather [hbm4b:s9+s2], $0x80, v2, vm0, $0xb8;
	[tilespmem:$0x13500] =	vst v63  }
0x3c7: {  	s25 =	simm.s32 $0xCA00  }
0x3c8: {  	[tilespmem:s25], [sflag:$0x1] =	stream.indirect_vreg.gather [hbm4b:s10+s2], $0x80, v2, vm0, $0xb8;
	[tilespmem:$0x13500] =	vst v63  }
0x3c9: {  	s0 =	simm.s32 $0xD200  }
0x3ca: {  	[tilespmem:s0], [sflag:$0x1] =	stream.indirect_vreg.gather [hbm4b:s11+s2], $0x80, v2, vm0, $0xb8;
	[tilespmem:$0x13500] =	vst v63  }
0x3cb: {  	s0 =	simm.s32 $0xDA00  }
0x3cc: {  	[tilespmem:s0], [sflag:$0x1] =	stream.indirect_vreg.gather [hbm4b:s12+s2], $0x80, v2, vm0, $0xb8;
	[tilespmem:$0x13500] =	vst v63  }
0x3cd: {  	s0 =	simm.s32 $0xE200  }
0x3ce: {  	[tilespmem:s0], [sflag:$0x1] =	stream.indirect_vreg.gather [hbm4b:s13+s2], $0x80, v2, vm0, $0xb8;
	[tilespmem:$0x13500] =	vst v63  }
0x3cf: {  	s0 =	simm.s32 $0xEA00  }
0x3d0: {  	[tilespmem:s0], [sflag:$0x1] =	stream.indirect_vreg.gather [hbm4b:s14+s2], $0x80, v2, vm0, $0xb8;
	[tilespmem:$0x13500] =	vst v63  }
0x3d1: {  	s0 =	simm.s32 $0xF200  }
0x3d2: {  	[tilespmem:s0], [sflag:$0x1] =	stream.indirect_vreg.gather [hbm4b:s15+s2], $0x80, v2, vm0, $0xb8;
	[tilespmem:$0x13500] =	vst v63  }
0x3d3: {  	s0 =	simm.s32 $0xFA00  }
0x3d4: {  	[tilespmem:s0], [sflag:$0x1] =	stream.indirect_vreg.gather [hbm4b:s16+s2], $0x80, v2, vm0, $0xb8;
	[tilespmem:$0x13500] =	vst v63  }
0x3d5: {  	s0 =	simm.s32 $0x10200  }
0x3d6: {  	[tilespmem:s0], [sflag:$0x1] =	stream.indirect_vreg.gather [hbm4b:s17+s2], $0x80, v2, vm0, $0xb8;
	[tilespmem:$0x13500] =	vst v63  }
0x3d7: {  	s0 =	simm.s32 $0x10A00  }
0x3d8: {  	[tilespmem:s0], [sflag:$0x1] =	stream.indirect_vreg.gather [hbm4b:s18+s2], $0x80, v2, vm0, $0xb8;
	[tilespmem:$0x13500] =	vst v63  }
0x3d9: {  	s0 =	simm.s32 $0x11200  }
0x3da: {  	[tilespmem:s0], [sflag:$0x1] =	stream.indirect_vreg.gather [hbm4b:s19+s2], $0x80, v2, vm0, $0xb8;
	[tilespmem:$0x13500] =	vst v63  }
0x3db: {  	s0 =	simm.s32 $0x11A00  }
0x3dc: {  	[tilespmem:s0], [sflag:$0x1] =	stream.indirect_vreg.gather [hbm4b:s20+s2], $0x80, v2, vm0, $0xb8;
	[tilespmem:$0x13500] =	vst v63  }
0x3dd: {  	s0 =	simm.s32 $0x12200  }
0x3de: {  	[tilespmem:s0], [sflag:$0x1] =	stream.indirect_vreg.gather [hbm4b:s21+s2], $0x80, v2, vm0, $0xb8;
	[tilespmem:$0x13500] =	vst v63  }
0x3df: {  	s0 =	simm.s32 $0x12A00  }
0x3e0: {  	[tilespmem:s0], [sflag:$0x1] =	stream.indirect_vreg.gather [hbm4b:s22+s2], $0x80, v2, vm0, $0xb8;
	[tilespmem:$0x13500] =	vst v63  }
0x3e1: {  	s0 =	simm.s32 $0x13200  }
0x3e2: {  	[tilespmem:s0], [sflag:$0x1] =	stream.indirect_vreg.gather [hbm4b:s23+s2], $0x80, v2, vm1, $0xb8;
	[tilespmem:$0x13500] =	vst v63  }
0x3e3: {  	_ =	swait.ge [sflag:s24], $0x9A00  }
0x3e4: {  	[sflag:s24] =	ssyncset.done $0x0  }
0x3e5: {  	s0 =	rddreg [dreg:$0x14];
	[sflag:s24] =	ssyncadd.s32 $0xFFFF6600  }
0x3e6: {  	[hbm4b:s0+s26] =	stream.strided.scatter [tilespmem:s29], [sflag:$0x3], $0x9A00, s28, s26, $0x38;
	[tilespmem:$0x13500] =	vst v63  }
0x3e7: {  	_ =	swait.ge [sflag:s31], $0x9A00  }
0x3e8: {  	[sflag:s31] =	ssyncset.done $0x0  }
0x3e9: {  	[sflag:s31] =	ssyncadd.s32 $0xFFFF6600  }
0x3ea: {  	v2 =	vld.msk [tilespmem:$0x13490], $0x1;
	_ =	sdelay $0x4  }
0x3eb: {  	v3 =	vshrl.u32 v2, $0x2  }
0x3ec: {  	v3 =	vmul.u32 $0x4D0, v3  }
0x3ed: {  	v2 =	vand.u32 $0x3, v2  }
0x3ee: {  	v2 =	vor.u32 v2, v3  }
0x3ef: {  	v2 =	vperm.xlane v2, v0;
	_ =	sdelay $0x1  }
0x3f0: {  	v2 =	vadd.s32 v1, v2;
	_ =	sdelay $0x4  }
0x3f1: {  	[tilespmem:s2], [sflag:$0x1] =	stream.indirect_vreg.gather [hbm4b:s4+s2], $0x80, v2, vm0, $0xb8;
	[tilespmem:$0x13500] =	vst v63  }
0x3f2: {  	s0 =	simm.s32 $0x800  }
0x3f3: {  	[tilespmem:s0], [sflag:$0x1] =	stream.indirect_vreg.gather [hbm4b:s5+s2], $0x80, v2, vm0, $0xb8;
	[tilespmem:$0x13500] =	vst v63  }
0x3f4: {  	s0 =	simm.s32 $0x1000  }
0x3f5: {  	[tilespmem:s0], [sflag:$0x1] =	stream.indirect_vreg.gather [hbm4b:s6+s2], $0x80, v2, vm0, $0xb8;
	[tilespmem:$0x13500] =	vst v63  }
0x3f6: {  	s0 =	simm.s32 $0x1800  }
0x3f7: {  	[tilespmem:s0], [sflag:$0x1] =	stream.indirect_vreg.gather [hbm4b:s7+s2], $0x80, v2, vm0, $0xb8;
	[tilespmem:$0x13500] =	vst v63  }
0x3f8: {  	s0 =	simm.s32 $0x2000  }
0x3f9: {  	[tilespmem:s0], [sflag:$0x1] =	stream.indirect_vreg.gather [hbm4b:s8+s2], $0x80, v2, vm0, $0xb8;
	[tilespmem:$0x13500] =	vst v63  }
0x3fa: {  	s0 =	simm.s32 $0x2800  }
0x3fb: {  	[tilespmem:s0], [sflag:$0x1] =	stream.indirect_vreg.gather [hbm4b:s9+s2], $0x80, v2, vm0, $0xb8;
	[tilespmem:$0x13500] =	vst v63  }
0x3fc: {  	s0 =	simm.s32 $0x3000  }
0x3fd: {  	[tilespmem:s0], [sflag:$0x1] =	stream.indirect_vreg.gather [hbm4b:s10+s2], $0x80, v2, vm0, $0xb8;
	[tilespmem:$0x13500] =	vst v63  }
0x3fe: {  	s0 =	simm.s32 $0x3800  }
0x3ff: {  	[tilespmem:s0], [sflag:$0x1] =	stream.indirect_vreg.gather [hbm4b:s11+s2], $0x80, v2, vm0, $0xb8;
	[tilespmem:$0x13500] =	vst v63  }
0x400: {  	s0 =	simm.s32 $0x4000  }
0x401: {  	[tilespmem:s0], [sflag:$0x1] =	stream.indirect_vreg.gather [hbm4b:s12+s2], $0x80, v2, vm0, $0xb8;
	[tilespmem:$0x13500] =	vst v63  }
0x402: {  	s0 =	simm.s32 $0x4800  }
0x403: {  	[tilespmem:s0], [sflag:$0x1] =	stream.indirect_vreg.gather [hbm4b:s13+s2], $0x80, v2, vm0, $0xb8;
	[tilespmem:$0x13500] =	vst v63  }
0x404: {  	s0 =	simm.s32 $0x5000  }
0x405: {  	[tilespmem:s0], [sflag:$0x1] =	stream.indirect_vreg.gather [hbm4b:s14+s2], $0x80, v2, vm0, $0xb8;
	[tilespmem:$0x13500] =	vst v63  }
0x406: {  	s0 =	simm.s32 $0x5800  }
0x407: {  	[tilespmem:s0], [sflag:$0x1] =	stream.indirect_vreg.gather [hbm4b:s15+s2], $0x80, v2, vm0, $0xb8;
	[tilespmem:$0x13500] =	vst v63  }
0x408: {  	s0 =	simm.s32 $0x6000  }
0x409: {  	[tilespmem:s0], [sflag:$0x1] =	stream.indirect_vreg.gather [hbm4b:s16+s2], $0x80, v2, vm0, $0xb8;
	[tilespmem:$0x13500] =	vst v63  }
0x40a: {  	s0 =	simm.s32 $0x6800  }
0x40b: {  	[tilespmem:s0], [sflag:$0x1] =	stream.indirect_vreg.gather [hbm4b:s17+s2], $0x80, v2, vm0, $0xb8;
	[tilespmem:$0x13500] =	vst v63  }
0x40c: {  	s0 =	simm.s32 $0x7000  }
0x40d: {  	[tilespmem:s0], [sflag:$0x1] =	stream.indirect_vreg.gather [hbm4b:s18+s2], $0x80, v2, vm0, $0xb8;
	[tilespmem:$0x13500] =	vst v63  }
0x40e: {  	s0 =	simm.s32 $0x7800  }
0x40f: {  	[tilespmem:s0], [sflag:$0x1] =	stream.indirect_vreg.gather [hbm4b:s19+s2], $0x80, v2, vm0, $0xb8;
	[tilespmem:$0x13500] =	vst v63  }
0x410: {  	s0 =	simm.s32 $0x8000  }
0x411: {  	[tilespmem:s0], [sflag:$0x1] =	stream.indirect_vreg.gather [hbm4b:s20+s2], $0x80, v2, vm0, $0xb8;
	[tilespmem:$0x13500] =	vst v63  }
0x412: {  	s0 =	simm.s32 $0x8800  }
0x413: {  	[tilespmem:s0], [sflag:$0x1] =	stream.indirect_vreg.gather [hbm4b:s21+s2], $0x80, v2, vm0, $0xb8;
	[tilespmem:$0x13500] =	vst v63  }
0x414: {  	s0 =	simm.s32 $0x9000  }
0x415: {  	[tilespmem:s0], [sflag:$0x1] =	stream.indirect_vreg.gather [hbm4b:s22+s2], $0x80, v2, vm0, $0xb8;
	[tilespmem:$0x13500] =	vst v63  }
0x416: {  	s0 =	simm.s32 $0x9800  }
0x417: {  	[tilespmem:s0], [sflag:$0x1] =	stream.indirect_vreg.gather [hbm4b:s23+s2], $0x80, v2, vm1, $0xb8;
	[tilespmem:$0x13500] =	vst v63  }
0x418: {  	_ =	swait.ge [sflag:s24], $0x9A00  }
0x419: {  	[sflag:s24] =	ssyncset.done $0x0  }
0x41a: {  	s0 =	rddreg [dreg:$0x15];
	[sflag:s24] =	ssyncadd.s32 $0xFFFF6600  }
0x41b: {  	[hbm4b:s0+s26] =	stream.strided.scatter [tilespmem:s2], [sflag:$0x2], $0x9A00, s28, s26, $0x38;
	[tilespmem:$0x13500] =	vst v63  }
0x41c: {  	_ =	swait.ge [sflag:s1], $0x9A00  }
0x41d: {  	[sflag:s1] =	ssyncset.done $0x0  }
0x41e: {  	[sflag:s1] =	ssyncadd.s32 $0xFFFF6600  }
0x41f: {  	v2 =	vld.msk [tilespmem:$0x13498], $0x1;
	_ =	sdelay $0x4  }
0x420: {  	v3 =	vshrl.u32 v2, $0x2  }
0x421: {  	v3 =	vmul.u32 $0x4D0, v3  }
0x422: {  	v2 =	vand.u32 $0x3, v2  }
0x423: {  	v2 =	vor.u32 v2, v3  }
0x424: {  	v2 =	vperm.xlane v2, v0;
	_ =	sdelay $0x1  }
0x425: {  	v2 =	vadd.s32 v1, v2;
	_ =	sdelay $0x4  }
0x426: {  	[tilespmem:s29], [sflag:$0x1] =	stream.indirect_vreg.gather [hbm4b:s4+s2], $0x80, v2, vm0, $0xb8;
	[tilespmem:$0x13500] =	vst v63  }
0x427: {  	s0 =	simm.s32 $0xA200  }
0x428: {  	[tilespmem:s0], [sflag:$0x1] =	stream.indirect_vreg.gather [hbm4b:s5+s2], $0x80, v2, vm0, $0xb8;
	[tilespmem:$0x13500] =	vst v63  }
0x429: {  	s0 =	simm.s32 $0xAA00  }
0x42a: {  	[tilespmem:s0], [sflag:$0x1] =	stream.indirect_vreg.gather [hbm4b:s6+s2], $0x80, v2, vm0, $0xb8;
	[tilespmem:$0x13500] =	vst v63  }
0x42b: {  	s0 =	simm.s32 $0xB200  }
0x42c: {  	[tilespmem:s0], [sflag:$0x1] =	stream.indirect_vreg.gather [hbm4b:s7+s2], $0x80, v2, vm0, $0xb8;
	[tilespmem:$0x13500] =	vst v63  }
0x42d: {  	s30 =	simm.s32 $0xBA00  }
0x42e: {  	[tilespmem:s30], [sflag:$0x1] =	stream.indirect_vreg.gather [hbm4b:s8+s2], $0x80, v2, vm0, $0xb8;
	[tilespmem:$0x13500] =	vst v63  }
0x42f: {  	s3 =	simm.s32 $0xC200  }
0x430: {  	[tilespmem:s3], [sflag:$0x1] =	stream.indirect_vreg.gather [hbm4b:s9+s2], $0x80, v2, vm0, $0xb8;
	[tilespmem:$0x13500] =	vst v63  }
0x431: {  	s25 =	simm.s32 $0xCA00  }
0x432: {  	[tilespmem:s25], [sflag:$0x1] =	stream.indirect_vreg.gather [hbm4b:s10+s2], $0x80, v2, vm0, $0xb8;
	[tilespmem:$0x13500] =	vst v63  }
0x433: {  	s0 =	simm.s32 $0xD200  }
0x434: {  	[tilespmem:s0], [sflag:$0x1] =	stream.indirect_vreg.gather [hbm4b:s11+s2], $0x80, v2, vm0, $0xb8;
	[tilespmem:$0x13500] =	vst v63  }
0x435: {  	s0 =	simm.s32 $0xDA00  }
0x436: {  	[tilespmem:s0], [sflag:$0x1] =	stream.indirect_vreg.gather [hbm4b:s12+s2], $0x80, v2, vm0, $0xb8;
	[tilespmem:$0x13500] =	vst v63  }
0x437: {  	s0 =	simm.s32 $0xE200  }
0x438: {  	[tilespmem:s0], [sflag:$0x1] =	stream.indirect_vreg.gather [hbm4b:s13+s2], $0x80, v2, vm0, $0xb8;
	[tilespmem:$0x13500] =	vst v63  }
0x439: {  	s0 =	simm.s32 $0xEA00  }
0x43a: {  	[tilespmem:s0], [sflag:$0x1] =	stream.indirect_vreg.gather [hbm4b:s14+s2], $0x80, v2, vm0, $0xb8;
	[tilespmem:$0x13500] =	vst v63  }
0x43b: {  	s0 =	simm.s32 $0xF200  }
0x43c: {  	[tilespmem:s0], [sflag:$0x1] =	stream.indirect_vreg.gather [hbm4b:s15+s2], $0x80, v2, vm0, $0xb8;
	[tilespmem:$0x13500] =	vst v63  }
0x43d: {  	s0 =	simm.s32 $0xFA00  }
0x43e: {  	[tilespmem:s0], [sflag:$0x1] =	stream.indirect_vreg.gather [hbm4b:s16+s2], $0x80, v2, vm0, $0xb8;
	[tilespmem:$0x13500] =	vst v63  }
0x43f: {  	s0 =	simm.s32 $0x10200  }
0x440: {  	[tilespmem:s0], [sflag:$0x1] =	stream.indirect_vreg.gather [hbm4b:s17+s2], $0x80, v2, vm0, $0xb8;
	[tilespmem:$0x13500] =	vst v63  }
0x441: {  	s0 =	simm.s32 $0x10A00  }
0x442: {  	[tilespmem:s0], [sflag:$0x1] =	stream.indirect_vreg.gather [hbm4b:s18+s2], $0x80, v2, vm0, $0xb8;
	[tilespmem:$0x13500] =	vst v63  }
0x443: {  	s0 =	simm.s32 $0x11200  }
0x444: {  	[tilespmem:s0], [sflag:$0x1] =	stream.indirect_vreg.gather [hbm4b:s19+s2], $0x80, v2, vm0, $0xb8;
	[tilespmem:$0x13500] =	vst v63  }
0x445: {  	s0 =	simm.s32 $0x11A00  }
0x446: {  	[tilespmem:s0], [sflag:$0x1] =	stream.indirect_vreg.gather [hbm4b:s20+s2], $0x80, v2, vm0, $0xb8;
	[tilespmem:$0x13500] =	vst v63  }
0x447: {  	s0 =	simm.s32 $0x12200  }
0x448: {  	[tilespmem:s0], [sflag:$0x1] =	stream.indirect_vreg.gather [hbm4b:s21+s2], $0x80, v2, vm0, $0xb8;
	[tilespmem:$0x13500] =	vst v63  }
0x449: {  	s0 =	simm.s32 $0x12A00  }
0x44a: {  	[tilespmem:s0], [sflag:$0x1] =	stream.indirect_vreg.gather [hbm4b:s22+s2], $0x80, v2, vm0, $0xb8;
	[tilespmem:$0x13500] =	vst v63  }
0x44b: {  	s0 =	simm.s32 $0x13200  }
0x44c: {  	[tilespmem:s0], [sflag:$0x1] =	stream.indirect_vreg.gather [hbm4b:s23+s2], $0x80, v2, vm1, $0xb8;
	[tilespmem:$0x13500] =	vst v63  }
0x44d: {  	_ =	swait.ge [sflag:s24], $0x9A00  }
0x44e: {  	[sflag:s24] =	ssyncset.done $0x0  }
0x44f: {  	s0 =	rddreg [dreg:$0x16];
	[sflag:s24] =	ssyncadd.s32 $0xFFFF6600  }
0x450: {  	[hbm4b:s0+s26] =	stream.strided.scatter [tilespmem:s29], [sflag:$0x3], $0x9A00, s28, s26, $0x38;
	[tilespmem:$0x13500] =	vst v63  }
0x451: {  	_ =	swait.ge [sflag:s31], $0x9A00  }
0x452: {  	[sflag:s31] =	ssyncset.done $0x0  }
0x453: {  	[sflag:s31] =	ssyncadd.s32 $0xFFFF6600  }
0x454: {  	v2 =	vld.msk [tilespmem:$0x134A0], $0x1;
	_ =	sdelay $0x4  }
0x455: {  	v3 =	vshrl.u32 v2, $0x2  }
0x456: {  	v3 =	vmul.u32 $0x4D0, v3  }
0x457: {  	v2 =	vand.u32 $0x3, v2  }
0x458: {  	v2 =	vor.u32 v2, v3  }
0x459: {  	v2 =	vperm.xlane v2, v0;
	_ =	sdelay $0x1  }
0x45a: {  	v2 =	vadd.s32 v1, v2;
	_ =	sdelay $0x4  }
0x45b: {  	[tilespmem:s2], [sflag:$0x1] =	stream.indirect_vreg.gather [hbm4b:s4+s2], $0x80, v2, vm0, $0xb8;
	[tilespmem:$0x13500] =	vst v63  }
0x45c: {  	s0 =	simm.s32 $0x800  }
0x45d: {  	[tilespmem:s0], [sflag:$0x1] =	stream.indirect_vreg.gather [hbm4b:s5+s2], $0x80, v2, vm0, $0xb8;
	[tilespmem:$0x13500] =	vst v63  }
0x45e: {  	s0 =	simm.s32 $0x1000  }
0x45f: {  	[tilespmem:s0], [sflag:$0x1] =	stream.indirect_vreg.gather [hbm4b:s6+s2], $0x80, v2, vm0, $0xb8;
	[tilespmem:$0x13500] =	vst v63  }
0x460: {  	s0 =	simm.s32 $0x1800  }
0x461: {  	[tilespmem:s0], [sflag:$0x1] =	stream.indirect_vreg.gather [hbm4b:s7+s2], $0x80, v2, vm0, $0xb8;
	[tilespmem:$0x13500] =	vst v63  }
0x462: {  	s0 =	simm.s32 $0x2000  }
0x463: {  	[tilespmem:s0], [sflag:$0x1] =	stream.indirect_vreg.gather [hbm4b:s8+s2], $0x80, v2, vm0, $0xb8;
	[tilespmem:$0x13500] =	vst v63  }
0x464: {  	s0 =	simm.s32 $0x2800  }
0x465: {  	[tilespmem:s0], [sflag:$0x1] =	stream.indirect_vreg.gather [hbm4b:s9+s2], $0x80, v2, vm0, $0xb8;
	[tilespmem:$0x13500] =	vst v63  }
0x466: {  	s0 =	simm.s32 $0x3000  }
0x467: {  	[tilespmem:s0], [sflag:$0x1] =	stream.indirect_vreg.gather [hbm4b:s10+s2], $0x80, v2, vm0, $0xb8;
	[tilespmem:$0x13500] =	vst v63  }
0x468: {  	s0 =	simm.s32 $0x3800  }
0x469: {  	[tilespmem:s0], [sflag:$0x1] =	stream.indirect_vreg.gather [hbm4b:s11+s2], $0x80, v2, vm0, $0xb8;
	[tilespmem:$0x13500] =	vst v63  }
0x46a: {  	s0 =	simm.s32 $0x4000  }
0x46b: {  	[tilespmem:s0], [sflag:$0x1] =	stream.indirect_vreg.gather [hbm4b:s12+s2], $0x80, v2, vm0, $0xb8;
	[tilespmem:$0x13500] =	vst v63  }
0x46c: {  	s0 =	simm.s32 $0x4800  }
0x46d: {  	[tilespmem:s0], [sflag:$0x1] =	stream.indirect_vreg.gather [hbm4b:s13+s2], $0x80, v2, vm0, $0xb8;
	[tilespmem:$0x13500] =	vst v63  }
0x46e: {  	s0 =	simm.s32 $0x5000  }
0x46f: {  	[tilespmem:s0], [sflag:$0x1] =	stream.indirect_vreg.gather [hbm4b:s14+s2], $0x80, v2, vm0, $0xb8;
	[tilespmem:$0x13500] =	vst v63  }
0x470: {  	s0 =	simm.s32 $0x5800  }
0x471: {  	[tilespmem:s0], [sflag:$0x1] =	stream.indirect_vreg.gather [hbm4b:s15+s2], $0x80, v2, vm0, $0xb8;
	[tilespmem:$0x13500] =	vst v63  }
0x472: {  	s0 =	simm.s32 $0x6000  }
0x473: {  	[tilespmem:s0], [sflag:$0x1] =	stream.indirect_vreg.gather [hbm4b:s16+s2], $0x80, v2, vm0, $0xb8;
	[tilespmem:$0x13500] =	vst v63  }
0x474: {  	s0 =	simm.s32 $0x6800  }
0x475: {  	[tilespmem:s0], [sflag:$0x1] =	stream.indirect_vreg.gather [hbm4b:s17+s2], $0x80, v2, vm0, $0xb8;
	[tilespmem:$0x13500] =	vst v63  }
0x476: {  	s0 =	simm.s32 $0x7000  }
0x477: {  	[tilespmem:s0], [sflag:$0x1] =	stream.indirect_vreg.gather [hbm4b:s18+s2], $0x80, v2, vm0, $0xb8;
	[tilespmem:$0x13500] =	vst v63  }
0x478: {  	s0 =	simm.s32 $0x7800  }
0x479: {  	[tilespmem:s0], [sflag:$0x1] =	stream.indirect_vreg.gather [hbm4b:s19+s2], $0x80, v2, vm0, $0xb8;
	[tilespmem:$0x13500] =	vst v63  }
0x47a: {  	s0 =	simm.s32 $0x8000  }
0x47b: {  	[tilespmem:s0], [sflag:$0x1] =	stream.indirect_vreg.gather [hbm4b:s20+s2], $0x80, v2, vm0, $0xb8;
	[tilespmem:$0x13500] =	vst v63  }
0x47c: {  	s0 =	simm.s32 $0x8800  }
0x47d: {  	[tilespmem:s0], [sflag:$0x1] =	stream.indirect_vreg.gather [hbm4b:s21+s2], $0x80, v2, vm0, $0xb8;
	[tilespmem:$0x13500] =	vst v63  }
0x47e: {  	s0 =	simm.s32 $0x9000  }
0x47f: {  	[tilespmem:s0], [sflag:$0x1] =	stream.indirect_vreg.gather [hbm4b:s22+s2], $0x80, v2, vm0, $0xb8;
	[tilespmem:$0x13500] =	vst v63  }
0x480: {  	s0 =	simm.s32 $0x9800  }
0x481: {  	[tilespmem:s0], [sflag:$0x1] =	stream.indirect_vreg.gather [hbm4b:s23+s2], $0x80, v2, vm1, $0xb8;
	[tilespmem:$0x13500] =	vst v63  }
0x482: {  	_ =	swait.ge [sflag:s24], $0x9A00  }
0x483: {  	[sflag:s24] =	ssyncset.done $0x0  }
0x484: {  	s0 =	rddreg [dreg:$0x17];
	[sflag:s24] =	ssyncadd.s32 $0xFFFF6600  }
0x485: {  	[hbm4b:s0+s26] =	stream.strided.scatter [tilespmem:s2], [sflag:$0x2], $0x9A00, s28, s26, $0x38;
	[tilespmem:$0x13500] =	vst v63  }
0x486: {  	_ =	swait.ge [sflag:s1], $0x9A00  }
0x487: {  	[sflag:s1] =	ssyncset.done $0x0  }
0x488: {  	[sflag:s1] =	ssyncadd.s32 $0xFFFF6600  }
0x489: {  	v2 =	vld.msk [tilespmem:$0x134A8], $0x1;
	_ =	sdelay $0x4  }
0x48a: {  	v3 =	vshrl.u32 v2, $0x2  }
0x48b: {  	v3 =	vmul.u32 $0x4D0, v3  }
0x48c: {  	v2 =	vand.u32 $0x3, v2  }
0x48d: {  	v2 =	vor.u32 v2, v3  }
0x48e: {  	v2 =	vperm.xlane v2, v0;
	_ =	sdelay $0x1  }
0x48f: {  	v2 =	vadd.s32 v1, v2;
	_ =	sdelay $0x4  }
0x490: {  	[tilespmem:s29], [sflag:$0x1] =	stream.indirect_vreg.gather [hbm4b:s4+s2], $0x80, v2, vm0, $0xb8;
	[tilespmem:$0x13500] =	vst v63  }
0x491: {  	s0 =	simm.s32 $0xA200  }
0x492: {  	[tilespmem:s0], [sflag:$0x1] =	stream.indirect_vreg.gather [hbm4b:s5+s2], $0x80, v2, vm0, $0xb8;
	[tilespmem:$0x13500] =	vst v63  }
0x493: {  	s0 =	simm.s32 $0xAA00  }
0x494: {  	[tilespmem:s0], [sflag:$0x1] =	stream.indirect_vreg.gather [hbm4b:s6+s2], $0x80, v2, vm0, $0xb8;
	[tilespmem:$0x13500] =	vst v63  }
0x495: {  	s0 =	simm.s32 $0xB200  }
0x496: {  	[tilespmem:s0], [sflag:$0x1] =	stream.indirect_vreg.gather [hbm4b:s7+s2], $0x80, v2, vm0, $0xb8;
	[tilespmem:$0x13500] =	vst v63  }
0x497: {  	s30 =	simm.s32 $0xBA00  }
0x498: {  	[tilespmem:s30], [sflag:$0x1] =	stream.indirect_vreg.gather [hbm4b:s8+s2], $0x80, v2, vm0, $0xb8;
	[tilespmem:$0x13500] =	vst v63  }
0x499: {  	s3 =	simm.s32 $0xC200  }
0x49a: {  	[tilespmem:s3], [sflag:$0x1] =	stream.indirect_vreg.gather [hbm4b:s9+s2], $0x80, v2, vm0, $0xb8;
	[tilespmem:$0x13500] =	vst v63  }
0x49b: {  	s25 =	simm.s32 $0xCA00  }
0x49c: {  	[tilespmem:s25], [sflag:$0x1] =	stream.indirect_vreg.gather [hbm4b:s10+s2], $0x80, v2, vm0, $0xb8;
	[tilespmem:$0x13500] =	vst v63  }
0x49d: {  	s0 =	simm.s32 $0xD200  }
0x49e: {  	[tilespmem:s0], [sflag:$0x1] =	stream.indirect_vreg.gather [hbm4b:s11+s2], $0x80, v2, vm0, $0xb8;
	[tilespmem:$0x13500] =	vst v63  }
0x49f: {  	s0 =	simm.s32 $0xDA00  }
0x4a0: {  	[tilespmem:s0], [sflag:$0x1] =	stream.indirect_vreg.gather [hbm4b:s12+s2], $0x80, v2, vm0, $0xb8;
	[tilespmem:$0x13500] =	vst v63  }
0x4a1: {  	s0 =	simm.s32 $0xE200  }
0x4a2: {  	[tilespmem:s0], [sflag:$0x1] =	stream.indirect_vreg.gather [hbm4b:s13+s2], $0x80, v2, vm0, $0xb8;
	[tilespmem:$0x13500] =	vst v63  }
0x4a3: {  	s0 =	simm.s32 $0xEA00  }
0x4a4: {  	[tilespmem:s0], [sflag:$0x1] =	stream.indirect_vreg.gather [hbm4b:s14+s2], $0x80, v2, vm0, $0xb8;
	[tilespmem:$0x13500] =	vst v63  }
0x4a5: {  	s0 =	simm.s32 $0xF200  }
0x4a6: {  	[tilespmem:s0], [sflag:$0x1] =	stream.indirect_vreg.gather [hbm4b:s15+s2], $0x80, v2, vm0, $0xb8;
	[tilespmem:$0x13500] =	vst v63  }
0x4a7: {  	s0 =	simm.s32 $0xFA00  }
0x4a8: {  	[tilespmem:s0], [sflag:$0x1] =	stream.indirect_vreg.gather [hbm4b:s16+s2], $0x80, v2, vm0, $0xb8;
	[tilespmem:$0x13500] =	vst v63  }
0x4a9: {  	s0 =	simm.s32 $0x10200  }
0x4aa: {  	[tilespmem:s0], [sflag:$0x1] =	stream.indirect_vreg.gather [hbm4b:s17+s2], $0x80, v2, vm0, $0xb8;
	[tilespmem:$0x13500] =	vst v63  }
0x4ab: {  	s0 =	simm.s32 $0x10A00  }
0x4ac: {  	[tilespmem:s0], [sflag:$0x1] =	stream.indirect_vreg.gather [hbm4b:s18+s2], $0x80, v2, vm0, $0xb8;
	[tilespmem:$0x13500] =	vst v63  }
0x4ad: {  	s0 =	simm.s32 $0x11200  }
0x4ae: {  	[tilespmem:s0], [sflag:$0x1] =	stream.indirect_vreg.gather [hbm4b:s19+s2], $0x80, v2, vm0, $0xb8;
	[tilespmem:$0x13500] =	vst v63  }
0x4af: {  	s0 =	simm.s32 $0x11A00  }
0x4b0: {  	[tilespmem:s0], [sflag:$0x1] =	stream.indirect_vreg.gather [hbm4b:s20+s2], $0x80, v2, vm0, $0xb8;
	[tilespmem:$0x13500] =	vst v63  }
0x4b1: {  	s0 =	simm.s32 $0x12200  }
0x4b2: {  	[tilespmem:s0], [sflag:$0x1] =	stream.indirect_vreg.gather [hbm4b:s21+s2], $0x80, v2, vm0, $0xb8;
	[tilespmem:$0x13500] =	vst v63  }
0x4b3: {  	s0 =	simm.s32 $0x12A00  }
0x4b4: {  	[tilespmem:s0], [sflag:$0x1] =	stream.indirect_vreg.gather [hbm4b:s22+s2], $0x80, v2, vm0, $0xb8;
	[tilespmem:$0x13500] =	vst v63  }
0x4b5: {  	s0 =	simm.s32 $0x13200  }
0x4b6: {  	[tilespmem:s0], [sflag:$0x1] =	stream.indirect_vreg.gather [hbm4b:s23+s2], $0x80, v2, vm1, $0xb8;
	[tilespmem:$0x13500] =	vst v63  }
0x4b7: {  	_ =	swait.ge [sflag:s24], $0x9A00  }
0x4b8: {  	[sflag:s24] =	ssyncset.done $0x0  }
0x4b9: {  	s0 =	rddreg [dreg:$0x18];
	[sflag:s24] =	ssyncadd.s32 $0xFFFF6600  }
0x4ba: {  	[hbm4b:s0+s26] =	stream.strided.scatter [tilespmem:s29], [sflag:$0x3], $0x9A00, s28, s26, $0x38;
	[tilespmem:$0x13500] =	vst v63  }
0x4bb: {  	_ =	swait.ge [sflag:s31], $0x9A00  }
0x4bc: {  	[sflag:s31] =	ssyncset.done $0x0  }
0x4bd: {  	[sflag:s31] =	ssyncadd.s32 $0xFFFF6600  }
0x4be: {  	v2 =	vld.msk [tilespmem:$0x134B0], $0x1;
	_ =	sdelay $0x4  }
0x4bf: {  	v3 =	vshrl.u32 v2, $0x2  }
0x4c0: {  	v3 =	vmul.u32 $0x4D0, v3  }
0x4c1: {  	v2 =	vand.u32 $0x3, v2  }
0x4c2: {  	v2 =	vor.u32 v2, v3  }
0x4c3: {  	v2 =	vperm.xlane v2, v0;
	_ =	sdelay $0x1  }
0x4c4: {  	v2 =	vadd.s32 v1, v2;
	_ =	sdelay $0x4  }
0x4c5: {  	[tilespmem:s2], [sflag:$0x1] =	stream.indirect_vreg.gather [hbm4b:s4+s2], $0x80, v2, vm0, $0xb8;
	[tilespmem:$0x13500] =	vst v63  }
0x4c6: {  	s0 =	simm.s32 $0x800  }
0x4c7: {  	[tilespmem:s0], [sflag:$0x1] =	stream.indirect_vreg.gather [hbm4b:s5+s2], $0x80, v2, vm0, $0xb8;
	[tilespmem:$0x13500] =	vst v63  }
0x4c8: {  	s0 =	simm.s32 $0x1000  }
0x4c9: {  	[tilespmem:s0], [sflag:$0x1] =	stream.indirect_vreg.gather [hbm4b:s6+s2], $0x80, v2, vm0, $0xb8;
	[tilespmem:$0x13500] =	vst v63  }
0x4ca: {  	s0 =	simm.s32 $0x1800  }
0x4cb: {  	[tilespmem:s0], [sflag:$0x1] =	stream.indirect_vreg.gather [hbm4b:s7+s2], $0x80, v2, vm0, $0xb8;
	[tilespmem:$0x13500] =	vst v63  }
0x4cc: {  	s0 =	simm.s32 $0x2000  }
0x4cd: {  	[tilespmem:s0], [sflag:$0x1] =	stream.indirect_vreg.gather [hbm4b:s8+s2], $0x80, v2, vm0, $0xb8;
	[tilespmem:$0x13500] =	vst v63  }
0x4ce: {  	s0 =	simm.s32 $0x2800  }
0x4cf: {  	[tilespmem:s0], [sflag:$0x1] =	stream.indirect_vreg.gather [hbm4b:s9+s2], $0x80, v2, vm0, $0xb8;
	[tilespmem:$0x13500] =	vst v63  }
0x4d0: {  	s0 =	simm.s32 $0x3000  }
0x4d1: {  	[tilespmem:s0], [sflag:$0x1] =	stream.indirect_vreg.gather [hbm4b:s10+s2], $0x80, v2, vm0, $0xb8;
	[tilespmem:$0x13500] =	vst v63  }
0x4d2: {  	s0 =	simm.s32 $0x3800  }
0x4d3: {  	[tilespmem:s0], [sflag:$0x1] =	stream.indirect_vreg.gather [hbm4b:s11+s2], $0x80, v2, vm0, $0xb8;
	[tilespmem:$0x13500] =	vst v63  }
0x4d4: {  	s0 =	simm.s32 $0x4000  }
0x4d5: {  	[tilespmem:s0], [sflag:$0x1] =	stream.indirect_vreg.gather [hbm4b:s12+s2], $0x80, v2, vm0, $0xb8;
	[tilespmem:$0x13500] =	vst v63  }
0x4d6: {  	s0 =	simm.s32 $0x4800  }
0x4d7: {  	[tilespmem:s0], [sflag:$0x1] =	stream.indirect_vreg.gather [hbm4b:s13+s2], $0x80, v2, vm0, $0xb8;
	[tilespmem:$0x13500] =	vst v63  }
0x4d8: {  	s0 =	simm.s32 $0x5000  }
0x4d9: {  	[tilespmem:s0], [sflag:$0x1] =	stream.indirect_vreg.gather [hbm4b:s14+s2], $0x80, v2, vm0, $0xb8;
	[tilespmem:$0x13500] =	vst v63  }
0x4da: {  	s0 =	simm.s32 $0x5800  }
0x4db: {  	[tilespmem:s0], [sflag:$0x1] =	stream.indirect_vreg.gather [hbm4b:s15+s2], $0x80, v2, vm0, $0xb8;
	[tilespmem:$0x13500] =	vst v63  }
0x4dc: {  	s0 =	simm.s32 $0x6000  }
0x4dd: {  	[tilespmem:s0], [sflag:$0x1] =	stream.indirect_vreg.gather [hbm4b:s16+s2], $0x80, v2, vm0, $0xb8;
	[tilespmem:$0x13500] =	vst v63  }
0x4de: {  	s0 =	simm.s32 $0x6800  }
0x4df: {  	[tilespmem:s0], [sflag:$0x1] =	stream.indirect_vreg.gather [hbm4b:s17+s2], $0x80, v2, vm0, $0xb8;
	[tilespmem:$0x13500] =	vst v63  }
0x4e0: {  	s0 =	simm.s32 $0x7000  }
0x4e1: {  	[tilespmem:s0], [sflag:$0x1] =	stream.indirect_vreg.gather [hbm4b:s18+s2], $0x80, v2, vm0, $0xb8;
	[tilespmem:$0x13500] =	vst v63  }
0x4e2: {  	s0 =	simm.s32 $0x7800  }
0x4e3: {  	[tilespmem:s0], [sflag:$0x1] =	stream.indirect_vreg.gather [hbm4b:s19+s2], $0x80, v2, vm0, $0xb8;
	[tilespmem:$0x13500] =	vst v63  }
0x4e4: {  	s0 =	simm.s32 $0x8000  }
0x4e5: {  	[tilespmem:s0], [sflag:$0x1] =	stream.indirect_vreg.gather [hbm4b:s20+s2], $0x80, v2, vm0, $0xb8;
	[tilespmem:$0x13500] =	vst v63  }
0x4e6: {  	s0 =	simm.s32 $0x8800  }
0x4e7: {  	[tilespmem:s0], [sflag:$0x1] =	stream.indirect_vreg.gather [hbm4b:s21+s2], $0x80, v2, vm0, $0xb8;
	[tilespmem:$0x13500] =	vst v63  }
0x4e8: {  	s0 =	simm.s32 $0x9000  }
0x4e9: {  	[tilespmem:s0], [sflag:$0x1] =	stream.indirect_vreg.gather [hbm4b:s22+s2], $0x80, v2, vm0, $0xb8;
	[tilespmem:$0x13500] =	vst v63  }
0x4ea: {  	s0 =	simm.s32 $0x9800  }
0x4eb: {  	[tilespmem:s0], [sflag:$0x1] =	stream.indirect_vreg.gather [hbm4b:s23+s2], $0x80, v2, vm1, $0xb8;
	[tilespmem:$0x13500] =	vst v63  }
0x4ec: {  	_ =	swait.ge [sflag:s24], $0x9A00  }
0x4ed: {  	[sflag:s24] =	ssyncset.done $0x0  }
0x4ee: {  	s0 =	rddreg [dreg:$0x19];
	[sflag:s24] =	ssyncadd.s32 $0xFFFF6600  }
0x4ef: {  	[hbm4b:s0+s26] =	stream.strided.scatter [tilespmem:s2], [sflag:$0x2], $0x9A00, s28, s26, $0x38;
	[tilespmem:$0x13500] =	vst v63  }
0x4f0: {  	_ =	swait.ge [sflag:s1], $0x9A00  }
0x4f1: {  	[sflag:s1] =	ssyncset.done $0x0  }
0x4f2: {  	[sflag:s1] =	ssyncadd.s32 $0xFFFF6600  }
0x4f3: {  	v2 =	vld.msk [tilespmem:$0x134B8], $0x1;
	_ =	sdelay $0x4  }
0x4f4: {  	v3 =	vshrl.u32 v2, $0x2  }
0x4f5: {  	v3 =	vmul.u32 $0x4D0, v3  }
0x4f6: {  	v2 =	vand.u32 $0x3, v2  }
0x4f7: {  	v2 =	vor.u32 v2, v3  }
0x4f8: {  	v2 =	vperm.xlane v2, v0;
	_ =	sdelay $0x1  }
0x4f9: {  	v2 =	vadd.s32 v1, v2;
	_ =	sdelay $0x4  }
0x4fa: {  	[tilespmem:s29], [sflag:$0x1] =	stream.indirect_vreg.gather [hbm4b:s4+s2], $0x80, v2, vm0, $0xb8;
	[tilespmem:$0x13500] =	vst v63  }
0x4fb: {  	s0 =	simm.s32 $0xA200  }
0x4fc: {  	[tilespmem:s0], [sflag:$0x1] =	stream.indirect_vreg.gather [hbm4b:s5+s2], $0x80, v2, vm0, $0xb8;
	[tilespmem:$0x13500] =	vst v63  }
0x4fd: {  	s0 =	simm.s32 $0xAA00  }
0x4fe: {  	[tilespmem:s0], [sflag:$0x1] =	stream.indirect_vreg.gather [hbm4b:s6+s2], $0x80, v2, vm0, $0xb8;
	[tilespmem:$0x13500] =	vst v63  }
0x4ff: {  	s0 =	simm.s32 $0xB200  }
0x500: {  	[tilespmem:s0], [sflag:$0x1] =	stream.indirect_vreg.gather [hbm4b:s7+s2], $0x80, v2, vm0, $0xb8;
	[tilespmem:$0x13500] =	vst v63  }
0x501: {  	s30 =	simm.s32 $0xBA00  }
0x502: {  	[tilespmem:s30], [sflag:$0x1] =	stream.indirect_vreg.gather [hbm4b:s8+s2], $0x80, v2, vm0, $0xb8;
	[tilespmem:$0x13500] =	vst v63  }
0x503: {  	s3 =	simm.s32 $0xC200  }
0x504: {  	[tilespmem:s3], [sflag:$0x1] =	stream.indirect_vreg.gather [hbm4b:s9+s2], $0x80, v2, vm0, $0xb8;
	[tilespmem:$0x13500] =	vst v63  }
0x505: {  	s25 =	simm.s32 $0xCA00  }
0x506: {  	[tilespmem:s25], [sflag:$0x1] =	stream.indirect_vreg.gather [hbm4b:s10+s2], $0x80, v2, vm0, $0xb8;
	[tilespmem:$0x13500] =	vst v63  }
0x507: {  	s0 =	simm.s32 $0xD200  }
0x508: {  	[tilespmem:s0], [sflag:$0x1] =	stream.indirect_vreg.gather [hbm4b:s11+s2], $0x80, v2, vm0, $0xb8;
	[tilespmem:$0x13500] =	vst v63  }
0x509: {  	s0 =	simm.s32 $0xDA00  }
0x50a: {  	[tilespmem:s0], [sflag:$0x1] =	stream.indirect_vreg.gather [hbm4b:s12+s2], $0x80, v2, vm0, $0xb8;
	[tilespmem:$0x13500] =	vst v63  }
0x50b: {  	s0 =	simm.s32 $0xE200  }
0x50c: {  	[tilespmem:s0], [sflag:$0x1] =	stream.indirect_vreg.gather [hbm4b:s13+s2], $0x80, v2, vm0, $0xb8;
	[tilespmem:$0x13500] =	vst v63  }
0x50d: {  	s0 =	simm.s32 $0xEA00  }
0x50e: {  	[tilespmem:s0], [sflag:$0x1] =	stream.indirect_vreg.gather [hbm4b:s14+s2], $0x80, v2, vm0, $0xb8;
	[tilespmem:$0x13500] =	vst v63  }
0x50f: {  	s0 =	simm.s32 $0xF200  }
0x510: {  	[tilespmem:s0], [sflag:$0x1] =	stream.indirect_vreg.gather [hbm4b:s15+s2], $0x80, v2, vm0, $0xb8;
	[tilespmem:$0x13500] =	vst v63  }
0x511: {  	s0 =	simm.s32 $0xFA00  }
0x512: {  	[tilespmem:s0], [sflag:$0x1] =	stream.indirect_vreg.gather [hbm4b:s16+s2], $0x80, v2, vm0, $0xb8;
	[tilespmem:$0x13500] =	vst v63  }
0x513: {  	s0 =	simm.s32 $0x10200  }
0x514: {  	[tilespmem:s0], [sflag:$0x1] =	stream.indirect_vreg.gather [hbm4b:s17+s2], $0x80, v2, vm0, $0xb8;
	[tilespmem:$0x13500] =	vst v63  }
0x515: {  	s0 =	simm.s32 $0x10A00  }
0x516: {  	[tilespmem:s0], [sflag:$0x1] =	stream.indirect_vreg.gather [hbm4b:s18+s2], $0x80, v2, vm0, $0xb8;
	[tilespmem:$0x13500] =	vst v63  }
0x517: {  	s0 =	simm.s32 $0x11200  }
0x518: {  	[tilespmem:s0], [sflag:$0x1] =	stream.indirect_vreg.gather [hbm4b:s19+s2], $0x80, v2, vm0, $0xb8;
	[tilespmem:$0x13500] =	vst v63  }
0x519: {  	s0 =	simm.s32 $0x11A00  }
0x51a: {  	[tilespmem:s0], [sflag:$0x1] =	stream.indirect_vreg.gather [hbm4b:s20+s2], $0x80, v2, vm0, $0xb8;
	[tilespmem:$0x13500] =	vst v63  }
0x51b: {  	s0 =	simm.s32 $0x12200  }
0x51c: {  	[tilespmem:s0], [sflag:$0x1] =	stream.indirect_vreg.gather [hbm4b:s21+s2], $0x80, v2, vm0, $0xb8;
	[tilespmem:$0x13500] =	vst v63  }
0x51d: {  	s0 =	simm.s32 $0x12A00  }
0x51e: {  	[tilespmem:s0], [sflag:$0x1] =	stream.indirect_vreg.gather [hbm4b:s22+s2], $0x80, v2, vm0, $0xb8;
	[tilespmem:$0x13500] =	vst v63  }
0x51f: {  	s0 =	simm.s32 $0x13200  }
0x520: {  	[tilespmem:s0], [sflag:$0x1] =	stream.indirect_vreg.gather [hbm4b:s23+s2], $0x80, v2, vm1, $0xb8;
	[tilespmem:$0x13500] =	vst v63  }
0x521: {  	_ =	swait.ge [sflag:s24], $0x9A00  }
0x522: {  	[sflag:s24] =	ssyncset.done $0x0  }
0x523: {  	s0 =	rddreg [dreg:$0x1a];
	[sflag:s24] =	ssyncadd.s32 $0xFFFF6600  }
0x524: {  	[hbm4b:s0+s26] =	stream.strided.scatter [tilespmem:s29], [sflag:$0x3], $0x9A00, s28, s26, $0x38;
	[tilespmem:$0x13500] =	vst v63  }
0x525: {  	_ =	swait.ge [sflag:s31], $0x9A00  }
0x526: {  	[sflag:s31] =	ssyncset.done $0x0  }
0x527: {  	[sflag:s31] =	ssyncadd.s32 $0xFFFF6600  }
0x528: {  	v2 =	vld.msk [tilespmem:$0x134C0], $0x1;
	_ =	sdelay $0x4  }
0x529: {  	v3 =	vshrl.u32 v2, $0x2  }
0x52a: {  	v3 =	vmul.u32 $0x4D0, v3  }
0x52b: {  	v2 =	vand.u32 $0x3, v2  }
0x52c: {  	v2 =	vor.u32 v2, v3  }
0x52d: {  	v2 =	vperm.xlane v2, v0;
	_ =	sdelay $0x1  }
0x52e: {  	v2 =	vadd.s32 v1, v2;
	_ =	sdelay $0x4  }
0x52f: {  	[tilespmem:s2], [sflag:$0x1] =	stream.indirect_vreg.gather [hbm4b:s4+s2], $0x80, v2, vm0, $0xb8;
	[tilespmem:$0x13500] =	vst v63  }
0x530: {  	s0 =	simm.s32 $0x800  }
0x531: {  	[tilespmem:s0], [sflag:$0x1] =	stream.indirect_vreg.gather [hbm4b:s5+s2], $0x80, v2, vm0, $0xb8;
	[tilespmem:$0x13500] =	vst v63  }
0x532: {  	s0 =	simm.s32 $0x1000  }
0x533: {  	[tilespmem:s0], [sflag:$0x1] =	stream.indirect_vreg.gather [hbm4b:s6+s2], $0x80, v2, vm0, $0xb8;
	[tilespmem:$0x13500] =	vst v63  }
0x534: {  	s0 =	simm.s32 $0x1800  }
0x535: {  	[tilespmem:s0], [sflag:$0x1] =	stream.indirect_vreg.gather [hbm4b:s7+s2], $0x80, v2, vm0, $0xb8;
	[tilespmem:$0x13500] =	vst v63  }
0x536: {  	s0 =	simm.s32 $0x2000  }
0x537: {  	[tilespmem:s0], [sflag:$0x1] =	stream.indirect_vreg.gather [hbm4b:s8+s2], $0x80, v2, vm0, $0xb8;
	[tilespmem:$0x13500] =	vst v63  }
0x538: {  	s0 =	simm.s32 $0x2800  }
0x539: {  	[tilespmem:s0], [sflag:$0x1] =	stream.indirect_vreg.gather [hbm4b:s9+s2], $0x80, v2, vm0, $0xb8;
	[tilespmem:$0x13500] =	vst v63  }
0x53a: {  	s0 =	simm.s32 $0x3000  }
0x53b: {  	[tilespmem:s0], [sflag:$0x1] =	stream.indirect_vreg.gather [hbm4b:s10+s2], $0x80, v2, vm0, $0xb8;
	[tilespmem:$0x13500] =	vst v63  }
0x53c: {  	s0 =	simm.s32 $0x3800  }
0x53d: {  	[tilespmem:s0], [sflag:$0x1] =	stream.indirect_vreg.gather [hbm4b:s11+s2], $0x80, v2, vm0, $0xb8;
	[tilespmem:$0x13500] =	vst v63  }
0x53e: {  	s0 =	simm.s32 $0x4000  }
0x53f: {  	[tilespmem:s0], [sflag:$0x1] =	stream.indirect_vreg.gather [hbm4b:s12+s2], $0x80, v2, vm0, $0xb8;
	[tilespmem:$0x13500] =	vst v63  }
0x540: {  	s0 =	simm.s32 $0x4800  }
0x541: {  	[tilespmem:s0], [sflag:$0x1] =	stream.indirect_vreg.gather [hbm4b:s13+s2], $0x80, v2, vm0, $0xb8;
	[tilespmem:$0x13500] =	vst v63  }
0x542: {  	s0 =	simm.s32 $0x5000  }
0x543: {  	[tilespmem:s0], [sflag:$0x1] =	stream.indirect_vreg.gather [hbm4b:s14+s2], $0x80, v2, vm0, $0xb8;
	[tilespmem:$0x13500] =	vst v63  }
0x544: {  	s0 =	simm.s32 $0x5800  }
0x545: {  	[tilespmem:s0], [sflag:$0x1] =	stream.indirect_vreg.gather [hbm4b:s15+s2], $0x80, v2, vm0, $0xb8;
	[tilespmem:$0x13500] =	vst v63  }
0x546: {  	s0 =	simm.s32 $0x6000  }
0x547: {  	[tilespmem:s0], [sflag:$0x1] =	stream.indirect_vreg.gather [hbm4b:s16+s2], $0x80, v2, vm0, $0xb8;
	[tilespmem:$0x13500] =	vst v63  }
0x548: {  	s0 =	simm.s32 $0x6800  }
0x549: {  	[tilespmem:s0], [sflag:$0x1] =	stream.indirect_vreg.gather [hbm4b:s17+s2], $0x80, v2, vm0, $0xb8;
	[tilespmem:$0x13500] =	vst v63  }
0x54a: {  	s0 =	simm.s32 $0x7000  }
0x54b: {  	[tilespmem:s0], [sflag:$0x1] =	stream.indirect_vreg.gather [hbm4b:s18+s2], $0x80, v2, vm0, $0xb8;
	[tilespmem:$0x13500] =	vst v63  }
0x54c: {  	s0 =	simm.s32 $0x7800  }
0x54d: {  	[tilespmem:s0], [sflag:$0x1] =	stream.indirect_vreg.gather [hbm4b:s19+s2], $0x80, v2, vm0, $0xb8;
	[tilespmem:$0x13500] =	vst v63  }
0x54e: {  	s0 =	simm.s32 $0x8000  }
0x54f: {  	[tilespmem:s0], [sflag:$0x1] =	stream.indirect_vreg.gather [hbm4b:s20+s2], $0x80, v2, vm0, $0xb8;
	[tilespmem:$0x13500] =	vst v63  }
0x550: {  	s0 =	simm.s32 $0x8800  }
0x551: {  	[tilespmem:s0], [sflag:$0x1] =	stream.indirect_vreg.gather [hbm4b:s21+s2], $0x80, v2, vm0, $0xb8;
	[tilespmem:$0x13500] =	vst v63  }
0x552: {  	s0 =	simm.s32 $0x9000  }
0x553: {  	[tilespmem:s0], [sflag:$0x1] =	stream.indirect_vreg.gather [hbm4b:s22+s2], $0x80, v2, vm0, $0xb8;
	[tilespmem:$0x13500] =	vst v63  }
0x554: {  	s0 =	simm.s32 $0x9800  }
0x555: {  	[tilespmem:s0], [sflag:$0x1] =	stream.indirect_vreg.gather [hbm4b:s23+s2], $0x80, v2, vm1, $0xb8;
	[tilespmem:$0x13500] =	vst v63  }
0x556: {  	_ =	swait.ge [sflag:s24], $0x9A00  }
0x557: {  	[sflag:s24] =	ssyncset.done $0x0  }
0x558: {  	s0 =	rddreg [dreg:$0x1b];
	[sflag:s24] =	ssyncadd.s32 $0xFFFF6600  }
0x559: {  	[hbm4b:s0+s26] =	stream.strided.scatter [tilespmem:s2], [sflag:$0x2], $0x9A00, s28, s26, $0x38;
	[tilespmem:$0x13500] =	vst v63  }
0x55a: {  	_ =	swait.ge [sflag:s1], $0x9A00  }
0x55b: {  	[sflag:s1] =	ssyncset.done $0x0  }
0x55c: {  	[sflag:s1] =	ssyncadd.s32 $0xFFFF6600  }
0x55d: {  	v2 =	vld.msk [tilespmem:$0x134C8], $0x1;
	_ =	sdelay $0x4  }
0x55e: {  	v3 =	vshrl.u32 v2, $0x2  }
0x55f: {  	v3 =	vmul.u32 $0x4D0, v3  }
0x560: {  	v2 =	vand.u32 $0x3, v2  }
0x561: {  	v2 =	vor.u32 v2, v3  }
0x562: {  	v2 =	vperm.xlane v2, v0;
	_ =	sdelay $0x1  }
0x563: {  	v2 =	vadd.s32 v1, v2;
	_ =	sdelay $0x4  }
0x564: {  	[tilespmem:s29], [sflag:$0x1] =	stream.indirect_vreg.gather [hbm4b:s4+s2], $0x80, v2, vm0, $0xb8;
	[tilespmem:$0x13500] =	vst v63  }
0x565: {  	s0 =	simm.s32 $0xA200  }
0x566: {  	[tilespmem:s0], [sflag:$0x1] =	stream.indirect_vreg.gather [hbm4b:s5+s2], $0x80, v2, vm0, $0xb8;
	[tilespmem:$0x13500] =	vst v63  }
0x567: {  	s0 =	simm.s32 $0xAA00  }
0x568: {  	[tilespmem:s0], [sflag:$0x1] =	stream.indirect_vreg.gather [hbm4b:s6+s2], $0x80, v2, vm0, $0xb8;
	[tilespmem:$0x13500] =	vst v63  }
0x569: {  	s0 =	simm.s32 $0xB200  }
0x56a: {  	[tilespmem:s0], [sflag:$0x1] =	stream.indirect_vreg.gather [hbm4b:s7+s2], $0x80, v2, vm0, $0xb8;
	[tilespmem:$0x13500] =	vst v63  }
0x56b: {  	s30 =	simm.s32 $0xBA00  }
0x56c: {  	[tilespmem:s30], [sflag:$0x1] =	stream.indirect_vreg.gather [hbm4b:s8+s2], $0x80, v2, vm0, $0xb8;
	[tilespmem:$0x13500] =	vst v63  }
0x56d: {  	s3 =	simm.s32 $0xC200  }
0x56e: {  	[tilespmem:s3], [sflag:$0x1] =	stream.indirect_vreg.gather [hbm4b:s9+s2], $0x80, v2, vm0, $0xb8;
	[tilespmem:$0x13500] =	vst v63  }
0x56f: {  	s25 =	simm.s32 $0xCA00  }
0x570: {  	[tilespmem:s25], [sflag:$0x1] =	stream.indirect_vreg.gather [hbm4b:s10+s2], $0x80, v2, vm0, $0xb8;
	[tilespmem:$0x13500] =	vst v63  }
0x571: {  	s0 =	simm.s32 $0xD200  }
0x572: {  	[tilespmem:s0], [sflag:$0x1] =	stream.indirect_vreg.gather [hbm4b:s11+s2], $0x80, v2, vm0, $0xb8;
	[tilespmem:$0x13500] =	vst v63  }
0x573: {  	s0 =	simm.s32 $0xDA00  }
0x574: {  	[tilespmem:s0], [sflag:$0x1] =	stream.indirect_vreg.gather [hbm4b:s12+s2], $0x80, v2, vm0, $0xb8;
	[tilespmem:$0x13500] =	vst v63  }
0x575: {  	s0 =	simm.s32 $0xE200  }
0x576: {  	[tilespmem:s0], [sflag:$0x1] =	stream.indirect_vreg.gather [hbm4b:s13+s2], $0x80, v2, vm0, $0xb8;
	[tilespmem:$0x13500] =	vst v63  }
0x577: {  	s0 =	simm.s32 $0xEA00  }
0x578: {  	[tilespmem:s0], [sflag:$0x1] =	stream.indirect_vreg.gather [hbm4b:s14+s2], $0x80, v2, vm0, $0xb8;
	[tilespmem:$0x13500] =	vst v63  }
0x579: {  	s0 =	simm.s32 $0xF200  }
0x57a: {  	[tilespmem:s0], [sflag:$0x1] =	stream.indirect_vreg.gather [hbm4b:s15+s2], $0x80, v2, vm0, $0xb8;
	[tilespmem:$0x13500] =	vst v63  }
0x57b: {  	s0 =	simm.s32 $0xFA00  }
0x57c: {  	[tilespmem:s0], [sflag:$0x1] =	stream.indirect_vreg.gather [hbm4b:s16+s2], $0x80, v2, vm0, $0xb8;
	[tilespmem:$0x13500] =	vst v63  }
0x57d: {  	s0 =	simm.s32 $0x10200  }
0x57e: {  	[tilespmem:s0], [sflag:$0x1] =	stream.indirect_vreg.gather [hbm4b:s17+s2], $0x80, v2, vm0, $0xb8;
	[tilespmem:$0x13500] =	vst v63  }
0x57f: {  	s0 =	simm.s32 $0x10A00  }
0x580: {  	[tilespmem:s0], [sflag:$0x1] =	stream.indirect_vreg.gather [hbm4b:s18+s2], $0x80, v2, vm0, $0xb8;
	[tilespmem:$0x13500] =	vst v63  }
0x581: {  	s0 =	simm.s32 $0x11200  }
0x582: {  	[tilespmem:s0], [sflag:$0x1] =	stream.indirect_vreg.gather [hbm4b:s19+s2], $0x80, v2, vm0, $0xb8;
	[tilespmem:$0x13500] =	vst v63  }
0x583: {  	s0 =	simm.s32 $0x11A00  }
0x584: {  	[tilespmem:s0], [sflag:$0x1] =	stream.indirect_vreg.gather [hbm4b:s20+s2], $0x80, v2, vm0, $0xb8;
	[tilespmem:$0x13500] =	vst v63  }
0x585: {  	s0 =	simm.s32 $0x12200  }
0x586: {  	[tilespmem:s0], [sflag:$0x1] =	stream.indirect_vreg.gather [hbm4b:s21+s2], $0x80, v2, vm0, $0xb8;
	[tilespmem:$0x13500] =	vst v63  }
0x587: {  	s0 =	simm.s32 $0x12A00  }
0x588: {  	[tilespmem:s0], [sflag:$0x1] =	stream.indirect_vreg.gather [hbm4b:s22+s2], $0x80, v2, vm0, $0xb8;
	[tilespmem:$0x13500] =	vst v63  }
0x589: {  	s0 =	simm.s32 $0x13200  }
0x58a: {  	[tilespmem:s0], [sflag:$0x1] =	stream.indirect_vreg.gather [hbm4b:s23+s2], $0x80, v2, vm1, $0xb8;
	[tilespmem:$0x13500] =	vst v63  }
0x58b: {  	_ =	swait.ge [sflag:s24], $0x9A00  }
0x58c: {  	[sflag:s24] =	ssyncset.done $0x0  }
0x58d: {  	s0 =	rddreg [dreg:$0x1c];
	[sflag:s24] =	ssyncadd.s32 $0xFFFF6600  }
0x58e: {  	[hbm4b:s0+s26] =	stream.strided.scatter [tilespmem:s29], [sflag:$0x3], $0x9A00, s28, s26, $0x38;
	[tilespmem:$0x13500] =	vst v63  }
0x58f: {  	_ =	swait.ge [sflag:s31], $0x9A00  }
0x590: {  	[sflag:s31] =	ssyncset.done $0x0  }
0x591: {  	[sflag:s31] =	ssyncadd.s32 $0xFFFF6600  }
0x592: {  	v2 =	vld.msk [tilespmem:$0x134D0], $0x1;
	_ =	sdelay $0x4  }
0x593: {  	v3 =	vshrl.u32 v2, $0x2  }
0x594: {  	v3 =	vmul.u32 $0x4D0, v3  }
0x595: {  	v2 =	vand.u32 $0x3, v2  }
0x596: {  	v2 =	vor.u32 v2, v3  }
0x597: {  	v2 =	vperm.xlane v2, v0;
	_ =	sdelay $0x1  }
0x598: {  	v2 =	vadd.s32 v1, v2;
	_ =	sdelay $0x4  }
0x599: {  	[tilespmem:s2], [sflag:$0x1] =	stream.indirect_vreg.gather [hbm4b:s4+s2], $0x80, v2, vm0, $0xb8;
	[tilespmem:$0x13500] =	vst v63  }
0x59a: {  	s0 =	simm.s32 $0x800  }
0x59b: {  	[tilespmem:s0], [sflag:$0x1] =	stream.indirect_vreg.gather [hbm4b:s5+s2], $0x80, v2, vm0, $0xb8;
	[tilespmem:$0x13500] =	vst v63  }
0x59c: {  	s0 =	simm.s32 $0x1000  }
0x59d: {  	[tilespmem:s0], [sflag:$0x1] =	stream.indirect_vreg.gather [hbm4b:s6+s2], $0x80, v2, vm0, $0xb8;
	[tilespmem:$0x13500] =	vst v63  }
0x59e: {  	s0 =	simm.s32 $0x1800  }
0x59f: {  	[tilespmem:s0], [sflag:$0x1] =	stream.indirect_vreg.gather [hbm4b:s7+s2], $0x80, v2, vm0, $0xb8;
	[tilespmem:$0x13500] =	vst v63  }
0x5a0: {  	s0 =	simm.s32 $0x2000  }
0x5a1: {  	[tilespmem:s0], [sflag:$0x1] =	stream.indirect_vreg.gather [hbm4b:s8+s2], $0x80, v2, vm0, $0xb8;
	[tilespmem:$0x13500] =	vst v63  }
0x5a2: {  	s0 =	simm.s32 $0x2800  }
0x5a3: {  	[tilespmem:s0], [sflag:$0x1] =	stream.indirect_vreg.gather [hbm4b:s9+s2], $0x80, v2, vm0, $0xb8;
	[tilespmem:$0x13500] =	vst v63  }
0x5a4: {  	s0 =	simm.s32 $0x3000  }
0x5a5: {  	[tilespmem:s0], [sflag:$0x1] =	stream.indirect_vreg.gather [hbm4b:s10+s2], $0x80, v2, vm0, $0xb8;
	[tilespmem:$0x13500] =	vst v63  }
0x5a6: {  	s0 =	simm.s32 $0x3800  }
0x5a7: {  	[tilespmem:s0], [sflag:$0x1] =	stream.indirect_vreg.gather [hbm4b:s11+s2], $0x80, v2, vm0, $0xb8;
	[tilespmem:$0x13500] =	vst v63  }
0x5a8: {  	s0 =	simm.s32 $0x4000  }
0x5a9: {  	[tilespmem:s0], [sflag:$0x1] =	stream.indirect_vreg.gather [hbm4b:s12+s2], $0x80, v2, vm0, $0xb8;
	[tilespmem:$0x13500] =	vst v63  }
0x5aa: {  	s0 =	simm.s32 $0x4800  }
0x5ab: {  	[tilespmem:s0], [sflag:$0x1] =	stream.indirect_vreg.gather [hbm4b:s13+s2], $0x80, v2, vm0, $0xb8;
	[tilespmem:$0x13500] =	vst v63  }
0x5ac: {  	s0 =	simm.s32 $0x5000  }
0x5ad: {  	[tilespmem:s0], [sflag:$0x1] =	stream.indirect_vreg.gather [hbm4b:s14+s2], $0x80, v2, vm0, $0xb8;
	[tilespmem:$0x13500] =	vst v63  }
0x5ae: {  	s0 =	simm.s32 $0x5800  }
0x5af: {  	[tilespmem:s0], [sflag:$0x1] =	stream.indirect_vreg.gather [hbm4b:s15+s2], $0x80, v2, vm0, $0xb8;
	[tilespmem:$0x13500] =	vst v63  }
0x5b0: {  	s0 =	simm.s32 $0x6000  }
0x5b1: {  	[tilespmem:s0], [sflag:$0x1] =	stream.indirect_vreg.gather [hbm4b:s16+s2], $0x80, v2, vm0, $0xb8;
	[tilespmem:$0x13500] =	vst v63  }
0x5b2: {  	s0 =	simm.s32 $0x6800  }
0x5b3: {  	[tilespmem:s0], [sflag:$0x1] =	stream.indirect_vreg.gather [hbm4b:s17+s2], $0x80, v2, vm0, $0xb8;
	[tilespmem:$0x13500] =	vst v63  }
0x5b4: {  	s0 =	simm.s32 $0x7000  }
0x5b5: {  	[tilespmem:s0], [sflag:$0x1] =	stream.indirect_vreg.gather [hbm4b:s18+s2], $0x80, v2, vm0, $0xb8;
	[tilespmem:$0x13500] =	vst v63  }
0x5b6: {  	s0 =	simm.s32 $0x7800  }
0x5b7: {  	[tilespmem:s0], [sflag:$0x1] =	stream.indirect_vreg.gather [hbm4b:s19+s2], $0x80, v2, vm0, $0xb8;
	[tilespmem:$0x13500] =	vst v63  }
0x5b8: {  	s0 =	simm.s32 $0x8000  }
0x5b9: {  	[tilespmem:s0], [sflag:$0x1] =	stream.indirect_vreg.gather [hbm4b:s20+s2], $0x80, v2, vm0, $0xb8;
	[tilespmem:$0x13500] =	vst v63  }
0x5ba: {  	s0 =	simm.s32 $0x8800  }
0x5bb: {  	[tilespmem:s0], [sflag:$0x1] =	stream.indirect_vreg.gather [hbm4b:s21+s2], $0x80, v2, vm0, $0xb8;
	[tilespmem:$0x13500] =	vst v63  }
0x5bc: {  	s0 =	simm.s32 $0x9000  }
0x5bd: {  	[tilespmem:s0], [sflag:$0x1] =	stream.indirect_vreg.gather [hbm4b:s22+s2], $0x80, v2, vm0, $0xb8;
	[tilespmem:$0x13500] =	vst v63  }
0x5be: {  	s0 =	simm.s32 $0x9800  }
0x5bf: {  	[tilespmem:s0], [sflag:$0x1] =	stream.indirect_vreg.gather [hbm4b:s23+s2], $0x80, v2, vm1, $0xb8;
	[tilespmem:$0x13500] =	vst v63  }
0x5c0: {  	_ =	swait.ge [sflag:s24], $0x9A00  }
0x5c1: {  	[sflag:s24] =	ssyncset.done $0x0  }
0x5c2: {  	s0 =	rddreg [dreg:$0x1d];
	[sflag:s24] =	ssyncadd.s32 $0xFFFF6600  }
0x5c3: {  	[hbm4b:s0+s26] =	stream.strided.scatter [tilespmem:s2], [sflag:$0x2], $0x9A00, s28, s26, $0x38;
	[tilespmem:$0x13500] =	vst v63  }
0x5c4: {  	_ =	swait.ge [sflag:s1], $0x9A00  }
0x5c5: {  	[sflag:s1] =	ssyncset.done $0x0  }
0x5c6: {  	[sflag:s1] =	ssyncadd.s32 $0xFFFF6600  }
0x5c7: {  	v2 =	vld.msk [tilespmem:$0x134D8], $0x1;
	_ =	sdelay $0x4  }
0x5c8: {  	v3 =	vshrl.u32 v2, $0x2  }
0x5c9: {  	v3 =	vmul.u32 $0x4D0, v3  }
0x5ca: {  	v2 =	vand.u32 $0x3, v2  }
0x5cb: {  	v2 =	vor.u32 v2, v3  }
0x5cc: {  	v2 =	vperm.xlane v2, v0;
	_ =	sdelay $0x1  }
0x5cd: {  	v2 =	vadd.s32 v1, v2;
	_ =	sdelay $0x4  }
0x5ce: {  	[tilespmem:s29], [sflag:$0x1] =	stream.indirect_vreg.gather [hbm4b:s4+s2], $0x80, v2, vm0, $0xb8;
	[tilespmem:$0x13500] =	vst v63  }
0x5cf: {  	s0 =	simm.s32 $0xA200  }
0x5d0: {  	[tilespmem:s0], [sflag:$0x1] =	stream.indirect_vreg.gather [hbm4b:s5+s2], $0x80, v2, vm0, $0xb8;
	[tilespmem:$0x13500] =	vst v63  }
0x5d1: {  	s0 =	simm.s32 $0xAA00  }
0x5d2: {  	[tilespmem:s0], [sflag:$0x1] =	stream.indirect_vreg.gather [hbm4b:s6+s2], $0x80, v2, vm0, $0xb8;
	[tilespmem:$0x13500] =	vst v63  }
0x5d3: {  	s0 =	simm.s32 $0xB200  }
0x5d4: {  	[tilespmem:s0], [sflag:$0x1] =	stream.indirect_vreg.gather [hbm4b:s7+s2], $0x80, v2, vm0, $0xb8;
	[tilespmem:$0x13500] =	vst v63  }
0x5d5: {  	s30 =	simm.s32 $0xBA00  }
0x5d6: {  	[tilespmem:s30], [sflag:$0x1] =	stream.indirect_vreg.gather [hbm4b:s8+s2], $0x80, v2, vm0, $0xb8;
	[tilespmem:$0x13500] =	vst v63  }
0x5d7: {  	s3 =	simm.s32 $0xC200  }
0x5d8: {  	[tilespmem:s3], [sflag:$0x1] =	stream.indirect_vreg.gather [hbm4b:s9+s2], $0x80, v2, vm0, $0xb8;
	[tilespmem:$0x13500] =	vst v63  }
0x5d9: {  	s25 =	simm.s32 $0xCA00  }
0x5da: {  	[tilespmem:s25], [sflag:$0x1] =	stream.indirect_vreg.gather [hbm4b:s10+s2], $0x80, v2, vm0, $0xb8;
	[tilespmem:$0x13500] =	vst v63  }
0x5db: {  	s30 =	simm.s32 $0xD200  }
0x5dc: {  	[tilespmem:s30], [sflag:$0x1] =	stream.indirect_vreg.gather [hbm4b:s11+s2], $0x80, v2, vm0, $0xb8;
	[tilespmem:$0x13500] =	vst v63  }
0x5dd: {  	s3 =	simm.s32 $0xDA00  }
0x5de: {  	[tilespmem:s3], [sflag:$0x1] =	stream.indirect_vreg.gather [hbm4b:s12+s2], $0x80, v2, vm0, $0xb8;
	[tilespmem:$0x13500] =	vst v63  }
0x5df: {  	s25 =	simm.s32 $0xE200  }
0x5e0: {  	[tilespmem:s25], [sflag:$0x1] =	stream.indirect_vreg.gather [hbm4b:s13+s2], $0x80, v2, vm0, $0xb8;
	[tilespmem:$0x13500] =	vst v63  }
0x5e1: {  	s30 =	simm.s32 $0xEA00  }
0x5e2: {  	[tilespmem:s30], [sflag:$0x1] =	stream.indirect_vreg.gather [hbm4b:s14+s2], $0x80, v2, vm0, $0xb8;
	[tilespmem:$0x13500] =	vst v63  }
0x5e3: {  	s3 =	simm.s32 $0xF200  }
0x5e4: {  	[tilespmem:s3], [sflag:$0x1] =	stream.indirect_vreg.gather [hbm4b:s15+s2], $0x80, v2, vm0, $0xb8;
	[tilespmem:$0x13500] =	vst v63  }
0x5e5: {  	s25 =	simm.s32 $0xFA00  }
0x5e6: {  	[tilespmem:s25], [sflag:$0x1] =	stream.indirect_vreg.gather [hbm4b:s16+s2], $0x80, v2, vm0, $0xb8;
	[tilespmem:$0x13500] =	vst v63  }
0x5e7: {  	s30 =	simm.s32 $0x10200  }
0x5e8: {  	[tilespmem:s30], [sflag:$0x1] =	stream.indirect_vreg.gather [hbm4b:s17+s2], $0x80, v2, vm0, $0xb8;
	[tilespmem:$0x13500] =	vst v63  }
0x5e9: {  	s3 =	simm.s32 $0x10A00  }
0x5ea: {  	[tilespmem:s3], [sflag:$0x1] =	stream.indirect_vreg.gather [hbm4b:s18+s2], $0x80, v2, vm0, $0xb8;
	[tilespmem:$0x13500] =	vst v63  }
0x5eb: {  	s25 =	simm.s32 $0x11200  }
0x5ec: {  	[tilespmem:s25], [sflag:$0x1] =	stream.indirect_vreg.gather [hbm4b:s19+s2], $0x80, v2, vm0, $0xb8;
	[tilespmem:$0x13500] =	vst v63  }
0x5ed: {  	s30 =	simm.s32 $0x11A00  }
0x5ee: {  	[tilespmem:s30], [sflag:$0x1] =	stream.indirect_vreg.gather [hbm4b:s20+s2], $0x80, v2, vm0, $0xb8;
	[tilespmem:$0x13500] =	vst v63  }
0x5ef: {  	s3 =	simm.s32 $0x12200  }
0x5f0: {  	[tilespmem:s3], [sflag:$0x1] =	stream.indirect_vreg.gather [hbm4b:s21+s2], $0x80, v2, vm0, $0xb8;
	[tilespmem:$0x13500] =	vst v63  }
0x5f1: {  	s25 =	simm.s32 $0x12A00  }
0x5f2: {  	[tilespmem:s25], [sflag:$0x1] =	stream.indirect_vreg.gather [hbm4b:s22+s2], $0x80, v2, vm0, $0xb8;
	[tilespmem:$0x13500] =	vst v63  }
0x5f3: {  	s30 =	simm.s32 $0x13200  }
0x5f4: {  	[tilespmem:s30], [sflag:$0x1] =	stream.indirect_vreg.gather [hbm4b:s23+s2], $0x80, v2, vm1, $0xb8;
	[tilespmem:$0x13500] =	vst v63  }
0x5f5: {  	_ =	swait.ge [sflag:s24], $0x9A00  }
0x5f6: {  	[sflag:s24] =	ssyncset.done $0x0  }
0x5f7: {  	s3 =	rddreg [dreg:$0x1e];
	[sflag:s24] =	ssyncadd.s32 $0xFFFF6600  }
0x5f8: {  	[hbm4b:s3+s26] =	stream.strided.scatter [tilespmem:s29], [sflag:$0x3], $0x9A00, s28, s26, $0x38;
	[tilespmem:$0x13500] =	vst v63  }
0x5f9: {  	_ =	swait.ge [sflag:s31], $0x9A00  }
0x5fa: {  	[sflag:s31] =	ssyncset.done $0x0  }
0x5fb: {  	[sflag:s31] =	ssyncadd.s32 $0xFFFF6600  }
0x5fc: {  	v2 =	vld.msk [tilespmem:$0x134E0], $0x1;
	_ =	sdelay $0x4  }
0x5fd: {  	v3 =	vshrl.u32 v2, $0x2  }
0x5fe: {  	v3 =	vmul.u32 $0x4D0, v3  }
0x5ff: {  	v2 =	vand.u32 $0x3, v2  }
0x600: {  	v2 =	vor.u32 v2, v3  }
0x601: {  	v2 =	vperm.xlane v2, v0;
	_ =	sdelay $0x1  }
0x602: {  	v2 =	vadd.s32 v1, v2;
	_ =	sdelay $0x4  }
0x603: {  	[tilespmem:s2], [sflag:$0x1] =	stream.indirect_vreg.gather [hbm4b:s4+s2], $0x80, v2, vm0, $0xb8;
	[tilespmem:$0x13500] =	vst v63  }
0x604: {  	s25 =	simm.s32 $0x800  }
0x605: {  	[tilespmem:s25], [sflag:$0x1] =	stream.indirect_vreg.gather [hbm4b:s5+s2], $0x80, v2, vm0, $0xb8;
	[tilespmem:$0x13500] =	vst v63  }
0x606: {  	s30 =	simm.s32 $0x1000  }
0x607: {  	[tilespmem:s30], [sflag:$0x1] =	stream.indirect_vreg.gather [hbm4b:s6+s2], $0x80, v2, vm0, $0xb8;
	[tilespmem:$0x13500] =	vst v63  }
0x608: {  	s3 =	simm.s32 $0x1800  }
0x609: {  	[tilespmem:s3], [sflag:$0x1] =	stream.indirect_vreg.gather [hbm4b:s7+s2], $0x80, v2, vm0, $0xb8;
	[tilespmem:$0x13500] =	vst v63  }
0x60a: {  	s25 =	simm.s32 $0x2000  }
0x60b: {  	[tilespmem:s25], [sflag:$0x1] =	stream.indirect_vreg.gather [hbm4b:s8+s2], $0x80, v2, vm0, $0xb8;
	[tilespmem:$0x13500] =	vst v63  }
0x60c: {  	s30 =	simm.s32 $0x2800  }
0x60d: {  	[tilespmem:s30], [sflag:$0x1] =	stream.indirect_vreg.gather [hbm4b:s9+s2], $0x80, v2, vm0, $0xb8;
	[tilespmem:$0x13500] =	vst v63  }
0x60e: {  	s3 =	simm.s32 $0x3000  }
0x60f: {  	[tilespmem:s3], [sflag:$0x1] =	stream.indirect_vreg.gather [hbm4b:s10+s2], $0x80, v2, vm0, $0xb8;
	[tilespmem:$0x13500] =	vst v63  }
0x610: {  	s25 =	simm.s32 $0x3800  }
0x611: {  	[tilespmem:s25], [sflag:$0x1] =	stream.indirect_vreg.gather [hbm4b:s11+s2], $0x80, v2, vm0, $0xb8;
	[tilespmem:$0x13500] =	vst v63  }
0x612: {  	s30 =	simm.s32 $0x4000  }
0x613: {  	[tilespmem:s30], [sflag:$0x1] =	stream.indirect_vreg.gather [hbm4b:s12+s2], $0x80, v2, vm0, $0xb8;
	[tilespmem:$0x13500] =	vst v63  }
0x614: {  	s3 =	simm.s32 $0x4800  }
0x615: {  	[tilespmem:s3], [sflag:$0x1] =	stream.indirect_vreg.gather [hbm4b:s13+s2], $0x80, v2, vm0, $0xb8;
	[tilespmem:$0x13500] =	vst v63  }
0x616: {  	s25 =	simm.s32 $0x5000  }
0x617: {  	[tilespmem:s25], [sflag:$0x1] =	stream.indirect_vreg.gather [hbm4b:s14+s2], $0x80, v2, vm0, $0xb8;
	[tilespmem:$0x13500] =	vst v63  }
0x618: {  	s30 =	simm.s32 $0x5800  }
0x619: {  	[tilespmem:s30], [sflag:$0x1] =	stream.indirect_vreg.gather [hbm4b:s15+s2], $0x80, v2, vm0, $0xb8;
	[tilespmem:$0x13500] =	vst v63  }
0x61a: {  	s3 =	simm.s32 $0x6000  }
0x61b: {  	[tilespmem:s3], [sflag:$0x1] =	stream.indirect_vreg.gather [hbm4b:s16+s2], $0x80, v2, vm0, $0xb8;
	[tilespmem:$0x13500] =	vst v63  }
0x61c: {  	s25 =	simm.s32 $0x6800  }
0x61d: {  	[tilespmem:s25], [sflag:$0x1] =	stream.indirect_vreg.gather [hbm4b:s17+s2], $0x80, v2, vm0, $0xb8;
	[tilespmem:$0x13500] =	vst v63  }
0x61e: {  	s30 =	simm.s32 $0x7000  }
0x61f: {  	[tilespmem:s30], [sflag:$0x1] =	stream.indirect_vreg.gather [hbm4b:s18+s2], $0x80, v2, vm0, $0xb8;
	[tilespmem:$0x13500] =	vst v63  }
0x620: {  	s3 =	simm.s32 $0x7800  }
0x621: {  	[tilespmem:s3], [sflag:$0x1] =	stream.indirect_vreg.gather [hbm4b:s19+s2], $0x80, v2, vm0, $0xb8;
	[tilespmem:$0x13500] =	vst v63  }
0x622: {  	s25 =	simm.s32 $0x8000  }
0x623: {  	[tilespmem:s25], [sflag:$0x1] =	stream.indirect_vreg.gather [hbm4b:s20+s2], $0x80, v2, vm0, $0xb8;
	[tilespmem:$0x13500] =	vst v63  }
0x624: {  	s30 =	simm.s32 $0x8800  }
0x625: {  	[tilespmem:s30], [sflag:$0x1] =	stream.indirect_vreg.gather [hbm4b:s21+s2], $0x80, v2, vm0, $0xb8;
	[tilespmem:$0x13500] =	vst v63  }
0x626: {  	s3 =	simm.s32 $0x9000  }
0x627: {  	[tilespmem:s3], [sflag:$0x1] =	stream.indirect_vreg.gather [hbm4b:s22+s2], $0x80, v2, vm0, $0xb8;
	[tilespmem:$0x13500] =	vst v63  }
0x628: {  	s25 =	simm.s32 $0x9800  }
0x629: {  	[tilespmem:s25], [sflag:$0x1] =	stream.indirect_vreg.gather [hbm4b:s23+s2], $0x80, v2, vm1, $0xb8;
	[tilespmem:$0x13500] =	vst v63  }
0x62a: {  	_ =	swait.ge [sflag:s24], $0x9A00  }
0x62b: {  	[sflag:s24] =	ssyncset.done $0x0  }
0x62c: {  	s30 =	rddreg [dreg:$0x1f];
	[sflag:s24] =	ssyncadd.s32 $0xFFFF6600  }
0x62d: {  	[hbm4b:s30+s26] =	stream.strided.scatter [tilespmem:s2], [sflag:$0x2], $0x9A00, s28, s26, $0x38;
	[tilespmem:$0x13500] =	vst v63  }
0x62e: {  	_ =	swait.ge [sflag:s1], $0x9A00  }
0x62f: {  	[sflag:s1] =	ssyncset.done $0x0  }
0x630: {  	[sflag:s1] =	ssyncadd.s32 $0xFFFF6600  }
0x631: {  	v2 =	vld.msk [tilespmem:$0x134E8], $0x1;
	_ =	sdelay $0x4  }
0x632: {  	v3 =	vshrl.u32 v2, $0x2  }
0x633: {  	v3 =	vmul.u32 $0x4D0, v3  }
0x634: {  	v2 =	vand.u32 $0x3, v2  }
0x635: {  	v2 =	vor.u32 v2, v3  }
0x636: {  	v2 =	vperm.xlane v2, v0;
	_ =	sdelay $0x1  }
0x637: {  	v2 =	vadd.s32 v1, v2;
	_ =	sdelay $0x4  }
0x638: {  	[tilespmem:s29], [sflag:$0x1] =	stream.indirect_vreg.gather [hbm4b:s4+s2], $0x80, v2, vm0, $0xb8;
	[tilespmem:$0x13500] =	vst v63  }
0x639: {  	s3 =	simm.s32 $0xA200  }
0x63a: {  	[tilespmem:s3], [sflag:$0x1] =	stream.indirect_vreg.gather [hbm4b:s5+s2], $0x80, v2, vm0, $0xb8;
	[tilespmem:$0x13500] =	vst v63  }
0x63b: {  	s25 =	simm.s32 $0xAA00  }
0x63c: {  	[tilespmem:s25], [sflag:$0x1] =	stream.indirect_vreg.gather [hbm4b:s6+s2], $0x80, v2, vm0, $0xb8;
	[tilespmem:$0x13500] =	vst v63  }
0x63d: {  	s30 =	simm.s32 $0xB200  }
0x63e: {  	[tilespmem:s30], [sflag:$0x1] =	stream.indirect_vreg.gather [hbm4b:s7+s2], $0x80, v2, vm0, $0xb8;
	[tilespmem:$0x13500] =	vst v63  }
0x63f: {  	s0 =	simm.s32 $0xBA00  }
0x640: {  	[tilespmem:s0], [sflag:$0x1] =	stream.indirect_vreg.gather [hbm4b:s8+s2], $0x80, v2, vm0, $0xb8;
	[tilespmem:$0x13500] =	vst v63  }
0x641: {  	s0 =	simm.s32 $0xC200  }
0x642: {  	[tilespmem:s0], [sflag:$0x1] =	stream.indirect_vreg.gather [hbm4b:s9+s2], $0x80, v2, vm0, $0xb8;
	[tilespmem:$0x13500] =	vst v63  }
0x643: {  	s0 =	simm.s32 $0xCA00  }
0x644: {  	[tilespmem:s0], [sflag:$0x1] =	stream.indirect_vreg.gather [hbm4b:s10+s2], $0x80, v2, vm0, $0xb8;
	[tilespmem:$0x13500] =	vst v63  }
0x645: {  	s0 =	simm.s32 $0xD200  }
0x646: {  	[tilespmem:s0], [sflag:$0x1] =	stream.indirect_vreg.gather [hbm4b:s11+s2], $0x80, v2, vm0, $0xb8;
	[tilespmem:$0x13500] =	vst v63  }
0x647: {  	s0 =	simm.s32 $0xDA00  }
0x648: {  	[tilespmem:s0], [sflag:$0x1] =	stream.indirect_vreg.gather [hbm4b:s12+s2], $0x80, v2, vm0, $0xb8;
	[tilespmem:$0x13500] =	vst v63  }
0x649: {  	s0 =	simm.s32 $0xE200  }
0x64a: {  	[tilespmem:s0], [sflag:$0x1] =	stream.indirect_vreg.gather [hbm4b:s13+s2], $0x80, v2, vm0, $0xb8;
	[tilespmem:$0x13500] =	vst v63  }
0x64b: {  	s0 =	simm.s32 $0xEA00  }
0x64c: {  	[tilespmem:s0], [sflag:$0x1] =	stream.indirect_vreg.gather [hbm4b:s14+s2], $0x80, v2, vm0, $0xb8;
	[tilespmem:$0x13500] =	vst v63  }
0x64d: {  	s0 =	simm.s32 $0xF200  }
0x64e: {  	[tilespmem:s0], [sflag:$0x1] =	stream.indirect_vreg.gather [hbm4b:s15+s2], $0x80, v2, vm0, $0xb8;
	[tilespmem:$0x13500] =	vst v63  }
0x64f: {  	s0 =	simm.s32 $0xFA00  }
0x650: {  	[tilespmem:s0], [sflag:$0x1] =	stream.indirect_vreg.gather [hbm4b:s16+s2], $0x80, v2, vm0, $0xb8;
	[tilespmem:$0x13500] =	vst v63  }
0x651: {  	s0 =	simm.s32 $0x10200  }
0x652: {  	[tilespmem:s0], [sflag:$0x1] =	stream.indirect_vreg.gather [hbm4b:s17+s2], $0x80, v2, vm0, $0xb8;
	[tilespmem:$0x13500] =	vst v63  }
0x653: {  	s0 =	simm.s32 $0x10A00  }
0x654: {  	[tilespmem:s0], [sflag:$0x1] =	stream.indirect_vreg.gather [hbm4b:s18+s2], $0x80, v2, vm0, $0xb8;
	[tilespmem:$0x13500] =	vst v63  }
0x655: {  	s0 =	simm.s32 $0x11200  }
0x656: {  	[tilespmem:s0], [sflag:$0x1] =	stream.indirect_vreg.gather [hbm4b:s19+s2], $0x80, v2, vm0, $0xb8;
	[tilespmem:$0x13500] =	vst v63  }
0x657: {  	s0 =	simm.s32 $0x11A00  }
0x658: {  	[tilespmem:s0], [sflag:$0x1] =	stream.indirect_vreg.gather [hbm4b:s20+s2], $0x80, v2, vm0, $0xb8;
	[tilespmem:$0x13500] =	vst v63  }
0x659: {  	s0 =	simm.s32 $0x12200  }
0x65a: {  	[tilespmem:s0], [sflag:$0x1] =	stream.indirect_vreg.gather [hbm4b:s21+s2], $0x80, v2, vm0, $0xb8;
	[tilespmem:$0x13500] =	vst v63  }
0x65b: {  	s0 =	simm.s32 $0x12A00  }
0x65c: {  	[tilespmem:s0], [sflag:$0x1] =	stream.indirect_vreg.gather [hbm4b:s22+s2], $0x80, v2, vm0, $0xb8;
	[tilespmem:$0x13500] =	vst v63  }
0x65d: {  	s0 =	simm.s32 $0x13200  }
0x65e: {  	[tilespmem:s0], [sflag:$0x1] =	stream.indirect_vreg.gather [hbm4b:s23+s2], $0x80, v2, vm1, $0xb8;
	[tilespmem:$0x13500] =	vst v63  }
0x65f: {  	_ =	swait.ge [sflag:s24], $0x9A00  }
0x660: {  	s0 =	sld [smem:$0x7FA]  }
0x661: {  	[sflag:s24] =	ssyncset.done $0x0  }
0x662: {  	[sflag:s24] =	ssyncadd.s32 $0xFFFF6600  }
0x663: {  	[hbm4b:s0+s26] =	stream.strided.scatter [tilespmem:s29], [sflag:$0x3], $0x9A00, s28, s26, $0x38;
	[tilespmem:$0x13500] =	vst v63  }
0x664: {  	_ =	swait.ge [sflag:s31], $0x9A00  }
0x665: {  	[sflag:s31] =	ssyncset.done $0x0  }
0x666: {  	[sflag:s31] =	ssyncadd.s32 $0xFFFF6600  }
0x667: {  	v2 =	vld.msk [tilespmem:$0x134F0], $0x1;
	_ =	sdelay $0x4  }
0x668: {  	v3 =	vshrl.u32 v2, $0x2  }
0x669: {  	v3 =	vmul.u32 $0x4D0, v3  }
0x66a: {  	v2 =	vand.u32 $0x3, v2  }
0x66b: {  	v2 =	vor.u32 v2, v3  }
0x66c: {  	v2 =	vperm.xlane v2, v0;
	_ =	sdelay $0x1  }
0x66d: {  	v2 =	vadd.s32 v1, v2;
	_ =	sdelay $0x4  }
0x66e: {  	[tilespmem:s2], [sflag:$0x1] =	stream.indirect_vreg.gather [hbm4b:s4+s2], $0x80, v2, vm0, $0xb8;
	[tilespmem:$0x13500] =	vst v63  }
0x66f: {  	s0 =	simm.s32 $0x800  }
0x670: {  	[tilespmem:s0], [sflag:$0x1] =	stream.indirect_vreg.gather [hbm4b:s5+s2], $0x80, v2, vm0, $0xb8;
	[tilespmem:$0x13500] =	vst v63  }
0x671: {  	s0 =	simm.s32 $0x1000  }
0x672: {  	[tilespmem:s0], [sflag:$0x1] =	stream.indirect_vreg.gather [hbm4b:s6+s2], $0x80, v2, vm0, $0xb8;
	[tilespmem:$0x13500] =	vst v63  }
0x673: {  	s0 =	simm.s32 $0x1800  }
0x674: {  	[tilespmem:s0], [sflag:$0x1] =	stream.indirect_vreg.gather [hbm4b:s7+s2], $0x80, v2, vm0, $0xb8;
	[tilespmem:$0x13500] =	vst v63  }
0x675: {  	s0 =	simm.s32 $0x2000  }
0x676: {  	[tilespmem:s0], [sflag:$0x1] =	stream.indirect_vreg.gather [hbm4b:s8+s2], $0x80, v2, vm0, $0xb8;
	[tilespmem:$0x13500] =	vst v63  }
0x677: {  	s0 =	simm.s32 $0x2800  }
0x678: {  	[tilespmem:s0], [sflag:$0x1] =	stream.indirect_vreg.gather [hbm4b:s9+s2], $0x80, v2, vm0, $0xb8;
	[tilespmem:$0x13500] =	vst v63  }
0x679: {  	s0 =	simm.s32 $0x3000  }
0x67a: {  	[tilespmem:s0], [sflag:$0x1] =	stream.indirect_vreg.gather [hbm4b:s10+s2], $0x80, v2, vm0, $0xb8;
	[tilespmem:$0x13500] =	vst v63  }
0x67b: {  	s0 =	simm.s32 $0x3800  }
0x67c: {  	[tilespmem:s0], [sflag:$0x1] =	stream.indirect_vreg.gather [hbm4b:s11+s2], $0x80, v2, vm0, $0xb8;
	[tilespmem:$0x13500] =	vst v63  }
0x67d: {  	s0 =	simm.s32 $0x4000  }
0x67e: {  	[tilespmem:s0], [sflag:$0x1] =	stream.indirect_vreg.gather [hbm4b:s12+s2], $0x80, v2, vm0, $0xb8;
	[tilespmem:$0x13500] =	vst v63  }
0x67f: {  	s0 =	simm.s32 $0x4800  }
0x680: {  	[tilespmem:s0], [sflag:$0x1] =	stream.indirect_vreg.gather [hbm4b:s13+s2], $0x80, v2, vm0, $0xb8;
	[tilespmem:$0x13500] =	vst v63  }
0x681: {  	s0 =	simm.s32 $0x5000  }
0x682: {  	[tilespmem:s0], [sflag:$0x1] =	stream.indirect_vreg.gather [hbm4b:s14+s2], $0x80, v2, vm0, $0xb8;
	[tilespmem:$0x13500] =	vst v63  }
0x683: {  	s0 =	simm.s32 $0x5800  }
0x684: {  	[tilespmem:s0], [sflag:$0x1] =	stream.indirect_vreg.gather [hbm4b:s15+s2], $0x80, v2, vm0, $0xb8;
	[tilespmem:$0x13500] =	vst v63  }
0x685: {  	s0 =	simm.s32 $0x6000  }
0x686: {  	[tilespmem:s0], [sflag:$0x1] =	stream.indirect_vreg.gather [hbm4b:s16+s2], $0x80, v2, vm0, $0xb8;
	[tilespmem:$0x13500] =	vst v63  }
0x687: {  	s0 =	simm.s32 $0x6800  }
0x688: {  	[tilespmem:s0], [sflag:$0x1] =	stream.indirect_vreg.gather [hbm4b:s17+s2], $0x80, v2, vm0, $0xb8;
	[tilespmem:$0x13500] =	vst v63  }
0x689: {  	s0 =	simm.s32 $0x7000  }
0x68a: {  	[tilespmem:s0], [sflag:$0x1] =	stream.indirect_vreg.gather [hbm4b:s18+s2], $0x80, v2, vm0, $0xb8;
	[tilespmem:$0x13500] =	vst v63  }
0x68b: {  	s0 =	simm.s32 $0x7800  }
0x68c: {  	[tilespmem:s0], [sflag:$0x1] =	stream.indirect_vreg.gather [hbm4b:s19+s2], $0x80, v2, vm0, $0xb8;
	[tilespmem:$0x13500] =	vst v63  }
0x68d: {  	s0 =	simm.s32 $0x8000  }
0x68e: {  	[tilespmem:s0], [sflag:$0x1] =	stream.indirect_vreg.gather [hbm4b:s20+s2], $0x80, v2, vm0, $0xb8;
	[tilespmem:$0x13500] =	vst v63  }
0x68f: {  	s0 =	simm.s32 $0x8800  }
0x690: {  	[tilespmem:s0], [sflag:$0x1] =	stream.indirect_vreg.gather [hbm4b:s21+s2], $0x80, v2, vm0, $0xb8;
	[tilespmem:$0x13500] =	vst v63  }
0x691: {  	s0 =	simm.s32 $0x9000  }
0x692: {  	[tilespmem:s0], [sflag:$0x1] =	stream.indirect_vreg.gather [hbm4b:s22+s2], $0x80, v2, vm0, $0xb8;
	[tilespmem:$0x13500] =	vst v63  }
0x693: {  	s0 =	simm.s32 $0x9800  }
0x694: {  	[tilespmem:s0], [sflag:$0x1] =	stream.indirect_vreg.gather [hbm4b:s23+s2], $0x80, v2, vm1, $0xb8;
	[tilespmem:$0x13500] =	vst v63  }
0x695: {  	_ =	swait.ge [sflag:s24], $0x9A00  }
0x696: {  	s0 =	sld [smem:$0x7FB]  }
0x697: {  	[sflag:s24] =	ssyncset.done $0x0  }
0x698: {  	[sflag:s24] =	ssyncadd.s32 $0xFFFF6600  }
0x699: {  	[hbm4b:s0+s26] =	stream.strided.scatter [tilespmem:s2], [sflag:$0x2], $0x9A00, s28, s26, $0x38;
	[tilespmem:$0x13500] =	vst v63  }
0x69a: {  	_ =	swait.ge [sflag:s1], $0x9A00  }
0x69b: {  	[sflag:s1] =	ssyncset.done $0x0  }
0x69c: {  	[sflag:s1] =	ssyncadd.s32 $0xFFFF6600  }
0x69d: {  	v2 =	vld.msk [tilespmem:$0x134F8], $0x1;
	_ =	sdelay $0x4  }
0x69e: {  	v3 =	vshrl.u32 v2, $0x2  }
0x69f: {  	v3 =	vmul.u32 $0x4D0, v3  }
0x6a0: {  	v2 =	vand.u32 $0x3, v2  }
0x6a1: {  	v2 =	vor.u32 v2, v3  }
0x6a2: {  	v2 =	vperm.xlane v2, v0;
	_ =	sdelay $0x1  }
0x6a3: {  	v2 =	vadd.s32 v1, v2;
	_ =	sdelay $0x4  }
0x6a4: {  	[tilespmem:s29], [sflag:$0x1] =	stream.indirect_vreg.gather [hbm4b:s4+s2], $0x80, v2, vm0, $0xb8;
	[tilespmem:$0x13500] =	vst v63  }
0x6a5: {  	s3 =	simm.s32 $0xA200  }
0x6a6: {  	[tilespmem:s3], [sflag:$0x1] =	stream.indirect_vreg.gather [hbm4b:s5+s2], $0x80, v2, vm0, $0xb8;
	[tilespmem:$0x13500] =	vst v63  }
0x6a7: {  	s25 =	simm.s32 $0xAA00  }
0x6a8: {  	[tilespmem:s25], [sflag:$0x1] =	stream.indirect_vreg.gather [hbm4b:s6+s2], $0x80, v2, vm0, $0xb8;
	[tilespmem:$0x13500] =	vst v63  }
0x6a9: {  	s30 =	simm.s32 $0xB200  }
0x6aa: {  	[tilespmem:s30], [sflag:$0x1] =	stream.indirect_vreg.gather [hbm4b:s7+s2], $0x80, v2, vm0, $0xb8;
	[tilespmem:$0x13500] =	vst v63  }
0x6ab: {  	s3 =	simm.s32 $0xBA00  }
0x6ac: {  	[tilespmem:s3], [sflag:$0x1] =	stream.indirect_vreg.gather [hbm4b:s8+s2], $0x80, v2, vm0, $0xb8;
	[tilespmem:$0x13500] =	vst v63  }
0x6ad: {  	s25 =	simm.s32 $0xC200  }
0x6ae: {  	[tilespmem:s25], [sflag:$0x1] =	stream.indirect_vreg.gather [hbm4b:s9+s2], $0x80, v2, vm0, $0xb8;
	[tilespmem:$0x13500] =	vst v63  }
0x6af: {  	s30 =	simm.s32 $0xCA00  }
0x6b0: {  	[tilespmem:s30], [sflag:$0x1] =	stream.indirect_vreg.gather [hbm4b:s10+s2], $0x80, v2, vm0, $0xb8;
	[tilespmem:$0x13500] =	vst v63  }
0x6b1: {  	s3 =	simm.s32 $0xD200  }
0x6b2: {  	[tilespmem:s3], [sflag:$0x1] =	stream.indirect_vreg.gather [hbm4b:s11+s2], $0x80, v2, vm0, $0xb8;
	[tilespmem:$0x13500] =	vst v63  }
0x6b3: {  	s25 =	simm.s32 $0xDA00  }
0x6b4: {  	[tilespmem:s25], [sflag:$0x1] =	stream.indirect_vreg.gather [hbm4b:s12+s2], $0x80, v2, vm0, $0xb8;
	[tilespmem:$0x13500] =	vst v63  }
0x6b5: {  	s30 =	simm.s32 $0xE200  }
0x6b6: {  	[tilespmem:s30], [sflag:$0x1] =	stream.indirect_vreg.gather [hbm4b:s13+s2], $0x80, v2, vm0, $0xb8;
	[tilespmem:$0x13500] =	vst v63  }
0x6b7: {  	s3 =	simm.s32 $0xEA00  }
0x6b8: {  	[tilespmem:s3], [sflag:$0x1] =	stream.indirect_vreg.gather [hbm4b:s14+s2], $0x80, v2, vm0, $0xb8;
	[tilespmem:$0x13500] =	vst v63  }
0x6b9: {  	s25 =	simm.s32 $0xF200  }
0x6ba: {  	[tilespmem:s25], [sflag:$0x1] =	stream.indirect_vreg.gather [hbm4b:s15+s2], $0x80, v2, vm0, $0xb8;
	[tilespmem:$0x13500] =	vst v63  }
0x6bb: {  	s30 =	simm.s32 $0xFA00  }
0x6bc: {  	[tilespmem:s30], [sflag:$0x1] =	stream.indirect_vreg.gather [hbm4b:s16+s2], $0x80, v2, vm0, $0xb8;
	[tilespmem:$0x13500] =	vst v63  }
0x6bd: {  	s3 =	simm.s32 $0x10200  }
0x6be: {  	[tilespmem:s3], [sflag:$0x1] =	stream.indirect_vreg.gather [hbm4b:s17+s2], $0x80, v2, vm0, $0xb8;
	[tilespmem:$0x13500] =	vst v63  }
0x6bf: {  	s25 =	simm.s32 $0x10A00  }
0x6c0: {  	[tilespmem:s25], [sflag:$0x1] =	stream.indirect_vreg.gather [hbm4b:s18+s2], $0x80, v2, vm0, $0xb8;
	[tilespmem:$0x13500] =	vst v63  }
0x6c1: {  	s30 =	simm.s32 $0x11200  }
0x6c2: {  	[tilespmem:s30], [sflag:$0x1] =	stream.indirect_vreg.gather [hbm4b:s19+s2], $0x80, v2, vm0, $0xb8;
	[tilespmem:$0x13500] =	vst v63  }
0x6c3: {  	s3 =	simm.s32 $0x11A00  }
0x6c4: {  	[tilespmem:s3], [sflag:$0x1] =	stream.indirect_vreg.gather [hbm4b:s20+s2], $0x80, v2, vm0, $0xb8;
	[tilespmem:$0x13500] =	vst v63  }
0x6c5: {  	s25 =	simm.s32 $0x12200  }
0x6c6: {  	[tilespmem:s25], [sflag:$0x1] =	stream.indirect_vreg.gather [hbm4b:s21+s2], $0x80, v2, vm0, $0xb8;
	[tilespmem:$0x13500] =	vst v63  }
0x6c7: {  	s30 =	simm.s32 $0x12A00  }
0x6c8: {  	[tilespmem:s30], [sflag:$0x1] =	stream.indirect_vreg.gather [hbm4b:s22+s2], $0x80, v2, vm0, $0xb8;
	[tilespmem:$0x13500] =	vst v63  }
0x6c9: {  	s3 =	simm.s32 $0x13200  }
0x6ca: {  	[tilespmem:s3], [sflag:$0x1] =	stream.indirect_vreg.gather [hbm4b:s23+s2], $0x80, v2, vm1, $0xb8;
	[tilespmem:$0x13500] =	vst v63  }
0x6cb: {  	_ =	swait.ge [sflag:s24], $0x9A00  }
0x6cc: {  	s25 =	sld [smem:$0x7FC]  }
0x6cd: {  	[sflag:s24] =	ssyncset.done $0x0;
	s30 =	sld [smem:$0x7F8]  }
0x6ce: {  	[sflag:s24] =	ssyncadd.s32 $0xFFFF6600  }
0x6cf: {  	[hbm4b:s25+s26] =	stream.strided.scatter [tilespmem:s29], [sflag:$0x3], $0x9A00, s28, s26, $0x38;
	[tilespmem:$0x13500] =	vst v63  }
0x6d0: {  	p0 =	sne.s32 s30, $0x1;
	_ =	swait.ge [sflag:s31], $0x9A00  }
.Ltmp0:
0x6d1: {  	[sflag:s31] =	ssyncset.done $0x0;
	(pc) =	sbr.rel @p0 .LBB2_1-.Ltmp0, $4  }
0x6d2: {  	[sflag:s31] =	ssyncadd.s32 $0xFFFF6600  }
0x6d3: {  	_ =	swait.ge [sflag:s1], $0x9A00  }
0x6d4: {  	[sflag:s1] =	ssyncset.done $0x0  }
0x6d5: {  	s0 =	sadd.s32 $0xFFFFFFFF, s30;
	[sflag:s1] =	ssyncadd.s32 $0xFFFF6600  }
0x6d6: {  	_ =	sfence.sel $0x180000  }
0x6d7: {  	[bflag:$0x0] =	sbarrier.arrive $0xFFFF  }
0x6d8: {  	_ =	strace $0x9000004A  }
0x6d9: {  	s0 =	stileid.u32;
	[bflag:$0x2] =	sbarrier.arrive $0xFFFF  }
0x6da: {  	p0 =	sne.s32 s0, $0x0;
	s0 =	rddreg [dreg:$0x2]  }
0x6db: {  	s0 =	sadd.s32 @!p0 $0x100000, s0  }
0x6dc: {  	[sflag:s0] =	ssyncadd.tile.s32 @!p0 $0x1;
	_ =	shalt  }
.Lfunc_end2:
_tile_overlayer_lowered:
.L_overlay_start_2:
0x6dd: {  	(tag) =	ssettag $0x2  }
0x6de: {  	s0 =	rddreg [dreg:$0x0];
	s2 =	stileid.u32  }
0x6df: {  	s1 =	rddreg [dreg:$0x1];
	p0 =	sne.s32 s2, $0x0  }
0x6e0: {  	s3 =	rddreg [dreg:$0x2];
	[bflag:$0x3] =	sbarrier.arrive $0xFFFF;
	s2 =	simm.s32 @!p0 $0x1C04  }
0x6e1: {  	[timem:s3], [sflag:s2] =	dma.local @!p0 [hbm:s0], s1  }
0x6e2: {  	s0 =	simm.s32 @!p0 $0x4  }
0x6e3: {  	_ =	swait.ge @!p0 [sflag:s0], s1  }
0x6e4: {  	s1 =	ssub.s32 @!p0 $0x0, s1;
	[sflag:s0] =	ssyncset.done @!p0 $0x0  }
0x6e5: {  	[sflag:s0] =	ssyncadd.s32 @!p0 s1  }
0x6e6: {  	[bflag:$0x3] =	sbarrier.arrive $0xFFFF  }
0x6e7: {  	_ =	shalt  }

// kernel: sparse-core-data-format-call.cloned.1.call-start
scs
called_computation_lowered:
.L_overlay_start_0:
0x0: {  	s2 =	sld [smem:$0x3FD9]  }
0x1: {  	s3 =	sld [smem:$0x3FFE];
	_ =	sdelay $0x1  }
0x2: {  	s1 =	srdreg.scid  }
0x3: {  	s0 =	sand.u32 $0x1, s1  }
0x4: {  	s18 =	sshll.u32 s0, $0xA;
	s2 =	sadd.s32 s3, s2  }
0x5: {  	s2 =	sadd.s32 s2, s18  }
0x6: {  	[smem:$0x3FC3] =	sst s2  }
0x7: {  	_ = 	snop  }
0x8: {  	s2 =	sld [smem:$0x3FD0];
	(tm) =	ssettm $0x1  }
0x9: {  	s19 =	sld [smem:$0x3FFB];
	_ =	sdelay $0x3  }
0xa: {  	_ =	strace s19  }
0xb: {  	s3 =	sld [smem:$0x3FFC];
	_ =	sdelay $0x3  }
0xc: {  	_ =	strace s3  }
0xd: {  	s3 =	sld [smem:$0x3FFD];
	_ =	sdelay $0x3  }
0xe: {  	_ =	strace s3  }
0xf: {  	_ =	strace $0x8FFFFFFF  }
0x10: {  	s20 =	sld [smem:$0x3FDB];
	_ =	sdelay $0x1  }
0x11: {  	s4 =	simm.s32 $_scs_section_size  }
0x12: {  	s5 =	simm.s32 $_size__tile_overlayer_lowered;
	s6 =	simm.s32 $_tile_overlayer_lowered  }
0x13: {  	s23 =	simm.s32 $0x1BFF;
	s22 =	sshll.u32 s6, $0x1;
	s3 =	sadd.s32 s4, s20  }
0x14: {  	s7 =	simm.s32 $0x0;
	s21 =	sshll.u32 s5, $0x1;
	s5 =	sadd.s32 s22, s3  }
0x15: {  	[timem:s7], [sflag:s23] =	dma.local [hbm:s5], s21  }
0x16: {  	_ =	swait.ge [sflag:s23], s21  }
0x17: {  	s4 =	ssub.s32 $0x0, s21;
	[sflag:s23] =	ssyncset.done $0x0  }
0x18: {  	[sflag:s23] =	ssyncadd.s32 s4;
	_ =	sdelay $0x1  }
0x19: {  	s24 =	simm.s32 $0x1B8B  }
0x1a: {  	_ =	swait.ge [sflag:s24], $0x1  }
0x1b: {  	[sflag:s24] =	ssyncset.done $0x0  }
0x1c: {  	s26 =	simm.s32 $0x1B8E;
	s25 =	sld [smem:$0x3FFE];
	[sflag:s24] =	ssyncadd.s32 $0xFFFFFFFF  }
0x1d: {  	s27 =	simm.s32 $execute0_lowered;
	[smem:$0x3FD2] =	sst s26  }
0x1e: {  	s5 =	sshll.u32 s27, $0x1;
	_ =	strace $0x8000004C;
	[dreg:$0x1] =	wrdreg $0xFFFFFFFF  }
0x1f: {  	s28 =	simm.s32 $_size_execute0_lowered;
	s3 =	sadd.s32 s3, s5;
	[dreg:$0x0] =	wrdreg $0x0  }
0x20: {  	s5 =	sshll.u32 s28, $0x1;
	[dreg:$0x2] =	wrdreg s3  }
0x21: {  	[dreg:$0x3] =	wrdreg s5  }
0x22: {  	[dreg:$0x4] =	wrdreg $0xC0  }
0x23: {  	_ =	task [dreg:s7], $0x5FFFF  }
0x24: {  	[dreg:$0x1] =	wrdreg $0xFFFFFFFF  }
0x25: {  	[dreg:$0x0] =	wrdreg $0x60  }
0x26: {  	[dreg:$0x2] =	wrdreg s25  }
0x27: {  	[dreg:$0x3] =	wrdreg s2  }
0x28: {  	[dreg:$0x4] =	wrdreg $0x9  }
0x29: {  	_ =	task.clear_ibuf [dreg:s7], $0x5FFFF;
	_ =	strace $0x9000004C  }
0x2a: {  	s29 =	simm.s32 $0x9;
	_ =	strace $0x8000004E  }
0x2b: {  	_ =	swait.ge [sflag:s29], $0x1  }
0x2c: {  	[sflag:s29] =	ssyncadd.s32 $0xFFFFFFFF  }
0x2d: {  	_ =	strace $0x9000004E  }
0x2e: {  	_ =	sfence  }
0x2f: {  	s30 =	sld [smem:$0x0];
	_ =	sdelay $0x2  }
0x30: {  	s31 =	sshll.u32 s1, $0xD;
	s1 =	sshrl.u32 s1, $0x2  }
0x31: {  	s3 =	sand.u32 $0x4000, s31;
	s1 =	sadd.s32 s1, s30  }
0x32: {  	s0 =	sor.u32 s3, s0;
	s1 =	sshll.u32 s1, $0x11  }
0x33: {  	s0 =	sor.u32 s1, s0  }
0x34: {  	s0 =	sadd.s32 $0x8F2B, s0  }
0x35: {  	[sflag:s0] =	ssyncadd.remote.s32 $0x1  }
0x36: {  	_ =	sfence.sel $0xFFFF  }
0x37: {  	[dreg:$0x0] =	wrdreg $0xFFFFFFFF;
	(pc) =	sbr.abs _section_cstart, $3  }
0x38: {  	[dreg:$0x1] =	wrdreg $0xFFFFFFFF  }
0x39: {  	_ =	task.clear_ibuf [dreg:s7], $0x2FFFF;
	_ =	strace $0x9FFFFFFF  }
0x3a: {  	(tm) =	ssettm $0x7FFFFFFF  }
0x3b: {  	_ =	shalt  }
tec
execute0_lowered:
.L_overlay_start_1:
0x0: {  	(tag) =	ssettag $0x1  }
0x1: {  	s0 =	stileid.u32;
	s1 =	srdreg.scid  }
0x2: {  	s5 =	rddreg [dreg:$0x0];
	s31 =	simm.s32 $0x2;
	s13 =	simm.s32 $0x0  }
0x3: {  	s2 =	sshll.u32 s0, $0x5;
	s1 =	sshll.u32 s1, $0x9;
	s3 =	sshll.u32 s0, $0x7  }
0x4: {  	s10 =	simm.s32 $0x1000;
	s4 =	sor.u32 s2, s1;
	s1 =	sand.u32 $0x180, s3  }
0x5: {  	s15 =	simm.s32 $0x0;
	s3 =	sand.u32 $0x380, s4;
	s29 =	ssub.s32 $0x200, s1  }
0x6: {  	s14 =	simm.s32 $0x0;
	s7 =	sand.u32 $0x180, s29;
	s8 =	ssub.s32 $0x400, s3  }
0x7: {  	p0 =	sne.s32 s7, $0x0;
	s7 =	simm.s32 $0x1;
	s9 =	sand.u32 $0x380, s8  }
0x8: {  	s7 =	simm.s32 @!p0 $0x0;
	p0 =	sne.s32 s9, $0x0;
	s9 =	simm.s32 $0x1  }
0x9: {  	s4 =	sshrl.u32 s29, $0x9;
	s8 =	sshrl.u32 s8, $0xA;
	s9 =	simm.s32 @!p0 $0x0  }
0xa: {  	s6 =	sshll.u32 s0, $0xE;
	s7 =	sadd.s32 s7, s4;
	s8 =	sadd.s32 s9, s8  }
0xb: {  	s11 =	simm.s32 $0x0;
	s6 =	sand.u32 $0xC000, s6;
	s7 =	smul.u32 s8, s7  }
.Ltmp0:
0xc: {  	s12 =	simm.s32 $0x0;
	s6 =	sor.u32 s3, s6;
	(pc) =	sbr.rel .LBB1_1-.Ltmp0, $4  }
0xd: {  	s2 =	rddreg [dreg:$0x1];
	s30 =	sadd.s32 s6, s5;
	s5 =	simm.s32 $0x1  }
0xe: {  	s4 =	rddreg [dreg:$0x2];
	_ =	strace $0x8000004D;
	s6 =	smul.u32 $0x4D, s7  }
0xf: {  	p0 =	por $0x0, $0x0;
	[sflag:s5] =	ssyncpa.u1 $0x0;
	s9 =	simm.s32 $0x400  }
0x10: {  	[sflag:s31] =	ssyncpa.u1 $0x0;
	s7 =	sadd.s32 $0x1600, s30;
	s8 =	sadd.s32 $0x1, s6  }
.LBB1_4:
0x11: {  	v5 =	vld [tilespmem:s19+$0xFFFFFFD0];
	[tilespmem:s18+$0x2040 ss:$0x81] =	vst.msk $0xffff, v1  }
0x12: {  	v58 =	vld [tilespmem:s19+$0xFFFFFFE0];
	[tilespmem:s18+$0x2850 ss:$0x81] =	vst.msk $0xffff, v2  }
0x13: {  	s20 =	sshra.s32 s20, $0x2;
	v59 =	vld [tilespmem:s19+$0xFFFFFFF0];
	[tilespmem:s18+$0x3060 ss:$0x81] =	vst.msk $0xffff, v3  }
0x14: {  	v60 =	vld [tilespmem:s19+$0x0];
	[tilespmem:s18+$0x0 ss:$0x81] =	vst.msk $0xffff, v0;
	s17 =	sadd.s32 s20, s17  }
0x15: {  	v61 =	vld [tilespmem:s19+$0x10];
	[tilespmem:s17+$0x3870 ss:$0x81] =	vst.msk $0xffff, v4  }
0x16: {  	v62 =	vld [tilespmem:s19+$0x20];
	[tilespmem:s17+$0x810 ss:$0x81] =	vst.msk $0xffff, v5  }
0x17: {  	v63 =	vld [tilespmem:s19+$0xFFFFFFC0];
	[tilespmem:s17+$0x1020 ss:$0x81] =	vst.msk $0xffff, v58  }
0x18: {  	[tilespmem:s17+$0x1830 ss:$0x81] =	vst.msk $0xffff, v59  }
0x19: {  	[tilespmem:s17+$0x2040 ss:$0x81] =	vst.msk $0xffff, v60  }
0x1a: {  	s14 =	sshll.u32 s14, $0x10;
	s15 =	sadd.s32 s2, s15;
	[tilespmem:s17+$0x2850 ss:$0x81] =	vst.msk $0xffff, v61  }
0x1b: {  	s13 =	sshll.u32 s13, $0x6;
	s14 =	sadd.s32 s14, s15;
	[tilespmem:s17+$0x3060 ss:$0x81] =	vst.msk $0xffff, v62  }
0x1c: {  	s13 =	sadd.s32 s13, s14;
	[tilespmem:s17+$0x0 ss:$0x81] =	vst.msk $0xffff, v63  }
0x1d: {  	[hbm4b:s13+s9] =	stream.strided.scatter [tilespmem:s16], [sflag:$0x2], $0x4000, s10, s9, $0x20;
	[tilespmem:$0x10100] =	vst v63  }
.LBB1_5:
0x1e: {  	s16 =	sadd.s32 $0x1, s11  }
0x1f: {  	p2 =	sgt.s32 s16, $0x4C  }
0x20: {  	s16 =	simm.s32 @p2 $0x0;
	p2 =	sne.s32 s12, s8  }
.Ltmp1:
0x21: {  	p1 =	slt.u32 s12, $0x2;
	(pc) =	sbr.rel @!p2 .LBB1_6-.Ltmp1, $4  }
0x22: {  	s17 =	sadd.s32 $0x1, s12;
	s13 =	simm.s32 @!p1 $0x2  }
0x23: {  	s14 =	smov.u32 s11;
	p0 =	por !p0, !p0;
	_ =	swait.ge @!p1 [sflag:s13], $0x4000  }
0x24: {  	s15 =	smov.u32 s1;
	s12 =	smov.u32 s17;
	[sflag:s13] =	ssyncset.done @!p1 $0x0  }
0x25: {  	s11 =	smov.u32 s16;
	[sflag:s13] =	ssyncadd.s32 @!p1 $0xFFFFC000;
	s13 =	smov.u32 s3  }
.LBB1_1:
0x26: {  	p1 =	sge.u32 s12, s6  }
0x27: {  	s31 =	sadd.s32 $0xFFFFFFFF, s12;
	s16 =	sxor.u32 @!p1 $0xFFFFFFFF, s12  }
0x28: {  	s17 =	sshll.u32 @!p1 s11, $0x10;
	s18 =	simm.s32 @!p1 $0x400;
	s16 =	sshll.u32 @!p1 s16, $0xE  }
0x29: {  	s19 =	simm.s32 @!p1 $0x2000;
	s17 =	sadd.s32 @!p1 s17, s7;
	s16 =	sand.u32 @!p1 $0x4000, s16  }
0x2a: {  	[tilespmem:s16], [sflag:$0x1] =	stream.strided.gather @!p1 [hbm4b:s17+s18], $0x4000, s19, s18, $0x38;
	[tilespmem:$0x10100] =	vst v63  }
0x2b: {  	p1 =	sge.u32 s31, s6  }
.Ltmp2:
0x2c: {  	_ = 	snop;
	(pc) =	sbr.rel @p1 .LBB1_5-.Ltmp2, $1  }
0x2d: {  	_ =	sdelay $0x3  }
0x2e: {  	s16 =	simm.s32 $0x1  }
0x2f: {  	_ =	swait.ge [sflag:s5], $0x4000;
	s16 =	simm.s32 @!p0 $0x0  }
0x30: {  	[sflag:s5] =	ssyncset.done $0x0;
	s17 =	sshll.u32 s16, $0xE  }
0x31: {  	[sflag:s5] =	ssyncadd.s32 $0xFFFFC000;
	s19 =	sor.u32 $0x40, s17  }
0x32: {  	s16 =	smul.u32 $0x10200, s16;
	v0 =	vld [tilespmem:s19+$0x30]  }
0x33: {  	v3 =	vld [tilespmem:s19+$0xFFFFFFD0]  }
0x34: {  	s16 =	sshrl.u32 s16, $0x2;
	v4 =	vld [tilespmem:s19+$0xFFFFFFE0]  }
0x35: {  	v5 =	vld [tilespmem:s19+$0xFFFFFFF0];
	s17 =	sor.u32 $0x8000, s16  }
0x36: {  	s31 =	sand.u32 $0x1, s12;
	v1 =	vld [tilespmem:s19+$0x0];
	s18 =	sadd.s32 $0x0, s17  }
0x37: {  	v2 =	vld [tilespmem:s19+$0x10];
	s16 =	smul.u32 $0x10200, s31;
	[tilespmem:s18+$0x3870 ss:$0x81] =	vst.msk $0xffff, v0  }
0x38: {  	[tilespmem:s18+$0x810 ss:$0x81] =	vst.msk $0xffff, v3;
	v3 =	vld [tilespmem:s19+$0x20]  }
0x39: {  	s16 =	sshrl.u32 s16, $0x2;
	v0 =	vld [tilespmem:s19+$0xFFFFFFC0];
	[tilespmem:s18+$0x1020 ss:$0x81] =	vst.msk $0xffff, v4;
	s19 =	sadd.s32 $0x80, s19  }
0x3a: {  	s20 =	simm.s32 $0x4;
	s21 =	simm.s32 $0x8;
	s16 =	sor.u32 $0x8000, s16;
	[tilespmem:s18+$0x1830 ss:$0x81] =	vst.msk $0xffff, v5;
	v4 =	vld [tilespmem:s19+$0x30]  }
.LBB1_3:
0x3b: {  	p1 =	sne.s32 s21, $0x1FC;
	v5 =	vld [tilespmem:s19+$0xFFFFFFD0];
	[tilespmem:s18+$0x2040 ss:$0x81] =	vst.msk $0xffff, v1  }
0x3c: {  	v6 =	vld [tilespmem:s19+$0xFFFFFFE0];
	[tilespmem:s18+$0x2850 ss:$0x81] =	vst.msk $0xffff, v2  }
0x3d: {  	s22 =	sshra.s32 s20, $0x2;
	s20 =	smov.u32 s21;
	v7 =	vld [tilespmem:s19+$0xFFFFFFF0];
	[tilespmem:s18+$0x3060 ss:$0x81] =	vst.msk $0xffff, v3  }
.Ltmp3:
0x3e: {  	v1 =	vld [tilespmem:s19+$0x0];
	[tilespmem:s18+$0x0 ss:$0x81] =	vst.msk $0xffff, v0;
	s18 =	sadd.s32 s22, s17;
	(pc) =	sbr.rel @p1 .LBB1_3-.Ltmp3, $4  }
0x3f: {  	v2 =	vld [tilespmem:s19+$0x10];
	[tilespmem:s18+$0x3870 ss:$0x81] =	vst.msk $0xffff, v4  }
0x40: {  	[tilespmem:s18+$0x810 ss:$0x81] =	vst.msk $0xffff, v5;
	v3 =	vld [tilespmem:s19+$0x20]  }
0x41: {  	v0 =	vld [tilespmem:s19+$0xFFFFFFC0];
	[tilespmem:s18+$0x1020 ss:$0x81] =	vst.msk $0xffff, v6;
	s19 =	sadd.s32 $0x80, s19  }
0x42: {  	s21 =	sadd.s32 $0x4, s21;
	v4 =	vld [tilespmem:s19+$0x30];
	[tilespmem:s18+$0x1830 ss:$0x81] =	vst.msk $0xffff, v7  }
.Ltmp4:
0x43: {  	_ = 	snop;
	(pc) =	sbr.rel .LBB1_4-.Ltmp4, $1  }
0x44: {  	_ =	sdelay $0x3  }
.LBB1_6:
0x45: {  	_ =	sfence.sel $0x180000  }
0x46: {  	s1 =	simm.s32 $0x1;
	[bflag:$0x0] =	sbarrier.arrive $0xFFFF  }
0x47: {  	s31 =	simm.s32 $0x2;
	[sflag:s1] =	ssyncpa.u1 $0x1  }
0x48: {  	[sflag:s31] =	ssyncpa.u1 $0x1  }
0x49: {  	p0 =	sne.s32 s0, $0x0;
	_ =	strace $0x9000004D  }
0x4a: {  	s0 =	sadd.s32 @!p0 $0x100000, s4;
	[bflag:$0x2] =	sbarrier.arrive $0xFFFF  }
0x4b: {  	[sflag:s0] =	ssyncadd.tile.s32 @!p0 $0x1;
	_ =	shalt  }
.Lfunc_end1:
_tile_overlayer_lowered:
.L_overlay_start_2:
0x4c: {  	(tag) =	ssettag $0x2  }
0x4d: {  	s0 =	rddreg [dreg:$0x0];
	s2 =	stileid.u32  }
0x4e: {  	s1 =	rddreg [dreg:$0x1];
	p0 =	sne.s32 s2, $0x0  }
0x4f: {  	s3 =	rddreg [dreg:$0x2];
	[bflag:$0x3] =	sbarrier.arrive $0xFFFF;
	s2 =	simm.s32 @!p0 $0x1C01  }
0x50: {  	[timem:s3], [sflag:s2] =	dma.local @!p0 [hbm:s0], s1  }
0x51: {  	s0 =	simm.s32 @!p0 $0x1  }
0x52: {  	_ =	swait.ge @!p0 [sflag:s0], s1  }
0x53: {  	s1 =	ssub.s32 @!p0 $0x0, s1;
	[sflag:s0] =	ssyncset.done @!p0 $0x0  }
0x54: {  	[sflag:s0] =	ssyncadd.s32 @!p0 s1  }
0x55: {  	[bflag:$0x3] =	sbarrier.arrive $0xFFFF  }
0x56: {  	_ =	shalt  }

</sc_bundles>
